<compile_context>
chip_gen: v7x
topology: tpu7x:2x2x1
jax: 0.10.2.dev20260603
libtpu: 0.0.44.dev20260713+nightly
codegen_flags: <defaults>
</compile_context>

<pallas_src>
import jax
import jax.numpy as jnp
from jax import lax
from jax.experimental import pallas as pl
from jax.experimental.pallas import tpu as pltpu
from jax.experimental.pallas import tpu_sc as plsc

N = 10000
D = 256
OUT = 128
HALF = OUT // 2
E = 160000

NPAD = 10240
RPT = NPAD // 16
NC, NS = 2, 16
CH = 128
NCHL = 80
EPAD = NS * NCHL * CH
NL = 5
TOT_CH = NL * NCHL

_MESH = plsc.VectorSubcoreMesh(
    core_axis_name="c", subcore_axis_name="s", num_cores=NC, num_subcores=NS)


def _hist_body(s_hbm, r_hbm, z_hbm, hs_out, hr_out, idx_v, ones_v, hs_sh, hr_sh):
    c = lax.axis_index("c")
    s = lax.axis_index("s")
    one = jnp.ones((16,), jnp.float32)
    for i in range(8):
        ones_v[pl.ds(i * 16, 16)] = one
    for k in range(NL):
        pltpu.sync_copy(z_hbm, hs_sh.at[pl.ds(k * NPAD + s * RPT, RPT)])
        pltpu.sync_copy(z_hbm, hr_sh.at[pl.ds(k * NPAD + s * RPT, RPT)])
    plsc.subcore_barrier()

    pltpu.sync_copy(s_hbm.at[s], idx_v)
    for k in range(NL):
        def sbody(j, carry):
            pltpu.sync_copy(ones_v,
                            hs_sh.at[idx_v.at[k * NCHL + c * (NCHL // 2) + j]],
                            add=True)
            return carry
        lax.fori_loop(0, NCHL // 2, sbody, 0)

    pltpu.sync_copy(r_hbm.at[s], idx_v)
    for k in range(NL):
        def rbody(j, carry):
            pltpu.sync_copy(ones_v,
                            hr_sh.at[idx_v.at[k * NCHL + c * (NCHL // 2) + j]],
                            add=True)
            return carry
        lax.fori_loop(0, NCHL // 2, rbody, 0)
    plsc.subcore_barrier()
    for k in range(NL):
        sl = pl.ds(k * NPAD + s * RPT, RPT)
        osl = pl.ds(s * RPT, RPT)
        pltpu.sync_copy(hs_sh.at[sl], hs_out.at[k, c, osl])
        pltpu.sync_copy(hr_sh.at[sl], hr_out.at[k, c, osl])


def _hist_call(s_w, r_w, zeros1):
    f = pl.kernel(
        _hist_body,
        out_type=(jax.ShapeDtypeStruct((NL, NC, NPAD), jnp.float32),
                  jax.ShapeDtypeStruct((NL, NC, NPAD), jnp.float32)),
        mesh=_MESH,
        scratch_types=[
            pltpu.VMEM((TOT_CH, CH), jnp.int32),
            pltpu.VMEM((CH,), jnp.float32),
            pltpu.VMEM_SHARED((NL * NPAD,), jnp.float32),
            pltpu.VMEM_SHARED((NL * NPAD,), jnp.float32),
        ],
    )
    return f(s_w, r_w, zeros1)


def _scat_body(hs_hbm, s0_hbm, s1_hbm, r_hbm, parts_out,
               idx_s, idx_r, rows_v, acc_sh, sem0, sem1):
    c = lax.axis_index("c")
    s = lax.axis_index("s")
    tsl = pl.ds(s * RPT, RPT)
    for l in range(NL):
        @pl.when(c == 0)
        def _():
            pltpu.sync_copy(hs_hbm.at[pl.ds(l * NPAD + s * RPT, RPT)],
                            acc_sh.at[tsl])
            pltpu.sync_copy(s0_hbm.at[s, pl.ds(l * NCHL, NCHL)], idx_s)

        @pl.when(c != 0)
        def _():
            pltpu.sync_copy(hs_hbm.at[pl.ds((NL + l) * NPAD + s * RPT, RPT)],
                            acc_sh.at[tsl])
            pltpu.sync_copy(s1_hbm.at[s, pl.ds(l * NCHL, NCHL)], idx_s)

        pltpu.sync_copy(r_hbm.at[s, pl.ds(l * NCHL, NCHL)], idx_r)
        plsc.subcore_barrier()
        pltpu.async_copy(hs_hbm.at[idx_s.at[0]], rows_v.at[0], sem0)
        pltpu.async_copy(hs_hbm.at[idx_s.at[1]], rows_v.at[1], sem1)

        def body(i, carry):
            j0 = 2 * i
            j1 = j0 + 1
            pltpu.make_async_copy(hs_hbm.at[idx_s.at[j0]],
                                  rows_v.at[0], sem0).wait()
            pltpu.sync_copy(rows_v.at[0], acc_sh.at[idx_r.at[j0]], add=True)
            pltpu.async_copy(hs_hbm.at[idx_s.at[j0 + 2]], rows_v.at[0], sem0)
            pltpu.make_async_copy(hs_hbm.at[idx_s.at[j1]],
                                  rows_v.at[1], sem1).wait()
            pltpu.sync_copy(rows_v.at[1], acc_sh.at[idx_r.at[j1]], add=True)
            pltpu.async_copy(hs_hbm.at[idx_s.at[j1 + 2]], rows_v.at[1], sem1)
            return carry

        lax.fori_loop(0, NCHL // 2 - 1, body, 0)
        jt = NCHL - 2
        pltpu.make_async_copy(hs_hbm.at[idx_s.at[jt]], rows_v.at[0], sem0).wait()
        pltpu.sync_copy(rows_v.at[0], acc_sh.at[idx_r.at[jt]], add=True)
        pltpu.make_async_copy(hs_hbm.at[idx_s.at[jt + 1]],
                              rows_v.at[1], sem1).wait()
        pltpu.sync_copy(rows_v.at[1], acc_sh.at[idx_r.at[jt + 1]], add=True)
        plsc.subcore_barrier()
        pltpu.sync_copy(acc_sh.at[tsl], parts_out.at[c, l, tsl])
        plsc.subcore_barrier()


def _scat_call(hs_flat, s_w0, s_w1, r_w):
    f = pl.kernel(
        _scat_body,
        out_type=jax.ShapeDtypeStruct((NC, NL, NPAD, HALF), jnp.float32),
        mesh=_MESH,
        compiler_params=pltpu.CompilerParams(use_tc_tiling_on_sc=False),
        scratch_types=[
            pltpu.VMEM((NCHL, CH), jnp.int32),
            pltpu.VMEM((NCHL, CH), jnp.int32),
            pltpu.VMEM((2, CH, HALF), jnp.float32),
            pltpu.VMEM_SHARED((NPAD, HALF), jnp.float32),
            pltpu.SemaphoreType.DMA,
            pltpu.SemaphoreType.DMA,
        ],
    )
    return f(hs_flat, s_w0, s_w1, r_w)


_BLK = 256


def _proj_body(n_ref, w_ref, b_ref, h_ref, o_ref):
    h = jnp.dot(n_ref[...], w_ref[0], preferred_element_type=jnp.float32)
    h = h + b_ref[0, 0][None, :]
    deg = h_ref[0, 0] + h_ref[0, 1] + 1.0
    h = h * lax.rsqrt(deg)[:, None]
    o_ref[0, 0] = h[:, :HALF]
    o_ref[1, 0] = h[:, HALF:]


def _proj_call(nodes_p, w_stack, b_stack, hist_s):
    return pl.pallas_call(
        _proj_body,
        grid=(NPAD // _BLK, NL),
        in_specs=[
            pl.BlockSpec((_BLK, D), lambda i, l: (i, 0)),
            pl.BlockSpec((1, D, OUT), lambda i, l: (l, 0, 0)),
            pl.BlockSpec((1, 1, OUT), lambda i, l: (l, 0, 0)),
            pl.BlockSpec((1, NC, _BLK), lambda i, l: (l, 0, i)),
        ],
        out_specs=pl.BlockSpec((NC, 1, _BLK, HALF), lambda i, l: (0, l, i, 0)),
        out_shape=jax.ShapeDtypeStruct((NC, NL, NPAD, HALF), jnp.float32),
    )(nodes_p, w_stack, b_stack, hist_s)


def _final_body(p_ref, h_ref, wf_ref, bf_ref, o_ref):
    acc = jnp.zeros((_BLK, OUT), jnp.float32)
    for l in range(NL):
        p = jnp.concatenate([p_ref[0, l], p_ref[1, l]], axis=1)
        deg = h_ref[l, 0] + h_ref[l, 1] + 1.0
        xl = p * lax.rsqrt(deg)[:, None]
        acc = acc + jnp.dot(xl, wf_ref[l], preferred_element_type=jnp.float32)
    o_ref[...] = jnp.maximum(acc + bf_ref[0][None, :], 0.0)


def _final_call(parts, hist_r, wf_stack, bf_row):
    return pl.pallas_call(
        _final_body,
        grid=(NPAD // _BLK,),
        in_specs=[
            pl.BlockSpec((NC, NL, _BLK, HALF), lambda i: (0, 0, i, 0)),
            pl.BlockSpec((NL, NC, _BLK), lambda i: (0, 0, i)),
            pl.BlockSpec((NL, OUT, OUT), lambda i: (0, 0, 0)),
            pl.BlockSpec((1, OUT), lambda i: (0, 0)),
        ],
        out_specs=pl.BlockSpec((_BLK, OUT), lambda i: (i, 0)),
        out_shape=jax.ShapeDtypeStruct((NPAD, OUT), jnp.float32),
    )(parts, hist_r, wf_stack, bf_row)


def kernel(nodes, senders, receivers, grid_senders, grid_receivers,
           active_senders, active_receivers, passive_senders, passive_receivers,
           W0, b0, W1, b1, W2, b2, W3, b3, W4, b4, Wf, bf):
    s_list = [senders, receivers, grid_senders, active_senders, passive_senders]
    r_list = [receivers, senders, grid_receivers, active_receivers,
              passive_receivers]
    S = jnp.stack([x.astype(jnp.int32) for x in s_list])
    R = jnp.stack([x.astype(jnp.int32) for x in r_list])
    npad_e = EPAD - E
    trash = NPAD - N
    pad_idx = N + (jnp.arange(npad_e, dtype=jnp.int32) % trash)
    pad_blk = jnp.broadcast_to(pad_idx, (NL, npad_e))
    Sp = jnp.concatenate([S, pad_blk], axis=1)
    Rp = jnp.concatenate([R, pad_blk], axis=1)
    offs = (jnp.arange(NL, dtype=jnp.int32) * NPAD)[:, None]
    So = Sp + offs
    Rf = Rp + offs

    def to_w(a):
        return a.reshape(NL, NS, NCHL, CH).transpose(1, 0, 2, 3).reshape(
            NS, TOT_CH, CH)

    S_w0 = to_w(So)
    S_w1 = S_w0 + NL * NPAD
    R_w, Rf_w = to_w(Rp), to_w(Rf)

    nodes_p = jnp.pad(nodes, ((0, NPAD - N), (0, 0)))
    w_stack = jnp.stack([W0, W1, W2, W3, W4])
    b_stack = jnp.stack([b0, b1, b2, b3, b4]).reshape(NL, 1, OUT)
    wf_stack = Wf.reshape(NL, OUT, OUT)
    bf_row = bf.reshape(1, OUT)
    zeros1 = jnp.zeros((RPT,), jnp.float32)

    hist_s, hist_r = _hist_call(S_w0, Rf_w, zeros1)
    hs = _proj_call(nodes_p, w_stack, b_stack, hist_s)
    parts = _scat_call(hs.reshape(NC * NL * NPAD, HALF), S_w0, S_w1, R_w)
    out = _final_call(parts, hist_r, wf_stack, bf_row)
    return out[:N]

# --- scband reference (transcript-rebuilt; emitter-appended) ---
"""Pipeline reference for scband-egnn-21036749816027 (READ-ONLY COPY).

The authoritative reference and input builder live on the scoring server;
editing this copy changes nothing except your own understanding.
"""

import jax, jax.numpy as jnp
import numpy as np

N = 10000
E = 160000
D = 256
OUT = 128


def setup_inputs(seed: int = 0) -> dict:
    key = jax.random.key(seed)
    ks = jax.random.split(key, 20)
    inp = {}
    inp["nodes"] = jax.random.normal(ks[0], (N, D), dtype=jnp.float32)
    names = ["senders", "receivers", "grid_senders", "grid_receivers",
             "active_senders", "active_receivers", "passive_senders", "passive_receivers"]
    for i, n in enumerate(names):
        inp[n] = jax.random.randint(ks[1 + i], (E,), 0, N)
    for i in range(5):
        inp[f"W{i}"] = jax.random.normal(ks[9 + i], (D, OUT), dtype=jnp.float32) * 0.05
        inp[f"b{i}"] = jnp.zeros((OUT,), dtype=jnp.float32)
    inp["Wf"] = jax.random.normal(ks[14], (5 * OUT, OUT), dtype=jnp.float32) * 0.05
    inp["bf"] = jnp.zeros((OUT,), dtype=jnp.float32)
    return inp


def _gcn(nodes, senders, receivers, W, b):
    # GCN with update_node_fn = Dense, add_self_edges=True, symmetric_normalization=True
    n = nodes.shape[0]
    h = nodes @ W + b
    self_idx = jnp.arange(n, dtype=senders.dtype)
    cs = jnp.concatenate([senders, self_idx], axis=0)
    cr = jnp.concatenate([receivers, self_idx], axis=0)
    sender_degree = jax.ops.segment_sum(jnp.ones_like(cs), cs, n)
    receiver_degree = jax.ops.segment_sum(jnp.ones_like(cr), cr, n)
    h = h * jax.lax.rsqrt(jnp.maximum(sender_degree, 1.0))[:, None]
    h = jax.ops.segment_sum(h[cs], cr, n)
    h = h * jax.lax.rsqrt(jnp.maximum(receiver_degree, 1.0))[:, None]
    return h


def reference(nodes, senders, receivers, grid_senders, grid_receivers,
              active_senders, active_receivers, passive_senders, passive_receivers,
              W0, b0, W1, b1, W2, b2, W3, b3, W4, b4, Wf, bf):
    x = jnp.concatenate([
        _gcn(nodes, senders, receivers, W0, b0),
        _gcn(nodes, receivers, senders, W1, b1),  # note: swapped direction as in original
        _gcn(nodes, grid_senders, grid_receivers, W2, b2),
        _gcn(nodes, active_senders, active_receivers, W3, b3),
        _gcn(nodes, passive_senders, passive_receivers, W4, b4),
    ], axis=-1)
    out = jax.nn.relu(x @ Wf + bf)
    return out

if __name__ == "__main__":
    import jax
    _d = setup_inputs()
    print(jax.jit(kernel)(*tuple(_d.values())))

</pallas_src>

<mosaic_0001>
#map = affine_map<(d0, d1) -> (0, 0, 0)>
#map1 = affine_map<(d0, d1) -> (0)>
module attributes {stable_mosaic.version = 14 : i64} {
  func.func @_hist_body(%arg0: i32, %arg1: i32, %arg2: memref<16x400x128xi32, #tpu.memory_space<hbm>>, %arg3: memref<16x400x128xi32, #tpu.memory_space<hbm>>, %arg4: memref<640xf32, #tpu.memory_space<hbm>>, %arg5: memref<5x2x10240xf32, #tpu.memory_space<hbm>>, %arg6: memref<5x2x10240xf32, #tpu.memory_space<hbm>>, %arg7: memref<400x128xi32, #tpu.memory_space<vmem>>, %arg8: memref<128xf32, #tpu.memory_space<vmem>>, %arg9: memref<51200xf32, #tpu.memory_space<vmem_shared>>, %arg10: memref<51200xf32, #tpu.memory_space<vmem_shared>>) attributes {dimension_semantics = [#tpu.dimension_semantics<core_parallel>, #tpu.dimension_semantics<subcore_parallel>], iteration_bounds = array<i64: 2, 16>, scalar_prefetch = 0 : i64, scratch_operands = 4 : i64, tpu.core_type = #tpu.core_type<sc_vector_subcore>, window_params = [{transform_indices = #map}, {transform_indices = #map}, {transform_indices = #map1}, {transform_indices = #map}, {transform_indices = #map}]} {
    %broadcast_in_dim3A = arith.constant 1.000000e+00 : f32
    %broadcast_in_dim3A_0 = vector.broadcast %broadcast_in_dim3A : f32 to vector<16xf32>
    %swap3A = arith.constant 0 : index
    %swap3A_1 = tpu.vector_load %arg8[%swap3A] {strides = array<i32>} : memref<128xf32, #tpu.memory_space<vmem>>, vector<16xf32>,
    %swap3A_2 = vector.shape_cast %swap3A_1 : vector<16xf32> to vector<16xf32>
    %swap3A_3 = vector.shape_cast %broadcast_in_dim3A_0 : vector<16xf32> to vector<16xf32>
    tpu.vector_store %arg8[%swap3A], %swap3A_3 {strides = array<i32>} : memref<128xf32, #tpu.memory_space<vmem>>, vector<16xf32>,
    %swap3A_4 = arith.constant 16 : index
    %swap3A_5 = tpu.vector_load %arg8[%swap3A_4] {strides = array<i32>} : memref<128xf32, #tpu.memory_space<vmem>>, vector<16xf32>,
    %swap3A_6 = vector.shape_cast %swap3A_5 : vector<16xf32> to vector<16xf32>
    %swap3A_7 = vector.shape_cast %broadcast_in_dim3A_0 : vector<16xf32> to vector<16xf32>
    tpu.vector_store %arg8[%swap3A_4], %swap3A_7 {strides = array<i32>} : memref<128xf32, #tpu.memory_space<vmem>>, vector<16xf32>,
    %swap3A_8 = arith.constant 32 : index
    %swap3A_9 = tpu.vector_load %arg8[%swap3A_8] {strides = array<i32>} : memref<128xf32, #tpu.memory_space<vmem>>, vector<16xf32>,
    %swap3A_10 = vector.shape_cast %swap3A_9 : vector<16xf32> to vector<16xf32>
    %swap3A_11 = vector.shape_cast %broadcast_in_dim3A_0 : vector<16xf32> to vector<16xf32>
    tpu.vector_store %arg8[%swap3A_8], %swap3A_11 {strides = array<i32>} : memref<128xf32, #tpu.memory_space<vmem>>, vector<16xf32>,
    %swap3A_12 = arith.constant 48 : index
    %swap3A_13 = tpu.vector_load %arg8[%swap3A_12] {strides = array<i32>} : memref<128xf32, #tpu.memory_space<vmem>>, vector<16xf32>,
    %swap3A_14 = vector.shape_cast %swap3A_13 : vector<16xf32> to vector<16xf32>
    %swap3A_15 = vector.shape_cast %broadcast_in_dim3A_0 : vector<16xf32> to vector<16xf32>
    tpu.vector_store %arg8[%swap3A_12], %swap3A_15 {strides = array<i32>} : memref<128xf32, #tpu.memory_space<vmem>>, vector<16xf32>,
    %swap3A_16 = arith.constant 64 : index
    %swap3A_17 = tpu.vector_load %arg8[%swap3A_16] {strides = array<i32>} : memref<128xf32, #tpu.memory_space<vmem>>, vector<16xf32>,
    %swap3A_18 = vector.shape_cast %swap3A_17 : vector<16xf32> to vector<16xf32>
    %swap3A_19 = vector.shape_cast %broadcast_in_dim3A_0 : vector<16xf32> to vector<16xf32>
    tpu.vector_store %arg8[%swap3A_16], %swap3A_19 {strides = array<i32>} : memref<128xf32, #tpu.memory_space<vmem>>, vector<16xf32>,
    %swap3A_20 = arith.constant 80 : index
    %swap3A_21 = tpu.vector_load %arg8[%swap3A_20] {strides = array<i32>} : memref<128xf32, #tpu.memory_space<vmem>>, vector<16xf32>,
    %swap3A_22 = vector.shape_cast %swap3A_21 : vector<16xf32> to vector<16xf32>
    %swap3A_23 = vector.shape_cast %broadcast_in_dim3A_0 : vector<16xf32> to vector<16xf32>
    tpu.vector_store %arg8[%swap3A_20], %swap3A_23 {strides = array<i32>} : memref<128xf32, #tpu.memory_space<vmem>>, vector<16xf32>,
    %swap3A_24 = arith.constant 96 : index
    %swap3A_25 = tpu.vector_load %arg8[%swap3A_24] {strides = array<i32>} : memref<128xf32, #tpu.memory_space<vmem>>, vector<16xf32>,
    %swap3A_26 = vector.shape_cast %swap3A_25 : vector<16xf32> to vector<16xf32>
    %swap3A_27 = vector.shape_cast %broadcast_in_dim3A_0 : vector<16xf32> to vector<16xf32>
    tpu.vector_store %arg8[%swap3A_24], %swap3A_27 {strides = array<i32>} : memref<128xf32, #tpu.memory_space<vmem>>, vector<16xf32>,
    %swap3A_28 = arith.constant 112 : index
    %swap3A_29 = tpu.vector_load %arg8[%swap3A_28] {strides = array<i32>} : memref<128xf32, #tpu.memory_space<vmem>>, vector<16xf32>,
    %swap3A_30 = vector.shape_cast %swap3A_29 : vector<16xf32> to vector<16xf32>
    %swap3A_31 = vector.shape_cast %broadcast_in_dim3A_0 : vector<16xf32> to vector<16xf32>
    tpu.vector_store %arg8[%swap3A_28], %swap3A_31 {strides = array<i32>} : memref<128xf32, #tpu.memory_space<vmem>>, vector<16xf32>,
    %mul3A = arith.constant 640 : i32
    %mul3A_32 = arith.muli %arg1, %mul3A : i32
    %add3A = arith.constant 0 : i32
    %add3A_33 = arith.addi %add3A, %mul3A_32 : i32
    "tpu.region"() ({
      %run_scoped3A_169 = tpu.sem_alloc : memref<!tpu.dma_semaphore, #tpu.memory_space<semaphore_mem>>
      %dma_start3A = tpu.memref_slice %arg9[%add3A_33] : memref<51200xf32, #tpu.memory_space<vmem_shared>> -> memref<640xf32, #tpu.memory_space<vmem_shared>>
      tpu.enqueue_dma source(%arg4 : memref<640xf32, #tpu.memory_space<hbm>>) target(%dma_start3A : memref<640xf32, #tpu.memory_space<vmem_shared>>) target_semaphore(%run_scoped3A_169 : memref<!tpu.dma_semaphore, #tpu.memory_space<semaphore_mem>>)
      %dma_wait3A = tpu.memref_slice %arg9[%add3A_33] : memref<51200xf32, #tpu.memory_space<vmem_shared>> -> memref<640xf32, #tpu.memory_space<vmem_shared>>
      tpu.wait_dma2 semaphore(%run_scoped3A_169 : memref<!tpu.dma_semaphore, #tpu.memory_space<semaphore_mem>>) src(%arg4 : memref<640xf32, #tpu.memory_space<hbm>>) dst(%dma_wait3A : memref<640xf32, #tpu.memory_space<vmem_shared>>)
      tpu.yield
    }) : () -> ()
    %mul3A_34 = arith.constant 640 : i32
    %mul3A_35 = arith.muli %arg1, %mul3A_34 : i32
    %add3A_36 = arith.constant 0 : i32
    %add3A_37 = arith.addi %add3A_36, %mul3A_35 : i32
    "tpu.region"() ({
      %run_scoped3A_169 = tpu.sem_alloc : memref<!tpu.dma_semaphore, #tpu.memory_space<semaphore_mem>>
      %dma_start3A = tpu.memref_slice %arg10[%add3A_37] : memref<51200xf32, #tpu.memory_space<vmem_shared>> -> memref<640xf32, #tpu.memory_space<vmem_shared>>
      tpu.enqueue_dma source(%arg4 : memref<640xf32, #tpu.memory_space<hbm>>) target(%dma_start3A : memref<640xf32, #tpu.memory_space<vmem_shared>>) target_semaphore(%run_scoped3A_169 : memref<!tpu.dma_semaphore, #tpu.memory_space<semaphore_mem>>)
      %dma_wait3A = tpu.memref_slice %arg10[%add3A_37] : memref<51200xf32, #tpu.memory_space<vmem_shared>> -> memref<640xf32, #tpu.memory_space<vmem_shared>>
      tpu.wait_dma2 semaphore(%run_scoped3A_169 : memref<!tpu.dma_semaphore, #tpu.memory_space<semaphore_mem>>) src(%arg4 : memref<640xf32, #tpu.memory_space<hbm>>) dst(%dma_wait3A : memref<640xf32, #tpu.memory_space<vmem_shared>>)
      tpu.yield
    }) : () -> ()
    %mul3A_38 = arith.constant 640 : i32
    %mul3A_39 = arith.muli %arg1, %mul3A_38 : i32
    %add3A_40 = arith.constant 10240 : i32
    %add3A_41 = arith.addi %add3A_40, %mul3A_39 : i32
    "tpu.region"() ({
      %run_scoped3A_169 = tpu.sem_alloc : memref<!tpu.dma_semaphore, #tpu.memory_space<semaphore_mem>>
      %dma_start3A = tpu.memref_slice %arg9[%add3A_41] : memref<51200xf32, #tpu.memory_space<vmem_shared>> -> memref<640xf32, #tpu.memory_space<vmem_shared>>
      tpu.enqueue_dma source(%arg4 : memref<640xf32, #tpu.memory_space<hbm>>) target(%dma_start3A : memref<640xf32, #tpu.memory_space<vmem_shared>>) target_semaphore(%run_scoped3A_169 : memref<!tpu.dma_semaphore, #tpu.memory_space<semaphore_mem>>)
      %dma_wait3A = tpu.memref_slice %arg9[%add3A_41] : memref<51200xf32, #tpu.memory_space<vmem_shared>> -> memref<640xf32, #tpu.memory_space<vmem_shared>>
      tpu.wait_dma2 semaphore(%run_scoped3A_169 : memref<!tpu.dma_semaphore, #tpu.memory_space<semaphore_mem>>) src(%arg4 : memref<640xf32, #tpu.memory_space<hbm>>) dst(%dma_wait3A : memref<640xf32, #tpu.memory_space<vmem_shared>>)
      tpu.yield
    }) : () -> ()
    %mul3A_42 = arith.constant 640 : i32
    %mul3A_43 = arith.muli %arg1, %mul3A_42 : i32
    %add3A_44 = arith.constant 10240 : i32
    %add3A_45 = arith.addi %add3A_44, %mul3A_43 : i32
    "tpu.region"() ({
      %run_scoped3A_169 = tpu.sem_alloc : memref<!tpu.dma_semaphore, #tpu.memory_space<semaphore_mem>>
      %dma_start3A = tpu.memref_slice %arg10[%add3A_45] : memref<51200xf32, #tpu.memory_space<vmem_shared>> -> memref<640xf32, #tpu.memory_space<vmem_shared>>
      tpu.enqueue_dma source(%arg4 : memref<640xf32, #tpu.memory_space<hbm>>) target(%dma_start3A : memref<640xf32, #tpu.memory_space<vmem_shared>>) target_semaphore(%run_scoped3A_169 : memref<!tpu.dma_semaphore, #tpu.memory_space<semaphore_mem>>)
      %dma_wait3A = tpu.memref_slice %arg10[%add3A_45] : memref<51200xf32, #tpu.memory_space<vmem_shared>> -> memref<640xf32, #tpu.memory_space<vmem_shared>>
      tpu.wait_dma2 semaphore(%run_scoped3A_169 : memref<!tpu.dma_semaphore, #tpu.memory_space<semaphore_mem>>) src(%arg4 : memref<640xf32, #tpu.memory_space<hbm>>) dst(%dma_wait3A : memref<640xf32, #tpu.memory_space<vmem_shared>>)
      tpu.yield
    }) : () -> ()
    %mul3A_46 = arith.constant 640 : i32
    %mul3A_47 = arith.muli %arg1, %mul3A_46 : i32
    %add3A_48 = arith.constant 20480 : i32
    %add3A_49 = arith.addi %add3A_48, %mul3A_47 : i32
    "tpu.region"() ({
      %run_scoped3A_169 = tpu.sem_alloc : memref<!tpu.dma_semaphore, #tpu.memory_space<semaphore_mem>>
      %dma_start3A = tpu.memref_slice %arg9[%add3A_49] : memref<51200xf32, #tpu.memory_space<vmem_shared>> -> memref<640xf32, #tpu.memory_space<vmem_shared>>
      tpu.enqueue_dma source(%arg4 : memref<640xf32, #tpu.memory_space<hbm>>) target(%dma_start3A : memref<640xf32, #tpu.memory_space<vmem_shared>>) target_semaphore(%run_scoped3A_169 : memref<!tpu.dma_semaphore, #tpu.memory_space<semaphore_mem>>)
      %dma_wait3A = tpu.memref_slice %arg9[%add3A_49] : memref<51200xf32, #tpu.memory_space<vmem_shared>> -> memref<640xf32, #tpu.memory_space<vmem_shared>>
      tpu.wait_dma2 semaphore(%run_scoped3A_169 : memref<!tpu.dma_semaphore, #tpu.memory_space<semaphore_mem>>) src(%arg4 : memref<640xf32, #tpu.memory_space<hbm>>) dst(%dma_wait3A : memref<640xf32, #tpu.memory_space<vmem_shared>>)
      tpu.yield
    }) : () -> ()
    %mul3A_50 = arith.constant 640 : i32
    %mul3A_51 = arith.muli %arg1, %mul3A_50 : i32
    %add3A_52 = arith.constant 20480 : i32
    %add3A_53 = arith.addi %add3A_52, %mul3A_51 : i32
    "tpu.region"() ({
      %run_scoped3A_169 = tpu.sem_alloc : memref<!tpu.dma_semaphore, #tpu.memory_space<semaphore_mem>>
      %dma_start3A = tpu.memref_slice %arg10[%add3A_53] : memref<51200xf32, #tpu.memory_space<vmem_shared>> -> memref<640xf32, #tpu.memory_space<vmem_shared>>
      tpu.enqueue_dma source(%arg4 : memref<640xf32, #tpu.memory_space<hbm>>) target(%dma_start3A : memref<640xf32, #tpu.memory_space<vmem_shared>>) target_semaphore(%run_scoped3A_169 : memref<!tpu.dma_semaphore, #tpu.memory_space<semaphore_mem>>)
      %dma_wait3A = tpu.memref_slice %arg10[%add3A_53] : memref<51200xf32, #tpu.memory_space<vmem_shared>> -> memref<640xf32, #tpu.memory_space<vmem_shared>>
      tpu.wait_dma2 semaphore(%run_scoped3A_169 : memref<!tpu.dma_semaphore, #tpu.memory_space<semaphore_mem>>) src(%arg4 : memref<640xf32, #tpu.memory_space<hbm>>) dst(%dma_wait3A : memref<640xf32, #tpu.memory_space<vmem_shared>>)
      tpu.yield
    }) : () -> ()
    %mul3A_54 = arith.constant 640 : i32
    %mul3A_55 = arith.muli %arg1, %mul3A_54 : i32
    %add3A_56 = arith.constant 30720 : i32
    %add3A_57 = arith.addi %add3A_56, %mul3A_55 : i32
    "tpu.region"() ({
      %run_scoped3A_169 = tpu.sem_alloc : memref<!tpu.dma_semaphore, #tpu.memory_space<semaphore_mem>>
      %dma_start3A = tpu.memref_slice %arg9[%add3A_57] : memref<51200xf32, #tpu.memory_space<vmem_shared>> -> memref<640xf32, #tpu.memory_space<vmem_shared>>
      tpu.enqueue_dma source(%arg4 : memref<640xf32, #tpu.memory_space<hbm>>) target(%dma_start3A : memref<640xf32, #tpu.memory_space<vmem_shared>>) target_semaphore(%run_scoped3A_169 : memref<!tpu.dma_semaphore, #tpu.memory_space<semaphore_mem>>)
      %dma_wait3A = tpu.memref_slice %arg9[%add3A_57] : memref<51200xf32, #tpu.memory_space<vmem_shared>> -> memref<640xf32, #tpu.memory_space<vmem_shared>>
      tpu.wait_dma2 semaphore(%run_scoped3A_169 : memref<!tpu.dma_semaphore, #tpu.memory_space<semaphore_mem>>) src(%arg4 : memref<640xf32, #tpu.memory_space<hbm>>) dst(%dma_wait3A : memref<640xf32, #tpu.memory_space<vmem_shared>>)
      tpu.yield
    }) : () -> ()
    %mul3A_58 = arith.constant 640 : i32
    %mul3A_59 = arith.muli %arg1, %mul3A_58 : i32
    %add3A_60 = arith.constant 30720 : i32
    %add3A_61 = arith.addi %add3A_60, %mul3A_59 : i32
    "tpu.region"() ({
      %run_scoped3A_169 = tpu.sem_alloc : memref<!tpu.dma_semaphore, #tpu.memory_space<semaphore_mem>>
      %dma_start3A = tpu.memref_slice %arg10[%add3A_61] : memref<51200xf32, #tpu.memory_space<vmem_shared>> -> memref<640xf32, #tpu.memory_space<vmem_shared>>
      tpu.enqueue_dma source(%arg4 : memref<640xf32, #tpu.memory_space<hbm>>) target(%dma_start3A : memref<640xf32, #tpu.memory_space<vmem_shared>>) target_semaphore(%run_scoped3A_169 : memref<!tpu.dma_semaphore, #tpu.memory_space<semaphore_mem>>)
      %dma_wait3A = tpu.memref_slice %arg10[%add3A_61] : memref<51200xf32, #tpu.memory_space<vmem_shared>> -> memref<640xf32, #tpu.memory_space<vmem_shared>>
      tpu.wait_dma2 semaphore(%run_scoped3A_169 : memref<!tpu.dma_semaphore, #tpu.memory_space<semaphore_mem>>) src(%arg4 : memref<640xf32, #tpu.memory_space<hbm>>) dst(%dma_wait3A : memref<640xf32, #tpu.memory_space<vmem_shared>>)
      tpu.yield
    }) : () -> ()
    %mul3A_62 = arith.constant 640 : i32
    %mul3A_63 = arith.muli %arg1, %mul3A_62 : i32
    %add3A_64 = arith.constant 40960 : i32
    %add3A_65 = arith.addi %add3A_64, %mul3A_63 : i32
    "tpu.region"() ({
      %run_scoped3A_169 = tpu.sem_alloc : memref<!tpu.dma_semaphore, #tpu.memory_space<semaphore_mem>>
      %dma_start3A = tpu.memref_slice %arg9[%add3A_65] : memref<51200xf32, #tpu.memory_space<vmem_shared>> -> memref<640xf32, #tpu.memory_space<vmem_shared>>
      tpu.enqueue_dma source(%arg4 : memref<640xf32, #tpu.memory_space<hbm>>) target(%dma_start3A : memref<640xf32, #tpu.memory_space<vmem_shared>>) target_semaphore(%run_scoped3A_169 : memref<!tpu.dma_semaphore, #tpu.memory_space<semaphore_mem>>)
      %dma_wait3A = tpu.memref_slice %arg9[%add3A_65] : memref<51200xf32, #tpu.memory_space<vmem_shared>> -> memref<640xf32, #tpu.memory_space<vmem_shared>>
      tpu.wait_dma2 semaphore(%run_scoped3A_169 : memref<!tpu.dma_semaphore, #tpu.memory_space<semaphore_mem>>) src(%arg4 : memref<640xf32, #tpu.memory_space<hbm>>) dst(%dma_wait3A : memref<640xf32, #tpu.memory_space<vmem_shared>>)
      tpu.yield
    }) : () -> ()
    %mul3A_66 = arith.constant 640 : i32
    %mul3A_67 = arith.muli %arg1, %mul3A_66 : i32
    %add3A_68 = arith.constant 40960 : i32
    %add3A_69 = arith.addi %add3A_68, %mul3A_67 : i32
    "tpu.region"() ({
      %run_scoped3A_169 = tpu.sem_alloc : memref<!tpu.dma_semaphore, #tpu.memory_space<semaphore_mem>>
      %dma_start3A = tpu.memref_slice %arg10[%add3A_69] : memref<51200xf32, #tpu.memory_space<vmem_shared>> -> memref<640xf32, #tpu.memory_space<vmem_shared>>
      tpu.enqueue_dma source(%arg4 : memref<640xf32, #tpu.memory_space<hbm>>) target(%dma_start3A : memref<640xf32, #tpu.memory_space<vmem_shared>>) target_semaphore(%run_scoped3A_169 : memref<!tpu.dma_semaphore, #tpu.memory_space<semaphore_mem>>)
      %dma_wait3A = tpu.memref_slice %arg10[%add3A_69] : memref<51200xf32, #tpu.memory_space<vmem_shared>> -> memref<640xf32, #tpu.memory_space<vmem_shared>>
      tpu.wait_dma2 semaphore(%run_scoped3A_169 : memref<!tpu.dma_semaphore, #tpu.memory_space<semaphore_mem>>) src(%arg4 : memref<640xf32, #tpu.memory_space<hbm>>) dst(%dma_wait3A : memref<640xf32, #tpu.memory_space<vmem_shared>>)
      tpu.yield
    }) : () -> ()
    %barrier3A = arith.constant 0 : index
    tpu.barrier barrier_id(%barrier3A)
    "tpu.region"() ({
      %run_scoped3A_169 = tpu.sem_alloc : memref<!tpu.dma_semaphore, #tpu.memory_space<semaphore_mem>>
      %dma_start3A = arith.constant 0 : i32
      %dma_start3A_170 = arith.constant 0 : i32
      %dma_start3A_171 = tpu.memref_slice %arg2[%arg1, %dma_start3A, %dma_start3A_170] : memref<16x400x128xi32, #tpu.memory_space<hbm>> -> memref<1x400x128xi32, #tpu.memory_space<hbm>>
      %dma_start3A_172 = tpu.memref_squeeze %dma_start3A_171 : memref<1x400x128xi32, #tpu.memory_space<hbm>> -> memref<400x128xi32, #tpu.memory_space<hbm>>
      %dma_start3A_173 = arith.constant 0 : i32
      %dma_start3A_174 = arith.constant 0 : i32
      %dma_start3A_175 = tpu.memref_slice %arg2[%arg1, %dma_start3A_173, %dma_start3A_174] : memref<16x400x128xi32, #tpu.memory_space<hbm>> -> memref<1x400x128xi32, #tpu.memory_space<hbm>>
      %dma_start3A_176 = tpu.memref_squeeze %dma_start3A_175 : memref<1x400x128xi32, #tpu.memory_space<hbm>> -> memref<400x128xi32, #tpu.memory_space<hbm>>
      tpu.enqueue_dma source(%dma_start3A_176 : memref<400x128xi32, #tpu.memory_space<hbm>>) target(%arg7 : memref<400x128xi32, #tpu.memory_space<vmem>>) target_semaphore(%run_scoped3A_169 : memref<!tpu.dma_semaphore, #tpu.memory_space<semaphore_mem>>)
      %dma_wait3A = arith.constant 0 : i32
      %dma_wait3A_177 = arith.constant 0 : i32
      %dma_wait3A_178 = tpu.memref_slice %arg2[%arg1, %dma_wait3A, %dma_wait3A_177] : memref<16x400x128xi32, #tpu.memory_space<hbm>> -> memref<1x400x128xi32, #tpu.memory_space<hbm>>
      %dma_wait3A_179 = tpu.memref_squeeze %dma_wait3A_178 : memref<1x400x128xi32, #tpu.memory_space<hbm>> -> memref<400x128xi32, #tpu.memory_space<hbm>>
      %dma_wait3A_180 = arith.constant 0 : i32
      %dma_wait3A_181 = arith.constant 0 : i32
      %dma_wait3A_182 = tpu.memref_slice %arg2[%arg1, %dma_wait3A_180, %dma_wait3A_181] : memref<16x400x128xi32, #tpu.memory_space<hbm>> -> memref<1x400x128xi32, #tpu.memory_space<hbm>>
      %dma_wait3A_183 = tpu.memref_squeeze %dma_wait3A_182 : memref<1x400x128xi32, #tpu.memory_space<hbm>> -> memref<400x128xi32, #tpu.memory_space<hbm>>
      tpu.wait_dma2 semaphore(%run_scoped3A_169 : memref<!tpu.dma_semaphore, #tpu.memory_space<semaphore_mem>>) src(%dma_wait3A_183 : memref<400x128xi32, #tpu.memory_space<hbm>>) dst(%arg7 : memref<400x128xi32, #tpu.memory_space<vmem>>)
      tpu.yield
    }) : () -> ()
    %scan3A = arith.constant 0 : i32
    %scan3A_70 = arith.constant 0 : i32
    %scan3A_71 = arith.constant 40 : i32
    %scan3A_72 = arith.addi %scan3A_70, %scan3A_71 : i32
    %scan3A_73 = arith.constant 1 : i32
    scf.for %scan3A_169 = %scan3A_70 to %scan3A_72 step %scan3A_73  : i32 {
      %mul3A_170 = arith.constant 40 : i32
      %mul3A_171 = arith.muli %arg0, %mul3A_170 : i32
      %add3A_172 = arith.constant 0 : i32
      %add3A_173 = arith.addi %add3A_172, %mul3A_171 : i32
      %add3A_174 = arith.addi %add3A_173, %scan3A_169 : i32
      "tpu.region"() ({
        %run_scoped3A_175 = tpu.sem_alloc : memref<!tpu.dma_semaphore, #tpu.memory_space<semaphore_mem>>
        %dma_start3A = arith.constant 0 : i32
        %dma_start3A_176 = tpu.memref_slice %arg7[%add3A_174, %dma_start3A] : memref<400x128xi32, #tpu.memory_space<vmem>> -> memref<1x128xi32, #tpu.memory_space<vmem>>
        %dma_start3A_177 = tpu.memref_squeeze %dma_start3A_176 : memref<1x128xi32, #tpu.memory_space<vmem>> -> memref<128xi32, #tpu.memory_space<vmem>>
        %dma_start3A_178 = arith.constant 0 : i32
        %dma_start3A_179 = tpu.memref_slice %arg9[%dma_start3A_178] : memref<51200xf32, #tpu.memory_space<vmem_shared>> -> memref<51200xf32, #tpu.memory_space<vmem_shared>>
        tpu.enqueue_indirect_dma source(%arg8 : memref<128xf32, #tpu.memory_space<vmem>>) target(%dma_start3A_179 : memref<51200xf32, #tpu.memory_space<vmem_shared>>) offsets(%dma_start3A_177 : memref<128xi32, #tpu.memory_space<vmem>>) semaphore(%run_scoped3A_175 : memref<!tpu.dma_semaphore, #tpu.memory_space<semaphore_mem>>) {add = true}
        %dma_wait3A = arith.constant 0 : i32
        %dma_wait3A_180 = tpu.memref_slice %arg7[%add3A_174, %dma_wait3A] : memref<400x128xi32, #tpu.memory_space<vmem>> -> memref<1x128xi32, #tpu.memory_space<vmem>>
        %dma_wait3A_181 = tpu.memref_squeeze %dma_wait3A_180 : memref<1x128xi32, #tpu.memory_space<vmem>> -> memref<128xi32, #tpu.memory_space<vmem>>
        %dma_wait3A_182 = arith.constant 0 : i32
        %dma_wait3A_183 = tpu.memref_slice %arg9[%dma_wait3A_182] : memref<51200xf32, #tpu.memory_space<vmem_shared>> -> memref<51200xf32, #tpu.memory_space<vmem_shared>>
        tpu.wait_indirect_dma semaphore(%run_scoped3A_175 : memref<!tpu.dma_semaphore, #tpu.memory_space<semaphore_mem>>) src(%arg8 : memref<128xf32, #tpu.memory_space<vmem>>) dst(%dma_wait3A_183 : memref<51200xf32, #tpu.memory_space<vmem_shared>>)
        tpu.yield
      }) : () -> ()
    }
    %scan3A_74 = arith.constant 40 : i32
    %scan3A_75 = arith.constant 0 : i32
    %scan3A_76 = arith.constant 0 : i32
    %scan3A_77 = arith.constant 40 : i32
    %scan3A_78 = arith.addi %scan3A_76, %scan3A_77 : i32
    %scan3A_79 = arith.constant 1 : i32
    scf.for %scan3A_169 = %scan3A_76 to %scan3A_78 step %scan3A_79  : i32 {
      %mul3A_170 = arith.constant 40 : i32
      %mul3A_171 = arith.muli %arg0, %mul3A_170 : i32
      %add3A_172 = arith.constant 80 : i32
      %add3A_173 = arith.addi %add3A_172, %mul3A_171 : i32
      %add3A_174 = arith.addi %add3A_173, %scan3A_169 : i32
      "tpu.region"() ({
        %run_scoped3A_175 = tpu.sem_alloc : memref<!tpu.dma_semaphore, #tpu.memory_space<semaphore_mem>>
        %dma_start3A = arith.constant 0 : i32
        %dma_start3A_176 = tpu.memref_slice %arg7[%add3A_174, %dma_start3A] : memref<400x128xi32, #tpu.memory_space<vmem>> -> memref<1x128xi32, #tpu.memory_space<vmem>>
        %dma_start3A_177 = tpu.memref_squeeze %dma_start3A_176 : memref<1x128xi32, #tpu.memory_space<vmem>> -> memref<128xi32, #tpu.memory_space<vmem>>
        %dma_start3A_178 = arith.constant 0 : i32
        %dma_start3A_179 = tpu.memref_slice %arg9[%dma_start3A_178] : memref<51200xf32, #tpu.memory_space<vmem_shared>> -> memref<51200xf32, #tpu.memory_space<vmem_shared>>
        tpu.enqueue_indirect_dma source(%arg8 : memref<128xf32, #tpu.memory_space<vmem>>) target(%dma_start3A_179 : memref<51200xf32, #tpu.memory_space<vmem_shared>>) offsets(%dma_start3A_177 : memref<128xi32, #tpu.memory_space<vmem>>) semaphore(%run_scoped3A_175 : memref<!tpu.dma_semaphore, #tpu.memory_space<semaphore_mem>>) {add = true}
        %dma_wait3A = arith.constant 0 : i32
        %dma_wait3A_180 = tpu.memref_slice %arg7[%add3A_174, %dma_wait3A] : memref<400x128xi32, #tpu.memory_space<vmem>> -> memref<1x128xi32, #tpu.memory_space<vmem>>
        %dma_wait3A_181 = tpu.memref_squeeze %dma_wait3A_180 : memref<1x128xi32, #tpu.memory_space<vmem>> -> memref<128xi32, #tpu.memory_space<vmem>>
        %dma_wait3A_182 = arith.constant 0 : i32
        %dma_wait3A_183 = tpu.memref_slice %arg9[%dma_wait3A_182] : memref<51200xf32, #tpu.memory_space<vmem_shared>> -> memref<51200xf32, #tpu.memory_space<vmem_shared>>
        tpu.wait_indirect_dma semaphore(%run_scoped3A_175 : memref<!tpu.dma_semaphore, #tpu.memory_space<semaphore_mem>>) src(%arg8 : memref<128xf32, #tpu.memory_space<vmem>>) dst(%dma_wait3A_183 : memref<51200xf32, #tpu.memory_space<vmem_shared>>)
        tpu.yield
      }) : () -> ()
    }
    %scan3A_80 = arith.constant 40 : i32
    %scan3A_81 = arith.constant 0 : i32
    %scan3A_82 = arith.constant 0 : i32
    %scan3A_83 = arith.constant 40 : i32
    %scan3A_84 = arith.addi %scan3A_82, %scan3A_83 : i32
    %scan3A_85 = arith.constant 1 : i32
    scf.for %scan3A_169 = %scan3A_82 to %scan3A_84 step %scan3A_85  : i32 {
      %mul3A_170 = arith.constant 40 : i32
      %mul3A_171 = arith.muli %arg0, %mul3A_170 : i32
      %add3A_172 = arith.constant 160 : i32
      %add3A_173 = arith.addi %add3A_172, %mul3A_171 : i32
      %add3A_174 = arith.addi %add3A_173, %scan3A_169 : i32
      "tpu.region"() ({
        %run_scoped3A_175 = tpu.sem_alloc : memref<!tpu.dma_semaphore, #tpu.memory_space<semaphore_mem>>
        %dma_start3A = arith.constant 0 : i32
        %dma_start3A_176 = tpu.memref_slice %arg7[%add3A_174, %dma_start3A] : memref<400x128xi32, #tpu.memory_space<vmem>> -> memref<1x128xi32, #tpu.memory_space<vmem>>
        %dma_start3A_177 = tpu.memref_squeeze %dma_start3A_176 : memref<1x128xi32, #tpu.memory_space<vmem>> -> memref<128xi32, #tpu.memory_space<vmem>>
        %dma_start3A_178 = arith.constant 0 : i32
        %dma_start3A_179 = tpu.memref_slice %arg9[%dma_start3A_178] : memref<51200xf32, #tpu.memory_space<vmem_shared>> -> memref<51200xf32, #tpu.memory_space<vmem_shared>>
        tpu.enqueue_indirect_dma source(%arg8 : memref<128xf32, #tpu.memory_space<vmem>>) target(%dma_start3A_179 : memref<51200xf32, #tpu.memory_space<vmem_shared>>) offsets(%dma_start3A_177 : memref<128xi32, #tpu.memory_space<vmem>>) semaphore(%run_scoped3A_175 : memref<!tpu.dma_semaphore, #tpu.memory_space<semaphore_mem>>) {add = true}
        %dma_wait3A = arith.constant 0 : i32
        %dma_wait3A_180 = tpu.memref_slice %arg7[%add3A_174, %dma_wait3A] : memref<400x128xi32, #tpu.memory_space<vmem>> -> memref<1x128xi32, #tpu.memory_space<vmem>>
        %dma_wait3A_181 = tpu.memref_squeeze %dma_wait3A_180 : memref<1x128xi32, #tpu.memory_space<vmem>> -> memref<128xi32, #tpu.memory_space<vmem>>
        %dma_wait3A_182 = arith.constant 0 : i32
        %dma_wait3A_183 = tpu.memref_slice %arg9[%dma_wait3A_182] : memref<51200xf32, #tpu.memory_space<vmem_shared>> -> memref<51200xf32, #tpu.memory_space<vmem_shared>>
        tpu.wait_indirect_dma semaphore(%run_scoped3A_175 : memref<!tpu.dma_semaphore, #tpu.memory_space<semaphore_mem>>) src(%arg8 : memref<128xf32, #tpu.memory_space<vmem>>) dst(%dma_wait3A_183 : memref<51200xf32, #tpu.memory_space<vmem_shared>>)
        tpu.yield
      }) : () -> ()
    }
    %scan3A_86 = arith.constant 40 : i32
    %scan3A_87 = arith.constant 0 : i32
    %scan3A_88 = arith.constant 0 : i32
    %scan3A_89 = arith.constant 40 : i32
    %scan3A_90 = arith.addi %scan3A_88, %scan3A_89 : i32
    %scan3A_91 = arith.constant 1 : i32
    scf.for %scan3A_169 = %scan3A_88 to %scan3A_90 step %scan3A_91  : i32 {
      %mul3A_170 = arith.constant 40 : i32
      %mul3A_171 = arith.muli %arg0, %mul3A_170 : i32
      %add3A_172 = arith.constant 240 : i32
      %add3A_173 = arith.addi %add3A_172, %mul3A_171 : i32
      %add3A_174 = arith.addi %add3A_173, %scan3A_169 : i32
      "tpu.region"() ({
        %run_scoped3A_175 = tpu.sem_alloc : memref<!tpu.dma_semaphore, #tpu.memory_space<semaphore_mem>>
        %dma_start3A = arith.constant 0 : i32
        %dma_start3A_176 = tpu.memref_slice %arg7[%add3A_174, %dma_start3A] : memref<400x128xi32, #tpu.memory_space<vmem>> -> memref<1x128xi32, #tpu.memory_space<vmem>>
        %dma_start3A_177 = tpu.memref_squeeze %dma_start3A_176 : memref<1x128xi32, #tpu.memory_space<vmem>> -> memref<128xi32, #tpu.memory_space<vmem>>
        %dma_start3A_178 = arith.constant 0 : i32
        %dma_start3A_179 = tpu.memref_slice %arg9[%dma_start3A_178] : memref<51200xf32, #tpu.memory_space<vmem_shared>> -> memref<51200xf32, #tpu.memory_space<vmem_shared>>
        tpu.enqueue_indirect_dma source(%arg8 : memref<128xf32, #tpu.memory_space<vmem>>) target(%dma_start3A_179 : memref<51200xf32, #tpu.memory_space<vmem_shared>>) offsets(%dma_start3A_177 : memref<128xi32, #tpu.memory_space<vmem>>) semaphore(%run_scoped3A_175 : memref<!tpu.dma_semaphore, #tpu.memory_space<semaphore_mem>>) {add = true}
        %dma_wait3A = arith.constant 0 : i32
        %dma_wait3A_180 = tpu.memref_slice %arg7[%add3A_174, %dma_wait3A] : memref<400x128xi32, #tpu.memory_space<vmem>> -> memref<1x128xi32, #tpu.memory_space<vmem>>
        %dma_wait3A_181 = tpu.memref_squeeze %dma_wait3A_180 : memref<1x128xi32, #tpu.memory_space<vmem>> -> memref<128xi32, #tpu.memory_space<vmem>>
        %dma_wait3A_182 = arith.constant 0 : i32
        %dma_wait3A_183 = tpu.memref_slice %arg9[%dma_wait3A_182] : memref<51200xf32, #tpu.memory_space<vmem_shared>> -> memref<51200xf32, #tpu.memory_space<vmem_shared>>
        tpu.wait_indirect_dma semaphore(%run_scoped3A_175 : memref<!tpu.dma_semaphore, #tpu.memory_space<semaphore_mem>>) src(%arg8 : memref<128xf32, #tpu.memory_space<vmem>>) dst(%dma_wait3A_183 : memref<51200xf32, #tpu.memory_space<vmem_shared>>)
        tpu.yield
      }) : () -> ()
    }
    %scan3A_92 = arith.constant 40 : i32
    %scan3A_93 = arith.constant 0 : i32
    %scan3A_94 = arith.constant 0 : i32
    %scan3A_95 = arith.constant 40 : i32
    %scan3A_96 = arith.addi %scan3A_94, %scan3A_95 : i32
    %scan3A_97 = arith.constant 1 : i32
    scf.for %scan3A_169 = %scan3A_94 to %scan3A_96 step %scan3A_97  : i32 {
      %mul3A_170 = arith.constant 40 : i32
      %mul3A_171 = arith.muli %arg0, %mul3A_170 : i32
      %add3A_172 = arith.constant 320 : i32
      %add3A_173 = arith.addi %add3A_172, %mul3A_171 : i32
      %add3A_174 = arith.addi %add3A_173, %scan3A_169 : i32
      "tpu.region"() ({
        %run_scoped3A_175 = tpu.sem_alloc : memref<!tpu.dma_semaphore, #tpu.memory_space<semaphore_mem>>
        %dma_start3A = arith.constant 0 : i32
        %dma_start3A_176 = tpu.memref_slice %arg7[%add3A_174, %dma_start3A] : memref<400x128xi32, #tpu.memory_space<vmem>> -> memref<1x128xi32, #tpu.memory_space<vmem>>
        %dma_start3A_177 = tpu.memref_squeeze %dma_start3A_176 : memref<1x128xi32, #tpu.memory_space<vmem>> -> memref<128xi32, #tpu.memory_space<vmem>>
        %dma_start3A_178 = arith.constant 0 : i32
        %dma_start3A_179 = tpu.memref_slice %arg9[%dma_start3A_178] : memref<51200xf32, #tpu.memory_space<vmem_shared>> -> memref<51200xf32, #tpu.memory_space<vmem_shared>>
        tpu.enqueue_indirect_dma source(%arg8 : memref<128xf32, #tpu.memory_space<vmem>>) target(%dma_start3A_179 : memref<51200xf32, #tpu.memory_space<vmem_shared>>) offsets(%dma_start3A_177 : memref<128xi32, #tpu.memory_space<vmem>>) semaphore(%run_scoped3A_175 : memref<!tpu.dma_semaphore, #tpu.memory_space<semaphore_mem>>) {add = true}
        %dma_wait3A = arith.constant 0 : i32
        %dma_wait3A_180 = tpu.memref_slice %arg7[%add3A_174, %dma_wait3A] : memref<400x128xi32, #tpu.memory_space<vmem>> -> memref<1x128xi32, #tpu.memory_space<vmem>>
        %dma_wait3A_181 = tpu.memref_squeeze %dma_wait3A_180 : memref<1x128xi32, #tpu.memory_space<vmem>> -> memref<128xi32, #tpu.memory_space<vmem>>
        %dma_wait3A_182 = arith.constant 0 : i32
        %dma_wait3A_183 = tpu.memref_slice %arg9[%dma_wait3A_182] : memref<51200xf32, #tpu.memory_space<vmem_shared>> -> memref<51200xf32, #tpu.memory_space<vmem_shared>>
        tpu.wait_indirect_dma semaphore(%run_scoped3A_175 : memref<!tpu.dma_semaphore, #tpu.memory_space<semaphore_mem>>) src(%arg8 : memref<128xf32, #tpu.memory_space<vmem>>) dst(%dma_wait3A_183 : memref<51200xf32, #tpu.memory_space<vmem_shared>>)
        tpu.yield
      }) : () -> ()
    }
    %scan3A_98 = arith.constant 40 : i32
    "tpu.region"() ({
      %run_scoped3A_169 = tpu.sem_alloc : memref<!tpu.dma_semaphore, #tpu.memory_space<semaphore_mem>>
      %dma_start3A = arith.constant 0 : i32
      %dma_start3A_170 = arith.constant 0 : i32
      %dma_start3A_171 = tpu.memref_slice %arg3[%arg1, %dma_start3A, %dma_start3A_170] : memref<16x400x128xi32, #tpu.memory_space<hbm>> -> memref<1x400x128xi32, #tpu.memory_space<hbm>>
      %dma_start3A_172 = tpu.memref_squeeze %dma_start3A_171 : memref<1x400x128xi32, #tpu.memory_space<hbm>> -> memref<400x128xi32, #tpu.memory_space<hbm>>
      %dma_start3A_173 = arith.constant 0 : i32
      %dma_start3A_174 = arith.constant 0 : i32
      %dma_start3A_175 = tpu.memref_slice %arg3[%arg1, %dma_start3A_173, %dma_start3A_174] : memref<16x400x128xi32, #tpu.memory_space<hbm>> -> memref<1x400x128xi32, #tpu.memory_space<hbm>>
      %dma_start3A_176 = tpu.memref_squeeze %dma_start3A_175 : memref<1x400x128xi32, #tpu.memory_space<hbm>> -> memref<400x128xi32, #tpu.memory_space<hbm>>
      tpu.enqueue_dma source(%dma_start3A_176 : memref<400x128xi32, #tpu.memory_space<hbm>>) target(%arg7 : memref<400x128xi32, #tpu.memory_space<vmem>>) target_semaphore(%run_scoped3A_169 : memref<!tpu.dma_semaphore, #tpu.memory_space<semaphore_mem>>)
      %dma_wait3A = arith.constant 0 : i32
      %dma_wait3A_177 = arith.constant 0 : i32
      %dma_wait3A_178 = tpu.memref_slice %arg3[%arg1, %dma_wait3A, %dma_wait3A_177] : memref<16x400x128xi32, #tpu.memory_space<hbm>> -> memref<1x400x128xi32, #tpu.memory_space<hbm>>
      %dma_wait3A_179 = tpu.memref_squeeze %dma_wait3A_178 : memref<1x400x128xi32, #tpu.memory_space<hbm>> -> memref<400x128xi32, #tpu.memory_space<hbm>>
      %dma_wait3A_180 = arith.constant 0 : i32
      %dma_wait3A_181 = arith.constant 0 : i32
      %dma_wait3A_182 = tpu.memref_slice %arg3[%arg1, %dma_wait3A_180, %dma_wait3A_181] : memref<16x400x128xi32, #tpu.memory_space<hbm>> -> memref<1x400x128xi32, #tpu.memory_space<hbm>>
      %dma_wait3A_183 = tpu.memref_squeeze %dma_wait3A_182 : memref<1x400x128xi32, #tpu.memory_space<hbm>> -> memref<400x128xi32, #tpu.memory_space<hbm>>
      tpu.wait_dma2 semaphore(%run_scoped3A_169 : memref<!tpu.dma_semaphore, #tpu.memory_space<semaphore_mem>>) src(%dma_wait3A_183 : memref<400x128xi32, #tpu.memory_space<hbm>>) dst(%arg7 : memref<400x128xi32, #tpu.memory_space<vmem>>)
      tpu.yield
    }) : () -> ()
    %scan3A_99 = arith.constant 0 : i32
    %scan3A_100 = arith.constant 0 : i32
    %scan3A_101 = arith.constant 40 : i32
    %scan3A_102 = arith.addi %scan3A_100, %scan3A_101 : i32
    %scan3A_103 = arith.constant 1 : i32
    scf.for %scan3A_169 = %scan3A_100 to %scan3A_102 step %scan3A_103  : i32 {
      %mul3A_170 = arith.constant 40 : i32
      %mul3A_171 = arith.muli %arg0, %mul3A_170 : i32
      %add3A_172 = arith.constant 0 : i32
      %add3A_173 = arith.addi %add3A_172, %mul3A_171 : i32
      %add3A_174 = arith.addi %add3A_173, %scan3A_169 : i32
      "tpu.region"() ({
        %run_scoped3A_175 = tpu.sem_alloc : memref<!tpu.dma_semaphore, #tpu.memory_space<semaphore_mem>>
        %dma_start3A = arith.constant 0 : i32
        %dma_start3A_176 = tpu.memref_slice %arg7[%add3A_174, %dma_start3A] : memref<400x128xi32, #tpu.memory_space<vmem>> -> memref<1x128xi32, #tpu.memory_space<vmem>>
        %dma_start3A_177 = tpu.memref_squeeze %dma_start3A_176 : memref<1x128xi32, #tpu.memory_space<vmem>> -> memref<128xi32, #tpu.memory_space<vmem>>
        %dma_start3A_178 = arith.constant 0 : i32
        %dma_start3A_179 = tpu.memref_slice %arg10[%dma_start3A_178] : memref<51200xf32, #tpu.memory_space<vmem_shared>> -> memref<51200xf32, #tpu.memory_space<vmem_shared>>
        tpu.enqueue_indirect_dma source(%arg8 : memref<128xf32, #tpu.memory_space<vmem>>) target(%dma_start3A_179 : memref<51200xf32, #tpu.memory_space<vmem_shared>>) offsets(%dma_start3A_177 : memref<128xi32, #tpu.memory_space<vmem>>) semaphore(%run_scoped3A_175 : memref<!tpu.dma_semaphore, #tpu.memory_space<semaphore_mem>>) {add = true}
        %dma_wait3A = arith.constant 0 : i32
        %dma_wait3A_180 = tpu.memref_slice %arg7[%add3A_174, %dma_wait3A] : memref<400x128xi32, #tpu.memory_space<vmem>> -> memref<1x128xi32, #tpu.memory_space<vmem>>
        %dma_wait3A_181 = tpu.memref_squeeze %dma_wait3A_180 : memref<1x128xi32, #tpu.memory_space<vmem>> -> memref<128xi32, #tpu.memory_space<vmem>>
        %dma_wait3A_182 = arith.constant 0 : i32
        %dma_wait3A_183 = tpu.memref_slice %arg10[%dma_wait3A_182] : memref<51200xf32, #tpu.memory_space<vmem_shared>> -> memref<51200xf32, #tpu.memory_space<vmem_shared>>
        tpu.wait_indirect_dma semaphore(%run_scoped3A_175 : memref<!tpu.dma_semaphore, #tpu.memory_space<semaphore_mem>>) src(%arg8 : memref<128xf32, #tpu.memory_space<vmem>>) dst(%dma_wait3A_183 : memref<51200xf32, #tpu.memory_space<vmem_shared>>)
        tpu.yield
      }) : () -> ()
    }
    %scan3A_104 = arith.constant 40 : i32
    %scan3A_105 = arith.constant 0 : i32
    %scan3A_106 = arith.constant 0 : i32
    %scan3A_107 = arith.constant 40 : i32
    %scan3A_108 = arith.addi %scan3A_106, %scan3A_107 : i32
    %scan3A_109 = arith.constant 1 : i32
    scf.for %scan3A_169 = %scan3A_106 to %scan3A_108 step %scan3A_109  : i32 {
      %mul3A_170 = arith.constant 40 : i32
      %mul3A_171 = arith.muli %arg0, %mul3A_170 : i32
      %add3A_172 = arith.constant 80 : i32
      %add3A_173 = arith.addi %add3A_172, %mul3A_171 : i32
      %add3A_174 = arith.addi %add3A_173, %scan3A_169 : i32
      "tpu.region"() ({
        %run_scoped3A_175 = tpu.sem_alloc : memref<!tpu.dma_semaphore, #tpu.memory_space<semaphore_mem>>
        %dma_start3A = arith.constant 0 : i32
        %dma_start3A_176 = tpu.memref_slice %arg7[%add3A_174, %dma_start3A] : memref<400x128xi32, #tpu.memory_space<vmem>> -> memref<1x128xi32, #tpu.memory_space<vmem>>
        %dma_start3A_177 = tpu.memref_squeeze %dma_start3A_176 : memref<1x128xi32, #tpu.memory_space<vmem>> -> memref<128xi32, #tpu.memory_space<vmem>>
        %dma_start3A_178 = arith.constant 0 : i32
        %dma_start3A_179 = tpu.memref_slice %arg10[%dma_start3A_178] : memref<51200xf32, #tpu.memory_space<vmem_shared>> -> memref<51200xf32, #tpu.memory_space<vmem_shared>>
        tpu.enqueue_indirect_dma source(%arg8 : memref<128xf32, #tpu.memory_space<vmem>>) target(%dma_start3A_179 : memref<51200xf32, #tpu.memory_space<vmem_shared>>) offsets(%dma_start3A_177 : memref<128xi32, #tpu.memory_space<vmem>>) semaphore(%run_scoped3A_175 : memref<!tpu.dma_semaphore, #tpu.memory_space<semaphore_mem>>) {add = true}
        %dma_wait3A = arith.constant 0 : i32
        %dma_wait3A_180 = tpu.memref_slice %arg7[%add3A_174, %dma_wait3A] : memref<400x128xi32, #tpu.memory_space<vmem>> -> memref<1x128xi32, #tpu.memory_space<vmem>>
        %dma_wait3A_181 = tpu.memref_squeeze %dma_wait3A_180 : memref<1x128xi32, #tpu.memory_space<vmem>> -> memref<128xi32, #tpu.memory_space<vmem>>
        %dma_wait3A_182 = arith.constant 0 : i32
        %dma_wait3A_183 = tpu.memref_slice %arg10[%dma_wait3A_182] : memref<51200xf32, #tpu.memory_space<vmem_shared>> -> memref<51200xf32, #tpu.memory_space<vmem_shared>>
        tpu.wait_indirect_dma semaphore(%run_scoped3A_175 : memref<!tpu.dma_semaphore, #tpu.memory_space<semaphore_mem>>) src(%arg8 : memref<128xf32, #tpu.memory_space<vmem>>) dst(%dma_wait3A_183 : memref<51200xf32, #tpu.memory_space<vmem_shared>>)
        tpu.yield
      }) : () -> ()
    }
    %scan3A_110 = arith.constant 40 : i32
    %scan3A_111 = arith.constant 0 : i32
    %scan3A_112 = arith.constant 0 : i32
    %scan3A_113 = arith.constant 40 : i32
    %scan3A_114 = arith.addi %scan3A_112, %scan3A_113 : i32
    %scan3A_115 = arith.constant 1 : i32
    scf.for %scan3A_169 = %scan3A_112 to %scan3A_114 step %scan3A_115  : i32 {
      %mul3A_170 = arith.constant 40 : i32
      %mul3A_171 = arith.muli %arg0, %mul3A_170 : i32
      %add3A_172 = arith.constant 160 : i32
      %add3A_173 = arith.addi %add3A_172, %mul3A_171 : i32
      %add3A_174 = arith.addi %add3A_173, %scan3A_169 : i32
      "tpu.region"() ({
        %run_scoped3A_175 = tpu.sem_alloc : memref<!tpu.dma_semaphore, #tpu.memory_space<semaphore_mem>>
        %dma_start3A = arith.constant 0 : i32
        %dma_start3A_176 = tpu.memref_slice %arg7[%add3A_174, %dma_start3A] : memref<400x128xi32, #tpu.memory_space<vmem>> -> memref<1x128xi32, #tpu.memory_space<vmem>>
        %dma_start3A_177 = tpu.memref_squeeze %dma_start3A_176 : memref<1x128xi32, #tpu.memory_space<vmem>> -> memref<128xi32, #tpu.memory_space<vmem>>
        %dma_start3A_178 = arith.constant 0 : i32
        %dma_start3A_179 = tpu.memref_slice %arg10[%dma_start3A_178] : memref<51200xf32, #tpu.memory_space<vmem_shared>> -> memref<51200xf32, #tpu.memory_space<vmem_shared>>
        tpu.enqueue_indirect_dma source(%arg8 : memref<128xf32, #tpu.memory_space<vmem>>) target(%dma_start3A_179 : memref<51200xf32, #tpu.memory_space<vmem_shared>>) offsets(%dma_start3A_177 : memref<128xi32, #tpu.memory_space<vmem>>) semaphore(%run_scoped3A_175 : memref<!tpu.dma_semaphore, #tpu.memory_space<semaphore_mem>>) {add = true}
        %dma_wait3A = arith.constant 0 : i32
        %dma_wait3A_180 = tpu.memref_slice %arg7[%add3A_174, %dma_wait3A] : memref<400x128xi32, #tpu.memory_space<vmem>> -> memref<1x128xi32, #tpu.memory_space<vmem>>
        %dma_wait3A_181 = tpu.memref_squeeze %dma_wait3A_180 : memref<1x128xi32, #tpu.memory_space<vmem>> -> memref<128xi32, #tpu.memory_space<vmem>>
        %dma_wait3A_182 = arith.constant 0 : i32
        %dma_wait3A_183 = tpu.memref_slice %arg10[%dma_wait3A_182] : memref<51200xf32, #tpu.memory_space<vmem_shared>> -> memref<51200xf32, #tpu.memory_space<vmem_shared>>
        tpu.wait_indirect_dma semaphore(%run_scoped3A_175 : memref<!tpu.dma_semaphore, #tpu.memory_space<semaphore_mem>>) src(%arg8 : memref<128xf32, #tpu.memory_space<vmem>>) dst(%dma_wait3A_183 : memref<51200xf32, #tpu.memory_space<vmem_shared>>)
        tpu.yield
      }) : () -> ()
    }
    %scan3A_116 = arith.constant 40 : i32
    %scan3A_117 = arith.constant 0 : i32
    %scan3A_118 = arith.constant 0 : i32
    %scan3A_119 = arith.constant 40 : i32
    %scan3A_120 = arith.addi %scan3A_118, %scan3A_119 : i32
    %scan3A_121 = arith.constant 1 : i32
    scf.for %scan3A_169 = %scan3A_118 to %scan3A_120 step %scan3A_121  : i32 {
      %mul3A_170 = arith.constant 40 : i32
      %mul3A_171 = arith.muli %arg0, %mul3A_170 : i32
      %add3A_172 = arith.constant 240 : i32
      %add3A_173 = arith.addi %add3A_172, %mul3A_171 : i32
      %add3A_174 = arith.addi %add3A_173, %scan3A_169 : i32
      "tpu.region"() ({
        %run_scoped3A_175 = tpu.sem_alloc : memref<!tpu.dma_semaphore, #tpu.memory_space<semaphore_mem>>
        %dma_start3A = arith.constant 0 : i32
        %dma_start3A_176 = tpu.memref_slice %arg7[%add3A_174, %dma_start3A] : memref<400x128xi32, #tpu.memory_space<vmem>> -> memref<1x128xi32, #tpu.memory_space<vmem>>
        %dma_start3A_177 = tpu.memref_squeeze %dma_start3A_176 : memref<1x128xi32, #tpu.memory_space<vmem>> -> memref<128xi32, #tpu.memory_space<vmem>>
        %dma_start3A_178 = arith.constant 0 : i32
        %dma_start3A_179 = tpu.memref_slice %arg10[%dma_start3A_178] : memref<51200xf32, #tpu.memory_space<vmem_shared>> -> memref<51200xf32, #tpu.memory_space<vmem_shared>>
        tpu.enqueue_indirect_dma source(%arg8 : memref<128xf32, #tpu.memory_space<vmem>>) target(%dma_start3A_179 : memref<51200xf32, #tpu.memory_space<vmem_shared>>) offsets(%dma_start3A_177 : memref<128xi32, #tpu.memory_space<vmem>>) semaphore(%run_scoped3A_175 : memref<!tpu.dma_semaphore, #tpu.memory_space<semaphore_mem>>) {add = true}
        %dma_wait3A = arith.constant 0 : i32
        %dma_wait3A_180 = tpu.memref_slice %arg7[%add3A_174, %dma_wait3A] : memref<400x128xi32, #tpu.memory_space<vmem>> -> memref<1x128xi32, #tpu.memory_space<vmem>>
        %dma_wait3A_181 = tpu.memref_squeeze %dma_wait3A_180 : memref<1x128xi32, #tpu.memory_space<vmem>> -> memref<128xi32, #tpu.memory_space<vmem>>
        %dma_wait3A_182 = arith.constant 0 : i32
        %dma_wait3A_183 = tpu.memref_slice %arg10[%dma_wait3A_182] : memref<51200xf32, #tpu.memory_space<vmem_shared>> -> memref<51200xf32, #tpu.memory_space<vmem_shared>>
        tpu.wait_indirect_dma semaphore(%run_scoped3A_175 : memref<!tpu.dma_semaphore, #tpu.memory_space<semaphore_mem>>) src(%arg8 : memref<128xf32, #tpu.memory_space<vmem>>) dst(%dma_wait3A_183 : memref<51200xf32, #tpu.memory_space<vmem_shared>>)
        tpu.yield
      }) : () -> ()
    }
    %scan3A_122 = arith.constant 40 : i32
    %scan3A_123 = arith.constant 0 : i32
    %scan3A_124 = arith.constant 0 : i32
    %scan3A_125 = arith.constant 40 : i32
    %scan3A_126 = arith.addi %scan3A_124, %scan3A_125 : i32
    %scan3A_127 = arith.constant 1 : i32
    scf.for %scan3A_169 = %scan3A_124 to %scan3A_126 step %scan3A_127  : i32 {
      %mul3A_170 = arith.constant 40 : i32
      %mul3A_171 = arith.muli %arg0, %mul3A_170 : i32
      %add3A_172 = arith.constant 320 : i32
      %add3A_173 = arith.addi %add3A_172, %mul3A_171 : i32
      %add3A_174 = arith.addi %add3A_173, %scan3A_169 : i32
      "tpu.region"() ({
        %run_scoped3A_175 = tpu.sem_alloc : memref<!tpu.dma_semaphore, #tpu.memory_space<semaphore_mem>>
        %dma_start3A = arith.constant 0 : i32
        %dma_start3A_176 = tpu.memref_slice %arg7[%add3A_174, %dma_start3A] : memref<400x128xi32, #tpu.memory_space<vmem>> -> memref<1x128xi32, #tpu.memory_space<vmem>>
        %dma_start3A_177 = tpu.memref_squeeze %dma_start3A_176 : memref<1x128xi32, #tpu.memory_space<vmem>> -> memref<128xi32, #tpu.memory_space<vmem>>
        %dma_start3A_178 = arith.constant 0 : i32
        %dma_start3A_179 = tpu.memref_slice %arg10[%dma_start3A_178] : memref<51200xf32, #tpu.memory_space<vmem_shared>> -> memref<51200xf32, #tpu.memory_space<vmem_shared>>
        tpu.enqueue_indirect_dma source(%arg8 : memref<128xf32, #tpu.memory_space<vmem>>) target(%dma_start3A_179 : memref<51200xf32, #tpu.memory_space<vmem_shared>>) offsets(%dma_start3A_177 : memref<128xi32, #tpu.memory_space<vmem>>) semaphore(%run_scoped3A_175 : memref<!tpu.dma_semaphore, #tpu.memory_space<semaphore_mem>>) {add = true}
        %dma_wait3A = arith.constant 0 : i32
        %dma_wait3A_180 = tpu.memref_slice %arg7[%add3A_174, %dma_wait3A] : memref<400x128xi32, #tpu.memory_space<vmem>> -> memref<1x128xi32, #tpu.memory_space<vmem>>
        %dma_wait3A_181 = tpu.memref_squeeze %dma_wait3A_180 : memref<1x128xi32, #tpu.memory_space<vmem>> -> memref<128xi32, #tpu.memory_space<vmem>>
        %dma_wait3A_182 = arith.constant 0 : i32
        %dma_wait3A_183 = tpu.memref_slice %arg10[%dma_wait3A_182] : memref<51200xf32, #tpu.memory_space<vmem_shared>> -> memref<51200xf32, #tpu.memory_space<vmem_shared>>
        tpu.wait_indirect_dma semaphore(%run_scoped3A_175 : memref<!tpu.dma_semaphore, #tpu.memory_space<semaphore_mem>>) src(%arg8 : memref<128xf32, #tpu.memory_space<vmem>>) dst(%dma_wait3A_183 : memref<51200xf32, #tpu.memory_space<vmem_shared>>)
        tpu.yield
      }) : () -> ()
    }
    %scan3A_128 = arith.constant 40 : i32
    %barrier3A_129 = arith.constant 0 : index
    tpu.barrier barrier_id(%barrier3A_129)
    %mul3A_130 = arith.constant 640 : i32
    %mul3A_131 = arith.muli %arg1, %mul3A_130 : i32
    %add3A_132 = arith.constant 0 : i32
    %add3A_133 = arith.addi %add3A_132, %mul3A_131 : i32
    %mul3A_134 = arith.constant 640 : i32
    %mul3A_135 = arith.muli %arg1, %mul3A_134 : i32
    %run_scoped3A = arith.constant 0 : i32
    "tpu.region"() ({
      %run_scoped3A_169 = tpu.sem_alloc : memref<!tpu.dma_semaphore, #tpu.memory_space<semaphore_mem>>
      %dma_start3A = tpu.memref_slice %arg5[%run_scoped3A, %arg0, %mul3A_135] : memref<5x2x10240xf32, #tpu.memory_space<hbm>> -> memref<1x1x640xf32, #tpu.memory_space<hbm>>
      %dma_start3A_170 = tpu.memref_squeeze %dma_start3A : memref<1x1x640xf32, #tpu.memory_space<hbm>> -> memref<640xf32, #tpu.memory_space<hbm>>
      %dma_start3A_171 = tpu.memref_slice %arg9[%add3A_133] : memref<51200xf32, #tpu.memory_space<vmem_shared>> -> memref<640xf32, #tpu.memory_space<vmem_shared>>
      tpu.enqueue_dma source(%dma_start3A_171 : memref<640xf32, #tpu.memory_space<vmem_shared>>) target(%dma_start3A_170 : memref<640xf32, #tpu.memory_space<hbm>>) target_semaphore(%run_scoped3A_169 : memref<!tpu.dma_semaphore, #tpu.memory_space<semaphore_mem>>)
      %dma_wait3A = tpu.memref_slice %arg5[%run_scoped3A, %arg0, %mul3A_135] : memref<5x2x10240xf32, #tpu.memory_space<hbm>> -> memref<1x1x640xf32, #tpu.memory_space<hbm>>
      %dma_wait3A_172 = tpu.memref_squeeze %dma_wait3A : memref<1x1x640xf32, #tpu.memory_space<hbm>> -> memref<640xf32, #tpu.memory_space<hbm>>
      %dma_wait3A_173 = tpu.memref_slice %arg9[%add3A_133] : memref<51200xf32, #tpu.memory_space<vmem_shared>> -> memref<640xf32, #tpu.memory_space<vmem_shared>>
      tpu.wait_dma2 semaphore(%run_scoped3A_169 : memref<!tpu.dma_semaphore, #tpu.memory_space<semaphore_mem>>) src(%dma_wait3A_173 : memref<640xf32, #tpu.memory_space<vmem_shared>>) dst(%dma_wait3A_172 : memref<640xf32, #tpu.memory_space<hbm>>)
      tpu.yield
    }) : () -> ()
    %run_scoped3A_136 = arith.constant 0 : i32
    "tpu.region"() ({
      %run_scoped3A_169 = tpu.sem_alloc : memref<!tpu.dma_semaphore, #tpu.memory_space<semaphore_mem>>
      %dma_start3A = tpu.memref_slice %arg6[%run_scoped3A_136, %arg0, %mul3A_135] : memref<5x2x10240xf32, #tpu.memory_space<hbm>> -> memref<1x1x640xf32, #tpu.memory_space<hbm>>
      %dma_start3A_170 = tpu.memref_squeeze %dma_start3A : memref<1x1x640xf32, #tpu.memory_space<hbm>> -> memref<640xf32, #tpu.memory_space<hbm>>
      %dma_start3A_171 = tpu.memref_slice %arg10[%add3A_133] : memref<51200xf32, #tpu.memory_space<vmem_shared>> -> memref<640xf32, #tpu.memory_space<vmem_shared>>
      tpu.enqueue_dma source(%dma_start3A_171 : memref<640xf32, #tpu.memory_space<vmem_shared>>) target(%dma_start3A_170 : memref<640xf32, #tpu.memory_space<hbm>>) target_semaphore(%run_scoped3A_169 : memref<!tpu.dma_semaphore, #tpu.memory_space<semaphore_mem>>)
      %dma_wait3A = tpu.memref_slice %arg6[%run_scoped3A_136, %arg0, %mul3A_135] : memref<5x2x10240xf32, #tpu.memory_space<hbm>> -> memref<1x1x640xf32, #tpu.memory_space<hbm>>
      %dma_wait3A_172 = tpu.memref_squeeze %dma_wait3A : memref<1x1x640xf32, #tpu.memory_space<hbm>> -> memref<640xf32, #tpu.memory_space<hbm>>
      %dma_wait3A_173 = tpu.memref_slice %arg10[%add3A_133] : memref<51200xf32, #tpu.memory_space<vmem_shared>> -> memref<640xf32, #tpu.memory_space<vmem_shared>>
      tpu.wait_dma2 semaphore(%run_scoped3A_169 : memref<!tpu.dma_semaphore, #tpu.memory_space<semaphore_mem>>) src(%dma_wait3A_173 : memref<640xf32, #tpu.memory_space<vmem_shared>>) dst(%dma_wait3A_172 : memref<640xf32, #tpu.memory_space<hbm>>)
      tpu.yield
    }) : () -> ()
    %mul3A_137 = arith.constant 640 : i32
    %mul3A_138 = arith.muli %arg1, %mul3A_137 : i32
    %add3A_139 = arith.constant 10240 : i32
    %add3A_140 = arith.addi %add3A_139, %mul3A_138 : i32
    %mul3A_141 = arith.constant 640 : i32
    %mul3A_142 = arith.muli %arg1, %mul3A_141 : i32
    %run_scoped3A_143 = arith.constant 1 : i32
    "tpu.region"() ({
      %run_scoped3A_169 = tpu.sem_alloc : memref<!tpu.dma_semaphore, #tpu.memory_space<semaphore_mem>>
      %dma_start3A = tpu.memref_slice %arg5[%run_scoped3A_143, %arg0, %mul3A_142] : memref<5x2x10240xf32, #tpu.memory_space<hbm>> -> memref<1x1x640xf32, #tpu.memory_space<hbm>>
      %dma_start3A_170 = tpu.memref_squeeze %dma_start3A : memref<1x1x640xf32, #tpu.memory_space<hbm>> -> memref<640xf32, #tpu.memory_space<hbm>>
      %dma_start3A_171 = tpu.memref_slice %arg9[%add3A_140] : memref<51200xf32, #tpu.memory_space<vmem_shared>> -> memref<640xf32, #tpu.memory_space<vmem_shared>>
      tpu.enqueue_dma source(%dma_start3A_171 : memref<640xf32, #tpu.memory_space<vmem_shared>>) target(%dma_start3A_170 : memref<640xf32, #tpu.memory_space<hbm>>) target_semaphore(%run_scoped3A_169 : memref<!tpu.dma_semaphore, #tpu.memory_space<semaphore_mem>>)
      %dma_wait3A = tpu.memref_slice %arg5[%run_scoped3A_143, %arg0, %mul3A_142] : memref<5x2x10240xf32, #tpu.memory_space<hbm>> -> memref<1x1x640xf32, #tpu.memory_space<hbm>>
      %dma_wait3A_172 = tpu.memref_squeeze %dma_wait3A : memref<1x1x640xf32, #tpu.memory_space<hbm>> -> memref<640xf32, #tpu.memory_space<hbm>>
      %dma_wait3A_173 = tpu.memref_slice %arg9[%add3A_140] : memref<51200xf32, #tpu.memory_space<vmem_shared>> -> memref<640xf32, #tpu.memory_space<vmem_shared>>
      tpu.wait_dma2 semaphore(%run_scoped3A_169 : memref<!tpu.dma_semaphore, #tpu.memory_space<semaphore_mem>>) src(%dma_wait3A_173 : memref<640xf32, #tpu.memory_space<vmem_shared>>) dst(%dma_wait3A_172 : memref<640xf32, #tpu.memory_space<hbm>>)
      tpu.yield
    }) : () -> ()
    %run_scoped3A_144 = arith.constant 1 : i32
    "tpu.region"() ({
      %run_scoped3A_169 = tpu.sem_alloc : memref<!tpu.dma_semaphore, #tpu.memory_space<semaphore_mem>>
      %dma_start3A = tpu.memref_slice %arg6[%run_scoped3A_144, %arg0, %mul3A_142] : memref<5x2x10240xf32, #tpu.memory_space<hbm>> -> memref<1x1x640xf32, #tpu.memory_space<hbm>>
      %dma_start3A_170 = tpu.memref_squeeze %dma_start3A : memref<1x1x640xf32, #tpu.memory_space<hbm>> -> memref<640xf32, #tpu.memory_space<hbm>>
      %dma_start3A_171 = tpu.memref_slice %arg10[%add3A_140] : memref<51200xf32, #tpu.memory_space<vmem_shared>> -> memref<640xf32, #tpu.memory_space<vmem_shared>>
      tpu.enqueue_dma source(%dma_start3A_171 : memref<640xf32, #tpu.memory_space<vmem_shared>>) target(%dma_start3A_170 : memref<640xf32, #tpu.memory_space<hbm>>) target_semaphore(%run_scoped3A_169 : memref<!tpu.dma_semaphore, #tpu.memory_space<semaphore_mem>>)
      %dma_wait3A = tpu.memref_slice %arg6[%run_scoped3A_144, %arg0, %mul3A_142] : memref<5x2x10240xf32, #tpu.memory_space<hbm>> -> memref<1x1x640xf32, #tpu.memory_space<hbm>>
      %dma_wait3A_172 = tpu.memref_squeeze %dma_wait3A : memref<1x1x640xf32, #tpu.memory_space<hbm>> -> memref<640xf32, #tpu.memory_space<hbm>>
      %dma_wait3A_173 = tpu.memref_slice %arg10[%add3A_140] : memref<51200xf32, #tpu.memory_space<vmem_shared>> -> memref<640xf32, #tpu.memory_space<vmem_shared>>
      tpu.wait_dma2 semaphore(%run_scoped3A_169 : memref<!tpu.dma_semaphore, #tpu.memory_space<semaphore_mem>>) src(%dma_wait3A_173 : memref<640xf32, #tpu.memory_space<vmem_shared>>) dst(%dma_wait3A_172 : memref<640xf32, #tpu.memory_space<hbm>>)
      tpu.yield
    }) : () -> ()
    %mul3A_145 = arith.constant 640 : i32
    %mul3A_146 = arith.muli %arg1, %mul3A_145 : i32
    %add3A_147 = arith.constant 20480 : i32
    %add3A_148 = arith.addi %add3A_147, %mul3A_146 : i32
    %mul3A_149 = arith.constant 640 : i32
    %mul3A_150 = arith.muli %arg1, %mul3A_149 : i32
    %run_scoped3A_151 = arith.constant 2 : i32
    "tpu.region"() ({
      %run_scoped3A_169 = tpu.sem_alloc : memref<!tpu.dma_semaphore, #tpu.memory_space<semaphore_mem>>
      %dma_start3A = tpu.memref_slice %arg5[%run_scoped3A_151, %arg0, %mul3A_150] : memref<5x2x10240xf32, #tpu.memory_space<hbm>> -> memref<1x1x640xf32, #tpu.memory_space<hbm>>
      %dma_start3A_170 = tpu.memref_squeeze %dma_start3A : memref<1x1x640xf32, #tpu.memory_space<hbm>> -> memref<640xf32, #tpu.memory_space<hbm>>
      %dma_start3A_171 = tpu.memref_slice %arg9[%add3A_148] : memref<51200xf32, #tpu.memory_space<vmem_shared>> -> memref<640xf32, #tpu.memory_space<vmem_shared>>
      tpu.enqueue_dma source(%dma_start3A_171 : memref<640xf32, #tpu.memory_space<vmem_shared>>) target(%dma_start3A_170 : memref<640xf32, #tpu.memory_space<hbm>>) target_semaphore(%run_scoped3A_169 : memref<!tpu.dma_semaphore, #tpu.memory_space<semaphore_mem>>)
      %dma_wait3A = tpu.memref_slice %arg5[%run_scoped3A_151, %arg0, %mul3A_150] : memref<5x2x10240xf32, #tpu.memory_space<hbm>> -> memref<1x1x640xf32, #tpu.memory_space<hbm>>
      %dma_wait3A_172 = tpu.memref_squeeze %dma_wait3A : memref<1x1x640xf32, #tpu.memory_space<hbm>> -> memref<640xf32, #tpu.memory_space<hbm>>
      %dma_wait3A_173 = tpu.memref_slice %arg9[%add3A_148] : memref<51200xf32, #tpu.memory_space<vmem_shared>> -> memref<640xf32, #tpu.memory_space<vmem_shared>>
      tpu.wait_dma2 semaphore(%run_scoped3A_169 : memref<!tpu.dma_semaphore, #tpu.memory_space<semaphore_mem>>) src(%dma_wait3A_173 : memref<640xf32, #tpu.memory_space<vmem_shared>>) dst(%dma_wait3A_172 : memref<640xf32, #tpu.memory_space<hbm>>)
      tpu.yield
    }) : () -> ()
    %run_scoped3A_152 = arith.constant 2 : i32
    "tpu.region"() ({
      %run_scoped3A_169 = tpu.sem_alloc : memref<!tpu.dma_semaphore, #tpu.memory_space<semaphore_mem>>
      %dma_start3A = tpu.memref_slice %arg6[%run_scoped3A_152, %arg0, %mul3A_150] : memref<5x2x10240xf32, #tpu.memory_space<hbm>> -> memref<1x1x640xf32, #tpu.memory_space<hbm>>
      %dma_start3A_170 = tpu.memref_squeeze %dma_start3A : memref<1x1x640xf32, #tpu.memory_space<hbm>> -> memref<640xf32, #tpu.memory_space<hbm>>
      %dma_start3A_171 = tpu.memref_slice %arg10[%add3A_148] : memref<51200xf32, #tpu.memory_space<vmem_shared>> -> memref<640xf32, #tpu.memory_space<vmem_shared>>
      tpu.enqueue_dma source(%dma_start3A_171 : memref<640xf32, #tpu.memory_space<vmem_shared>>) target(%dma_start3A_170 : memref<640xf32, #tpu.memory_space<hbm>>) target_semaphore(%run_scoped3A_169 : memref<!tpu.dma_semaphore, #tpu.memory_space<semaphore_mem>>)
      %dma_wait3A = tpu.memref_slice %arg6[%run_scoped3A_152, %arg0, %mul3A_150] : memref<5x2x10240xf32, #tpu.memory_space<hbm>> -> memref<1x1x640xf32, #tpu.memory_space<hbm>>
      %dma_wait3A_172 = tpu.memref_squeeze %dma_wait3A : memref<1x1x640xf32, #tpu.memory_space<hbm>> -> memref<640xf32, #tpu.memory_space<hbm>>
      %dma_wait3A_173 = tpu.memref_slice %arg10[%add3A_148] : memref<51200xf32, #tpu.memory_space<vmem_shared>> -> memref<640xf32, #tpu.memory_space<vmem_shared>>
      tpu.wait_dma2 semaphore(%run_scoped3A_169 : memref<!tpu.dma_semaphore, #tpu.memory_space<semaphore_mem>>) src(%dma_wait3A_173 : memref<640xf32, #tpu.memory_space<vmem_shared>>) dst(%dma_wait3A_172 : memref<640xf32, #tpu.memory_space<hbm>>)
      tpu.yield
    }) : () -> ()
    %mul3A_153 = arith.constant 640 : i32
    %mul3A_154 = arith.muli %arg1, %mul3A_153 : i32
    %add3A_155 = arith.constant 30720 : i32
    %add3A_156 = arith.addi %add3A_155, %mul3A_154 : i32
    %mul3A_157 = arith.constant 640 : i32
    %mul3A_158 = arith.muli %arg1, %mul3A_157 : i32
    %run_scoped3A_159 = arith.constant 3 : i32
    "tpu.region"() ({
      %run_scoped3A_169 = tpu.sem_alloc : memref<!tpu.dma_semaphore, #tpu.memory_space<semaphore_mem>>
      %dma_start3A = tpu.memref_slice %arg5[%run_scoped3A_159, %arg0, %mul3A_158] : memref<5x2x10240xf32, #tpu.memory_space<hbm>> -> memref<1x1x640xf32, #tpu.memory_space<hbm>>
      %dma_start3A_170 = tpu.memref_squeeze %dma_start3A : memref<1x1x640xf32, #tpu.memory_space<hbm>> -> memref<640xf32, #tpu.memory_space<hbm>>
      %dma_start3A_171 = tpu.memref_slice %arg9[%add3A_156] : memref<51200xf32, #tpu.memory_space<vmem_shared>> -> memref<640xf32, #tpu.memory_space<vmem_shared>>
      tpu.enqueue_dma source(%dma_start3A_171 : memref<640xf32, #tpu.memory_space<vmem_shared>>) target(%dma_start3A_170 : memref<640xf32, #tpu.memory_space<hbm>>) target_semaphore(%run_scoped3A_169 : memref<!tpu.dma_semaphore, #tpu.memory_space<semaphore_mem>>)
      %dma_wait3A = tpu.memref_slice %arg5[%run_scoped3A_159, %arg0, %mul3A_158] : memref<5x2x10240xf32, #tpu.memory_space<hbm>> -> memref<1x1x640xf32, #tpu.memory_space<hbm>>
      %dma_wait3A_172 = tpu.memref_squeeze %dma_wait3A : memref<1x1x640xf32, #tpu.memory_space<hbm>> -> memref<640xf32, #tpu.memory_space<hbm>>
      %dma_wait3A_173 = tpu.memref_slice %arg9[%add3A_156] : memref<51200xf32, #tpu.memory_space<vmem_shared>> -> memref<640xf32, #tpu.memory_space<vmem_shared>>
      tpu.wait_dma2 semaphore(%run_scoped3A_169 : memref<!tpu.dma_semaphore, #tpu.memory_space<semaphore_mem>>) src(%dma_wait3A_173 : memref<640xf32, #tpu.memory_space<vmem_shared>>) dst(%dma_wait3A_172 : memref<640xf32, #tpu.memory_space<hbm>>)
      tpu.yield
    }) : () -> ()
    %run_scoped3A_160 = arith.constant 3 : i32
    "tpu.region"() ({
      %run_scoped3A_169 = tpu.sem_alloc : memref<!tpu.dma_semaphore, #tpu.memory_space<semaphore_mem>>
      %dma_start3A = tpu.memref_slice %arg6[%run_scoped3A_160, %arg0, %mul3A_158] : memref<5x2x10240xf32, #tpu.memory_space<hbm>> -> memref<1x1x640xf32, #tpu.memory_space<hbm>>
      %dma_start3A_170 = tpu.memref_squeeze %dma_start3A : memref<1x1x640xf32, #tpu.memory_space<hbm>> -> memref<640xf32, #tpu.memory_space<hbm>>
      %dma_start3A_171 = tpu.memref_slice %arg10[%add3A_156] : memref<51200xf32, #tpu.memory_space<vmem_shared>> -> memref<640xf32, #tpu.memory_space<vmem_shared>>
      tpu.enqueue_dma source(%dma_start3A_171 : memref<640xf32, #tpu.memory_space<vmem_shared>>) target(%dma_start3A_170 : memref<640xf32, #tpu.memory_space<hbm>>) target_semaphore(%run_scoped3A_169 : memref<!tpu.dma_semaphore, #tpu.memory_space<semaphore_mem>>)
      %dma_wait3A = tpu.memref_slice %arg6[%run_scoped3A_160, %arg0, %mul3A_158] : memref<5x2x10240xf32, #tpu.memory_space<hbm>> -> memref<1x1x640xf32, #tpu.memory_space<hbm>>
      %dma_wait3A_172 = tpu.memref_squeeze %dma_wait3A : memref<1x1x640xf32, #tpu.memory_space<hbm>> -> memref<640xf32, #tpu.memory_space<hbm>>
      %dma_wait3A_173 = tpu.memref_slice %arg10[%add3A_156] : memref<51200xf32, #tpu.memory_space<vmem_shared>> -> memref<640xf32, #tpu.memory_space<vmem_shared>>
      tpu.wait_dma2 semaphore(%run_scoped3A_169 : memref<!tpu.dma_semaphore, #tpu.memory_space<semaphore_mem>>) src(%dma_wait3A_173 : memref<640xf32, #tpu.memory_space<vmem_shared>>) dst(%dma_wait3A_172 : memref<640xf32, #tpu.memory_space<hbm>>)
      tpu.yield
    }) : () -> ()
    %mul3A_161 = arith.constant 640 : i32
    %mul3A_162 = arith.muli %arg1, %mul3A_161 : i32
    %add3A_163 = arith.constant 40960 : i32
    %add3A_164 = arith.addi %add3A_163, %mul3A_162 : i32
    %mul3A_165 = arith.constant 640 : i32
    %mul3A_166 = arith.muli %arg1, %mul3A_165 : i32
    %run_scoped3A_167 = arith.constant 4 : i32
    "tpu.region"() ({
      %run_scoped3A_169 = tpu.sem_alloc : memref<!tpu.dma_semaphore, #tpu.memory_space<semaphore_mem>>
      %dma_start3A = tpu.memref_slice %arg5[%run_scoped3A_167, %arg0, %mul3A_166] : memref<5x2x10240xf32, #tpu.memory_space<hbm>> -> memref<1x1x640xf32, #tpu.memory_space<hbm>>
      %dma_start3A_170 = tpu.memref_squeeze %dma_start3A : memref<1x1x640xf32, #tpu.memory_space<hbm>> -> memref<640xf32, #tpu.memory_space<hbm>>
      %dma_start3A_171 = tpu.memref_slice %arg9[%add3A_164] : memref<51200xf32, #tpu.memory_space<vmem_shared>> -> memref<640xf32, #tpu.memory_space<vmem_shared>>
      tpu.enqueue_dma source(%dma_start3A_171 : memref<640xf32, #tpu.memory_space<vmem_shared>>) target(%dma_start3A_170 : memref<640xf32, #tpu.memory_space<hbm>>) target_semaphore(%run_scoped3A_169 : memref<!tpu.dma_semaphore, #tpu.memory_space<semaphore_mem>>)
      %dma_wait3A = tpu.memref_slice %arg5[%run_scoped3A_167, %arg0, %mul3A_166] : memref<5x2x10240xf32, #tpu.memory_space<hbm>> -> memref<1x1x640xf32, #tpu.memory_space<hbm>>
      %dma_wait3A_172 = tpu.memref_squeeze %dma_wait3A : memref<1x1x640xf32, #tpu.memory_space<hbm>> -> memref<640xf32, #tpu.memory_space<hbm>>
      %dma_wait3A_173 = tpu.memref_slice %arg9[%add3A_164] : memref<51200xf32, #tpu.memory_space<vmem_shared>> -> memref<640xf32, #tpu.memory_space<vmem_shared>>
      tpu.wait_dma2 semaphore(%run_scoped3A_169 : memref<!tpu.dma_semaphore, #tpu.memory_space<semaphore_mem>>) src(%dma_wait3A_173 : memref<640xf32, #tpu.memory_space<vmem_shared>>) dst(%dma_wait3A_172 : memref<640xf32, #tpu.memory_space<hbm>>)
      tpu.yield
    }) : () -> ()
    %run_scoped3A_168 = arith.constant 4 : i32
    "tpu.region"() ({
      %run_scoped3A_169 = tpu.sem_alloc : memref<!tpu.dma_semaphore, #tpu.memory_space<semaphore_mem>>
      %dma_start3A = tpu.memref_slice %arg6[%run_scoped3A_168, %arg0, %mul3A_166] : memref<5x2x10240xf32, #tpu.memory_space<hbm>> -> memref<1x1x640xf32, #tpu.memory_space<hbm>>
      %dma_start3A_170 = tpu.memref_squeeze %dma_start3A : memref<1x1x640xf32, #tpu.memory_space<hbm>> -> memref<640xf32, #tpu.memory_space<hbm>>
      %dma_start3A_171 = tpu.memref_slice %arg10[%add3A_164] : memref<51200xf32, #tpu.memory_space<vmem_shared>> -> memref<640xf32, #tpu.memory_space<vmem_shared>>
      tpu.enqueue_dma source(%dma_start3A_171 : memref<640xf32, #tpu.memory_space<vmem_shared>>) target(%dma_start3A_170 : memref<640xf32, #tpu.memory_space<hbm>>) target_semaphore(%run_scoped3A_169 : memref<!tpu.dma_semaphore, #tpu.memory_space<semaphore_mem>>)
      %dma_wait3A = tpu.memref_slice %arg6[%run_scoped3A_168, %arg0, %mul3A_166] : memref<5x2x10240xf32, #tpu.memory_space<hbm>> -> memref<1x1x640xf32, #tpu.memory_space<hbm>>
      %dma_wait3A_172 = tpu.memref_squeeze %dma_wait3A : memref<1x1x640xf32, #tpu.memory_space<hbm>> -> memref<640xf32, #tpu.memory_space<hbm>>
      %dma_wait3A_173 = tpu.memref_slice %arg10[%add3A_164] : memref<51200xf32, #tpu.memory_space<vmem_shared>> -> memref<640xf32, #tpu.memory_space<vmem_shared>>
      tpu.wait_dma2 semaphore(%run_scoped3A_169 : memref<!tpu.dma_semaphore, #tpu.memory_space<semaphore_mem>>) src(%dma_wait3A_173 : memref<640xf32, #tpu.memory_space<vmem_shared>>) dst(%dma_wait3A_172 : memref<640xf32, #tpu.memory_space<hbm>>)
      tpu.yield
    }) : () -> ()
    return
  }
}

#map = affine_map<(d0, d1) -> (0, 0)>
#map1 = affine_map<(d0, d1) -> (0, 0, 0)>
#map2 = affine_map<(d0, d1) -> (0, 0, 0, 0)>
module attributes {stable_mosaic.version = 14 : i64} {
  func.func @_scat_body(%arg0: i32, %arg1: i32, %arg2: memref<102400x64xf32, #tpu.memory_space<hbm>>, %arg3: memref<16x400x128xi32, #tpu.memory_space<hbm>>, %arg4: memref<16x400x128xi32, #tpu.memory_space<hbm>>, %arg5: memref<16x400x128xi32, #tpu.memory_space<hbm>>, %arg6: memref<2x5x10240x64xf32, #tpu.memory_space<hbm>>, %arg7: memref<80x128xi32, #tpu.memory_space<vmem>>, %arg8: memref<80x128xi32, #tpu.memory_space<vmem>>, %arg9: memref<2x128x64xf32, #tpu.memory_space<vmem>>, %arg10: memref<10240x64xf32, #tpu.memory_space<vmem_shared>>, %arg11: memref<!tpu.dma_semaphore, #tpu.memory_space<semaphore_mem>>, %arg12: memref<!tpu.dma_semaphore, #tpu.memory_space<semaphore_mem>>) attributes {dimension_semantics = [#tpu.dimension_semantics<core_parallel>, #tpu.dimension_semantics<subcore_parallel>], iteration_bounds = array<i64: 2, 16>, scalar_prefetch = 0 : i64, scratch_operands = 6 : i64, tpu.core_type = #tpu.core_type<sc_vector_subcore>, window_params = [{transform_indices = #map}, {transform_indices = #map1}, {transform_indices = #map1}, {transform_indices = #map1}, {transform_indices = #map2}]} {
    %mul3A = arith.constant 640 : i32
    %mul3A_0 = arith.muli %arg1, %mul3A : i32
    %eq3A = arith.constant 0 : i32
    %eq3A_1 = arith.cmpi eq, %arg0, %eq3A : i32
    %convert_element_type3A = arith.extui %eq3A_1 : i1 to i32
    %cond3A = arith.constant 0 : i32
    %cond3A_2 = arith.cmpi ne, %convert_element_type3A, %cond3A : i32
    scf.if %cond3A_2 {
      %mul3A_352 = arith.constant 640 : i32
      %mul3A_353 = arith.muli %arg1, %mul3A_352 : i32
      %add3A = arith.constant 0 : i32
      %add3A_354 = arith.addi %add3A, %mul3A_353 : i32
      "tpu.region"() ({
        %run_scoped3A_355 = tpu.sem_alloc : memref<!tpu.dma_semaphore, #tpu.memory_space<semaphore_mem>>
        %dma_start3A_356 = arith.constant 0 : i32
        %dma_start3A_357 = tpu.memref_slice %arg10[%mul3A_0, %dma_start3A_356] : memref<10240x64xf32, #tpu.memory_space<vmem_shared>> -> memref<640x64xf32, #tpu.memory_space<vmem_shared>>
        %dma_start3A_358 = arith.constant 0 : i32
        %dma_start3A_359 = tpu.memref_slice %arg2[%add3A_354, %dma_start3A_358] : memref<102400x64xf32, #tpu.memory_space<hbm>> -> memref<640x64xf32, #tpu.memory_space<hbm>>
        tpu.enqueue_dma source(%dma_start3A_359 : memref<640x64xf32, #tpu.memory_space<hbm>>) target(%dma_start3A_357 : memref<640x64xf32, #tpu.memory_space<vmem_shared>>) target_semaphore(%run_scoped3A_355 : memref<!tpu.dma_semaphore, #tpu.memory_space<semaphore_mem>>)
        %dma_wait3A_360 = arith.constant 0 : i32
        %dma_wait3A_361 = tpu.memref_slice %arg10[%mul3A_0, %dma_wait3A_360] : memref<10240x64xf32, #tpu.memory_space<vmem_shared>> -> memref<640x64xf32, #tpu.memory_space<vmem_shared>>
        %dma_wait3A_362 = arith.constant 0 : i32
        %dma_wait3A_363 = tpu.memref_slice %arg2[%add3A_354, %dma_wait3A_362] : memref<102400x64xf32, #tpu.memory_space<hbm>> -> memref<640x64xf32, #tpu.memory_space<hbm>>
        tpu.wait_dma2 semaphore(%run_scoped3A_355 : memref<!tpu.dma_semaphore, #tpu.memory_space<semaphore_mem>>) src(%dma_wait3A_363 : memref<640x64xf32, #tpu.memory_space<hbm>>) dst(%dma_wait3A_361 : memref<640x64xf32, #tpu.memory_space<vmem_shared>>)
        tpu.yield
      }) : () -> ()
      "tpu.region"() ({
        %run_scoped3A_355 = tpu.sem_alloc : memref<!tpu.dma_semaphore, #tpu.memory_space<semaphore_mem>>
        %dma_start3A_356 = arith.constant 0 : i32
        %dma_start3A_357 = arith.constant 0 : i32
        %dma_start3A_358 = tpu.memref_slice %arg3[%arg1, %dma_start3A_356, %dma_start3A_357] : memref<16x400x128xi32, #tpu.memory_space<hbm>> -> memref<1x80x128xi32, #tpu.memory_space<hbm>>
        %dma_start3A_359 = tpu.memref_squeeze %dma_start3A_358 : memref<1x80x128xi32, #tpu.memory_space<hbm>> -> memref<80x128xi32, #tpu.memory_space<hbm>>
        %dma_start3A_360 = arith.constant 0 : i32
        %dma_start3A_361 = arith.constant 0 : i32
        %dma_start3A_362 = tpu.memref_slice %arg3[%arg1, %dma_start3A_360, %dma_start3A_361] : memref<16x400x128xi32, #tpu.memory_space<hbm>> -> memref<1x80x128xi32, #tpu.memory_space<hbm>>
        %dma_start3A_363 = tpu.memref_squeeze %dma_start3A_362 : memref<1x80x128xi32, #tpu.memory_space<hbm>> -> memref<80x128xi32, #tpu.memory_space<hbm>>
        tpu.enqueue_dma source(%dma_start3A_363 : memref<80x128xi32, #tpu.memory_space<hbm>>) target(%arg7 : memref<80x128xi32, #tpu.memory_space<vmem>>) target_semaphore(%run_scoped3A_355 : memref<!tpu.dma_semaphore, #tpu.memory_space<semaphore_mem>>)
        %dma_wait3A_364 = arith.constant 0 : i32
        %dma_wait3A_365 = arith.constant 0 : i32
        %dma_wait3A_366 = tpu.memref_slice %arg3[%arg1, %dma_wait3A_364, %dma_wait3A_365] : memref<16x400x128xi32, #tpu.memory_space<hbm>> -> memref<1x80x128xi32, #tpu.memory_space<hbm>>
        %dma_wait3A_367 = tpu.memref_squeeze %dma_wait3A_366 : memref<1x80x128xi32, #tpu.memory_space<hbm>> -> memref<80x128xi32, #tpu.memory_space<hbm>>
        %dma_wait3A_368 = arith.constant 0 : i32
        %dma_wait3A_369 = arith.constant 0 : i32
        %dma_wait3A_370 = tpu.memref_slice %arg3[%arg1, %dma_wait3A_368, %dma_wait3A_369] : memref<16x400x128xi32, #tpu.memory_space<hbm>> -> memref<1x80x128xi32, #tpu.memory_space<hbm>>
        %dma_wait3A_371 = tpu.memref_squeeze %dma_wait3A_370 : memref<1x80x128xi32, #tpu.memory_space<hbm>> -> memref<80x128xi32, #tpu.memory_space<hbm>>
        tpu.wait_dma2 semaphore(%run_scoped3A_355 : memref<!tpu.dma_semaphore, #tpu.memory_space<semaphore_mem>>) src(%dma_wait3A_371 : memref<80x128xi32, #tpu.memory_space<hbm>>) dst(%arg7 : memref<80x128xi32, #tpu.memory_space<vmem>>)
        tpu.yield
      }) : () -> ()
    } else {
    }
    %ne3A = arith.constant 0 : i32
    %ne3A_3 = arith.cmpi ne, %arg0, %ne3A : i32
    %convert_element_type3A_4 = arith.extui %ne3A_3 : i1 to i32
    %cond3A_5 = arith.constant 0 : i32
    %cond3A_6 = arith.cmpi ne, %convert_element_type3A_4, %cond3A_5 : i32
    scf.if %cond3A_6 {
      %mul3A_352 = arith.constant 640 : i32
      %mul3A_353 = arith.muli %arg1, %mul3A_352 : i32
      %add3A = arith.constant 51200 : i32
      %add3A_354 = arith.addi %add3A, %mul3A_353 : i32
      "tpu.region"() ({
        %run_scoped3A_355 = tpu.sem_alloc : memref<!tpu.dma_semaphore, #tpu.memory_space<semaphore_mem>>
        %dma_start3A_356 = arith.constant 0 : i32
        %dma_start3A_357 = tpu.memref_slice %arg10[%mul3A_0, %dma_start3A_356] : memref<10240x64xf32, #tpu.memory_space<vmem_shared>> -> memref<640x64xf32, #tpu.memory_space<vmem_shared>>
        %dma_start3A_358 = arith.constant 0 : i32
        %dma_start3A_359 = tpu.memref_slice %arg2[%add3A_354, %dma_start3A_358] : memref<102400x64xf32, #tpu.memory_space<hbm>> -> memref<640x64xf32, #tpu.memory_space<hbm>>
        tpu.enqueue_dma source(%dma_start3A_359 : memref<640x64xf32, #tpu.memory_space<hbm>>) target(%dma_start3A_357 : memref<640x64xf32, #tpu.memory_space<vmem_shared>>) target_semaphore(%run_scoped3A_355 : memref<!tpu.dma_semaphore, #tpu.memory_space<semaphore_mem>>)
        %dma_wait3A_360 = arith.constant 0 : i32
        %dma_wait3A_361 = tpu.memref_slice %arg10[%mul3A_0, %dma_wait3A_360] : memref<10240x64xf32, #tpu.memory_space<vmem_shared>> -> memref<640x64xf32, #tpu.memory_space<vmem_shared>>
        %dma_wait3A_362 = arith.constant 0 : i32
        %dma_wait3A_363 = tpu.memref_slice %arg2[%add3A_354, %dma_wait3A_362] : memref<102400x64xf32, #tpu.memory_space<hbm>> -> memref<640x64xf32, #tpu.memory_space<hbm>>
        tpu.wait_dma2 semaphore(%run_scoped3A_355 : memref<!tpu.dma_semaphore, #tpu.memory_space<semaphore_mem>>) src(%dma_wait3A_363 : memref<640x64xf32, #tpu.memory_space<hbm>>) dst(%dma_wait3A_361 : memref<640x64xf32, #tpu.memory_space<vmem_shared>>)
        tpu.yield
      }) : () -> ()
      "tpu.region"() ({
        %run_scoped3A_355 = tpu.sem_alloc : memref<!tpu.dma_semaphore, #tpu.memory_space<semaphore_mem>>
        %dma_start3A_356 = arith.constant 0 : i32
        %dma_start3A_357 = arith.constant 0 : i32
        %dma_start3A_358 = tpu.memref_slice %arg4[%arg1, %dma_start3A_356, %dma_start3A_357] : memref<16x400x128xi32, #tpu.memory_space<hbm>> -> memref<1x80x128xi32, #tpu.memory_space<hbm>>
        %dma_start3A_359 = tpu.memref_squeeze %dma_start3A_358 : memref<1x80x128xi32, #tpu.memory_space<hbm>> -> memref<80x128xi32, #tpu.memory_space<hbm>>
        %dma_start3A_360 = arith.constant 0 : i32
        %dma_start3A_361 = arith.constant 0 : i32
        %dma_start3A_362 = tpu.memref_slice %arg4[%arg1, %dma_start3A_360, %dma_start3A_361] : memref<16x400x128xi32, #tpu.memory_space<hbm>> -> memref<1x80x128xi32, #tpu.memory_space<hbm>>
        %dma_start3A_363 = tpu.memref_squeeze %dma_start3A_362 : memref<1x80x128xi32, #tpu.memory_space<hbm>> -> memref<80x128xi32, #tpu.memory_space<hbm>>
        tpu.enqueue_dma source(%dma_start3A_363 : memref<80x128xi32, #tpu.memory_space<hbm>>) target(%arg7 : memref<80x128xi32, #tpu.memory_space<vmem>>) target_semaphore(%run_scoped3A_355 : memref<!tpu.dma_semaphore, #tpu.memory_space<semaphore_mem>>)
        %dma_wait3A_364 = arith.constant 0 : i32
        %dma_wait3A_365 = arith.constant 0 : i32
        %dma_wait3A_366 = tpu.memref_slice %arg4[%arg1, %dma_wait3A_364, %dma_wait3A_365] : memref<16x400x128xi32, #tpu.memory_space<hbm>> -> memref<1x80x128xi32, #tpu.memory_space<hbm>>
        %dma_wait3A_367 = tpu.memref_squeeze %dma_wait3A_366 : memref<1x80x128xi32, #tpu.memory_space<hbm>> -> memref<80x128xi32, #tpu.memory_space<hbm>>
        %dma_wait3A_368 = arith.constant 0 : i32
        %dma_wait3A_369 = arith.constant 0 : i32
        %dma_wait3A_370 = tpu.memref_slice %arg4[%arg1, %dma_wait3A_368, %dma_wait3A_369] : memref<16x400x128xi32, #tpu.memory_space<hbm>> -> memref<1x80x128xi32, #tpu.memory_space<hbm>>
        %dma_wait3A_371 = tpu.memref_squeeze %dma_wait3A_370 : memref<1x80x128xi32, #tpu.memory_space<hbm>> -> memref<80x128xi32, #tpu.memory_space<hbm>>
        tpu.wait_dma2 semaphore(%run_scoped3A_355 : memref<!tpu.dma_semaphore, #tpu.memory_space<semaphore_mem>>) src(%dma_wait3A_371 : memref<80x128xi32, #tpu.memory_space<hbm>>) dst(%arg7 : memref<80x128xi32, #tpu.memory_space<vmem>>)
        tpu.yield
      }) : () -> ()
    } else {
    }
    "tpu.region"() ({
      %run_scoped3A_352 = tpu.sem_alloc : memref<!tpu.dma_semaphore, #tpu.memory_space<semaphore_mem>>
      %dma_start3A_353 = arith.constant 0 : i32
      %dma_start3A_354 = arith.constant 0 : i32
      %dma_start3A_355 = tpu.memref_slice %arg5[%arg1, %dma_start3A_353, %dma_start3A_354] : memref<16x400x128xi32, #tpu.memory_space<hbm>> -> memref<1x80x128xi32, #tpu.memory_space<hbm>>
      %dma_start3A_356 = tpu.memref_squeeze %dma_start3A_355 : memref<1x80x128xi32, #tpu.memory_space<hbm>> -> memref<80x128xi32, #tpu.memory_space<hbm>>
      %dma_start3A_357 = arith.constant 0 : i32
      %dma_start3A_358 = arith.constant 0 : i32
      %dma_start3A_359 = tpu.memref_slice %arg5[%arg1, %dma_start3A_357, %dma_start3A_358] : memref<16x400x128xi32, #tpu.memory_space<hbm>> -> memref<1x80x128xi32, #tpu.memory_space<hbm>>
      %dma_start3A_360 = tpu.memref_squeeze %dma_start3A_359 : memref<1x80x128xi32, #tpu.memory_space<hbm>> -> memref<80x128xi32, #tpu.memory_space<hbm>>
      tpu.enqueue_dma source(%dma_start3A_360 : memref<80x128xi32, #tpu.memory_space<hbm>>) target(%arg8 : memref<80x128xi32, #tpu.memory_space<vmem>>) target_semaphore(%run_scoped3A_352 : memref<!tpu.dma_semaphore, #tpu.memory_space<semaphore_mem>>)
      %dma_wait3A_361 = arith.constant 0 : i32
      %dma_wait3A_362 = arith.constant 0 : i32
      %dma_wait3A_363 = tpu.memref_slice %arg5[%arg1, %dma_wait3A_361, %dma_wait3A_362] : memref<16x400x128xi32, #tpu.memory_space<hbm>> -> memref<1x80x128xi32, #tpu.memory_space<hbm>>
      %dma_wait3A_364 = tpu.memref_squeeze %dma_wait3A_363 : memref<1x80x128xi32, #tpu.memory_space<hbm>> -> memref<80x128xi32, #tpu.memory_space<hbm>>
      %dma_wait3A_365 = arith.constant 0 : i32
      %dma_wait3A_366 = arith.constant 0 : i32
      %dma_wait3A_367 = tpu.memref_slice %arg5[%arg1, %dma_wait3A_365, %dma_wait3A_366] : memref<16x400x128xi32, #tpu.memory_space<hbm>> -> memref<1x80x128xi32, #tpu.memory_space<hbm>>
      %dma_wait3A_368 = tpu.memref_squeeze %dma_wait3A_367 : memref<1x80x128xi32, #tpu.memory_space<hbm>> -> memref<80x128xi32, #tpu.memory_space<hbm>>
      tpu.wait_dma2 semaphore(%run_scoped3A_352 : memref<!tpu.dma_semaphore, #tpu.memory_space<semaphore_mem>>) src(%dma_wait3A_368 : memref<80x128xi32, #tpu.memory_space<hbm>>) dst(%arg8 : memref<80x128xi32, #tpu.memory_space<vmem>>)
      tpu.yield
    }) : () -> ()
    %barrier3A = arith.constant 0 : index
    tpu.barrier barrier_id(%barrier3A)
    %dma_start3A = arith.constant 0 : i32
    %dma_start3A_7 = arith.constant 0 : i32
    %dma_start3A_8 = arith.constant 0 : i32
    %dma_start3A_9 = arith.constant 0 : i32
    %dma_start3A_10 = tpu.memref_slice %arg9[%dma_start3A_7, %dma_start3A_8, %dma_start3A_9] : memref<2x128x64xf32, #tpu.memory_space<vmem>> -> memref<1x128x64xf32, #tpu.memory_space<vmem>>
    %dma_start3A_11 = tpu.memref_squeeze %dma_start3A_10 : memref<1x128x64xf32, #tpu.memory_space<vmem>> -> memref<128x64xf32, #tpu.memory_space<vmem>>
    %dma_start3A_12 = arith.constant 0 : i32
    %dma_start3A_13 = tpu.memref_slice %arg7[%dma_start3A, %dma_start3A_12] : memref<80x128xi32, #tpu.memory_space<vmem>> -> memref<1x128xi32, #tpu.memory_space<vmem>>
    %dma_start3A_14 = tpu.memref_squeeze %dma_start3A_13 : memref<1x128xi32, #tpu.memory_space<vmem>> -> memref<128xi32, #tpu.memory_space<vmem>>
    %dma_start3A_15 = arith.constant 0 : i32
    %dma_start3A_16 = arith.constant 0 : i32
    %dma_start3A_17 = tpu.memref_slice %arg2[%dma_start3A_15, %dma_start3A_16] : memref<102400x64xf32, #tpu.memory_space<hbm>> -> memref<102400x64xf32, #tpu.memory_space<hbm>>
    tpu.enqueue_indirect_dma source(%dma_start3A_17 : memref<102400x64xf32, #tpu.memory_space<hbm>>) target(%dma_start3A_11 : memref<128x64xf32, #tpu.memory_space<vmem>>) offsets(%dma_start3A_14 : memref<128xi32, #tpu.memory_space<vmem>>) semaphore(%arg11 : memref<!tpu.dma_semaphore, #tpu.memory_space<semaphore_mem>>)
    %dma_start3A_18 = arith.constant 1 : i32
    %dma_start3A_19 = arith.constant 1 : i32
    %dma_start3A_20 = arith.constant 0 : i32
    %dma_start3A_21 = arith.constant 0 : i32
    %dma_start3A_22 = tpu.memref_slice %arg9[%dma_start3A_19, %dma_start3A_20, %dma_start3A_21] : memref<2x128x64xf32, #tpu.memory_space<vmem>> -> memref<1x128x64xf32, #tpu.memory_space<vmem>>
    %dma_start3A_23 = tpu.memref_squeeze %dma_start3A_22 : memref<1x128x64xf32, #tpu.memory_space<vmem>> -> memref<128x64xf32, #tpu.memory_space<vmem>>
    %dma_start3A_24 = arith.constant 0 : i32
    %dma_start3A_25 = tpu.memref_slice %arg7[%dma_start3A_18, %dma_start3A_24] : memref<80x128xi32, #tpu.memory_space<vmem>> -> memref<1x128xi32, #tpu.memory_space<vmem>>
    %dma_start3A_26 = tpu.memref_squeeze %dma_start3A_25 : memref<1x128xi32, #tpu.memory_space<vmem>> -> memref<128xi32, #tpu.memory_space<vmem>>
    %dma_start3A_27 = arith.constant 0 : i32
    %dma_start3A_28 = arith.constant 0 : i32
    %dma_start3A_29 = tpu.memref_slice %arg2[%dma_start3A_27, %dma_start3A_28] : memref<102400x64xf32, #tpu.memory_space<hbm>> -> memref<102400x64xf32, #tpu.memory_space<hbm>>
    tpu.enqueue_indirect_dma source(%dma_start3A_29 : memref<102400x64xf32, #tpu.memory_space<hbm>>) target(%dma_start3A_23 : memref<128x64xf32, #tpu.memory_space<vmem>>) offsets(%dma_start3A_26 : memref<128xi32, #tpu.memory_space<vmem>>) semaphore(%arg12 : memref<!tpu.dma_semaphore, #tpu.memory_space<semaphore_mem>>)
    %scan3A = arith.constant 0 : i32
    %scan3A_30 = arith.constant 0 : i32
    %scan3A_31 = arith.constant 39 : i32
    %scan3A_32 = arith.addi %scan3A_30, %scan3A_31 : i32
    %scan3A_33 = arith.constant 1 : i32
    scf.for %scan3A_352 = %scan3A_30 to %scan3A_32 step %scan3A_33  : i32 {
      %mul3A_353 = arith.constant 2 : i32
      %mul3A_354 = arith.muli %mul3A_353, %scan3A_352 : i32
      %add3A = arith.constant 1 : i32
      %add3A_355 = arith.addi %mul3A_354, %add3A : i32
      %dma_wait3A_356 = arith.constant 0 : i32
      %dma_wait3A_357 = arith.constant 0 : i32
      %dma_wait3A_358 = arith.constant 0 : i32
      %dma_wait3A_359 = tpu.memref_slice %arg9[%dma_wait3A_356, %dma_wait3A_357, %dma_wait3A_358] : memref<2x128x64xf32, #tpu.memory_space<vmem>> -> memref<1x128x64xf32, #tpu.memory_space<vmem>>
      %dma_wait3A_360 = tpu.memref_squeeze %dma_wait3A_359 : memref<1x128x64xf32, #tpu.memory_space<vmem>> -> memref<128x64xf32, #tpu.memory_space<vmem>>
      %dma_wait3A_361 = arith.constant 0 : i32
      %dma_wait3A_362 = tpu.memref_slice %arg7[%mul3A_354, %dma_wait3A_361] : memref<80x128xi32, #tpu.memory_space<vmem>> -> memref<1x128xi32, #tpu.memory_space<vmem>>
      %dma_wait3A_363 = tpu.memref_squeeze %dma_wait3A_362 : memref<1x128xi32, #tpu.memory_space<vmem>> -> memref<128xi32, #tpu.memory_space<vmem>>
      %dma_wait3A_364 = arith.constant 0 : i32
      %dma_wait3A_365 = arith.constant 0 : i32
      %dma_wait3A_366 = tpu.memref_slice %arg2[%dma_wait3A_364, %dma_wait3A_365] : memref<102400x64xf32, #tpu.memory_space<hbm>> -> memref<102400x64xf32, #tpu.memory_space<hbm>>
      tpu.wait_indirect_dma semaphore(%arg11 : memref<!tpu.dma_semaphore, #tpu.memory_space<semaphore_mem>>) src(%dma_wait3A_366 : memref<102400x64xf32, #tpu.memory_space<hbm>>) dst(%dma_wait3A_360 : memref<128x64xf32, #tpu.memory_space<vmem>>)
      %run_scoped3A_367 = arith.constant 0 : i32
      "tpu.region"() ({
        %run_scoped3A_406 = tpu.sem_alloc : memref<!tpu.dma_semaphore, #tpu.memory_space<semaphore_mem>>
        %dma_start3A_407 = arith.constant 0 : i32
        %dma_start3A_408 = arith.constant 0 : i32
        %dma_start3A_409 = tpu.memref_slice %arg9[%run_scoped3A_367, %dma_start3A_407, %dma_start3A_408] : memref<2x128x64xf32, #tpu.memory_space<vmem>> -> memref<1x128x64xf32, #tpu.memory_space<vmem>>
        %dma_start3A_410 = tpu.memref_squeeze %dma_start3A_409 : memref<1x128x64xf32, #tpu.memory_space<vmem>> -> memref<128x64xf32, #tpu.memory_space<vmem>>
        %dma_start3A_411 = arith.constant 0 : i32
        %dma_start3A_412 = tpu.memref_slice %arg8[%mul3A_354, %dma_start3A_411] : memref<80x128xi32, #tpu.memory_space<vmem>> -> memref<1x128xi32, #tpu.memory_space<vmem>>
        %dma_start3A_413 = tpu.memref_squeeze %dma_start3A_412 : memref<1x128xi32, #tpu.memory_space<vmem>> -> memref<128xi32, #tpu.memory_space<vmem>>
        %dma_start3A_414 = arith.constant 0 : i32
        %dma_start3A_415 = arith.constant 0 : i32
        %dma_start3A_416 = tpu.memref_slice %arg10[%dma_start3A_414, %dma_start3A_415] : memref<10240x64xf32, #tpu.memory_space<vmem_shared>> -> memref<10240x64xf32, #tpu.memory_space<vmem_shared>>
        tpu.enqueue_indirect_dma source(%dma_start3A_410 : memref<128x64xf32, #tpu.memory_space<vmem>>) target(%dma_start3A_416 : memref<10240x64xf32, #tpu.memory_space<vmem_shared>>) offsets(%dma_start3A_413 : memref<128xi32, #tpu.memory_space<vmem>>) semaphore(%run_scoped3A_406 : memref<!tpu.dma_semaphore, #tpu.memory_space<semaphore_mem>>) {add = true}
        %dma_wait3A_417 = arith.constant 0 : i32
        %dma_wait3A_418 = arith.constant 0 : i32
        %dma_wait3A_419 = tpu.memref_slice %arg9[%run_scoped3A_367, %dma_wait3A_417, %dma_wait3A_418] : memref<2x128x64xf32, #tpu.memory_space<vmem>> -> memref<1x128x64xf32, #tpu.memory_space<vmem>>
        %dma_wait3A_420 = tpu.memref_squeeze %dma_wait3A_419 : memref<1x128x64xf32, #tpu.memory_space<vmem>> -> memref<128x64xf32, #tpu.memory_space<vmem>>
        %dma_wait3A_421 = arith.constant 0 : i32
        %dma_wait3A_422 = tpu.memref_slice %arg8[%mul3A_354, %dma_wait3A_421] : memref<80x128xi32, #tpu.memory_space<vmem>> -> memref<1x128xi32, #tpu.memory_space<vmem>>
        %dma_wait3A_423 = tpu.memref_squeeze %dma_wait3A_422 : memref<1x128xi32, #tpu.memory_space<vmem>> -> memref<128xi32, #tpu.memory_space<vmem>>
        %dma_wait3A_424 = arith.constant 0 : i32
        %dma_wait3A_425 = arith.constant 0 : i32
        %dma_wait3A_426 = tpu.memref_slice %arg10[%dma_wait3A_424, %dma_wait3A_425] : memref<10240x64xf32, #tpu.memory_space<vmem_shared>> -> memref<10240x64xf32, #tpu.memory_space<vmem_shared>>
        tpu.wait_indirect_dma semaphore(%run_scoped3A_406 : memref<!tpu.dma_semaphore, #tpu.memory_space<semaphore_mem>>) src(%dma_wait3A_420 : memref<128x64xf32, #tpu.memory_space<vmem>>) dst(%dma_wait3A_426 : memref<10240x64xf32, #tpu.memory_space<vmem_shared>>)
        tpu.yield
      }) : () -> ()
      %add3A_368 = arith.constant 2 : i32
      %add3A_369 = arith.addi %mul3A_354, %add3A_368 : i32
      %dma_start3A_370 = arith.constant 0 : i32
      %dma_start3A_371 = arith.constant 0 : i32
      %dma_start3A_372 = arith.constant 0 : i32
      %dma_start3A_373 = tpu.memref_slice %arg9[%dma_start3A_370, %dma_start3A_371, %dma_start3A_372] : memref<2x128x64xf32, #tpu.memory_space<vmem>> -> memref<1x128x64xf32, #tpu.memory_space<vmem>>
      %dma_start3A_374 = tpu.memref_squeeze %dma_start3A_373 : memref<1x128x64xf32, #tpu.memory_space<vmem>> -> memref<128x64xf32, #tpu.memory_space<vmem>>
      %dma_start3A_375 = arith.constant 0 : i32
      %dma_start3A_376 = tpu.memref_slice %arg7[%add3A_369, %dma_start3A_375] : memref<80x128xi32, #tpu.memory_space<vmem>> -> memref<1x128xi32, #tpu.memory_space<vmem>>
      %dma_start3A_377 = tpu.memref_squeeze %dma_start3A_376 : memref<1x128xi32, #tpu.memory_space<vmem>> -> memref<128xi32, #tpu.memory_space<vmem>>
      %dma_start3A_378 = arith.constant 0 : i32
      %dma_start3A_379 = arith.constant 0 : i32
      %dma_start3A_380 = tpu.memref_slice %arg2[%dma_start3A_378, %dma_start3A_379] : memref<102400x64xf32, #tpu.memory_space<hbm>> -> memref<102400x64xf32, #tpu.memory_space<hbm>>
      tpu.enqueue_indirect_dma source(%dma_start3A_380 : memref<102400x64xf32, #tpu.memory_space<hbm>>) target(%dma_start3A_374 : memref<128x64xf32, #tpu.memory_space<vmem>>) offsets(%dma_start3A_377 : memref<128xi32, #tpu.memory_space<vmem>>) semaphore(%arg11 : memref<!tpu.dma_semaphore, #tpu.memory_space<semaphore_mem>>)
      %dma_wait3A_381 = arith.constant 1 : i32
      %dma_wait3A_382 = arith.constant 0 : i32
      %dma_wait3A_383 = arith.constant 0 : i32
      %dma_wait3A_384 = tpu.memref_slice %arg9[%dma_wait3A_381, %dma_wait3A_382, %dma_wait3A_383] : memref<2x128x64xf32, #tpu.memory_space<vmem>> -> memref<1x128x64xf32, #tpu.memory_space<vmem>>
      %dma_wait3A_385 = tpu.memref_squeeze %dma_wait3A_384 : memref<1x128x64xf32, #tpu.memory_space<vmem>> -> memref<128x64xf32, #tpu.memory_space<vmem>>
      %dma_wait3A_386 = arith.constant 0 : i32
      %dma_wait3A_387 = tpu.memref_slice %arg7[%add3A_355, %dma_wait3A_386] : memref<80x128xi32, #tpu.memory_space<vmem>> -> memref<1x128xi32, #tpu.memory_space<vmem>>
      %dma_wait3A_388 = tpu.memref_squeeze %dma_wait3A_387 : memref<1x128xi32, #tpu.memory_space<vmem>> -> memref<128xi32, #tpu.memory_space<vmem>>
      %dma_wait3A_389 = arith.constant 0 : i32
      %dma_wait3A_390 = arith.constant 0 : i32
      %dma_wait3A_391 = tpu.memref_slice %arg2[%dma_wait3A_389, %dma_wait3A_390] : memref<102400x64xf32, #tpu.memory_space<hbm>> -> memref<102400x64xf32, #tpu.memory_space<hbm>>
      tpu.wait_indirect_dma semaphore(%arg12 : memref<!tpu.dma_semaphore, #tpu.memory_space<semaphore_mem>>) src(%dma_wait3A_391 : memref<102400x64xf32, #tpu.memory_space<hbm>>) dst(%dma_wait3A_385 : memref<128x64xf32, #tpu.memory_space<vmem>>)
      %run_scoped3A_392 = arith.constant 1 : i32
      "tpu.region"() ({
        %run_scoped3A_406 = tpu.sem_alloc : memref<!tpu.dma_semaphore, #tpu.memory_space<semaphore_mem>>
        %dma_start3A_407 = arith.constant 0 : i32
        %dma_start3A_408 = arith.constant 0 : i32
        %dma_start3A_409 = tpu.memref_slice %arg9[%run_scoped3A_392, %dma_start3A_407, %dma_start3A_408] : memref<2x128x64xf32, #tpu.memory_space<vmem>> -> memref<1x128x64xf32, #tpu.memory_space<vmem>>
        %dma_start3A_410 = tpu.memref_squeeze %dma_start3A_409 : memref<1x128x64xf32, #tpu.memory_space<vmem>> -> memref<128x64xf32, #tpu.memory_space<vmem>>
        %dma_start3A_411 = arith.constant 0 : i32
        %dma_start3A_412 = tpu.memref_slice %arg8[%add3A_355, %dma_start3A_411] : memref<80x128xi32, #tpu.memory_space<vmem>> -> memref<1x128xi32, #tpu.memory_space<vmem>>
        %dma_start3A_413 = tpu.memref_squeeze %dma_start3A_412 : memref<1x128xi32, #tpu.memory_space<vmem>> -> memref<128xi32, #tpu.memory_space<vmem>>
        %dma_start3A_414 = arith.constant 0 : i32
        %dma_start3A_415 = arith.constant 0 : i32
        %dma_start3A_416 = tpu.memref_slice %arg10[%dma_start3A_414, %dma_start3A_415] : memref<10240x64xf32, #tpu.memory_space<vmem_shared>> -> memref<10240x64xf32, #tpu.memory_space<vmem_shared>>
        tpu.enqueue_indirect_dma source(%dma_start3A_410 : memref<128x64xf32, #tpu.memory_space<vmem>>) target(%dma_start3A_416 : memref<10240x64xf32, #tpu.memory_space<vmem_shared>>) offsets(%dma_start3A_413 : memref<128xi32, #tpu.memory_space<vmem>>) semaphore(%run_scoped3A_406 : memref<!tpu.dma_semaphore, #tpu.memory_space<semaphore_mem>>) {add = true}
        %dma_wait3A_417 = arith.constant 0 : i32
        %dma_wait3A_418 = arith.constant 0 : i32
        %dma_wait3A_419 = tpu.memref_slice %arg9[%run_scoped3A_392, %dma_wait3A_417, %dma_wait3A_418] : memref<2x128x64xf32, #tpu.memory_space<vmem>> -> memref<1x128x64xf32, #tpu.memory_space<vmem>>
        %dma_wait3A_420 = tpu.memref_squeeze %dma_wait3A_419 : memref<1x128x64xf32, #tpu.memory_space<vmem>> -> memref<128x64xf32, #tpu.memory_space<vmem>>
        %dma_wait3A_421 = arith.constant 0 : i32
        %dma_wait3A_422 = tpu.memref_slice %arg8[%add3A_355, %dma_wait3A_421] : memref<80x128xi32, #tpu.memory_space<vmem>> -> memref<1x128xi32, #tpu.memory_space<vmem>>
        %dma_wait3A_423 = tpu.memref_squeeze %dma_wait3A_422 : memref<1x128xi32, #tpu.memory_space<vmem>> -> memref<128xi32, #tpu.memory_space<vmem>>
        %dma_wait3A_424 = arith.constant 0 : i32
        %dma_wait3A_425 = arith.constant 0 : i32
        %dma_wait3A_426 = tpu.memref_slice %arg10[%dma_wait3A_424, %dma_wait3A_425] : memref<10240x64xf32, #tpu.memory_space<vmem_shared>> -> memref<10240x64xf32, #tpu.memory_space<vmem_shared>>
        tpu.wait_indirect_dma semaphore(%run_scoped3A_406 : memref<!tpu.dma_semaphore, #tpu.memory_space<semaphore_mem>>) src(%dma_wait3A_420 : memref<128x64xf32, #tpu.memory_space<vmem>>) dst(%dma_wait3A_426 : memref<10240x64xf32, #tpu.memory_space<vmem_shared>>)
        tpu.yield
      }) : () -> ()
      %add3A_393 = arith.constant 2 : i32
      %add3A_394 = arith.addi %add3A_355, %add3A_393 : i32
      %dma_start3A_395 = arith.constant 1 : i32
      %dma_start3A_396 = arith.constant 0 : i32
      %dma_start3A_397 = arith.constant 0 : i32
      %dma_start3A_398 = tpu.memref_slice %arg9[%dma_start3A_395, %dma_start3A_396, %dma_start3A_397] : memref<2x128x64xf32, #tpu.memory_space<vmem>> -> memref<1x128x64xf32, #tpu.memory_space<vmem>>
      %dma_start3A_399 = tpu.memref_squeeze %dma_start3A_398 : memref<1x128x64xf32, #tpu.memory_space<vmem>> -> memref<128x64xf32, #tpu.memory_space<vmem>>
      %dma_start3A_400 = arith.constant 0 : i32
      %dma_start3A_401 = tpu.memref_slice %arg7[%add3A_394, %dma_start3A_400] : memref<80x128xi32, #tpu.memory_space<vmem>> -> memref<1x128xi32, #tpu.memory_space<vmem>>
      %dma_start3A_402 = tpu.memref_squeeze %dma_start3A_401 : memref<1x128xi32, #tpu.memory_space<vmem>> -> memref<128xi32, #tpu.memory_space<vmem>>
      %dma_start3A_403 = arith.constant 0 : i32
      %dma_start3A_404 = arith.constant 0 : i32
      %dma_start3A_405 = tpu.memref_slice %arg2[%dma_start3A_403, %dma_start3A_404] : memref<102400x64xf32, #tpu.memory_space<hbm>> -> memref<102400x64xf32, #tpu.memory_space<hbm>>
      tpu.enqueue_indirect_dma source(%dma_start3A_405 : memref<102400x64xf32, #tpu.memory_space<hbm>>) target(%dma_start3A_399 : memref<128x64xf32, #tpu.memory_space<vmem>>) offsets(%dma_start3A_402 : memref<128xi32, #tpu.memory_space<vmem>>) semaphore(%arg12 : memref<!tpu.dma_semaphore, #tpu.memory_space<semaphore_mem>>)
    }
    %scan3A_34 = arith.constant 39 : i32
    %dma_wait3A = arith.constant 78 : i32
    %dma_wait3A_35 = arith.constant 0 : i32
    %dma_wait3A_36 = arith.constant 0 : i32
    %dma_wait3A_37 = arith.constant 0 : i32
    %dma_wait3A_38 = tpu.memref_slice %arg9[%dma_wait3A_35, %dma_wait3A_36, %dma_wait3A_37] : memref<2x128x64xf32, #tpu.memory_space<vmem>> -> memref<1x128x64xf32, #tpu.memory_space<vmem>>
    %dma_wait3A_39 = tpu.memref_squeeze %dma_wait3A_38 : memref<1x128x64xf32, #tpu.memory_space<vmem>> -> memref<128x64xf32, #tpu.memory_space<vmem>>
    %dma_wait3A_40 = arith.constant 0 : i32
    %dma_wait3A_41 = tpu.memref_slice %arg7[%dma_wait3A, %dma_wait3A_40] : memref<80x128xi32, #tpu.memory_space<vmem>> -> memref<1x128xi32, #tpu.memory_space<vmem>>
    %dma_wait3A_42 = tpu.memref_squeeze %dma_wait3A_41 : memref<1x128xi32, #tpu.memory_space<vmem>> -> memref<128xi32, #tpu.memory_space<vmem>>
    %dma_wait3A_43 = arith.constant 0 : i32
    %dma_wait3A_44 = arith.constant 0 : i32
    %dma_wait3A_45 = tpu.memref_slice %arg2[%dma_wait3A_43, %dma_wait3A_44] : memref<102400x64xf32, #tpu.memory_space<hbm>> -> memref<102400x64xf32, #tpu.memory_space<hbm>>
    tpu.wait_indirect_dma semaphore(%arg11 : memref<!tpu.dma_semaphore, #tpu.memory_space<semaphore_mem>>) src(%dma_wait3A_45 : memref<102400x64xf32, #tpu.memory_space<hbm>>) dst(%dma_wait3A_39 : memref<128x64xf32, #tpu.memory_space<vmem>>)
    %run_scoped3A = arith.constant 0 : i32
    %run_scoped3A_46 = arith.constant 78 : i32
    "tpu.region"() ({
      %run_scoped3A_352 = tpu.sem_alloc : memref<!tpu.dma_semaphore, #tpu.memory_space<semaphore_mem>>
      %dma_start3A_353 = arith.constant 0 : i32
      %dma_start3A_354 = arith.constant 0 : i32
      %dma_start3A_355 = tpu.memref_slice %arg9[%run_scoped3A, %dma_start3A_353, %dma_start3A_354] : memref<2x128x64xf32, #tpu.memory_space<vmem>> -> memref<1x128x64xf32, #tpu.memory_space<vmem>>
      %dma_start3A_356 = tpu.memref_squeeze %dma_start3A_355 : memref<1x128x64xf32, #tpu.memory_space<vmem>> -> memref<128x64xf32, #tpu.memory_space<vmem>>
      %dma_start3A_357 = arith.constant 0 : i32
      %dma_start3A_358 = tpu.memref_slice %arg8[%run_scoped3A_46, %dma_start3A_357] : memref<80x128xi32, #tpu.memory_space<vmem>> -> memref<1x128xi32, #tpu.memory_space<vmem>>
      %dma_start3A_359 = tpu.memref_squeeze %dma_start3A_358 : memref<1x128xi32, #tpu.memory_space<vmem>> -> memref<128xi32, #tpu.memory_space<vmem>>
      %dma_start3A_360 = arith.constant 0 : i32
      %dma_start3A_361 = arith.constant 0 : i32
      %dma_start3A_362 = tpu.memref_slice %arg10[%dma_start3A_360, %dma_start3A_361] : memref<10240x64xf32, #tpu.memory_space<vmem_shared>> -> memref<10240x64xf32, #tpu.memory_space<vmem_shared>>
      tpu.enqueue_indirect_dma source(%dma_start3A_356 : memref<128x64xf32, #tpu.memory_space<vmem>>) target(%dma_start3A_362 : memref<10240x64xf32, #tpu.memory_space<vmem_shared>>) offsets(%dma_start3A_359 : memref<128xi32, #tpu.memory_space<vmem>>) semaphore(%run_scoped3A_352 : memref<!tpu.dma_semaphore, #tpu.memory_space<semaphore_mem>>) {add = true}
      %dma_wait3A_363 = arith.constant 0 : i32
      %dma_wait3A_364 = arith.constant 0 : i32
      %dma_wait3A_365 = tpu.memref_slice %arg9[%run_scoped3A, %dma_wait3A_363, %dma_wait3A_364] : memref<2x128x64xf32, #tpu.memory_space<vmem>> -> memref<1x128x64xf32, #tpu.memory_space<vmem>>
      %dma_wait3A_366 = tpu.memref_squeeze %dma_wait3A_365 : memref<1x128x64xf32, #tpu.memory_space<vmem>> -> memref<128x64xf32, #tpu.memory_space<vmem>>
      %dma_wait3A_367 = arith.constant 0 : i32
      %dma_wait3A_368 = tpu.memref_slice %arg8[%run_scoped3A_46, %dma_wait3A_367] : memref<80x128xi32, #tpu.memory_space<vmem>> -> memref<1x128xi32, #tpu.memory_space<vmem>>
      %dma_wait3A_369 = tpu.memref_squeeze %dma_wait3A_368 : memref<1x128xi32, #tpu.memory_space<vmem>> -> memref<128xi32, #tpu.memory_space<vmem>>
      %dma_wait3A_370 = arith.constant 0 : i32
      %dma_wait3A_371 = arith.constant 0 : i32
      %dma_wait3A_372 = tpu.memref_slice %arg10[%dma_wait3A_370, %dma_wait3A_371] : memref<10240x64xf32, #tpu.memory_space<vmem_shared>> -> memref<10240x64xf32, #tpu.memory_space<vmem_shared>>
      tpu.wait_indirect_dma semaphore(%run_scoped3A_352 : memref<!tpu.dma_semaphore, #tpu.memory_space<semaphore_mem>>) src(%dma_wait3A_366 : memref<128x64xf32, #tpu.memory_space<vmem>>) dst(%dma_wait3A_372 : memref<10240x64xf32, #tpu.memory_space<vmem_shared>>)
      tpu.yield
    }) : () -> ()
    %dma_wait3A_47 = arith.constant 79 : i32
    %dma_wait3A_48 = arith.constant 1 : i32
    %dma_wait3A_49 = arith.constant 0 : i32
    %dma_wait3A_50 = arith.constant 0 : i32
    %dma_wait3A_51 = tpu.memref_slice %arg9[%dma_wait3A_48, %dma_wait3A_49, %dma_wait3A_50] : memref<2x128x64xf32, #tpu.memory_space<vmem>> -> memref<1x128x64xf32, #tpu.memory_space<vmem>>
    %dma_wait3A_52 = tpu.memref_squeeze %dma_wait3A_51 : memref<1x128x64xf32, #tpu.memory_space<vmem>> -> memref<128x64xf32, #tpu.memory_space<vmem>>
    %dma_wait3A_53 = arith.constant 0 : i32
    %dma_wait3A_54 = tpu.memref_slice %arg7[%dma_wait3A_47, %dma_wait3A_53] : memref<80x128xi32, #tpu.memory_space<vmem>> -> memref<1x128xi32, #tpu.memory_space<vmem>>
    %dma_wait3A_55 = tpu.memref_squeeze %dma_wait3A_54 : memref<1x128xi32, #tpu.memory_space<vmem>> -> memref<128xi32, #tpu.memory_space<vmem>>
    %dma_wait3A_56 = arith.constant 0 : i32
    %dma_wait3A_57 = arith.constant 0 : i32
    %dma_wait3A_58 = tpu.memref_slice %arg2[%dma_wait3A_56, %dma_wait3A_57] : memref<102400x64xf32, #tpu.memory_space<hbm>> -> memref<102400x64xf32, #tpu.memory_space<hbm>>
    tpu.wait_indirect_dma semaphore(%arg12 : memref<!tpu.dma_semaphore, #tpu.memory_space<semaphore_mem>>) src(%dma_wait3A_58 : memref<102400x64xf32, #tpu.memory_space<hbm>>) dst(%dma_wait3A_52 : memref<128x64xf32, #tpu.memory_space<vmem>>)
    %run_scoped3A_59 = arith.constant 1 : i32
    %run_scoped3A_60 = arith.constant 79 : i32
    "tpu.region"() ({
      %run_scoped3A_352 = tpu.sem_alloc : memref<!tpu.dma_semaphore, #tpu.memory_space<semaphore_mem>>
      %dma_start3A_353 = arith.constant 0 : i32
      %dma_start3A_354 = arith.constant 0 : i32
      %dma_start3A_355 = tpu.memref_slice %arg9[%run_scoped3A_59, %dma_start3A_353, %dma_start3A_354] : memref<2x128x64xf32, #tpu.memory_space<vmem>> -> memref<1x128x64xf32, #tpu.memory_space<vmem>>
      %dma_start3A_356 = tpu.memref_squeeze %dma_start3A_355 : memref<1x128x64xf32, #tpu.memory_space<vmem>> -> memref<128x64xf32, #tpu.memory_space<vmem>>
      %dma_start3A_357 = arith.constant 0 : i32
      %dma_start3A_358 = tpu.memref_slice %arg8[%run_scoped3A_60, %dma_start3A_357] : memref<80x128xi32, #tpu.memory_space<vmem>> -> memref<1x128xi32, #tpu.memory_space<vmem>>
      %dma_start3A_359 = tpu.memref_squeeze %dma_start3A_358 : memref<1x128xi32, #tpu.memory_space<vmem>> -> memref<128xi32, #tpu.memory_space<vmem>>
      %dma_start3A_360 = arith.constant 0 : i32
      %dma_start3A_361 = arith.constant 0 : i32
      %dma_start3A_362 = tpu.memref_slice %arg10[%dma_start3A_360, %dma_start3A_361] : memref<10240x64xf32, #tpu.memory_space<vmem_shared>> -> memref<10240x64xf32, #tpu.memory_space<vmem_shared>>
      tpu.enqueue_indirect_dma source(%dma_start3A_356 : memref<128x64xf32, #tpu.memory_space<vmem>>) target(%dma_start3A_362 : memref<10240x64xf32, #tpu.memory_space<vmem_shared>>) offsets(%dma_start3A_359 : memref<128xi32, #tpu.memory_space<vmem>>) semaphore(%run_scoped3A_352 : memref<!tpu.dma_semaphore, #tpu.memory_space<semaphore_mem>>) {add = true}
      %dma_wait3A_363 = arith.constant 0 : i32
      %dma_wait3A_364 = arith.constant 0 : i32
      %dma_wait3A_365 = tpu.memref_slice %arg9[%run_scoped3A_59, %dma_wait3A_363, %dma_wait3A_364] : memref<2x128x64xf32, #tpu.memory_space<vmem>> -> memref<1x128x64xf32, #tpu.memory_space<vmem>>
      %dma_wait3A_366 = tpu.memref_squeeze %dma_wait3A_365 : memref<1x128x64xf32, #tpu.memory_space<vmem>> -> memref<128x64xf32, #tpu.memory_space<vmem>>
      %dma_wait3A_367 = arith.constant 0 : i32
      %dma_wait3A_368 = tpu.memref_slice %arg8[%run_scoped3A_60, %dma_wait3A_367] : memref<80x128xi32, #tpu.memory_space<vmem>> -> memref<1x128xi32, #tpu.memory_space<vmem>>
      %dma_wait3A_369 = tpu.memref_squeeze %dma_wait3A_368 : memref<1x128xi32, #tpu.memory_space<vmem>> -> memref<128xi32, #tpu.memory_space<vmem>>
      %dma_wait3A_370 = arith.constant 0 : i32
      %dma_wait3A_371 = arith.constant 0 : i32
      %dma_wait3A_372 = tpu.memref_slice %arg10[%dma_wait3A_370, %dma_wait3A_371] : memref<10240x64xf32, #tpu.memory_space<vmem_shared>> -> memref<10240x64xf32, #tpu.memory_space<vmem_shared>>
      tpu.wait_indirect_dma semaphore(%run_scoped3A_352 : memref<!tpu.dma_semaphore, #tpu.memory_space<semaphore_mem>>) src(%dma_wait3A_366 : memref<128x64xf32, #tpu.memory_space<vmem>>) dst(%dma_wait3A_372 : memref<10240x64xf32, #tpu.memory_space<vmem_shared>>)
      tpu.yield
    }) : () -> ()
    %barrier3A_61 = arith.constant 0 : index
    tpu.barrier barrier_id(%barrier3A_61)
    %run_scoped3A_62 = arith.constant 0 : i32
    "tpu.region"() ({
      %run_scoped3A_352 = tpu.sem_alloc : memref<!tpu.dma_semaphore, #tpu.memory_space<semaphore_mem>>
      %dma_start3A_353 = arith.constant 0 : i32
      %dma_start3A_354 = tpu.memref_slice %arg6[%arg0, %run_scoped3A_62, %mul3A_0, %dma_start3A_353] : memref<2x5x10240x64xf32, #tpu.memory_space<hbm>> -> memref<1x1x640x64xf32, #tpu.memory_space<hbm>>
      %dma_start3A_355 = tpu.memref_squeeze %dma_start3A_354 : memref<1x1x640x64xf32, #tpu.memory_space<hbm>> -> memref<640x64xf32, #tpu.memory_space<hbm>>
      %dma_start3A_356 = arith.constant 0 : i32
      %dma_start3A_357 = tpu.memref_slice %arg10[%mul3A_0, %dma_start3A_356] : memref<10240x64xf32, #tpu.memory_space<vmem_shared>> -> memref<640x64xf32, #tpu.memory_space<vmem_shared>>
      tpu.enqueue_dma source(%dma_start3A_357 : memref<640x64xf32, #tpu.memory_space<vmem_shared>>) target(%dma_start3A_355 : memref<640x64xf32, #tpu.memory_space<hbm>>) target_semaphore(%run_scoped3A_352 : memref<!tpu.dma_semaphore, #tpu.memory_space<semaphore_mem>>)
      %dma_wait3A_358 = arith.constant 0 : i32
      %dma_wait3A_359 = tpu.memref_slice %arg6[%arg0, %run_scoped3A_62, %mul3A_0, %dma_wait3A_358] : memref<2x5x10240x64xf32, #tpu.memory_space<hbm>> -> memref<1x1x640x64xf32, #tpu.memory_space<hbm>>
      %dma_wait3A_360 = tpu.memref_squeeze %dma_wait3A_359 : memref<1x1x640x64xf32, #tpu.memory_space<hbm>> -> memref<640x64xf32, #tpu.memory_space<hbm>>
      %dma_wait3A_361 = arith.constant 0 : i32
      %dma_wait3A_362 = tpu.memref_slice %arg10[%mul3A_0, %dma_wait3A_361] : memref<10240x64xf32, #tpu.memory_space<vmem_shared>> -> memref<640x64xf32, #tpu.memory_space<vmem_shared>>
      tpu.wait_dma2 semaphore(%run_scoped3A_352 : memref<!tpu.dma_semaphore, #tpu.memory_space<semaphore_mem>>) src(%dma_wait3A_362 : memref<640x64xf32, #tpu.memory_space<vmem_shared>>) dst(%dma_wait3A_360 : memref<640x64xf32, #tpu.memory_space<hbm>>)
      tpu.yield
    }) : () -> ()
    %barrier3A_63 = arith.constant 0 : index
    tpu.barrier barrier_id(%barrier3A_63)
    %eq3A_64 = arith.constant 0 : i32
    %eq3A_65 = arith.cmpi eq, %arg0, %eq3A_64 : i32
    %convert_element_type3A_66 = arith.extui %eq3A_65 : i1 to i32
    %cond3A_67 = arith.constant 0 : i32
    %cond3A_68 = arith.cmpi ne, %convert_element_type3A_66, %cond3A_67 : i32
    scf.if %cond3A_68 {
      %mul3A_352 = arith.constant 640 : i32
      %mul3A_353 = arith.muli %arg1, %mul3A_352 : i32
      %add3A = arith.constant 10240 : i32
      %add3A_354 = arith.addi %add3A, %mul3A_353 : i32
      "tpu.region"() ({
        %run_scoped3A_355 = tpu.sem_alloc : memref<!tpu.dma_semaphore, #tpu.memory_space<semaphore_mem>>
        %dma_start3A_356 = arith.constant 0 : i32
        %dma_start3A_357 = tpu.memref_slice %arg10[%mul3A_0, %dma_start3A_356] : memref<10240x64xf32, #tpu.memory_space<vmem_shared>> -> memref<640x64xf32, #tpu.memory_space<vmem_shared>>
        %dma_start3A_358 = arith.constant 0 : i32
        %dma_start3A_359 = tpu.memref_slice %arg2[%add3A_354, %dma_start3A_358] : memref<102400x64xf32, #tpu.memory_space<hbm>> -> memref<640x64xf32, #tpu.memory_space<hbm>>
        tpu.enqueue_dma source(%dma_start3A_359 : memref<640x64xf32, #tpu.memory_space<hbm>>) target(%dma_start3A_357 : memref<640x64xf32, #tpu.memory_space<vmem_shared>>) target_semaphore(%run_scoped3A_355 : memref<!tpu.dma_semaphore, #tpu.memory_space<semaphore_mem>>)
        %dma_wait3A_360 = arith.constant 0 : i32
        %dma_wait3A_361 = tpu.memref_slice %arg10[%mul3A_0, %dma_wait3A_360] : memref<10240x64xf32, #tpu.memory_space<vmem_shared>> -> memref<640x64xf32, #tpu.memory_space<vmem_shared>>
        %dma_wait3A_362 = arith.constant 0 : i32
        %dma_wait3A_363 = tpu.memref_slice %arg2[%add3A_354, %dma_wait3A_362] : memref<102400x64xf32, #tpu.memory_space<hbm>> -> memref<640x64xf32, #tpu.memory_space<hbm>>
        tpu.wait_dma2 semaphore(%run_scoped3A_355 : memref<!tpu.dma_semaphore, #tpu.memory_space<semaphore_mem>>) src(%dma_wait3A_363 : memref<640x64xf32, #tpu.memory_space<hbm>>) dst(%dma_wait3A_361 : memref<640x64xf32, #tpu.memory_space<vmem_shared>>)
        tpu.yield
      }) : () -> ()
      "tpu.region"() ({
        %run_scoped3A_355 = tpu.sem_alloc : memref<!tpu.dma_semaphore, #tpu.memory_space<semaphore_mem>>
        %dma_start3A_356 = arith.constant 80 : i32
        %dma_start3A_357 = arith.constant 0 : i32
        %dma_start3A_358 = tpu.memref_slice %arg3[%arg1, %dma_start3A_356, %dma_start3A_357] : memref<16x400x128xi32, #tpu.memory_space<hbm>> -> memref<1x80x128xi32, #tpu.memory_space<hbm>>
        %dma_start3A_359 = tpu.memref_squeeze %dma_start3A_358 : memref<1x80x128xi32, #tpu.memory_space<hbm>> -> memref<80x128xi32, #tpu.memory_space<hbm>>
        %dma_start3A_360 = arith.constant 80 : i32
        %dma_start3A_361 = arith.constant 0 : i32
        %dma_start3A_362 = tpu.memref_slice %arg3[%arg1, %dma_start3A_360, %dma_start3A_361] : memref<16x400x128xi32, #tpu.memory_space<hbm>> -> memref<1x80x128xi32, #tpu.memory_space<hbm>>
        %dma_start3A_363 = tpu.memref_squeeze %dma_start3A_362 : memref<1x80x128xi32, #tpu.memory_space<hbm>> -> memref<80x128xi32, #tpu.memory_space<hbm>>
        tpu.enqueue_dma source(%dma_start3A_363 : memref<80x128xi32, #tpu.memory_space<hbm>>) target(%arg7 : memref<80x128xi32, #tpu.memory_space<vmem>>) target_semaphore(%run_scoped3A_355 : memref<!tpu.dma_semaphore, #tpu.memory_space<semaphore_mem>>)
        %dma_wait3A_364 = arith.constant 80 : i32
        %dma_wait3A_365 = arith.constant 0 : i32
        %dma_wait3A_366 = tpu.memref_slice %arg3[%arg1, %dma_wait3A_364, %dma_wait3A_365] : memref<16x400x128xi32, #tpu.memory_space<hbm>> -> memref<1x80x128xi32, #tpu.memory_space<hbm>>
        %dma_wait3A_367 = tpu.memref_squeeze %dma_wait3A_366 : memref<1x80x128xi32, #tpu.memory_space<hbm>> -> memref<80x128xi32, #tpu.memory_space<hbm>>
        %dma_wait3A_368 = arith.constant 80 : i32
        %dma_wait3A_369 = arith.constant 0 : i32
        %dma_wait3A_370 = tpu.memref_slice %arg3[%arg1, %dma_wait3A_368, %dma_wait3A_369] : memref<16x400x128xi32, #tpu.memory_space<hbm>> -> memref<1x80x128xi32, #tpu.memory_space<hbm>>
        %dma_wait3A_371 = tpu.memref_squeeze %dma_wait3A_370 : memref<1x80x128xi32, #tpu.memory_space<hbm>> -> memref<80x128xi32, #tpu.memory_space<hbm>>
        tpu.wait_dma2 semaphore(%run_scoped3A_355 : memref<!tpu.dma_semaphore, #tpu.memory_space<semaphore_mem>>) src(%dma_wait3A_371 : memref<80x128xi32, #tpu.memory_space<hbm>>) dst(%arg7 : memref<80x128xi32, #tpu.memory_space<vmem>>)
        tpu.yield
      }) : () -> ()
    } else {
    }
    %ne3A_69 = arith.constant 0 : i32
    %ne3A_70 = arith.cmpi ne, %arg0, %ne3A_69 : i32
    %convert_element_type3A_71 = arith.extui %ne3A_70 : i1 to i32
    %cond3A_72 = arith.constant 0 : i32
    %cond3A_73 = arith.cmpi ne, %convert_element_type3A_71, %cond3A_72 : i32
    scf.if %cond3A_73 {
      %mul3A_352 = arith.constant 640 : i32
      %mul3A_353 = arith.muli %arg1, %mul3A_352 : i32
      %add3A = arith.constant 61440 : i32
      %add3A_354 = arith.addi %add3A, %mul3A_353 : i32
      "tpu.region"() ({
        %run_scoped3A_355 = tpu.sem_alloc : memref<!tpu.dma_semaphore, #tpu.memory_space<semaphore_mem>>
        %dma_start3A_356 = arith.constant 0 : i32
        %dma_start3A_357 = tpu.memref_slice %arg10[%mul3A_0, %dma_start3A_356] : memref<10240x64xf32, #tpu.memory_space<vmem_shared>> -> memref<640x64xf32, #tpu.memory_space<vmem_shared>>
        %dma_start3A_358 = arith.constant 0 : i32
        %dma_start3A_359 = tpu.memref_slice %arg2[%add3A_354, %dma_start3A_358] : memref<102400x64xf32, #tpu.memory_space<hbm>> -> memref<640x64xf32, #tpu.memory_space<hbm>>
        tpu.enqueue_dma source(%dma_start3A_359 : memref<640x64xf32, #tpu.memory_space<hbm>>) target(%dma_start3A_357 : memref<640x64xf32, #tpu.memory_space<vmem_shared>>) target_semaphore(%run_scoped3A_355 : memref<!tpu.dma_semaphore, #tpu.memory_space<semaphore_mem>>)
        %dma_wait3A_360 = arith.constant 0 : i32
        %dma_wait3A_361 = tpu.memref_slice %arg10[%mul3A_0, %dma_wait3A_360] : memref<10240x64xf32, #tpu.memory_space<vmem_shared>> -> memref<640x64xf32, #tpu.memory_space<vmem_shared>>
        %dma_wait3A_362 = arith.constant 0 : i32
        %dma_wait3A_363 = tpu.memref_slice %arg2[%add3A_354, %dma_wait3A_362] : memref<102400x64xf32, #tpu.memory_space<hbm>> -> memref<640x64xf32, #tpu.memory_space<hbm>>
        tpu.wait_dma2 semaphore(%run_scoped3A_355 : memref<!tpu.dma_semaphore, #tpu.memory_space<semaphore_mem>>) src(%dma_wait3A_363 : memref<640x64xf32, #tpu.memory_space<hbm>>) dst(%dma_wait3A_361 : memref<640x64xf32, #tpu.memory_space<vmem_shared>>)
        tpu.yield
      }) : () -> ()
      "tpu.region"() ({
        %run_scoped3A_355 = tpu.sem_alloc : memref<!tpu.dma_semaphore, #tpu.memory_space<semaphore_mem>>
        %dma_start3A_356 = arith.constant 80 : i32
        %dma_start3A_357 = arith.constant 0 : i32
        %dma_start3A_358 = tpu.memref_slice %arg4[%arg1, %dma_start3A_356, %dma_start3A_357] : memref<16x400x128xi32, #tpu.memory_space<hbm>> -> memref<1x80x128xi32, #tpu.memory_space<hbm>>
        %dma_start3A_359 = tpu.memref_squeeze %dma_start3A_358 : memref<1x80x128xi32, #tpu.memory_space<hbm>> -> memref<80x128xi32, #tpu.memory_space<hbm>>
        %dma_start3A_360 = arith.constant 80 : i32
        %dma_start3A_361 = arith.constant 0 : i32
        %dma_start3A_362 = tpu.memref_slice %arg4[%arg1, %dma_start3A_360, %dma_start3A_361] : memref<16x400x128xi32, #tpu.memory_space<hbm>> -> memref<1x80x128xi32, #tpu.memory_space<hbm>>
        %dma_start3A_363 = tpu.memref_squeeze %dma_start3A_362 : memref<1x80x128xi32, #tpu.memory_space<hbm>> -> memref<80x128xi32, #tpu.memory_space<hbm>>
        tpu.enqueue_dma source(%dma_start3A_363 : memref<80x128xi32, #tpu.memory_space<hbm>>) target(%arg7 : memref<80x128xi32, #tpu.memory_space<vmem>>) target_semaphore(%run_scoped3A_355 : memref<!tpu.dma_semaphore, #tpu.memory_space<semaphore_mem>>)
        %dma_wait3A_364 = arith.constant 80 : i32
        %dma_wait3A_365 = arith.constant 0 : i32
        %dma_wait3A_366 = tpu.memref_slice %arg4[%arg1, %dma_wait3A_364, %dma_wait3A_365] : memref<16x400x128xi32, #tpu.memory_space<hbm>> -> memref<1x80x128xi32, #tpu.memory_space<hbm>>
        %dma_wait3A_367 = tpu.memref_squeeze %dma_wait3A_366 : memref<1x80x128xi32, #tpu.memory_space<hbm>> -> memref<80x128xi32, #tpu.memory_space<hbm>>
        %dma_wait3A_368 = arith.constant 80 : i32
        %dma_wait3A_369 = arith.constant 0 : i32
        %dma_wait3A_370 = tpu.memref_slice %arg4[%arg1, %dma_wait3A_368, %dma_wait3A_369] : memref<16x400x128xi32, #tpu.memory_space<hbm>> -> memref<1x80x128xi32, #tpu.memory_space<hbm>>
        %dma_wait3A_371 = tpu.memref_squeeze %dma_wait3A_370 : memref<1x80x128xi32, #tpu.memory_space<hbm>> -> memref<80x128xi32, #tpu.memory_space<hbm>>
        tpu.wait_dma2 semaphore(%run_scoped3A_355 : memref<!tpu.dma_semaphore, #tpu.memory_space<semaphore_mem>>) src(%dma_wait3A_371 : memref<80x128xi32, #tpu.memory_space<hbm>>) dst(%arg7 : memref<80x128xi32, #tpu.memory_space<vmem>>)
        tpu.yield
      }) : () -> ()
    } else {
    }
    "tpu.region"() ({
      %run_scoped3A_352 = tpu.sem_alloc : memref<!tpu.dma_semaphore, #tpu.memory_space<semaphore_mem>>
      %dma_start3A_353 = arith.constant 80 : i32
      %dma_start3A_354 = arith.constant 0 : i32
      %dma_start3A_355 = tpu.memref_slice %arg5[%arg1, %dma_start3A_353, %dma_start3A_354] : memref<16x400x128xi32, #tpu.memory_space<hbm>> -> memref<1x80x128xi32, #tpu.memory_space<hbm>>
      %dma_start3A_356 = tpu.memref_squeeze %dma_start3A_355 : memref<1x80x128xi32, #tpu.memory_space<hbm>> -> memref<80x128xi32, #tpu.memory_space<hbm>>
      %dma_start3A_357 = arith.constant 80 : i32
      %dma_start3A_358 = arith.constant 0 : i32
      %dma_start3A_359 = tpu.memref_slice %arg5[%arg1, %dma_start3A_357, %dma_start3A_358] : memref<16x400x128xi32, #tpu.memory_space<hbm>> -> memref<1x80x128xi32, #tpu.memory_space<hbm>>
      %dma_start3A_360 = tpu.memref_squeeze %dma_start3A_359 : memref<1x80x128xi32, #tpu.memory_space<hbm>> -> memref<80x128xi32, #tpu.memory_space<hbm>>
      tpu.enqueue_dma source(%dma_start3A_360 : memref<80x128xi32, #tpu.memory_space<hbm>>) target(%arg8 : memref<80x128xi32, #tpu.memory_space<vmem>>) target_semaphore(%run_scoped3A_352 : memref<!tpu.dma_semaphore, #tpu.memory_space<semaphore_mem>>)
      %dma_wait3A_361 = arith.constant 80 : i32
      %dma_wait3A_362 = arith.constant 0 : i32
      %dma_wait3A_363 = tpu.memref_slice %arg5[%arg1, %dma_wait3A_361, %dma_wait3A_362] : memref<16x400x128xi32, #tpu.memory_space<hbm>> -> memref<1x80x128xi32, #tpu.memory_space<hbm>>
      %dma_wait3A_364 = tpu.memref_squeeze %dma_wait3A_363 : memref<1x80x128xi32, #tpu.memory_space<hbm>> -> memref<80x128xi32, #tpu.memory_space<hbm>>
      %dma_wait3A_365 = arith.constant 80 : i32
      %dma_wait3A_366 = arith.constant 0 : i32
      %dma_wait3A_367 = tpu.memref_slice %arg5[%arg1, %dma_wait3A_365, %dma_wait3A_366] : memref<16x400x128xi32, #tpu.memory_space<hbm>> -> memref<1x80x128xi32, #tpu.memory_space<hbm>>
      %dma_wait3A_368 = tpu.memref_squeeze %dma_wait3A_367 : memref<1x80x128xi32, #tpu.memory_space<hbm>> -> memref<80x128xi32, #tpu.memory_space<hbm>>
      tpu.wait_dma2 semaphore(%run_scoped3A_352 : memref<!tpu.dma_semaphore, #tpu.memory_space<semaphore_mem>>) src(%dma_wait3A_368 : memref<80x128xi32, #tpu.memory_space<hbm>>) dst(%arg8 : memref<80x128xi32, #tpu.memory_space<vmem>>)
      tpu.yield
    }) : () -> ()
    %barrier3A_74 = arith.constant 0 : index
    tpu.barrier barrier_id(%barrier3A_74)
    %dma_start3A_75 = arith.constant 0 : i32
    %dma_start3A_76 = arith.constant 0 : i32
    %dma_start3A_77 = arith.constant 0 : i32
    %dma_start3A_78 = arith.constant 0 : i32
    %dma_start3A_79 = tpu.memref_slice %arg9[%dma_start3A_76, %dma_start3A_77, %dma_start3A_78] : memref<2x128x64xf32, #tpu.memory_space<vmem>> -> memref<1x128x64xf32, #tpu.memory_space<vmem>>
    %dma_start3A_80 = tpu.memref_squeeze %dma_start3A_79 : memref<1x128x64xf32, #tpu.memory_space<vmem>> -> memref<128x64xf32, #tpu.memory_space<vmem>>
    %dma_start3A_81 = arith.constant 0 : i32
    %dma_start3A_82 = tpu.memref_slice %arg7[%dma_start3A_75, %dma_start3A_81] : memref<80x128xi32, #tpu.memory_space<vmem>> -> memref<1x128xi32, #tpu.memory_space<vmem>>
    %dma_start3A_83 = tpu.memref_squeeze %dma_start3A_82 : memref<1x128xi32, #tpu.memory_space<vmem>> -> memref<128xi32, #tpu.memory_space<vmem>>
    %dma_start3A_84 = arith.constant 0 : i32
    %dma_start3A_85 = arith.constant 0 : i32
    %dma_start3A_86 = tpu.memref_slice %arg2[%dma_start3A_84, %dma_start3A_85] : memref<102400x64xf32, #tpu.memory_space<hbm>> -> memref<102400x64xf32, #tpu.memory_space<hbm>>
    tpu.enqueue_indirect_dma source(%dma_start3A_86 : memref<102400x64xf32, #tpu.memory_space<hbm>>) target(%dma_start3A_80 : memref<128x64xf32, #tpu.memory_space<vmem>>) offsets(%dma_start3A_83 : memref<128xi32, #tpu.memory_space<vmem>>) semaphore(%arg11 : memref<!tpu.dma_semaphore, #tpu.memory_space<semaphore_mem>>)
    %dma_start3A_87 = arith.constant 1 : i32
    %dma_start3A_88 = arith.constant 1 : i32
    %dma_start3A_89 = arith.constant 0 : i32
    %dma_start3A_90 = arith.constant 0 : i32
    %dma_start3A_91 = tpu.memref_slice %arg9[%dma_start3A_88, %dma_start3A_89, %dma_start3A_90] : memref<2x128x64xf32, #tpu.memory_space<vmem>> -> memref<1x128x64xf32, #tpu.memory_space<vmem>>
    %dma_start3A_92 = tpu.memref_squeeze %dma_start3A_91 : memref<1x128x64xf32, #tpu.memory_space<vmem>> -> memref<128x64xf32, #tpu.memory_space<vmem>>
    %dma_start3A_93 = arith.constant 0 : i32
    %dma_start3A_94 = tpu.memref_slice %arg7[%dma_start3A_87, %dma_start3A_93] : memref<80x128xi32, #tpu.memory_space<vmem>> -> memref<1x128xi32, #tpu.memory_space<vmem>>
    %dma_start3A_95 = tpu.memref_squeeze %dma_start3A_94 : memref<1x128xi32, #tpu.memory_space<vmem>> -> memref<128xi32, #tpu.memory_space<vmem>>
    %dma_start3A_96 = arith.constant 0 : i32
    %dma_start3A_97 = arith.constant 0 : i32
    %dma_start3A_98 = tpu.memref_slice %arg2[%dma_start3A_96, %dma_start3A_97] : memref<102400x64xf32, #tpu.memory_space<hbm>> -> memref<102400x64xf32, #tpu.memory_space<hbm>>
    tpu.enqueue_indirect_dma source(%dma_start3A_98 : memref<102400x64xf32, #tpu.memory_space<hbm>>) target(%dma_start3A_92 : memref<128x64xf32, #tpu.memory_space<vmem>>) offsets(%dma_start3A_95 : memref<128xi32, #tpu.memory_space<vmem>>) semaphore(%arg12 : memref<!tpu.dma_semaphore, #tpu.memory_space<semaphore_mem>>)
    %scan3A_99 = arith.constant 0 : i32
    %scan3A_100 = arith.constant 0 : i32
    %scan3A_101 = arith.constant 39 : i32
    %scan3A_102 = arith.addi %scan3A_100, %scan3A_101 : i32
    %scan3A_103 = arith.constant 1 : i32
    scf.for %scan3A_352 = %scan3A_100 to %scan3A_102 step %scan3A_103  : i32 {
      %mul3A_353 = arith.constant 2 : i32
      %mul3A_354 = arith.muli %mul3A_353, %scan3A_352 : i32
      %add3A = arith.constant 1 : i32
      %add3A_355 = arith.addi %mul3A_354, %add3A : i32
      %dma_wait3A_356 = arith.constant 0 : i32
      %dma_wait3A_357 = arith.constant 0 : i32
      %dma_wait3A_358 = arith.constant 0 : i32
      %dma_wait3A_359 = tpu.memref_slice %arg9[%dma_wait3A_356, %dma_wait3A_357, %dma_wait3A_358] : memref<2x128x64xf32, #tpu.memory_space<vmem>> -> memref<1x128x64xf32, #tpu.memory_space<vmem>>
      %dma_wait3A_360 = tpu.memref_squeeze %dma_wait3A_359 : memref<1x128x64xf32, #tpu.memory_space<vmem>> -> memref<128x64xf32, #tpu.memory_space<vmem>>
      %dma_wait3A_361 = arith.constant 0 : i32
      %dma_wait3A_362 = tpu.memref_slice %arg7[%mul3A_354, %dma_wait3A_361] : memref<80x128xi32, #tpu.memory_space<vmem>> -> memref<1x128xi32, #tpu.memory_space<vmem>>
      %dma_wait3A_363 = tpu.memref_squeeze %dma_wait3A_362 : memref<1x128xi32, #tpu.memory_space<vmem>> -> memref<128xi32, #tpu.memory_space<vmem>>
      %dma_wait3A_364 = arith.constant 0 : i32
      %dma_wait3A_365 = arith.constant 0 : i32
      %dma_wait3A_366 = tpu.memref_slice %arg2[%dma_wait3A_364, %dma_wait3A_365] : memref<102400x64xf32, #tpu.memory_space<hbm>> -> memref<102400x64xf32, #tpu.memory_space<hbm>>
      tpu.wait_indirect_dma semaphore(%arg11 : memref<!tpu.dma_semaphore, #tpu.memory_space<semaphore_mem>>) src(%dma_wait3A_366 : memref<102400x64xf32, #tpu.memory_space<hbm>>) dst(%dma_wait3A_360 : memref<128x64xf32, #tpu.memory_space<vmem>>)
      %run_scoped3A_367 = arith.constant 0 : i32
      "tpu.region"() ({
        %run_scoped3A_406 = tpu.sem_alloc : memref<!tpu.dma_semaphore, #tpu.memory_space<semaphore_mem>>
        %dma_start3A_407 = arith.constant 0 : i32
        %dma_start3A_408 = arith.constant 0 : i32
        %dma_start3A_409 = tpu.memref_slice %arg9[%run_scoped3A_367, %dma_start3A_407, %dma_start3A_408] : memref<2x128x64xf32, #tpu.memory_space<vmem>> -> memref<1x128x64xf32, #tpu.memory_space<vmem>>
        %dma_start3A_410 = tpu.memref_squeeze %dma_start3A_409 : memref<1x128x64xf32, #tpu.memory_space<vmem>> -> memref<128x64xf32, #tpu.memory_space<vmem>>
        %dma_start3A_411 = arith.constant 0 : i32
        %dma_start3A_412 = tpu.memref_slice %arg8[%mul3A_354, %dma_start3A_411] : memref<80x128xi32, #tpu.memory_space<vmem>> -> memref<1x128xi32, #tpu.memory_space<vmem>>
        %dma_start3A_413 = tpu.memref_squeeze %dma_start3A_412 : memref<1x128xi32, #tpu.memory_space<vmem>> -> memref<128xi32, #tpu.memory_space<vmem>>
        %dma_start3A_414 = arith.constant 0 : i32
        %dma_start3A_415 = arith.constant 0 : i32
        %dma_start3A_416 = tpu.memref_slice %arg10[%dma_start3A_414, %dma_start3A_415] : memref<10240x64xf32, #tpu.memory_space<vmem_shared>> -> memref<10240x64xf32, #tpu.memory_space<vmem_shared>>
        tpu.enqueue_indirect_dma source(%dma_start3A_410 : memref<128x64xf32, #tpu.memory_space<vmem>>) target(%dma_start3A_416 : memref<10240x64xf32, #tpu.memory_space<vmem_shared>>) offsets(%dma_start3A_413 : memref<128xi32, #tpu.memory_space<vmem>>) semaphore(%run_scoped3A_406 : memref<!tpu.dma_semaphore, #tpu.memory_space<semaphore_mem>>) {add = true}
        %dma_wait3A_417 = arith.constant 0 : i32
        %dma_wait3A_418 = arith.constant 0 : i32
        %dma_wait3A_419 = tpu.memref_slice %arg9[%run_scoped3A_367, %dma_wait3A_417, %dma_wait3A_418] : memref<2x128x64xf32, #tpu.memory_space<vmem>> -> memref<1x128x64xf32, #tpu.memory_space<vmem>>
        %dma_wait3A_420 = tpu.memref_squeeze %dma_wait3A_419 : memref<1x128x64xf32, #tpu.memory_space<vmem>> -> memref<128x64xf32, #tpu.memory_space<vmem>>
        %dma_wait3A_421 = arith.constant 0 : i32
        %dma_wait3A_422 = tpu.memref_slice %arg8[%mul3A_354, %dma_wait3A_421] : memref<80x128xi32, #tpu.memory_space<vmem>> -> memref<1x128xi32, #tpu.memory_space<vmem>>
        %dma_wait3A_423 = tpu.memref_squeeze %dma_wait3A_422 : memref<1x128xi32, #tpu.memory_space<vmem>> -> memref<128xi32, #tpu.memory_space<vmem>>
        %dma_wait3A_424 = arith.constant 0 : i32
        %dma_wait3A_425 = arith.constant 0 : i32
        %dma_wait3A_426 = tpu.memref_slice %arg10[%dma_wait3A_424, %dma_wait3A_425] : memref<10240x64xf32, #tpu.memory_space<vmem_shared>> -> memref<10240x64xf32, #tpu.memory_space<vmem_shared>>
        tpu.wait_indirect_dma semaphore(%run_scoped3A_406 : memref<!tpu.dma_semaphore, #tpu.memory_space<semaphore_mem>>) src(%dma_wait3A_420 : memref<128x64xf32, #tpu.memory_space<vmem>>) dst(%dma_wait3A_426 : memref<10240x64xf32, #tpu.memory_space<vmem_shared>>)
        tpu.yield
      }) : () -> ()
      %add3A_368 = arith.constant 2 : i32
      %add3A_369 = arith.addi %mul3A_354, %add3A_368 : i32
      %dma_start3A_370 = arith.constant 0 : i32
      %dma_start3A_371 = arith.constant 0 : i32
      %dma_start3A_372 = arith.constant 0 : i32
      %dma_start3A_373 = tpu.memref_slice %arg9[%dma_start3A_370, %dma_start3A_371, %dma_start3A_372] : memref<2x128x64xf32, #tpu.memory_space<vmem>> -> memref<1x128x64xf32, #tpu.memory_space<vmem>>
      %dma_start3A_374 = tpu.memref_squeeze %dma_start3A_373 : memref<1x128x64xf32, #tpu.memory_space<vmem>> -> memref<128x64xf32, #tpu.memory_space<vmem>>
      %dma_start3A_375 = arith.constant 0 : i32
      %dma_start3A_376 = tpu.memref_slice %arg7[%add3A_369, %dma_start3A_375] : memref<80x128xi32, #tpu.memory_space<vmem>> -> memref<1x128xi32, #tpu.memory_space<vmem>>
      %dma_start3A_377 = tpu.memref_squeeze %dma_start3A_376 : memref<1x128xi32, #tpu.memory_space<vmem>> -> memref<128xi32, #tpu.memory_space<vmem>>
      %dma_start3A_378 = arith.constant 0 : i32
      %dma_start3A_379 = arith.constant 0 : i32
      %dma_start3A_380 = tpu.memref_slice %arg2[%dma_start3A_378, %dma_start3A_379] : memref<102400x64xf32, #tpu.memory_space<hbm>> -> memref<102400x64xf32, #tpu.memory_space<hbm>>
      tpu.enqueue_indirect_dma source(%dma_start3A_380 : memref<102400x64xf32, #tpu.memory_space<hbm>>) target(%dma_start3A_374 : memref<128x64xf32, #tpu.memory_space<vmem>>) offsets(%dma_start3A_377 : memref<128xi32, #tpu.memory_space<vmem>>) semaphore(%arg11 : memref<!tpu.dma_semaphore, #tpu.memory_space<semaphore_mem>>)
      %dma_wait3A_381 = arith.constant 1 : i32
      %dma_wait3A_382 = arith.constant 0 : i32
      %dma_wait3A_383 = arith.constant 0 : i32
      %dma_wait3A_384 = tpu.memref_slice %arg9[%dma_wait3A_381, %dma_wait3A_382, %dma_wait3A_383] : memref<2x128x64xf32, #tpu.memory_space<vmem>> -> memref<1x128x64xf32, #tpu.memory_space<vmem>>
      %dma_wait3A_385 = tpu.memref_squeeze %dma_wait3A_384 : memref<1x128x64xf32, #tpu.memory_space<vmem>> -> memref<128x64xf32, #tpu.memory_space<vmem>>
      %dma_wait3A_386 = arith.constant 0 : i32
      %dma_wait3A_387 = tpu.memref_slice %arg7[%add3A_355, %dma_wait3A_386] : memref<80x128xi32, #tpu.memory_space<vmem>> -> memref<1x128xi32, #tpu.memory_space<vmem>>
      %dma_wait3A_388 = tpu.memref_squeeze %dma_wait3A_387 : memref<1x128xi32, #tpu.memory_space<vmem>> -> memref<128xi32, #tpu.memory_space<vmem>>
      %dma_wait3A_389 = arith.constant 0 : i32
      %dma_wait3A_390 = arith.constant 0 : i32
      %dma_wait3A_391 = tpu.memref_slice %arg2[%dma_wait3A_389, %dma_wait3A_390] : memref<102400x64xf32, #tpu.memory_space<hbm>> -> memref<102400x64xf32, #tpu.memory_space<hbm>>
      tpu.wait_indirect_dma semaphore(%arg12 : memref<!tpu.dma_semaphore, #tpu.memory_space<semaphore_mem>>) src(%dma_wait3A_391 : memref<102400x64xf32, #tpu.memory_space<hbm>>) dst(%dma_wait3A_385 : memref<128x64xf32, #tpu.memory_space<vmem>>)
      %run_scoped3A_392 = arith.constant 1 : i32
      "tpu.region"() ({
        %run_scoped3A_406 = tpu.sem_alloc : memref<!tpu.dma_semaphore, #tpu.memory_space<semaphore_mem>>
        %dma_start3A_407 = arith.constant 0 : i32
        %dma_start3A_408 = arith.constant 0 : i32
        %dma_start3A_409 = tpu.memref_slice %arg9[%run_scoped3A_392, %dma_start3A_407, %dma_start3A_408] : memref<2x128x64xf32, #tpu.memory_space<vmem>> -> memref<1x128x64xf32, #tpu.memory_space<vmem>>
        %dma_start3A_410 = tpu.memref_squeeze %dma_start3A_409 : memref<1x128x64xf32, #tpu.memory_space<vmem>> -> memref<128x64xf32, #tpu.memory_space<vmem>>
        %dma_start3A_411 = arith.constant 0 : i32
        %dma_start3A_412 = tpu.memref_slice %arg8[%add3A_355, %dma_start3A_411] : memref<80x128xi32, #tpu.memory_space<vmem>> -> memref<1x128xi32, #tpu.memory_space<vmem>>
        %dma_start3A_413 = tpu.memref_squeeze %dma_start3A_412 : memref<1x128xi32, #tpu.memory_space<vmem>> -> memref<128xi32, #tpu.memory_space<vmem>>
        %dma_start3A_414 = arith.constant 0 : i32
        %dma_start3A_415 = arith.constant 0 : i32
        %dma_start3A_416 = tpu.memref_slice %arg10[%dma_start3A_414, %dma_start3A_415] : memref<10240x64xf32, #tpu.memory_space<vmem_shared>> -> memref<10240x64xf32, #tpu.memory_space<vmem_shared>>
        tpu.enqueue_indirect_dma source(%dma_start3A_410 : memref<128x64xf32, #tpu.memory_space<vmem>>) target(%dma_start3A_416 : memref<10240x64xf32, #tpu.memory_space<vmem_shared>>) offsets(%dma_start3A_413 : memref<128xi32, #tpu.memory_space<vmem>>) semaphore(%run_scoped3A_406 : memref<!tpu.dma_semaphore, #tpu.memory_space<semaphore_mem>>) {add = true}
        %dma_wait3A_417 = arith.constant 0 : i32
        %dma_wait3A_418 = arith.constant 0 : i32
        %dma_wait3A_419 = tpu.memref_slice %arg9[%run_scoped3A_392, %dma_wait3A_417, %dma_wait3A_418] : memref<2x128x64xf32, #tpu.memory_space<vmem>> -> memref<1x128x64xf32, #tpu.memory_space<vmem>>
        %dma_wait3A_420 = tpu.memref_squeeze %dma_wait3A_419 : memref<1x128x64xf32, #tpu.memory_space<vmem>> -> memref<128x64xf32, #tpu.memory_space<vmem>>
        %dma_wait3A_421 = arith.constant 0 : i32
        %dma_wait3A_422 = tpu.memref_slice %arg8[%add3A_355, %dma_wait3A_421] : memref<80x128xi32, #tpu.memory_space<vmem>> -> memref<1x128xi32, #tpu.memory_space<vmem>>
        %dma_wait3A_423 = tpu.memref_squeeze %dma_wait3A_422 : memref<1x128xi32, #tpu.memory_space<vmem>> -> memref<128xi32, #tpu.memory_space<vmem>>
        %dma_wait3A_424 = arith.constant 0 : i32
        %dma_wait3A_425 = arith.constant 0 : i32
        %dma_wait3A_426 = tpu.memref_slice %arg10[%dma_wait3A_424, %dma_wait3A_425] : memref<10240x64xf32, #tpu.memory_space<vmem_shared>> -> memref<10240x64xf32, #tpu.memory_space<vmem_shared>>
        tpu.wait_indirect_dma semaphore(%run_scoped3A_406 : memref<!tpu.dma_semaphore, #tpu.memory_space<semaphore_mem>>) src(%dma_wait3A_420 : memref<128x64xf32, #tpu.memory_space<vmem>>) dst(%dma_wait3A_426 : memref<10240x64xf32, #tpu.memory_space<vmem_shared>>)
        tpu.yield
      }) : () -> ()
      %add3A_393 = arith.constant 2 : i32
      %add3A_394 = arith.addi %add3A_355, %add3A_393 : i32
      %dma_start3A_395 = arith.constant 1 : i32
      %dma_start3A_396 = arith.constant 0 : i32
      %dma_start3A_397 = arith.constant 0 : i32
      %dma_start3A_398 = tpu.memref_slice %arg9[%dma_start3A_395, %dma_start3A_396, %dma_start3A_397] : memref<2x128x64xf32, #tpu.memory_space<vmem>> -> memref<1x128x64xf32, #tpu.memory_space<vmem>>
      %dma_start3A_399 = tpu.memref_squeeze %dma_start3A_398 : memref<1x128x64xf32, #tpu.memory_space<vmem>> -> memref<128x64xf32, #tpu.memory_space<vmem>>
      %dma_start3A_400 = arith.constant 0 : i32
      %dma_start3A_401 = tpu.memref_slice %arg7[%add3A_394, %dma_start3A_400] : memref<80x128xi32, #tpu.memory_space<vmem>> -> memref<1x128xi32, #tpu.memory_space<vmem>>
      %dma_start3A_402 = tpu.memref_squeeze %dma_start3A_401 : memref<1x128xi32, #tpu.memory_space<vmem>> -> memref<128xi32, #tpu.memory_space<vmem>>
      %dma_start3A_403 = arith.constant 0 : i32
      %dma_start3A_404 = arith.constant 0 : i32
      %dma_start3A_405 = tpu.memref_slice %arg2[%dma_start3A_403, %dma_start3A_404] : memref<102400x64xf32, #tpu.memory_space<hbm>> -> memref<102400x64xf32, #tpu.memory_space<hbm>>
      tpu.enqueue_indirect_dma source(%dma_start3A_405 : memref<102400x64xf32, #tpu.memory_space<hbm>>) target(%dma_start3A_399 : memref<128x64xf32, #tpu.memory_space<vmem>>) offsets(%dma_start3A_402 : memref<128xi32, #tpu.memory_space<vmem>>) semaphore(%arg12 : memref<!tpu.dma_semaphore, #tpu.memory_space<semaphore_mem>>)
    }
    %scan3A_104 = arith.constant 39 : i32
    %dma_wait3A_105 = arith.constant 78 : i32
    %dma_wait3A_106 = arith.constant 0 : i32
    %dma_wait3A_107 = arith.constant 0 : i32
    %dma_wait3A_108 = arith.constant 0 : i32
    %dma_wait3A_109 = tpu.memref_slice %arg9[%dma_wait3A_106, %dma_wait3A_107, %dma_wait3A_108] : memref<2x128x64xf32, #tpu.memory_space<vmem>> -> memref<1x128x64xf32, #tpu.memory_space<vmem>>
    %dma_wait3A_110 = tpu.memref_squeeze %dma_wait3A_109 : memref<1x128x64xf32, #tpu.memory_space<vmem>> -> memref<128x64xf32, #tpu.memory_space<vmem>>
    %dma_wait3A_111 = arith.constant 0 : i32
    %dma_wait3A_112 = tpu.memref_slice %arg7[%dma_wait3A_105, %dma_wait3A_111] : memref<80x128xi32, #tpu.memory_space<vmem>> -> memref<1x128xi32, #tpu.memory_space<vmem>>
    %dma_wait3A_113 = tpu.memref_squeeze %dma_wait3A_112 : memref<1x128xi32, #tpu.memory_space<vmem>> -> memref<128xi32, #tpu.memory_space<vmem>>
    %dma_wait3A_114 = arith.constant 0 : i32
    %dma_wait3A_115 = arith.constant 0 : i32
    %dma_wait3A_116 = tpu.memref_slice %arg2[%dma_wait3A_114, %dma_wait3A_115] : memref<102400x64xf32, #tpu.memory_space<hbm>> -> memref<102400x64xf32, #tpu.memory_space<hbm>>
    tpu.wait_indirect_dma semaphore(%arg11 : memref<!tpu.dma_semaphore, #tpu.memory_space<semaphore_mem>>) src(%dma_wait3A_116 : memref<102400x64xf32, #tpu.memory_space<hbm>>) dst(%dma_wait3A_110 : memref<128x64xf32, #tpu.memory_space<vmem>>)
    %run_scoped3A_117 = arith.constant 0 : i32
    %run_scoped3A_118 = arith.constant 78 : i32
    "tpu.region"() ({
      %run_scoped3A_352 = tpu.sem_alloc : memref<!tpu.dma_semaphore, #tpu.memory_space<semaphore_mem>>
      %dma_start3A_353 = arith.constant 0 : i32
      %dma_start3A_354 = arith.constant 0 : i32
      %dma_start3A_355 = tpu.memref_slice %arg9[%run_scoped3A_117, %dma_start3A_353, %dma_start3A_354] : memref<2x128x64xf32, #tpu.memory_space<vmem>> -> memref<1x128x64xf32, #tpu.memory_space<vmem>>
      %dma_start3A_356 = tpu.memref_squeeze %dma_start3A_355 : memref<1x128x64xf32, #tpu.memory_space<vmem>> -> memref<128x64xf32, #tpu.memory_space<vmem>>
      %dma_start3A_357 = arith.constant 0 : i32
      %dma_start3A_358 = tpu.memref_slice %arg8[%run_scoped3A_118, %dma_start3A_357] : memref<80x128xi32, #tpu.memory_space<vmem>> -> memref<1x128xi32, #tpu.memory_space<vmem>>
      %dma_start3A_359 = tpu.memref_squeeze %dma_start3A_358 : memref<1x128xi32, #tpu.memory_space<vmem>> -> memref<128xi32, #tpu.memory_space<vmem>>
      %dma_start3A_360 = arith.constant 0 : i32
      %dma_start3A_361 = arith.constant 0 : i32
      %dma_start3A_362 = tpu.memref_slice %arg10[%dma_start3A_360, %dma_start3A_361] : memref<10240x64xf32, #tpu.memory_space<vmem_shared>> -> memref<10240x64xf32, #tpu.memory_space<vmem_shared>>
      tpu.enqueue_indirect_dma source(%dma_start3A_356 : memref<128x64xf32, #tpu.memory_space<vmem>>) target(%dma_start3A_362 : memref<10240x64xf32, #tpu.memory_space<vmem_shared>>) offsets(%dma_start3A_359 : memref<128xi32, #tpu.memory_space<vmem>>) semaphore(%run_scoped3A_352 : memref<!tpu.dma_semaphore, #tpu.memory_space<semaphore_mem>>) {add = true}
      %dma_wait3A_363 = arith.constant 0 : i32
      %dma_wait3A_364 = arith.constant 0 : i32
      %dma_wait3A_365 = tpu.memref_slice %arg9[%run_scoped3A_117, %dma_wait3A_363, %dma_wait3A_364] : memref<2x128x64xf32, #tpu.memory_space<vmem>> -> memref<1x128x64xf32, #tpu.memory_space<vmem>>
      %dma_wait3A_366 = tpu.memref_squeeze %dma_wait3A_365 : memref<1x128x64xf32, #tpu.memory_space<vmem>> -> memref<128x64xf32, #tpu.memory_space<vmem>>
      %dma_wait3A_367 = arith.constant 0 : i32
      %dma_wait3A_368 = tpu.memref_slice %arg8[%run_scoped3A_118, %dma_wait3A_367] : memref<80x128xi32, #tpu.memory_space<vmem>> -> memref<1x128xi32, #tpu.memory_space<vmem>>
      %dma_wait3A_369 = tpu.memref_squeeze %dma_wait3A_368 : memref<1x128xi32, #tpu.memory_space<vmem>> -> memref<128xi32, #tpu.memory_space<vmem>>
      %dma_wait3A_370 = arith.constant 0 : i32
      %dma_wait3A_371 = arith.constant 0 : i32
      %dma_wait3A_372 = tpu.memref_slice %arg10[%dma_wait3A_370, %dma_wait3A_371] : memref<10240x64xf32, #tpu.memory_space<vmem_shared>> -> memref<10240x64xf32, #tpu.memory_space<vmem_shared>>
      tpu.wait_indirect_dma semaphore(%run_scoped3A_352 : memref<!tpu.dma_semaphore, #tpu.memory_space<semaphore_mem>>) src(%dma_wait3A_366 : memref<128x64xf32, #tpu.memory_space<vmem>>) dst(%dma_wait3A_372 : memref<10240x64xf32, #tpu.memory_space<vmem_shared>>)
      tpu.yield
    }) : () -> ()
    %dma_wait3A_119 = arith.constant 79 : i32
    %dma_wait3A_120 = arith.constant 1 : i32
    %dma_wait3A_121 = arith.constant 0 : i32
    %dma_wait3A_122 = arith.constant 0 : i32
    %dma_wait3A_123 = tpu.memref_slice %arg9[%dma_wait3A_120, %dma_wait3A_121, %dma_wait3A_122] : memref<2x128x64xf32, #tpu.memory_space<vmem>> -> memref<1x128x64xf32, #tpu.memory_space<vmem>>
    %dma_wait3A_124 = tpu.memref_squeeze %dma_wait3A_123 : memref<1x128x64xf32, #tpu.memory_space<vmem>> -> memref<128x64xf32, #tpu.memory_space<vmem>>
    %dma_wait3A_125 = arith.constant 0 : i32
    %dma_wait3A_126 = tpu.memref_slice %arg7[%dma_wait3A_119, %dma_wait3A_125] : memref<80x128xi32, #tpu.memory_space<vmem>> -> memref<1x128xi32, #tpu.memory_space<vmem>>
    %dma_wait3A_127 = tpu.memref_squeeze %dma_wait3A_126 : memref<1x128xi32, #tpu.memory_space<vmem>> -> memref<128xi32, #tpu.memory_space<vmem>>
    %dma_wait3A_128 = arith.constant 0 : i32
    %dma_wait3A_129 = arith.constant 0 : i32
    %dma_wait3A_130 = tpu.memref_slice %arg2[%dma_wait3A_128, %dma_wait3A_129] : memref<102400x64xf32, #tpu.memory_space<hbm>> -> memref<102400x64xf32, #tpu.memory_space<hbm>>
    tpu.wait_indirect_dma semaphore(%arg12 : memref<!tpu.dma_semaphore, #tpu.memory_space<semaphore_mem>>) src(%dma_wait3A_130 : memref<102400x64xf32, #tpu.memory_space<hbm>>) dst(%dma_wait3A_124 : memref<128x64xf32, #tpu.memory_space<vmem>>)
    %run_scoped3A_131 = arith.constant 1 : i32
    %run_scoped3A_132 = arith.constant 79 : i32
    "tpu.region"() ({
      %run_scoped3A_352 = tpu.sem_alloc : memref<!tpu.dma_semaphore, #tpu.memory_space<semaphore_mem>>
      %dma_start3A_353 = arith.constant 0 : i32
      %dma_start3A_354 = arith.constant 0 : i32
      %dma_start3A_355 = tpu.memref_slice %arg9[%run_scoped3A_131, %dma_start3A_353, %dma_start3A_354] : memref<2x128x64xf32, #tpu.memory_space<vmem>> -> memref<1x128x64xf32, #tpu.memory_space<vmem>>
      %dma_start3A_356 = tpu.memref_squeeze %dma_start3A_355 : memref<1x128x64xf32, #tpu.memory_space<vmem>> -> memref<128x64xf32, #tpu.memory_space<vmem>>
      %dma_start3A_357 = arith.constant 0 : i32
      %dma_start3A_358 = tpu.memref_slice %arg8[%run_scoped3A_132, %dma_start3A_357] : memref<80x128xi32, #tpu.memory_space<vmem>> -> memref<1x128xi32, #tpu.memory_space<vmem>>
      %dma_start3A_359 = tpu.memref_squeeze %dma_start3A_358 : memref<1x128xi32, #tpu.memory_space<vmem>> -> memref<128xi32, #tpu.memory_space<vmem>>
      %dma_start3A_360 = arith.constant 0 : i32
      %dma_start3A_361 = arith.constant 0 : i32
      %dma_start3A_362 = tpu.memref_slice %arg10[%dma_start3A_360, %dma_start3A_361] : memref<10240x64xf32, #tpu.memory_space<vmem_shared>> -> memref<10240x64xf32, #tpu.memory_space<vmem_shared>>
      tpu.enqueue_indirect_dma source(%dma_start3A_356 : memref<128x64xf32, #tpu.memory_space<vmem>>) target(%dma_start3A_362 : memref<10240x64xf32, #tpu.memory_space<vmem_shared>>) offsets(%dma_start3A_359 : memref<128xi32, #tpu.memory_space<vmem>>) semaphore(%run_scoped3A_352 : memref<!tpu.dma_semaphore, #tpu.memory_space<semaphore_mem>>) {add = true}
      %dma_wait3A_363 = arith.constant 0 : i32
      %dma_wait3A_364 = arith.constant 0 : i32
      %dma_wait3A_365 = tpu.memref_slice %arg9[%run_scoped3A_131, %dma_wait3A_363, %dma_wait3A_364] : memref<2x128x64xf32, #tpu.memory_space<vmem>> -> memref<1x128x64xf32, #tpu.memory_space<vmem>>
      %dma_wait3A_366 = tpu.memref_squeeze %dma_wait3A_365 : memref<1x128x64xf32, #tpu.memory_space<vmem>> -> memref<128x64xf32, #tpu.memory_space<vmem>>
      %dma_wait3A_367 = arith.constant 0 : i32
      %dma_wait3A_368 = tpu.memref_slice %arg8[%run_scoped3A_132, %dma_wait3A_367] : memref<80x128xi32, #tpu.memory_space<vmem>> -> memref<1x128xi32, #tpu.memory_space<vmem>>
      %dma_wait3A_369 = tpu.memref_squeeze %dma_wait3A_368 : memref<1x128xi32, #tpu.memory_space<vmem>> -> memref<128xi32, #tpu.memory_space<vmem>>
      %dma_wait3A_370 = arith.constant 0 : i32
      %dma_wait3A_371 = arith.constant 0 : i32
      %dma_wait3A_372 = tpu.memref_slice %arg10[%dma_wait3A_370, %dma_wait3A_371] : memref<10240x64xf32, #tpu.memory_space<vmem_shared>> -> memref<10240x64xf32, #tpu.memory_space<vmem_shared>>
      tpu.wait_indirect_dma semaphore(%run_scoped3A_352 : memref<!tpu.dma_semaphore, #tpu.memory_space<semaphore_mem>>) src(%dma_wait3A_366 : memref<128x64xf32, #tpu.memory_space<vmem>>) dst(%dma_wait3A_372 : memref<10240x64xf32, #tpu.memory_space<vmem_shared>>)
      tpu.yield
    }) : () -> ()
    %barrier3A_133 = arith.constant 0 : index
    tpu.barrier barrier_id(%barrier3A_133)
    %run_scoped3A_134 = arith.constant 1 : i32
    "tpu.region"() ({
      %run_scoped3A_352 = tpu.sem_alloc : memref<!tpu.dma_semaphore, #tpu.memory_space<semaphore_mem>>
      %dma_start3A_353 = arith.constant 0 : i32
      %dma_start3A_354 = tpu.memref_slice %arg6[%arg0, %run_scoped3A_134, %mul3A_0, %dma_start3A_353] : memref<2x5x10240x64xf32, #tpu.memory_space<hbm>> -> memref<1x1x640x64xf32, #tpu.memory_space<hbm>>
      %dma_start3A_355 = tpu.memref_squeeze %dma_start3A_354 : memref<1x1x640x64xf32, #tpu.memory_space<hbm>> -> memref<640x64xf32, #tpu.memory_space<hbm>>
      %dma_start3A_356 = arith.constant 0 : i32
      %dma_start3A_357 = tpu.memref_slice %arg10[%mul3A_0, %dma_start3A_356] : memref<10240x64xf32, #tpu.memory_space<vmem_shared>> -> memref<640x64xf32, #tpu.memory_space<vmem_shared>>
      tpu.enqueue_dma source(%dma_start3A_357 : memref<640x64xf32, #tpu.memory_space<vmem_shared>>) target(%dma_start3A_355 : memref<640x64xf32, #tpu.memory_space<hbm>>) target_semaphore(%run_scoped3A_352 : memref<!tpu.dma_semaphore, #tpu.memory_space<semaphore_mem>>)
      %dma_wait3A_358 = arith.constant 0 : i32
      %dma_wait3A_359 = tpu.memref_slice %arg6[%arg0, %run_scoped3A_134, %mul3A_0, %dma_wait3A_358] : memref<2x5x10240x64xf32, #tpu.memory_space<hbm>> -> memref<1x1x640x64xf32, #tpu.memory_space<hbm>>
      %dma_wait3A_360 = tpu.memref_squeeze %dma_wait3A_359 : memref<1x1x640x64xf32, #tpu.memory_space<hbm>> -> memref<640x64xf32, #tpu.memory_space<hbm>>
      %dma_wait3A_361 = arith.constant 0 : i32
      %dma_wait3A_362 = tpu.memref_slice %arg10[%mul3A_0, %dma_wait3A_361] : memref<10240x64xf32, #tpu.memory_space<vmem_shared>> -> memref<640x64xf32, #tpu.memory_space<vmem_shared>>
      tpu.wait_dma2 semaphore(%run_scoped3A_352 : memref<!tpu.dma_semaphore, #tpu.memory_space<semaphore_mem>>) src(%dma_wait3A_362 : memref<640x64xf32, #tpu.memory_space<vmem_shared>>) dst(%dma_wait3A_360 : memref<640x64xf32, #tpu.memory_space<hbm>>)
      tpu.yield
    }) : () -> ()
    %barrier3A_135 = arith.constant 0 : index
    tpu.barrier barrier_id(%barrier3A_135)
    %eq3A_136 = arith.constant 0 : i32
    %eq3A_137 = arith.cmpi eq, %arg0, %eq3A_136 : i32
    %convert_element_type3A_138 = arith.extui %eq3A_137 : i1 to i32
    %cond3A_139 = arith.constant 0 : i32
    %cond3A_140 = arith.cmpi ne, %convert_element_type3A_138, %cond3A_139 : i32
    scf.if %cond3A_140 {
      %mul3A_352 = arith.constant 640 : i32
      %mul3A_353 = arith.muli %arg1, %mul3A_352 : i32
      %add3A = arith.constant 20480 : i32
      %add3A_354 = arith.addi %add3A, %mul3A_353 : i32
      "tpu.region"() ({
        %run_scoped3A_355 = tpu.sem_alloc : memref<!tpu.dma_semaphore, #tpu.memory_space<semaphore_mem>>
        %dma_start3A_356 = arith.constant 0 : i32
        %dma_start3A_357 = tpu.memref_slice %arg10[%mul3A_0, %dma_start3A_356] : memref<10240x64xf32, #tpu.memory_space<vmem_shared>> -> memref<640x64xf32, #tpu.memory_space<vmem_shared>>
        %dma_start3A_358 = arith.constant 0 : i32
        %dma_start3A_359 = tpu.memref_slice %arg2[%add3A_354, %dma_start3A_358] : memref<102400x64xf32, #tpu.memory_space<hbm>> -> memref<640x64xf32, #tpu.memory_space<hbm>>
        tpu.enqueue_dma source(%dma_start3A_359 : memref<640x64xf32, #tpu.memory_space<hbm>>) target(%dma_start3A_357 : memref<640x64xf32, #tpu.memory_space<vmem_shared>>) target_semaphore(%run_scoped3A_355 : memref<!tpu.dma_semaphore, #tpu.memory_space<semaphore_mem>>)
        %dma_wait3A_360 = arith.constant 0 : i32
        %dma_wait3A_361 = tpu.memref_slice %arg10[%mul3A_0, %dma_wait3A_360] : memref<10240x64xf32, #tpu.memory_space<vmem_shared>> -> memref<640x64xf32, #tpu.memory_space<vmem_shared>>
        %dma_wait3A_362 = arith.constant 0 : i32
        %dma_wait3A_363 = tpu.memref_slice %arg2[%add3A_354, %dma_wait3A_362] : memref<102400x64xf32, #tpu.memory_space<hbm>> -> memref<640x64xf32, #tpu.memory_space<hbm>>
        tpu.wait_dma2 semaphore(%run_scoped3A_355 : memref<!tpu.dma_semaphore, #tpu.memory_space<semaphore_mem>>) src(%dma_wait3A_363 : memref<640x64xf32, #tpu.memory_space<hbm>>) dst(%dma_wait3A_361 : memref<640x64xf32, #tpu.memory_space<vmem_shared>>)
        tpu.yield
      }) : () -> ()
      "tpu.region"() ({
        %run_scoped3A_355 = tpu.sem_alloc : memref<!tpu.dma_semaphore, #tpu.memory_space<semaphore_mem>>
        %dma_start3A_356 = arith.constant 160 : i32
        %dma_start3A_357 = arith.constant 0 : i32
        %dma_start3A_358 = tpu.memref_slice %arg3[%arg1, %dma_start3A_356, %dma_start3A_357] : memref<16x400x128xi32, #tpu.memory_space<hbm>> -> memref<1x80x128xi32, #tpu.memory_space<hbm>>
        %dma_start3A_359 = tpu.memref_squeeze %dma_start3A_358 : memref<1x80x128xi32, #tpu.memory_space<hbm>> -> memref<80x128xi32, #tpu.memory_space<hbm>>
        %dma_start3A_360 = arith.constant 160 : i32
        %dma_start3A_361 = arith.constant 0 : i32
        %dma_start3A_362 = tpu.memref_slice %arg3[%arg1, %dma_start3A_360, %dma_start3A_361] : memref<16x400x128xi32, #tpu.memory_space<hbm>> -> memref<1x80x128xi32, #tpu.memory_space<hbm>>
        %dma_start3A_363 = tpu.memref_squeeze %dma_start3A_362 : memref<1x80x128xi32, #tpu.memory_space<hbm>> -> memref<80x128xi32, #tpu.memory_space<hbm>>
        tpu.enqueue_dma source(%dma_start3A_363 : memref<80x128xi32, #tpu.memory_space<hbm>>) target(%arg7 : memref<80x128xi32, #tpu.memory_space<vmem>>) target_semaphore(%run_scoped3A_355 : memref<!tpu.dma_semaphore, #tpu.memory_space<semaphore_mem>>)
        %dma_wait3A_364 = arith.constant 160 : i32
        %dma_wait3A_365 = arith.constant 0 : i32
        %dma_wait3A_366 = tpu.memref_slice %arg3[%arg1, %dma_wait3A_364, %dma_wait3A_365] : memref<16x400x128xi32, #tpu.memory_space<hbm>> -> memref<1x80x128xi32, #tpu.memory_space<hbm>>
        %dma_wait3A_367 = tpu.memref_squeeze %dma_wait3A_366 : memref<1x80x128xi32, #tpu.memory_space<hbm>> -> memref<80x128xi32, #tpu.memory_space<hbm>>
        %dma_wait3A_368 = arith.constant 160 : i32
        %dma_wait3A_369 = arith.constant 0 : i32
        %dma_wait3A_370 = tpu.memref_slice %arg3[%arg1, %dma_wait3A_368, %dma_wait3A_369] : memref<16x400x128xi32, #tpu.memory_space<hbm>> -> memref<1x80x128xi32, #tpu.memory_space<hbm>>
        %dma_wait3A_371 = tpu.memref_squeeze %dma_wait3A_370 : memref<1x80x128xi32, #tpu.memory_space<hbm>> -> memref<80x128xi32, #tpu.memory_space<hbm>>
        tpu.wait_dma2 semaphore(%run_scoped3A_355 : memref<!tpu.dma_semaphore, #tpu.memory_space<semaphore_mem>>) src(%dma_wait3A_371 : memref<80x128xi32, #tpu.memory_space<hbm>>) dst(%arg7 : memref<80x128xi32, #tpu.memory_space<vmem>>)
        tpu.yield
      }) : () -> ()
    } else {
    }
    %ne3A_141 = arith.constant 0 : i32
    %ne3A_142 = arith.cmpi ne, %arg0, %ne3A_141 : i32
    %convert_element_type3A_143 = arith.extui %ne3A_142 : i1 to i32
    %cond3A_144 = arith.constant 0 : i32
    %cond3A_145 = arith.cmpi ne, %convert_element_type3A_143, %cond3A_144 : i32
    scf.if %cond3A_145 {
      %mul3A_352 = arith.constant 640 : i32
      %mul3A_353 = arith.muli %arg1, %mul3A_352 : i32
      %add3A = arith.constant 71680 : i32
      %add3A_354 = arith.addi %add3A, %mul3A_353 : i32
      "tpu.region"() ({
        %run_scoped3A_355 = tpu.sem_alloc : memref<!tpu.dma_semaphore, #tpu.memory_space<semaphore_mem>>
        %dma_start3A_356 = arith.constant 0 : i32
        %dma_start3A_357 = tpu.memref_slice %arg10[%mul3A_0, %dma_start3A_356] : memref<10240x64xf32, #tpu.memory_space<vmem_shared>> -> memref<640x64xf32, #tpu.memory_space<vmem_shared>>
        %dma_start3A_358 = arith.constant 0 : i32
        %dma_start3A_359 = tpu.memref_slice %arg2[%add3A_354, %dma_start3A_358] : memref<102400x64xf32, #tpu.memory_space<hbm>> -> memref<640x64xf32, #tpu.memory_space<hbm>>
        tpu.enqueue_dma source(%dma_start3A_359 : memref<640x64xf32, #tpu.memory_space<hbm>>) target(%dma_start3A_357 : memref<640x64xf32, #tpu.memory_space<vmem_shared>>) target_semaphore(%run_scoped3A_355 : memref<!tpu.dma_semaphore, #tpu.memory_space<semaphore_mem>>)
        %dma_wait3A_360 = arith.constant 0 : i32
        %dma_wait3A_361 = tpu.memref_slice %arg10[%mul3A_0, %dma_wait3A_360] : memref<10240x64xf32, #tpu.memory_space<vmem_shared>> -> memref<640x64xf32, #tpu.memory_space<vmem_shared>>
        %dma_wait3A_362 = arith.constant 0 : i32
        %dma_wait3A_363 = tpu.memref_slice %arg2[%add3A_354, %dma_wait3A_362] : memref<102400x64xf32, #tpu.memory_space<hbm>> -> memref<640x64xf32, #tpu.memory_space<hbm>>
        tpu.wait_dma2 semaphore(%run_scoped3A_355 : memref<!tpu.dma_semaphore, #tpu.memory_space<semaphore_mem>>) src(%dma_wait3A_363 : memref<640x64xf32, #tpu.memory_space<hbm>>) dst(%dma_wait3A_361 : memref<640x64xf32, #tpu.memory_space<vmem_shared>>)
        tpu.yield
      }) : () -> ()
      "tpu.region"() ({
        %run_scoped3A_355 = tpu.sem_alloc : memref<!tpu.dma_semaphore, #tpu.memory_space<semaphore_mem>>
        %dma_start3A_356 = arith.constant 160 : i32
        %dma_start3A_357 = arith.constant 0 : i32
        %dma_start3A_358 = tpu.memref_slice %arg4[%arg1, %dma_start3A_356, %dma_start3A_357] : memref<16x400x128xi32, #tpu.memory_space<hbm>> -> memref<1x80x128xi32, #tpu.memory_space<hbm>>
        %dma_start3A_359 = tpu.memref_squeeze %dma_start3A_358 : memref<1x80x128xi32, #tpu.memory_space<hbm>> -> memref<80x128xi32, #tpu.memory_space<hbm>>
        %dma_start3A_360 = arith.constant 160 : i32
        %dma_start3A_361 = arith.constant 0 : i32
        %dma_start3A_362 = tpu.memref_slice %arg4[%arg1, %dma_start3A_360, %dma_start3A_361] : memref<16x400x128xi32, #tpu.memory_space<hbm>> -> memref<1x80x128xi32, #tpu.memory_space<hbm>>
        %dma_start3A_363 = tpu.memref_squeeze %dma_start3A_362 : memref<1x80x128xi32, #tpu.memory_space<hbm>> -> memref<80x128xi32, #tpu.memory_space<hbm>>
        tpu.enqueue_dma source(%dma_start3A_363 : memref<80x128xi32, #tpu.memory_space<hbm>>) target(%arg7 : memref<80x128xi32, #tpu.memory_space<vmem>>) target_semaphore(%run_scoped3A_355 : memref<!tpu.dma_semaphore, #tpu.memory_space<semaphore_mem>>)
        %dma_wait3A_364 = arith.constant 160 : i32
        %dma_wait3A_365 = arith.constant 0 : i32
        %dma_wait3A_366 = tpu.memref_slice %arg4[%arg1, %dma_wait3A_364, %dma_wait3A_365] : memref<16x400x128xi32, #tpu.memory_space<hbm>> -> memref<1x80x128xi32, #tpu.memory_space<hbm>>
        %dma_wait3A_367 = tpu.memref_squeeze %dma_wait3A_366 : memref<1x80x128xi32, #tpu.memory_space<hbm>> -> memref<80x128xi32, #tpu.memory_space<hbm>>
        %dma_wait3A_368 = arith.constant 160 : i32
        %dma_wait3A_369 = arith.constant 0 : i32
        %dma_wait3A_370 = tpu.memref_slice %arg4[%arg1, %dma_wait3A_368, %dma_wait3A_369] : memref<16x400x128xi32, #tpu.memory_space<hbm>> -> memref<1x80x128xi32, #tpu.memory_space<hbm>>
        %dma_wait3A_371 = tpu.memref_squeeze %dma_wait3A_370 : memref<1x80x128xi32, #tpu.memory_space<hbm>> -> memref<80x128xi32, #tpu.memory_space<hbm>>
        tpu.wait_dma2 semaphore(%run_scoped3A_355 : memref<!tpu.dma_semaphore, #tpu.memory_space<semaphore_mem>>) src(%dma_wait3A_371 : memref<80x128xi32, #tpu.memory_space<hbm>>) dst(%arg7 : memref<80x128xi32, #tpu.memory_space<vmem>>)
        tpu.yield
      }) : () -> ()
    } else {
    }
    "tpu.region"() ({
      %run_scoped3A_352 = tpu.sem_alloc : memref<!tpu.dma_semaphore, #tpu.memory_space<semaphore_mem>>
      %dma_start3A_353 = arith.constant 160 : i32
      %dma_start3A_354 = arith.constant 0 : i32
      %dma_start3A_355 = tpu.memref_slice %arg5[%arg1, %dma_start3A_353, %dma_start3A_354] : memref<16x400x128xi32, #tpu.memory_space<hbm>> -> memref<1x80x128xi32, #tpu.memory_space<hbm>>
      %dma_start3A_356 = tpu.memref_squeeze %dma_start3A_355 : memref<1x80x128xi32, #tpu.memory_space<hbm>> -> memref<80x128xi32, #tpu.memory_space<hbm>>
      %dma_start3A_357 = arith.constant 160 : i32
      %dma_start3A_358 = arith.constant 0 : i32
      %dma_start3A_359 = tpu.memref_slice %arg5[%arg1, %dma_start3A_357, %dma_start3A_358] : memref<16x400x128xi32, #tpu.memory_space<hbm>> -> memref<1x80x128xi32, #tpu.memory_space<hbm>>
      %dma_start3A_360 = tpu.memref_squeeze %dma_start3A_359 : memref<1x80x128xi32, #tpu.memory_space<hbm>> -> memref<80x128xi32, #tpu.memory_space<hbm>>
      tpu.enqueue_dma source(%dma_start3A_360 : memref<80x128xi32, #tpu.memory_space<hbm>>) target(%arg8 : memref<80x128xi32, #tpu.memory_space<vmem>>) target_semaphore(%run_scoped3A_352 : memref<!tpu.dma_semaphore, #tpu.memory_space<semaphore_mem>>)
      %dma_wait3A_361 = arith.constant 160 : i32
      %dma_wait3A_362 = arith.constant 0 : i32
      %dma_wait3A_363 = tpu.memref_slice %arg5[%arg1, %dma_wait3A_361, %dma_wait3A_362] : memref<16x400x128xi32, #tpu.memory_space<hbm>> -> memref<1x80x128xi32, #tpu.memory_space<hbm>>
      %dma_wait3A_364 = tpu.memref_squeeze %dma_wait3A_363 : memref<1x80x128xi32, #tpu.memory_space<hbm>> -> memref<80x128xi32, #tpu.memory_space<hbm>>
      %dma_wait3A_365 = arith.constant 160 : i32
      %dma_wait3A_366 = arith.constant 0 : i32
      %dma_wait3A_367 = tpu.memref_slice %arg5[%arg1, %dma_wait3A_365, %dma_wait3A_366] : memref<16x400x128xi32, #tpu.memory_space<hbm>> -> memref<1x80x128xi32, #tpu.memory_space<hbm>>
      %dma_wait3A_368 = tpu.memref_squeeze %dma_wait3A_367 : memref<1x80x128xi32, #tpu.memory_space<hbm>> -> memref<80x128xi32, #tpu.memory_space<hbm>>
      tpu.wait_dma2 semaphore(%run_scoped3A_352 : memref<!tpu.dma_semaphore, #tpu.memory_space<semaphore_mem>>) src(%dma_wait3A_368 : memref<80x128xi32, #tpu.memory_space<hbm>>) dst(%arg8 : memref<80x128xi32, #tpu.memory_space<vmem>>)
      tpu.yield
    }) : () -> ()
    %barrier3A_146 = arith.constant 0 : index
    tpu.barrier barrier_id(%barrier3A_146)
    %dma_start3A_147 = arith.constant 0 : i32
    %dma_start3A_148 = arith.constant 0 : i32
    %dma_start3A_149 = arith.constant 0 : i32
    %dma_start3A_150 = arith.constant 0 : i32
    %dma_start3A_151 = tpu.memref_slice %arg9[%dma_start3A_148, %dma_start3A_149, %dma_start3A_150] : memref<2x128x64xf32, #tpu.memory_space<vmem>> -> memref<1x128x64xf32, #tpu.memory_space<vmem>>
    %dma_start3A_152 = tpu.memref_squeeze %dma_start3A_151 : memref<1x128x64xf32, #tpu.memory_space<vmem>> -> memref<128x64xf32, #tpu.memory_space<vmem>>
    %dma_start3A_153 = arith.constant 0 : i32
    %dma_start3A_154 = tpu.memref_slice %arg7[%dma_start3A_147, %dma_start3A_153] : memref<80x128xi32, #tpu.memory_space<vmem>> -> memref<1x128xi32, #tpu.memory_space<vmem>>
    %dma_start3A_155 = tpu.memref_squeeze %dma_start3A_154 : memref<1x128xi32, #tpu.memory_space<vmem>> -> memref<128xi32, #tpu.memory_space<vmem>>
    %dma_start3A_156 = arith.constant 0 : i32
    %dma_start3A_157 = arith.constant 0 : i32
    %dma_start3A_158 = tpu.memref_slice %arg2[%dma_start3A_156, %dma_start3A_157] : memref<102400x64xf32, #tpu.memory_space<hbm>> -> memref<102400x64xf32, #tpu.memory_space<hbm>>
    tpu.enqueue_indirect_dma source(%dma_start3A_158 : memref<102400x64xf32, #tpu.memory_space<hbm>>) target(%dma_start3A_152 : memref<128x64xf32, #tpu.memory_space<vmem>>) offsets(%dma_start3A_155 : memref<128xi32, #tpu.memory_space<vmem>>) semaphore(%arg11 : memref<!tpu.dma_semaphore, #tpu.memory_space<semaphore_mem>>)
    %dma_start3A_159 = arith.constant 1 : i32
    %dma_start3A_160 = arith.constant 1 : i32
    %dma_start3A_161 = arith.constant 0 : i32
    %dma_start3A_162 = arith.constant 0 : i32
    %dma_start3A_163 = tpu.memref_slice %arg9[%dma_start3A_160, %dma_start3A_161, %dma_start3A_162] : memref<2x128x64xf32, #tpu.memory_space<vmem>> -> memref<1x128x64xf32, #tpu.memory_space<vmem>>
    %dma_start3A_164 = tpu.memref_squeeze %dma_start3A_163 : memref<1x128x64xf32, #tpu.memory_space<vmem>> -> memref<128x64xf32, #tpu.memory_space<vmem>>
    %dma_start3A_165 = arith.constant 0 : i32
    %dma_start3A_166 = tpu.memref_slice %arg7[%dma_start3A_159, %dma_start3A_165] : memref<80x128xi32, #tpu.memory_space<vmem>> -> memref<1x128xi32, #tpu.memory_space<vmem>>
    %dma_start3A_167 = tpu.memref_squeeze %dma_start3A_166 : memref<1x128xi32, #tpu.memory_space<vmem>> -> memref<128xi32, #tpu.memory_space<vmem>>
    %dma_start3A_168 = arith.constant 0 : i32
    %dma_start3A_169 = arith.constant 0 : i32
    %dma_start3A_170 = tpu.memref_slice %arg2[%dma_start3A_168, %dma_start3A_169] : memref<102400x64xf32, #tpu.memory_space<hbm>> -> memref<102400x64xf32, #tpu.memory_space<hbm>>
    tpu.enqueue_indirect_dma source(%dma_start3A_170 : memref<102400x64xf32, #tpu.memory_space<hbm>>) target(%dma_start3A_164 : memref<128x64xf32, #tpu.memory_space<vmem>>) offsets(%dma_start3A_167 : memref<128xi32, #tpu.memory_space<vmem>>) semaphore(%arg12 : memref<!tpu.dma_semaphore, #tpu.memory_space<semaphore_mem>>)
    %scan3A_171 = arith.constant 0 : i32
    %scan3A_172 = arith.constant 0 : i32
    %scan3A_173 = arith.constant 39 : i32
    %scan3A_174 = arith.addi %scan3A_172, %scan3A_173 : i32
    %scan3A_175 = arith.constant 1 : i32
    scf.for %scan3A_352 = %scan3A_172 to %scan3A_174 step %scan3A_175  : i32 {
      %mul3A_353 = arith.constant 2 : i32
      %mul3A_354 = arith.muli %mul3A_353, %scan3A_352 : i32
      %add3A = arith.constant 1 : i32
      %add3A_355 = arith.addi %mul3A_354, %add3A : i32
      %dma_wait3A_356 = arith.constant 0 : i32
      %dma_wait3A_357 = arith.constant 0 : i32
      %dma_wait3A_358 = arith.constant 0 : i32
      %dma_wait3A_359 = tpu.memref_slice %arg9[%dma_wait3A_356, %dma_wait3A_357, %dma_wait3A_358] : memref<2x128x64xf32, #tpu.memory_space<vmem>> -> memref<1x128x64xf32, #tpu.memory_space<vmem>>
      %dma_wait3A_360 = tpu.memref_squeeze %dma_wait3A_359 : memref<1x128x64xf32, #tpu.memory_space<vmem>> -> memref<128x64xf32, #tpu.memory_space<vmem>>
      %dma_wait3A_361 = arith.constant 0 : i32
      %dma_wait3A_362 = tpu.memref_slice %arg7[%mul3A_354, %dma_wait3A_361] : memref<80x128xi32, #tpu.memory_space<vmem>> -> memref<1x128xi32, #tpu.memory_space<vmem>>
      %dma_wait3A_363 = tpu.memref_squeeze %dma_wait3A_362 : memref<1x128xi32, #tpu.memory_space<vmem>> -> memref<128xi32, #tpu.memory_space<vmem>>
      %dma_wait3A_364 = arith.constant 0 : i32
      %dma_wait3A_365 = arith.constant 0 : i32
      %dma_wait3A_366 = tpu.memref_slice %arg2[%dma_wait3A_364, %dma_wait3A_365] : memref<102400x64xf32, #tpu.memory_space<hbm>> -> memref<102400x64xf32, #tpu.memory_space<hbm>>
      tpu.wait_indirect_dma semaphore(%arg11 : memref<!tpu.dma_semaphore, #tpu.memory_space<semaphore_mem>>) src(%dma_wait3A_366 : memref<102400x64xf32, #tpu.memory_space<hbm>>) dst(%dma_wait3A_360 : memref<128x64xf32, #tpu.memory_space<vmem>>)
      %run_scoped3A_367 = arith.constant 0 : i32
      "tpu.region"() ({
        %run_scoped3A_406 = tpu.sem_alloc : memref<!tpu.dma_semaphore, #tpu.memory_space<semaphore_mem>>
        %dma_start3A_407 = arith.constant 0 : i32
        %dma_start3A_408 = arith.constant 0 : i32
        %dma_start3A_409 = tpu.memref_slice %arg9[%run_scoped3A_367, %dma_start3A_407, %dma_start3A_408] : memref<2x128x64xf32, #tpu.memory_space<vmem>> -> memref<1x128x64xf32, #tpu.memory_space<vmem>>
        %dma_start3A_410 = tpu.memref_squeeze %dma_start3A_409 : memref<1x128x64xf32, #tpu.memory_space<vmem>> -> memref<128x64xf32, #tpu.memory_space<vmem>>
        %dma_start3A_411 = arith.constant 0 : i32
        %dma_start3A_412 = tpu.memref_slice %arg8[%mul3A_354, %dma_start3A_411] : memref<80x128xi32, #tpu.memory_space<vmem>> -> memref<1x128xi32, #tpu.memory_space<vmem>>
        %dma_start3A_413 = tpu.memref_squeeze %dma_start3A_412 : memref<1x128xi32, #tpu.memory_space<vmem>> -> memref<128xi32, #tpu.memory_space<vmem>>
        %dma_start3A_414 = arith.constant 0 : i32
        %dma_start3A_415 = arith.constant 0 : i32
        %dma_start3A_416 = tpu.memref_slice %arg10[%dma_start3A_414, %dma_start3A_415] : memref<10240x64xf32, #tpu.memory_space<vmem_shared>> -> memref<10240x64xf32, #tpu.memory_space<vmem_shared>>
        tpu.enqueue_indirect_dma source(%dma_start3A_410 : memref<128x64xf32, #tpu.memory_space<vmem>>) target(%dma_start3A_416 : memref<10240x64xf32, #tpu.memory_space<vmem_shared>>) offsets(%dma_start3A_413 : memref<128xi32, #tpu.memory_space<vmem>>) semaphore(%run_scoped3A_406 : memref<!tpu.dma_semaphore, #tpu.memory_space<semaphore_mem>>) {add = true}
        %dma_wait3A_417 = arith.constant 0 : i32
        %dma_wait3A_418 = arith.constant 0 : i32
        %dma_wait3A_419 = tpu.memref_slice %arg9[%run_scoped3A_367, %dma_wait3A_417, %dma_wait3A_418] : memref<2x128x64xf32, #tpu.memory_space<vmem>> -> memref<1x128x64xf32, #tpu.memory_space<vmem>>
        %dma_wait3A_420 = tpu.memref_squeeze %dma_wait3A_419 : memref<1x128x64xf32, #tpu.memory_space<vmem>> -> memref<128x64xf32, #tpu.memory_space<vmem>>
        %dma_wait3A_421 = arith.constant 0 : i32
        %dma_wait3A_422 = tpu.memref_slice %arg8[%mul3A_354, %dma_wait3A_421] : memref<80x128xi32, #tpu.memory_space<vmem>> -> memref<1x128xi32, #tpu.memory_space<vmem>>
        %dma_wait3A_423 = tpu.memref_squeeze %dma_wait3A_422 : memref<1x128xi32, #tpu.memory_space<vmem>> -> memref<128xi32, #tpu.memory_space<vmem>>
        %dma_wait3A_424 = arith.constant 0 : i32
        %dma_wait3A_425 = arith.constant 0 : i32
        %dma_wait3A_426 = tpu.memref_slice %arg10[%dma_wait3A_424, %dma_wait3A_425] : memref<10240x64xf32, #tpu.memory_space<vmem_shared>> -> memref<10240x64xf32, #tpu.memory_space<vmem_shared>>
        tpu.wait_indirect_dma semaphore(%run_scoped3A_406 : memref<!tpu.dma_semaphore, #tpu.memory_space<semaphore_mem>>) src(%dma_wait3A_420 : memref<128x64xf32, #tpu.memory_space<vmem>>) dst(%dma_wait3A_426 : memref<10240x64xf32, #tpu.memory_space<vmem_shared>>)
        tpu.yield
      }) : () -> ()
      %add3A_368 = arith.constant 2 : i32
      %add3A_369 = arith.addi %mul3A_354, %add3A_368 : i32
      %dma_start3A_370 = arith.constant 0 : i32
      %dma_start3A_371 = arith.constant 0 : i32
      %dma_start3A_372 = arith.constant 0 : i32
      %dma_start3A_373 = tpu.memref_slice %arg9[%dma_start3A_370, %dma_start3A_371, %dma_start3A_372] : memref<2x128x64xf32, #tpu.memory_space<vmem>> -> memref<1x128x64xf32, #tpu.memory_space<vmem>>
      %dma_start3A_374 = tpu.memref_squeeze %dma_start3A_373 : memref<1x128x64xf32, #tpu.memory_space<vmem>> -> memref<128x64xf32, #tpu.memory_space<vmem>>
      %dma_start3A_375 = arith.constant 0 : i32
      %dma_start3A_376 = tpu.memref_slice %arg7[%add3A_369, %dma_start3A_375] : memref<80x128xi32, #tpu.memory_space<vmem>> -> memref<1x128xi32, #tpu.memory_space<vmem>>
      %dma_start3A_377 = tpu.memref_squeeze %dma_start3A_376 : memref<1x128xi32, #tpu.memory_space<vmem>> -> memref<128xi32, #tpu.memory_space<vmem>>
      %dma_start3A_378 = arith.constant 0 : i32
      %dma_start3A_379 = arith.constant 0 : i32
      %dma_start3A_380 = tpu.memref_slice %arg2[%dma_start3A_378, %dma_start3A_379] : memref<102400x64xf32, #tpu.memory_space<hbm>> -> memref<102400x64xf32, #tpu.memory_space<hbm>>
      tpu.enqueue_indirect_dma source(%dma_start3A_380 : memref<102400x64xf32, #tpu.memory_space<hbm>>) target(%dma_start3A_374 : memref<128x64xf32, #tpu.memory_space<vmem>>) offsets(%dma_start3A_377 : memref<128xi32, #tpu.memory_space<vmem>>) semaphore(%arg11 : memref<!tpu.dma_semaphore, #tpu.memory_space<semaphore_mem>>)
      %dma_wait3A_381 = arith.constant 1 : i32
      %dma_wait3A_382 = arith.constant 0 : i32
      %dma_wait3A_383 = arith.constant 0 : i32
      %dma_wait3A_384 = tpu.memref_slice %arg9[%dma_wait3A_381, %dma_wait3A_382, %dma_wait3A_383] : memref<2x128x64xf32, #tpu.memory_space<vmem>> -> memref<1x128x64xf32, #tpu.memory_space<vmem>>
      %dma_wait3A_385 = tpu.memref_squeeze %dma_wait3A_384 : memref<1x128x64xf32, #tpu.memory_space<vmem>> -> memref<128x64xf32, #tpu.memory_space<vmem>>
      %dma_wait3A_386 = arith.constant 0 : i32
      %dma_wait3A_387 = tpu.memref_slice %arg7[%add3A_355, %dma_wait3A_386] : memref<80x128xi32, #tpu.memory_space<vmem>> -> memref<1x128xi32, #tpu.memory_space<vmem>>
      %dma_wait3A_388 = tpu.memref_squeeze %dma_wait3A_387 : memref<1x128xi32, #tpu.memory_space<vmem>> -> memref<128xi32, #tpu.memory_space<vmem>>
      %dma_wait3A_389 = arith.constant 0 : i32
      %dma_wait3A_390 = arith.constant 0 : i32
      %dma_wait3A_391 = tpu.memref_slice %arg2[%dma_wait3A_389, %dma_wait3A_390] : memref<102400x64xf32, #tpu.memory_space<hbm>> -> memref<102400x64xf32, #tpu.memory_space<hbm>>
      tpu.wait_indirect_dma semaphore(%arg12 : memref<!tpu.dma_semaphore, #tpu.memory_space<semaphore_mem>>) src(%dma_wait3A_391 : memref<102400x64xf32, #tpu.memory_space<hbm>>) dst(%dma_wait3A_385 : memref<128x64xf32, #tpu.memory_space<vmem>>)
      %run_scoped3A_392 = arith.constant 1 : i32
      "tpu.region"() ({
        %run_scoped3A_406 = tpu.sem_alloc : memref<!tpu.dma_semaphore, #tpu.memory_space<semaphore_mem>>
        %dma_start3A_407 = arith.constant 0 : i32
        %dma_start3A_408 = arith.constant 0 : i32
        %dma_start3A_409 = tpu.memref_slice %arg9[%run_scoped3A_392, %dma_start3A_407, %dma_start3A_408] : memref<2x128x64xf32, #tpu.memory_space<vmem>> -> memref<1x128x64xf32, #tpu.memory_space<vmem>>
        %dma_start3A_410 = tpu.memref_squeeze %dma_start3A_409 : memref<1x128x64xf32, #tpu.memory_space<vmem>> -> memref<128x64xf32, #tpu.memory_space<vmem>>
        %dma_start3A_411 = arith.constant 0 : i32
        %dma_start3A_412 = tpu.memref_slice %arg8[%add3A_355, %dma_start3A_411] : memref<80x128xi32, #tpu.memory_space<vmem>> -> memref<1x128xi32, #tpu.memory_space<vmem>>
        %dma_start3A_413 = tpu.memref_squeeze %dma_start3A_412 : memref<1x128xi32, #tpu.memory_space<vmem>> -> memref<128xi32, #tpu.memory_space<vmem>>
        %dma_start3A_414 = arith.constant 0 : i32
        %dma_start3A_415 = arith.constant 0 : i32
        %dma_start3A_416 = tpu.memref_slice %arg10[%dma_start3A_414, %dma_start3A_415] : memref<10240x64xf32, #tpu.memory_space<vmem_shared>> -> memref<10240x64xf32, #tpu.memory_space<vmem_shared>>
        tpu.enqueue_indirect_dma source(%dma_start3A_410 : memref<128x64xf32, #tpu.memory_space<vmem>>) target(%dma_start3A_416 : memref<10240x64xf32, #tpu.memory_space<vmem_shared>>) offsets(%dma_start3A_413 : memref<128xi32, #tpu.memory_space<vmem>>) semaphore(%run_scoped3A_406 : memref<!tpu.dma_semaphore, #tpu.memory_space<semaphore_mem>>) {add = true}
        %dma_wait3A_417 = arith.constant 0 : i32
        %dma_wait3A_418 = arith.constant 0 : i32
        %dma_wait3A_419 = tpu.memref_slice %arg9[%run_scoped3A_392, %dma_wait3A_417, %dma_wait3A_418] : memref<2x128x64xf32, #tpu.memory_space<vmem>> -> memref<1x128x64xf32, #tpu.memory_space<vmem>>
        %dma_wait3A_420 = tpu.memref_squeeze %dma_wait3A_419 : memref<1x128x64xf32, #tpu.memory_space<vmem>> -> memref<128x64xf32, #tpu.memory_space<vmem>>
        %dma_wait3A_421 = arith.constant 0 : i32
        %dma_wait3A_422 = tpu.memref_slice %arg8[%add3A_355, %dma_wait3A_421] : memref<80x128xi32, #tpu.memory_space<vmem>> -> memref<1x128xi32, #tpu.memory_space<vmem>>
        %dma_wait3A_423 = tpu.memref_squeeze %dma_wait3A_422 : memref<1x128xi32, #tpu.memory_space<vmem>> -> memref<128xi32, #tpu.memory_space<vmem>>
        %dma_wait3A_424 = arith.constant 0 : i32
        %dma_wait3A_425 = arith.constant 0 : i32
        %dma_wait3A_426 = tpu.memref_slice %arg10[%dma_wait3A_424, %dma_wait3A_425] : memref<10240x64xf32, #tpu.memory_space<vmem_shared>> -> memref<10240x64xf32, #tpu.memory_space<vmem_shared>>
        tpu.wait_indirect_dma semaphore(%run_scoped3A_406 : memref<!tpu.dma_semaphore, #tpu.memory_space<semaphore_mem>>) src(%dma_wait3A_420 : memref<128x64xf32, #tpu.memory_space<vmem>>) dst(%dma_wait3A_426 : memref<10240x64xf32, #tpu.memory_space<vmem_shared>>)
        tpu.yield
      }) : () -> ()
      %add3A_393 = arith.constant 2 : i32
      %add3A_394 = arith.addi %add3A_355, %add3A_393 : i32
      %dma_start3A_395 = arith.constant 1 : i32
      %dma_start3A_396 = arith.constant 0 : i32
      %dma_start3A_397 = arith.constant 0 : i32
      %dma_start3A_398 = tpu.memref_slice %arg9[%dma_start3A_395, %dma_start3A_396, %dma_start3A_397] : memref<2x128x64xf32, #tpu.memory_space<vmem>> -> memref<1x128x64xf32, #tpu.memory_space<vmem>>
      %dma_start3A_399 = tpu.memref_squeeze %dma_start3A_398 : memref<1x128x64xf32, #tpu.memory_space<vmem>> -> memref<128x64xf32, #tpu.memory_space<vmem>>
      %dma_start3A_400 = arith.constant 0 : i32
      %dma_start3A_401 = tpu.memref_slice %arg7[%add3A_394, %dma_start3A_400] : memref<80x128xi32, #tpu.memory_space<vmem>> -> memref<1x128xi32, #tpu.memory_space<vmem>>
      %dma_start3A_402 = tpu.memref_squeeze %dma_start3A_401 : memref<1x128xi32, #tpu.memory_space<vmem>> -> memref<128xi32, #tpu.memory_space<vmem>>
      %dma_start3A_403 = arith.constant 0 : i32
      %dma_start3A_404 = arith.constant 0 : i32
      %dma_start3A_405 = tpu.memref_slice %arg2[%dma_start3A_403, %dma_start3A_404] : memref<102400x64xf32, #tpu.memory_space<hbm>> -> memref<102400x64xf32, #tpu.memory_space<hbm>>
      tpu.enqueue_indirect_dma source(%dma_start3A_405 : memref<102400x64xf32, #tpu.memory_space<hbm>>) target(%dma_start3A_399 : memref<128x64xf32, #tpu.memory_space<vmem>>) offsets(%dma_start3A_402 : memref<128xi32, #tpu.memory_space<vmem>>) semaphore(%arg12 : memref<!tpu.dma_semaphore, #tpu.memory_space<semaphore_mem>>)
    }
    %scan3A_176 = arith.constant 39 : i32
    %dma_wait3A_177 = arith.constant 78 : i32
    %dma_wait3A_178 = arith.constant 0 : i32
    %dma_wait3A_179 = arith.constant 0 : i32
    %dma_wait3A_180 = arith.constant 0 : i32
    %dma_wait3A_181 = tpu.memref_slice %arg9[%dma_wait3A_178, %dma_wait3A_179, %dma_wait3A_180] : memref<2x128x64xf32, #tpu.memory_space<vmem>> -> memref<1x128x64xf32, #tpu.memory_space<vmem>>
    %dma_wait3A_182 = tpu.memref_squeeze %dma_wait3A_181 : memref<1x128x64xf32, #tpu.memory_space<vmem>> -> memref<128x64xf32, #tpu.memory_space<vmem>>
    %dma_wait3A_183 = arith.constant 0 : i32
    %dma_wait3A_184 = tpu.memref_slice %arg7[%dma_wait3A_177, %dma_wait3A_183] : memref<80x128xi32, #tpu.memory_space<vmem>> -> memref<1x128xi32, #tpu.memory_space<vmem>>
    %dma_wait3A_185 = tpu.memref_squeeze %dma_wait3A_184 : memref<1x128xi32, #tpu.memory_space<vmem>> -> memref<128xi32, #tpu.memory_space<vmem>>
    %dma_wait3A_186 = arith.constant 0 : i32
    %dma_wait3A_187 = arith.constant 0 : i32
    %dma_wait3A_188 = tpu.memref_slice %arg2[%dma_wait3A_186, %dma_wait3A_187] : memref<102400x64xf32, #tpu.memory_space<hbm>> -> memref<102400x64xf32, #tpu.memory_space<hbm>>
    tpu.wait_indirect_dma semaphore(%arg11 : memref<!tpu.dma_semaphore, #tpu.memory_space<semaphore_mem>>) src(%dma_wait3A_188 : memref<102400x64xf32, #tpu.memory_space<hbm>>) dst(%dma_wait3A_182 : memref<128x64xf32, #tpu.memory_space<vmem>>)
    %run_scoped3A_189 = arith.constant 0 : i32
    %run_scoped3A_190 = arith.constant 78 : i32
    "tpu.region"() ({
      %run_scoped3A_352 = tpu.sem_alloc : memref<!tpu.dma_semaphore, #tpu.memory_space<semaphore_mem>>
      %dma_start3A_353 = arith.constant 0 : i32
      %dma_start3A_354 = arith.constant 0 : i32
      %dma_start3A_355 = tpu.memref_slice %arg9[%run_scoped3A_189, %dma_start3A_353, %dma_start3A_354] : memref<2x128x64xf32, #tpu.memory_space<vmem>> -> memref<1x128x64xf32, #tpu.memory_space<vmem>>
      %dma_start3A_356 = tpu.memref_squeeze %dma_start3A_355 : memref<1x128x64xf32, #tpu.memory_space<vmem>> -> memref<128x64xf32, #tpu.memory_space<vmem>>
      %dma_start3A_357 = arith.constant 0 : i32
      %dma_start3A_358 = tpu.memref_slice %arg8[%run_scoped3A_190, %dma_start3A_357] : memref<80x128xi32, #tpu.memory_space<vmem>> -> memref<1x128xi32, #tpu.memory_space<vmem>>
      %dma_start3A_359 = tpu.memref_squeeze %dma_start3A_358 : memref<1x128xi32, #tpu.memory_space<vmem>> -> memref<128xi32, #tpu.memory_space<vmem>>
      %dma_start3A_360 = arith.constant 0 : i32
      %dma_start3A_361 = arith.constant 0 : i32
      %dma_start3A_362 = tpu.memref_slice %arg10[%dma_start3A_360, %dma_start3A_361] : memref<10240x64xf32, #tpu.memory_space<vmem_shared>> -> memref<10240x64xf32, #tpu.memory_space<vmem_shared>>
      tpu.enqueue_indirect_dma source(%dma_start3A_356 : memref<128x64xf32, #tpu.memory_space<vmem>>) target(%dma_start3A_362 : memref<10240x64xf32, #tpu.memory_space<vmem_shared>>) offsets(%dma_start3A_359 : memref<128xi32, #tpu.memory_space<vmem>>) semaphore(%run_scoped3A_352 : memref<!tpu.dma_semaphore, #tpu.memory_space<semaphore_mem>>) {add = true}
      %dma_wait3A_363 = arith.constant 0 : i32
      %dma_wait3A_364 = arith.constant 0 : i32
      %dma_wait3A_365 = tpu.memref_slice %arg9[%run_scoped3A_189, %dma_wait3A_363, %dma_wait3A_364] : memref<2x128x64xf32, #tpu.memory_space<vmem>> -> memref<1x128x64xf32, #tpu.memory_space<vmem>>
      %dma_wait3A_366 = tpu.memref_squeeze %dma_wait3A_365 : memref<1x128x64xf32, #tpu.memory_space<vmem>> -> memref<128x64xf32, #tpu.memory_space<vmem>>
      %dma_wait3A_367 = arith.constant 0 : i32
      %dma_wait3A_368 = tpu.memref_slice %arg8[%run_scoped3A_190, %dma_wait3A_367] : memref<80x128xi32, #tpu.memory_space<vmem>> -> memref<1x128xi32, #tpu.memory_space<vmem>>
      %dma_wait3A_369 = tpu.memref_squeeze %dma_wait3A_368 : memref<1x128xi32, #tpu.memory_space<vmem>> -> memref<128xi32, #tpu.memory_space<vmem>>
      %dma_wait3A_370 = arith.constant 0 : i32
      %dma_wait3A_371 = arith.constant 0 : i32
      %dma_wait3A_372 = tpu.memref_slice %arg10[%dma_wait3A_370, %dma_wait3A_371] : memref<10240x64xf32, #tpu.memory_space<vmem_shared>> -> memref<10240x64xf32, #tpu.memory_space<vmem_shared>>
      tpu.wait_indirect_dma semaphore(%run_scoped3A_352 : memref<!tpu.dma_semaphore, #tpu.memory_space<semaphore_mem>>) src(%dma_wait3A_366 : memref<128x64xf32, #tpu.memory_space<vmem>>) dst(%dma_wait3A_372 : memref<10240x64xf32, #tpu.memory_space<vmem_shared>>)
      tpu.yield
    }) : () -> ()
    %dma_wait3A_191 = arith.constant 79 : i32
    %dma_wait3A_192 = arith.constant 1 : i32
    %dma_wait3A_193 = arith.constant 0 : i32
    %dma_wait3A_194 = arith.constant 0 : i32
    %dma_wait3A_195 = tpu.memref_slice %arg9[%dma_wait3A_192, %dma_wait3A_193, %dma_wait3A_194] : memref<2x128x64xf32, #tpu.memory_space<vmem>> -> memref<1x128x64xf32, #tpu.memory_space<vmem>>
    %dma_wait3A_196 = tpu.memref_squeeze %dma_wait3A_195 : memref<1x128x64xf32, #tpu.memory_space<vmem>> -> memref<128x64xf32, #tpu.memory_space<vmem>>
    %dma_wait3A_197 = arith.constant 0 : i32
    %dma_wait3A_198 = tpu.memref_slice %arg7[%dma_wait3A_191, %dma_wait3A_197] : memref<80x128xi32, #tpu.memory_space<vmem>> -> memref<1x128xi32, #tpu.memory_space<vmem>>
    %dma_wait3A_199 = tpu.memref_squeeze %dma_wait3A_198 : memref<1x128xi32, #tpu.memory_space<vmem>> -> memref<128xi32, #tpu.memory_space<vmem>>
    %dma_wait3A_200 = arith.constant 0 : i32
    %dma_wait3A_201 = arith.constant 0 : i32
    %dma_wait3A_202 = tpu.memref_slice %arg2[%dma_wait3A_200, %dma_wait3A_201] : memref<102400x64xf32, #tpu.memory_space<hbm>> -> memref<102400x64xf32, #tpu.memory_space<hbm>>
    tpu.wait_indirect_dma semaphore(%arg12 : memref<!tpu.dma_semaphore, #tpu.memory_space<semaphore_mem>>) src(%dma_wait3A_202 : memref<102400x64xf32, #tpu.memory_space<hbm>>) dst(%dma_wait3A_196 : memref<128x64xf32, #tpu.memory_space<vmem>>)
    %run_scoped3A_203 = arith.constant 1 : i32
    %run_scoped3A_204 = arith.constant 79 : i32
    "tpu.region"() ({
      %run_scoped3A_352 = tpu.sem_alloc : memref<!tpu.dma_semaphore, #tpu.memory_space<semaphore_mem>>
      %dma_start3A_353 = arith.constant 0 : i32
      %dma_start3A_354 = arith.constant 0 : i32
      %dma_start3A_355 = tpu.memref_slice %arg9[%run_scoped3A_203, %dma_start3A_353, %dma_start3A_354] : memref<2x128x64xf32, #tpu.memory_space<vmem>> -> memref<1x128x64xf32, #tpu.memory_space<vmem>>
      %dma_start3A_356 = tpu.memref_squeeze %dma_start3A_355 : memref<1x128x64xf32, #tpu.memory_space<vmem>> -> memref<128x64xf32, #tpu.memory_space<vmem>>
      %dma_start3A_357 = arith.constant 0 : i32
      %dma_start3A_358 = tpu.memref_slice %arg8[%run_scoped3A_204, %dma_start3A_357] : memref<80x128xi32, #tpu.memory_space<vmem>> -> memref<1x128xi32, #tpu.memory_space<vmem>>
      %dma_start3A_359 = tpu.memref_squeeze %dma_start3A_358 : memref<1x128xi32, #tpu.memory_space<vmem>> -> memref<128xi32, #tpu.memory_space<vmem>>
      %dma_start3A_360 = arith.constant 0 : i32
      %dma_start3A_361 = arith.constant 0 : i32
      %dma_start3A_362 = tpu.memref_slice %arg10[%dma_start3A_360, %dma_start3A_361] : memref<10240x64xf32, #tpu.memory_space<vmem_shared>> -> memref<10240x64xf32, #tpu.memory_space<vmem_shared>>
      tpu.enqueue_indirect_dma source(%dma_start3A_356 : memref<128x64xf32, #tpu.memory_space<vmem>>) target(%dma_start3A_362 : memref<10240x64xf32, #tpu.memory_space<vmem_shared>>) offsets(%dma_start3A_359 : memref<128xi32, #tpu.memory_space<vmem>>) semaphore(%run_scoped3A_352 : memref<!tpu.dma_semaphore, #tpu.memory_space<semaphore_mem>>) {add = true}
      %dma_wait3A_363 = arith.constant 0 : i32
      %dma_wait3A_364 = arith.constant 0 : i32
      %dma_wait3A_365 = tpu.memref_slice %arg9[%run_scoped3A_203, %dma_wait3A_363, %dma_wait3A_364] : memref<2x128x64xf32, #tpu.memory_space<vmem>> -> memref<1x128x64xf32, #tpu.memory_space<vmem>>
      %dma_wait3A_366 = tpu.memref_squeeze %dma_wait3A_365 : memref<1x128x64xf32, #tpu.memory_space<vmem>> -> memref<128x64xf32, #tpu.memory_space<vmem>>
      %dma_wait3A_367 = arith.constant 0 : i32
      %dma_wait3A_368 = tpu.memref_slice %arg8[%run_scoped3A_204, %dma_wait3A_367] : memref<80x128xi32, #tpu.memory_space<vmem>> -> memref<1x128xi32, #tpu.memory_space<vmem>>
      %dma_wait3A_369 = tpu.memref_squeeze %dma_wait3A_368 : memref<1x128xi32, #tpu.memory_space<vmem>> -> memref<128xi32, #tpu.memory_space<vmem>>
      %dma_wait3A_370 = arith.constant 0 : i32
      %dma_wait3A_371 = arith.constant 0 : i32
      %dma_wait3A_372 = tpu.memref_slice %arg10[%dma_wait3A_370, %dma_wait3A_371] : memref<10240x64xf32, #tpu.memory_space<vmem_shared>> -> memref<10240x64xf32, #tpu.memory_space<vmem_shared>>
      tpu.wait_indirect_dma semaphore(%run_scoped3A_352 : memref<!tpu.dma_semaphore, #tpu.memory_space<semaphore_mem>>) src(%dma_wait3A_366 : memref<128x64xf32, #tpu.memory_space<vmem>>) dst(%dma_wait3A_372 : memref<10240x64xf32, #tpu.memory_space<vmem_shared>>)
      tpu.yield
    }) : () -> ()
    %barrier3A_205 = arith.constant 0 : index
    tpu.barrier barrier_id(%barrier3A_205)
    %run_scoped3A_206 = arith.constant 2 : i32
    "tpu.region"() ({
      %run_scoped3A_352 = tpu.sem_alloc : memref<!tpu.dma_semaphore, #tpu.memory_space<semaphore_mem>>
      %dma_start3A_353 = arith.constant 0 : i32
      %dma_start3A_354 = tpu.memref_slice %arg6[%arg0, %run_scoped3A_206, %mul3A_0, %dma_start3A_353] : memref<2x5x10240x64xf32, #tpu.memory_space<hbm>> -> memref<1x1x640x64xf32, #tpu.memory_space<hbm>>
      %dma_start3A_355 = tpu.memref_squeeze %dma_start3A_354 : memref<1x1x640x64xf32, #tpu.memory_space<hbm>> -> memref<640x64xf32, #tpu.memory_space<hbm>>
      %dma_start3A_356 = arith.constant 0 : i32
      %dma_start3A_357 = tpu.memref_slice %arg10[%mul3A_0, %dma_start3A_356] : memref<10240x64xf32, #tpu.memory_space<vmem_shared>> -> memref<640x64xf32, #tpu.memory_space<vmem_shared>>
      tpu.enqueue_dma source(%dma_start3A_357 : memref<640x64xf32, #tpu.memory_space<vmem_shared>>) target(%dma_start3A_355 : memref<640x64xf32, #tpu.memory_space<hbm>>) target_semaphore(%run_scoped3A_352 : memref<!tpu.dma_semaphore, #tpu.memory_space<semaphore_mem>>)
      %dma_wait3A_358 = arith.constant 0 : i32
      %dma_wait3A_359 = tpu.memref_slice %arg6[%arg0, %run_scoped3A_206, %mul3A_0, %dma_wait3A_358] : memref<2x5x10240x64xf32, #tpu.memory_space<hbm>> -> memref<1x1x640x64xf32, #tpu.memory_space<hbm>>
      %dma_wait3A_360 = tpu.memref_squeeze %dma_wait3A_359 : memref<1x1x640x64xf32, #tpu.memory_space<hbm>> -> memref<640x64xf32, #tpu.memory_space<hbm>>
      %dma_wait3A_361 = arith.constant 0 : i32
      %dma_wait3A_362 = tpu.memref_slice %arg10[%mul3A_0, %dma_wait3A_361] : memref<10240x64xf32, #tpu.memory_space<vmem_shared>> -> memref<640x64xf32, #tpu.memory_space<vmem_shared>>
      tpu.wait_dma2 semaphore(%run_scoped3A_352 : memref<!tpu.dma_semaphore, #tpu.memory_space<semaphore_mem>>) src(%dma_wait3A_362 : memref<640x64xf32, #tpu.memory_space<vmem_shared>>) dst(%dma_wait3A_360 : memref<640x64xf32, #tpu.memory_space<hbm>>)
      tpu.yield
    }) : () -> ()
    %barrier3A_207 = arith.constant 0 : index
    tpu.barrier barrier_id(%barrier3A_207)
    %eq3A_208 = arith.constant 0 : i32
    %eq3A_209 = arith.cmpi eq, %arg0, %eq3A_208 : i32
    %convert_element_type3A_210 = arith.extui %eq3A_209 : i1 to i32
    %cond3A_211 = arith.constant 0 : i32
    %cond3A_212 = arith.cmpi ne, %convert_element_type3A_210, %cond3A_211 : i32
    scf.if %cond3A_212 {
      %mul3A_352 = arith.constant 640 : i32
      %mul3A_353 = arith.muli %arg1, %mul3A_352 : i32
      %add3A = arith.constant 30720 : i32
      %add3A_354 = arith.addi %add3A, %mul3A_353 : i32
      "tpu.region"() ({
        %run_scoped3A_355 = tpu.sem_alloc : memref<!tpu.dma_semaphore, #tpu.memory_space<semaphore_mem>>
        %dma_start3A_356 = arith.constant 0 : i32
        %dma_start3A_357 = tpu.memref_slice %arg10[%mul3A_0, %dma_start3A_356] : memref<10240x64xf32, #tpu.memory_space<vmem_shared>> -> memref<640x64xf32, #tpu.memory_space<vmem_shared>>
        %dma_start3A_358 = arith.constant 0 : i32
        %dma_start3A_359 = tpu.memref_slice %arg2[%add3A_354, %dma_start3A_358] : memref<102400x64xf32, #tpu.memory_space<hbm>> -> memref<640x64xf32, #tpu.memory_space<hbm>>
        tpu.enqueue_dma source(%dma_start3A_359 : memref<640x64xf32, #tpu.memory_space<hbm>>) target(%dma_start3A_357 : memref<640x64xf32, #tpu.memory_space<vmem_shared>>) target_semaphore(%run_scoped3A_355 : memref<!tpu.dma_semaphore, #tpu.memory_space<semaphore_mem>>)
        %dma_wait3A_360 = arith.constant 0 : i32
        %dma_wait3A_361 = tpu.memref_slice %arg10[%mul3A_0, %dma_wait3A_360] : memref<10240x64xf32, #tpu.memory_space<vmem_shared>> -> memref<640x64xf32, #tpu.memory_space<vmem_shared>>
        %dma_wait3A_362 = arith.constant 0 : i32
        %dma_wait3A_363 = tpu.memref_slice %arg2[%add3A_354, %dma_wait3A_362] : memref<102400x64xf32, #tpu.memory_space<hbm>> -> memref<640x64xf32, #tpu.memory_space<hbm>>
        tpu.wait_dma2 semaphore(%run_scoped3A_355 : memref<!tpu.dma_semaphore, #tpu.memory_space<semaphore_mem>>) src(%dma_wait3A_363 : memref<640x64xf32, #tpu.memory_space<hbm>>) dst(%dma_wait3A_361 : memref<640x64xf32, #tpu.memory_space<vmem_shared>>)
        tpu.yield
      }) : () -> ()
      "tpu.region"() ({
        %run_scoped3A_355 = tpu.sem_alloc : memref<!tpu.dma_semaphore, #tpu.memory_space<semaphore_mem>>
        %dma_start3A_356 = arith.constant 240 : i32
        %dma_start3A_357 = arith.constant 0 : i32
        %dma_start3A_358 = tpu.memref_slice %arg3[%arg1, %dma_start3A_356, %dma_start3A_357] : memref<16x400x128xi32, #tpu.memory_space<hbm>> -> memref<1x80x128xi32, #tpu.memory_space<hbm>>
        %dma_start3A_359 = tpu.memref_squeeze %dma_start3A_358 : memref<1x80x128xi32, #tpu.memory_space<hbm>> -> memref<80x128xi32, #tpu.memory_space<hbm>>
        %dma_start3A_360 = arith.constant 240 : i32
        %dma_start3A_361 = arith.constant 0 : i32
        %dma_start3A_362 = tpu.memref_slice %arg3[%arg1, %dma_start3A_360, %dma_start3A_361] : memref<16x400x128xi32, #tpu.memory_space<hbm>> -> memref<1x80x128xi32, #tpu.memory_space<hbm>>
        %dma_start3A_363 = tpu.memref_squeeze %dma_start3A_362 : memref<1x80x128xi32, #tpu.memory_space<hbm>> -> memref<80x128xi32, #tpu.memory_space<hbm>>
        tpu.enqueue_dma source(%dma_start3A_363 : memref<80x128xi32, #tpu.memory_space<hbm>>) target(%arg7 : memref<80x128xi32, #tpu.memory_space<vmem>>) target_semaphore(%run_scoped3A_355 : memref<!tpu.dma_semaphore, #tpu.memory_space<semaphore_mem>>)
        %dma_wait3A_364 = arith.constant 240 : i32
        %dma_wait3A_365 = arith.constant 0 : i32
        %dma_wait3A_366 = tpu.memref_slice %arg3[%arg1, %dma_wait3A_364, %dma_wait3A_365] : memref<16x400x128xi32, #tpu.memory_space<hbm>> -> memref<1x80x128xi32, #tpu.memory_space<hbm>>
        %dma_wait3A_367 = tpu.memref_squeeze %dma_wait3A_366 : memref<1x80x128xi32, #tpu.memory_space<hbm>> -> memref<80x128xi32, #tpu.memory_space<hbm>>
        %dma_wait3A_368 = arith.constant 240 : i32
        %dma_wait3A_369 = arith.constant 0 : i32
        %dma_wait3A_370 = tpu.memref_slice %arg3[%arg1, %dma_wait3A_368, %dma_wait3A_369] : memref<16x400x128xi32, #tpu.memory_space<hbm>> -> memref<1x80x128xi32, #tpu.memory_space<hbm>>
        %dma_wait3A_371 = tpu.memref_squeeze %dma_wait3A_370 : memref<1x80x128xi32, #tpu.memory_space<hbm>> -> memref<80x128xi32, #tpu.memory_space<hbm>>
        tpu.wait_dma2 semaphore(%run_scoped3A_355 : memref<!tpu.dma_semaphore, #tpu.memory_space<semaphore_mem>>) src(%dma_wait3A_371 : memref<80x128xi32, #tpu.memory_space<hbm>>) dst(%arg7 : memref<80x128xi32, #tpu.memory_space<vmem>>)
        tpu.yield
      }) : () -> ()
    } else {
    }
    %ne3A_213 = arith.constant 0 : i32
    %ne3A_214 = arith.cmpi ne, %arg0, %ne3A_213 : i32
    %convert_element_type3A_215 = arith.extui %ne3A_214 : i1 to i32
    %cond3A_216 = arith.constant 0 : i32
    %cond3A_217 = arith.cmpi ne, %convert_element_type3A_215, %cond3A_216 : i32
    scf.if %cond3A_217 {
      %mul3A_352 = arith.constant 640 : i32
      %mul3A_353 = arith.muli %arg1, %mul3A_352 : i32
      %add3A = arith.constant 81920 : i32
      %add3A_354 = arith.addi %add3A, %mul3A_353 : i32
      "tpu.region"() ({
        %run_scoped3A_355 = tpu.sem_alloc : memref<!tpu.dma_semaphore, #tpu.memory_space<semaphore_mem>>
        %dma_start3A_356 = arith.constant 0 : i32
        %dma_start3A_357 = tpu.memref_slice %arg10[%mul3A_0, %dma_start3A_356] : memref<10240x64xf32, #tpu.memory_space<vmem_shared>> -> memref<640x64xf32, #tpu.memory_space<vmem_shared>>
        %dma_start3A_358 = arith.constant 0 : i32
        %dma_start3A_359 = tpu.memref_slice %arg2[%add3A_354, %dma_start3A_358] : memref<102400x64xf32, #tpu.memory_space<hbm>> -> memref<640x64xf32, #tpu.memory_space<hbm>>
        tpu.enqueue_dma source(%dma_start3A_359 : memref<640x64xf32, #tpu.memory_space<hbm>>) target(%dma_start3A_357 : memref<640x64xf32, #tpu.memory_space<vmem_shared>>) target_semaphore(%run_scoped3A_355 : memref<!tpu.dma_semaphore, #tpu.memory_space<semaphore_mem>>)
        %dma_wait3A_360 = arith.constant 0 : i32
        %dma_wait3A_361 = tpu.memref_slice %arg10[%mul3A_0, %dma_wait3A_360] : memref<10240x64xf32, #tpu.memory_space<vmem_shared>> -> memref<640x64xf32, #tpu.memory_space<vmem_shared>>
        %dma_wait3A_362 = arith.constant 0 : i32
        %dma_wait3A_363 = tpu.memref_slice %arg2[%add3A_354, %dma_wait3A_362] : memref<102400x64xf32, #tpu.memory_space<hbm>> -> memref<640x64xf32, #tpu.memory_space<hbm>>
        tpu.wait_dma2 semaphore(%run_scoped3A_355 : memref<!tpu.dma_semaphore, #tpu.memory_space<semaphore_mem>>) src(%dma_wait3A_363 : memref<640x64xf32, #tpu.memory_space<hbm>>) dst(%dma_wait3A_361 : memref<640x64xf32, #tpu.memory_space<vmem_shared>>)
        tpu.yield
      }) : () -> ()
      "tpu.region"() ({
        %run_scoped3A_355 = tpu.sem_alloc : memref<!tpu.dma_semaphore, #tpu.memory_space<semaphore_mem>>
        %dma_start3A_356 = arith.constant 240 : i32
        %dma_start3A_357 = arith.constant 0 : i32
        %dma_start3A_358 = tpu.memref_slice %arg4[%arg1, %dma_start3A_356, %dma_start3A_357] : memref<16x400x128xi32, #tpu.memory_space<hbm>> -> memref<1x80x128xi32, #tpu.memory_space<hbm>>
        %dma_start3A_359 = tpu.memref_squeeze %dma_start3A_358 : memref<1x80x128xi32, #tpu.memory_space<hbm>> -> memref<80x128xi32, #tpu.memory_space<hbm>>
        %dma_start3A_360 = arith.constant 240 : i32
        %dma_start3A_361 = arith.constant 0 : i32
        %dma_start3A_362 = tpu.memref_slice %arg4[%arg1, %dma_start3A_360, %dma_start3A_361] : memref<16x400x128xi32, #tpu.memory_space<hbm>> -> memref<1x80x128xi32, #tpu.memory_space<hbm>>
        %dma_start3A_363 = tpu.memref_squeeze %dma_start3A_362 : memref<1x80x128xi32, #tpu.memory_space<hbm>> -> memref<80x128xi32, #tpu.memory_space<hbm>>
        tpu.enqueue_dma source(%dma_start3A_363 : memref<80x128xi32, #tpu.memory_space<hbm>>) target(%arg7 : memref<80x128xi32, #tpu.memory_space<vmem>>) target_semaphore(%run_scoped3A_355 : memref<!tpu.dma_semaphore, #tpu.memory_space<semaphore_mem>>)
        %dma_wait3A_364 = arith.constant 240 : i32
        %dma_wait3A_365 = arith.constant 0 : i32
        %dma_wait3A_366 = tpu.memref_slice %arg4[%arg1, %dma_wait3A_364, %dma_wait3A_365] : memref<16x400x128xi32, #tpu.memory_space<hbm>> -> memref<1x80x128xi32, #tpu.memory_space<hbm>>
        %dma_wait3A_367 = tpu.memref_squeeze %dma_wait3A_366 : memref<1x80x128xi32, #tpu.memory_space<hbm>> -> memref<80x128xi32, #tpu.memory_space<hbm>>
        %dma_wait3A_368 = arith.constant 240 : i32
        %dma_wait3A_369 = arith.constant 0 : i32
        %dma_wait3A_370 = tpu.memref_slice %arg4[%arg1, %dma_wait3A_368, %dma_wait3A_369] : memref<16x400x128xi32, #tpu.memory_space<hbm>> -> memref<1x80x128xi32, #tpu.memory_space<hbm>>
        %dma_wait3A_371 = tpu.memref_squeeze %dma_wait3A_370 : memref<1x80x128xi32, #tpu.memory_space<hbm>> -> memref<80x128xi32, #tpu.memory_space<hbm>>
        tpu.wait_dma2 semaphore(%run_scoped3A_355 : memref<!tpu.dma_semaphore, #tpu.memory_space<semaphore_mem>>) src(%dma_wait3A_371 : memref<80x128xi32, #tpu.memory_space<hbm>>) dst(%arg7 : memref<80x128xi32, #tpu.memory_space<vmem>>)
        tpu.yield
      }) : () -> ()
    } else {
    }
    "tpu.region"() ({
      %run_scoped3A_352 = tpu.sem_alloc : memref<!tpu.dma_semaphore, #tpu.memory_space<semaphore_mem>>
      %dma_start3A_353 = arith.constant 240 : i32
      %dma_start3A_354 = arith.constant 0 : i32
      %dma_start3A_355 = tpu.memref_slice %arg5[%arg1, %dma_start3A_353, %dma_start3A_354] : memref<16x400x128xi32, #tpu.memory_space<hbm>> -> memref<1x80x128xi32, #tpu.memory_space<hbm>>
      %dma_start3A_356 = tpu.memref_squeeze %dma_start3A_355 : memref<1x80x128xi32, #tpu.memory_space<hbm>> -> memref<80x128xi32, #tpu.memory_space<hbm>>
      %dma_start3A_357 = arith.constant 240 : i32
      %dma_start3A_358 = arith.constant 0 : i32
      %dma_start3A_359 = tpu.memref_slice %arg5[%arg1, %dma_start3A_357, %dma_start3A_358] : memref<16x400x128xi32, #tpu.memory_space<hbm>> -> memref<1x80x128xi32, #tpu.memory_space<hbm>>
      %dma_start3A_360 = tpu.memref_squeeze %dma_start3A_359 : memref<1x80x128xi32, #tpu.memory_space<hbm>> -> memref<80x128xi32, #tpu.memory_space<hbm>>
      tpu.enqueue_dma source(%dma_start3A_360 : memref<80x128xi32, #tpu.memory_space<hbm>>) target(%arg8 : memref<80x128xi32, #tpu.memory_space<vmem>>) target_semaphore(%run_scoped3A_352 : memref<!tpu.dma_semaphore, #tpu.memory_space<semaphore_mem>>)
      %dma_wait3A_361 = arith.constant 240 : i32
      %dma_wait3A_362 = arith.constant 0 : i32
      %dma_wait3A_363 = tpu.memref_slice %arg5[%arg1, %dma_wait3A_361, %dma_wait3A_362] : memref<16x400x128xi32, #tpu.memory_space<hbm>> -> memref<1x80x128xi32, #tpu.memory_space<hbm>>
      %dma_wait3A_364 = tpu.memref_squeeze %dma_wait3A_363 : memref<1x80x128xi32, #tpu.memory_space<hbm>> -> memref<80x128xi32, #tpu.memory_space<hbm>>
      %dma_wait3A_365 = arith.constant 240 : i32
      %dma_wait3A_366 = arith.constant 0 : i32
      %dma_wait3A_367 = tpu.memref_slice %arg5[%arg1, %dma_wait3A_365, %dma_wait3A_366] : memref<16x400x128xi32, #tpu.memory_space<hbm>> -> memref<1x80x128xi32, #tpu.memory_space<hbm>>
      %dma_wait3A_368 = tpu.memref_squeeze %dma_wait3A_367 : memref<1x80x128xi32, #tpu.memory_space<hbm>> -> memref<80x128xi32, #tpu.memory_space<hbm>>
      tpu.wait_dma2 semaphore(%run_scoped3A_352 : memref<!tpu.dma_semaphore, #tpu.memory_space<semaphore_mem>>) src(%dma_wait3A_368 : memref<80x128xi32, #tpu.memory_space<hbm>>) dst(%arg8 : memref<80x128xi32, #tpu.memory_space<vmem>>)
      tpu.yield
    }) : () -> ()
    %barrier3A_218 = arith.constant 0 : index
    tpu.barrier barrier_id(%barrier3A_218)
    %dma_start3A_219 = arith.constant 0 : i32
    %dma_start3A_220 = arith.constant 0 : i32
    %dma_start3A_221 = arith.constant 0 : i32
    %dma_start3A_222 = arith.constant 0 : i32
    %dma_start3A_223 = tpu.memref_slice %arg9[%dma_start3A_220, %dma_start3A_221, %dma_start3A_222] : memref<2x128x64xf32, #tpu.memory_space<vmem>> -> memref<1x128x64xf32, #tpu.memory_space<vmem>>
    %dma_start3A_224 = tpu.memref_squeeze %dma_start3A_223 : memref<1x128x64xf32, #tpu.memory_space<vmem>> -> memref<128x64xf32, #tpu.memory_space<vmem>>
    %dma_start3A_225 = arith.constant 0 : i32
    %dma_start3A_226 = tpu.memref_slice %arg7[%dma_start3A_219, %dma_start3A_225] : memref<80x128xi32, #tpu.memory_space<vmem>> -> memref<1x128xi32, #tpu.memory_space<vmem>>
    %dma_start3A_227 = tpu.memref_squeeze %dma_start3A_226 : memref<1x128xi32, #tpu.memory_space<vmem>> -> memref<128xi32, #tpu.memory_space<vmem>>
    %dma_start3A_228 = arith.constant 0 : i32
    %dma_start3A_229 = arith.constant 0 : i32
    %dma_start3A_230 = tpu.memref_slice %arg2[%dma_start3A_228, %dma_start3A_229] : memref<102400x64xf32, #tpu.memory_space<hbm>> -> memref<102400x64xf32, #tpu.memory_space<hbm>>
    tpu.enqueue_indirect_dma source(%dma_start3A_230 : memref<102400x64xf32, #tpu.memory_space<hbm>>) target(%dma_start3A_224 : memref<128x64xf32, #tpu.memory_space<vmem>>) offsets(%dma_start3A_227 : memref<128xi32, #tpu.memory_space<vmem>>) semaphore(%arg11 : memref<!tpu.dma_semaphore, #tpu.memory_space<semaphore_mem>>)
    %dma_start3A_231 = arith.constant 1 : i32
    %dma_start3A_232 = arith.constant 1 : i32
    %dma_start3A_233 = arith.constant 0 : i32
    %dma_start3A_234 = arith.constant 0 : i32
    %dma_start3A_235 = tpu.memref_slice %arg9[%dma_start3A_232, %dma_start3A_233, %dma_start3A_234] : memref<2x128x64xf32, #tpu.memory_space<vmem>> -> memref<1x128x64xf32, #tpu.memory_space<vmem>>
    %dma_start3A_236 = tpu.memref_squeeze %dma_start3A_235 : memref<1x128x64xf32, #tpu.memory_space<vmem>> -> memref<128x64xf32, #tpu.memory_space<vmem>>
    %dma_start3A_237 = arith.constant 0 : i32
    %dma_start3A_238 = tpu.memref_slice %arg7[%dma_start3A_231, %dma_start3A_237] : memref<80x128xi32, #tpu.memory_space<vmem>> -> memref<1x128xi32, #tpu.memory_space<vmem>>
    %dma_start3A_239 = tpu.memref_squeeze %dma_start3A_238 : memref<1x128xi32, #tpu.memory_space<vmem>> -> memref<128xi32, #tpu.memory_space<vmem>>
    %dma_start3A_240 = arith.constant 0 : i32
    %dma_start3A_241 = arith.constant 0 : i32
    %dma_start3A_242 = tpu.memref_slice %arg2[%dma_start3A_240, %dma_start3A_241] : memref<102400x64xf32, #tpu.memory_space<hbm>> -> memref<102400x64xf32, #tpu.memory_space<hbm>>
    tpu.enqueue_indirect_dma source(%dma_start3A_242 : memref<102400x64xf32, #tpu.memory_space<hbm>>) target(%dma_start3A_236 : memref<128x64xf32, #tpu.memory_space<vmem>>) offsets(%dma_start3A_239 : memref<128xi32, #tpu.memory_space<vmem>>) semaphore(%arg12 : memref<!tpu.dma_semaphore, #tpu.memory_space<semaphore_mem>>)
    %scan3A_243 = arith.constant 0 : i32
    %scan3A_244 = arith.constant 0 : i32
    %scan3A_245 = arith.constant 39 : i32
    %scan3A_246 = arith.addi %scan3A_244, %scan3A_245 : i32
    %scan3A_247 = arith.constant 1 : i32
    scf.for %scan3A_352 = %scan3A_244 to %scan3A_246 step %scan3A_247  : i32 {
      %mul3A_353 = arith.constant 2 : i32
      %mul3A_354 = arith.muli %mul3A_353, %scan3A_352 : i32
      %add3A = arith.constant 1 : i32
      %add3A_355 = arith.addi %mul3A_354, %add3A : i32
      %dma_wait3A_356 = arith.constant 0 : i32
      %dma_wait3A_357 = arith.constant 0 : i32
      %dma_wait3A_358 = arith.constant 0 : i32
      %dma_wait3A_359 = tpu.memref_slice %arg9[%dma_wait3A_356, %dma_wait3A_357, %dma_wait3A_358] : memref<2x128x64xf32, #tpu.memory_space<vmem>> -> memref<1x128x64xf32, #tpu.memory_space<vmem>>
      %dma_wait3A_360 = tpu.memref_squeeze %dma_wait3A_359 : memref<1x128x64xf32, #tpu.memory_space<vmem>> -> memref<128x64xf32, #tpu.memory_space<vmem>>
      %dma_wait3A_361 = arith.constant 0 : i32
      %dma_wait3A_362 = tpu.memref_slice %arg7[%mul3A_354, %dma_wait3A_361] : memref<80x128xi32, #tpu.memory_space<vmem>> -> memref<1x128xi32, #tpu.memory_space<vmem>>
      %dma_wait3A_363 = tpu.memref_squeeze %dma_wait3A_362 : memref<1x128xi32, #tpu.memory_space<vmem>> -> memref<128xi32, #tpu.memory_space<vmem>>
      %dma_wait3A_364 = arith.constant 0 : i32
      %dma_wait3A_365 = arith.constant 0 : i32
      %dma_wait3A_366 = tpu.memref_slice %arg2[%dma_wait3A_364, %dma_wait3A_365] : memref<102400x64xf32, #tpu.memory_space<hbm>> -> memref<102400x64xf32, #tpu.memory_space<hbm>>
      tpu.wait_indirect_dma semaphore(%arg11 : memref<!tpu.dma_semaphore, #tpu.memory_space<semaphore_mem>>) src(%dma_wait3A_366 : memref<102400x64xf32, #tpu.memory_space<hbm>>) dst(%dma_wait3A_360 : memref<128x64xf32, #tpu.memory_space<vmem>>)
      %run_scoped3A_367 = arith.constant 0 : i32
      "tpu.region"() ({
        %run_scoped3A_406 = tpu.sem_alloc : memref<!tpu.dma_semaphore, #tpu.memory_space<semaphore_mem>>
        %dma_start3A_407 = arith.constant 0 : i32
        %dma_start3A_408 = arith.constant 0 : i32
        %dma_start3A_409 = tpu.memref_slice %arg9[%run_scoped3A_367, %dma_start3A_407, %dma_start3A_408] : memref<2x128x64xf32, #tpu.memory_space<vmem>> -> memref<1x128x64xf32, #tpu.memory_space<vmem>>
        %dma_start3A_410 = tpu.memref_squeeze %dma_start3A_409 : memref<1x128x64xf32, #tpu.memory_space<vmem>> -> memref<128x64xf32, #tpu.memory_space<vmem>>
        %dma_start3A_411 = arith.constant 0 : i32
        %dma_start3A_412 = tpu.memref_slice %arg8[%mul3A_354, %dma_start3A_411] : memref<80x128xi32, #tpu.memory_space<vmem>> -> memref<1x128xi32, #tpu.memory_space<vmem>>
        %dma_start3A_413 = tpu.memref_squeeze %dma_start3A_412 : memref<1x128xi32, #tpu.memory_space<vmem>> -> memref<128xi32, #tpu.memory_space<vmem>>
        %dma_start3A_414 = arith.constant 0 : i32
        %dma_start3A_415 = arith.constant 0 : i32
        %dma_start3A_416 = tpu.memref_slice %arg10[%dma_start3A_414, %dma_start3A_415] : memref<10240x64xf32, #tpu.memory_space<vmem_shared>> -> memref<10240x64xf32, #tpu.memory_space<vmem_shared>>
        tpu.enqueue_indirect_dma source(%dma_start3A_410 : memref<128x64xf32, #tpu.memory_space<vmem>>) target(%dma_start3A_416 : memref<10240x64xf32, #tpu.memory_space<vmem_shared>>) offsets(%dma_start3A_413 : memref<128xi32, #tpu.memory_space<vmem>>) semaphore(%run_scoped3A_406 : memref<!tpu.dma_semaphore, #tpu.memory_space<semaphore_mem>>) {add = true}
        %dma_wait3A_417 = arith.constant 0 : i32
        %dma_wait3A_418 = arith.constant 0 : i32
        %dma_wait3A_419 = tpu.memref_slice %arg9[%run_scoped3A_367, %dma_wait3A_417, %dma_wait3A_418] : memref<2x128x64xf32, #tpu.memory_space<vmem>> -> memref<1x128x64xf32, #tpu.memory_space<vmem>>
        %dma_wait3A_420 = tpu.memref_squeeze %dma_wait3A_419 : memref<1x128x64xf32, #tpu.memory_space<vmem>> -> memref<128x64xf32, #tpu.memory_space<vmem>>
        %dma_wait3A_421 = arith.constant 0 : i32
        %dma_wait3A_422 = tpu.memref_slice %arg8[%mul3A_354, %dma_wait3A_421] : memref<80x128xi32, #tpu.memory_space<vmem>> -> memref<1x128xi32, #tpu.memory_space<vmem>>
        %dma_wait3A_423 = tpu.memref_squeeze %dma_wait3A_422 : memref<1x128xi32, #tpu.memory_space<vmem>> -> memref<128xi32, #tpu.memory_space<vmem>>
        %dma_wait3A_424 = arith.constant 0 : i32
        %dma_wait3A_425 = arith.constant 0 : i32
        %dma_wait3A_426 = tpu.memref_slice %arg10[%dma_wait3A_424, %dma_wait3A_425] : memref<10240x64xf32, #tpu.memory_space<vmem_shared>> -> memref<10240x64xf32, #tpu.memory_space<vmem_shared>>
        tpu.wait_indirect_dma semaphore(%run_scoped3A_406 : memref<!tpu.dma_semaphore, #tpu.memory_space<semaphore_mem>>) src(%dma_wait3A_420 : memref<128x64xf32, #tpu.memory_space<vmem>>) dst(%dma_wait3A_426 : memref<10240x64xf32, #tpu.memory_space<vmem_shared>>)
        tpu.yield
      }) : () -> ()
      %add3A_368 = arith.constant 2 : i32
      %add3A_369 = arith.addi %mul3A_354, %add3A_368 : i32
      %dma_start3A_370 = arith.constant 0 : i32
      %dma_start3A_371 = arith.constant 0 : i32
      %dma_start3A_372 = arith.constant 0 : i32
      %dma_start3A_373 = tpu.memref_slice %arg9[%dma_start3A_370, %dma_start3A_371, %dma_start3A_372] : memref<2x128x64xf32, #tpu.memory_space<vmem>> -> memref<1x128x64xf32, #tpu.memory_space<vmem>>
      %dma_start3A_374 = tpu.memref_squeeze %dma_start3A_373 : memref<1x128x64xf32, #tpu.memory_space<vmem>> -> memref<128x64xf32, #tpu.memory_space<vmem>>
      %dma_start3A_375 = arith.constant 0 : i32
      %dma_start3A_376 = tpu.memref_slice %arg7[%add3A_369, %dma_start3A_375] : memref<80x128xi32, #tpu.memory_space<vmem>> -> memref<1x128xi32, #tpu.memory_space<vmem>>
      %dma_start3A_377 = tpu.memref_squeeze %dma_start3A_376 : memref<1x128xi32, #tpu.memory_space<vmem>> -> memref<128xi32, #tpu.memory_space<vmem>>
      %dma_start3A_378 = arith.constant 0 : i32
      %dma_start3A_379 = arith.constant 0 : i32
      %dma_start3A_380 = tpu.memref_slice %arg2[%dma_start3A_378, %dma_start3A_379] : memref<102400x64xf32, #tpu.memory_space<hbm>> -> memref<102400x64xf32, #tpu.memory_space<hbm>>
      tpu.enqueue_indirect_dma source(%dma_start3A_380 : memref<102400x64xf32, #tpu.memory_space<hbm>>) target(%dma_start3A_374 : memref<128x64xf32, #tpu.memory_space<vmem>>) offsets(%dma_start3A_377 : memref<128xi32, #tpu.memory_space<vmem>>) semaphore(%arg11 : memref<!tpu.dma_semaphore, #tpu.memory_space<semaphore_mem>>)
      %dma_wait3A_381 = arith.constant 1 : i32
      %dma_wait3A_382 = arith.constant 0 : i32
      %dma_wait3A_383 = arith.constant 0 : i32
      %dma_wait3A_384 = tpu.memref_slice %arg9[%dma_wait3A_381, %dma_wait3A_382, %dma_wait3A_383] : memref<2x128x64xf32, #tpu.memory_space<vmem>> -> memref<1x128x64xf32, #tpu.memory_space<vmem>>
      %dma_wait3A_385 = tpu.memref_squeeze %dma_wait3A_384 : memref<1x128x64xf32, #tpu.memory_space<vmem>> -> memref<128x64xf32, #tpu.memory_space<vmem>>
      %dma_wait3A_386 = arith.constant 0 : i32
      %dma_wait3A_387 = tpu.memref_slice %arg7[%add3A_355, %dma_wait3A_386] : memref<80x128xi32, #tpu.memory_space<vmem>> -> memref<1x128xi32, #tpu.memory_space<vmem>>
      %dma_wait3A_388 = tpu.memref_squeeze %dma_wait3A_387 : memref<1x128xi32, #tpu.memory_space<vmem>> -> memref<128xi32, #tpu.memory_space<vmem>>
      %dma_wait3A_389 = arith.constant 0 : i32
      %dma_wait3A_390 = arith.constant 0 : i32
      %dma_wait3A_391 = tpu.memref_slice %arg2[%dma_wait3A_389, %dma_wait3A_390] : memref<102400x64xf32, #tpu.memory_space<hbm>> -> memref<102400x64xf32, #tpu.memory_space<hbm>>
      tpu.wait_indirect_dma semaphore(%arg12 : memref<!tpu.dma_semaphore, #tpu.memory_space<semaphore_mem>>) src(%dma_wait3A_391 : memref<102400x64xf32, #tpu.memory_space<hbm>>) dst(%dma_wait3A_385 : memref<128x64xf32, #tpu.memory_space<vmem>>)
      %run_scoped3A_392 = arith.constant 1 : i32
      "tpu.region"() ({
        %run_scoped3A_406 = tpu.sem_alloc : memref<!tpu.dma_semaphore, #tpu.memory_space<semaphore_mem>>
        %dma_start3A_407 = arith.constant 0 : i32
        %dma_start3A_408 = arith.constant 0 : i32
        %dma_start3A_409 = tpu.memref_slice %arg9[%run_scoped3A_392, %dma_start3A_407, %dma_start3A_408] : memref<2x128x64xf32, #tpu.memory_space<vmem>> -> memref<1x128x64xf32, #tpu.memory_space<vmem>>
        %dma_start3A_410 = tpu.memref_squeeze %dma_start3A_409 : memref<1x128x64xf32, #tpu.memory_space<vmem>> -> memref<128x64xf32, #tpu.memory_space<vmem>>
        %dma_start3A_411 = arith.constant 0 : i32
        %dma_start3A_412 = tpu.memref_slice %arg8[%add3A_355, %dma_start3A_411] : memref<80x128xi32, #tpu.memory_space<vmem>> -> memref<1x128xi32, #tpu.memory_space<vmem>>
        %dma_start3A_413 = tpu.memref_squeeze %dma_start3A_412 : memref<1x128xi32, #tpu.memory_space<vmem>> -> memref<128xi32, #tpu.memory_space<vmem>>
        %dma_start3A_414 = arith.constant 0 : i32
        %dma_start3A_415 = arith.constant 0 : i32
        %dma_start3A_416 = tpu.memref_slice %arg10[%dma_start3A_414, %dma_start3A_415] : memref<10240x64xf32, #tpu.memory_space<vmem_shared>> -> memref<10240x64xf32, #tpu.memory_space<vmem_shared>>
        tpu.enqueue_indirect_dma source(%dma_start3A_410 : memref<128x64xf32, #tpu.memory_space<vmem>>) target(%dma_start3A_416 : memref<10240x64xf32, #tpu.memory_space<vmem_shared>>) offsets(%dma_start3A_413 : memref<128xi32, #tpu.memory_space<vmem>>) semaphore(%run_scoped3A_406 : memref<!tpu.dma_semaphore, #tpu.memory_space<semaphore_mem>>) {add = true}
        %dma_wait3A_417 = arith.constant 0 : i32
        %dma_wait3A_418 = arith.constant 0 : i32
        %dma_wait3A_419 = tpu.memref_slice %arg9[%run_scoped3A_392, %dma_wait3A_417, %dma_wait3A_418] : memref<2x128x64xf32, #tpu.memory_space<vmem>> -> memref<1x128x64xf32, #tpu.memory_space<vmem>>
        %dma_wait3A_420 = tpu.memref_squeeze %dma_wait3A_419 : memref<1x128x64xf32, #tpu.memory_space<vmem>> -> memref<128x64xf32, #tpu.memory_space<vmem>>
        %dma_wait3A_421 = arith.constant 0 : i32
        %dma_wait3A_422 = tpu.memref_slice %arg8[%add3A_355, %dma_wait3A_421] : memref<80x128xi32, #tpu.memory_space<vmem>> -> memref<1x128xi32, #tpu.memory_space<vmem>>
        %dma_wait3A_423 = tpu.memref_squeeze %dma_wait3A_422 : memref<1x128xi32, #tpu.memory_space<vmem>> -> memref<128xi32, #tpu.memory_space<vmem>>
        %dma_wait3A_424 = arith.constant 0 : i32
        %dma_wait3A_425 = arith.constant 0 : i32
        %dma_wait3A_426 = tpu.memref_slice %arg10[%dma_wait3A_424, %dma_wait3A_425] : memref<10240x64xf32, #tpu.memory_space<vmem_shared>> -> memref<10240x64xf32, #tpu.memory_space<vmem_shared>>
        tpu.wait_indirect_dma semaphore(%run_scoped3A_406 : memref<!tpu.dma_semaphore, #tpu.memory_space<semaphore_mem>>) src(%dma_wait3A_420 : memref<128x64xf32, #tpu.memory_space<vmem>>) dst(%dma_wait3A_426 : memref<10240x64xf32, #tpu.memory_space<vmem_shared>>)
        tpu.yield
      }) : () -> ()
      %add3A_393 = arith.constant 2 : i32
      %add3A_394 = arith.addi %add3A_355, %add3A_393 : i32
      %dma_start3A_395 = arith.constant 1 : i32
      %dma_start3A_396 = arith.constant 0 : i32
      %dma_start3A_397 = arith.constant 0 : i32
      %dma_start3A_398 = tpu.memref_slice %arg9[%dma_start3A_395, %dma_start3A_396, %dma_start3A_397] : memref<2x128x64xf32, #tpu.memory_space<vmem>> -> memref<1x128x64xf32, #tpu.memory_space<vmem>>
      %dma_start3A_399 = tpu.memref_squeeze %dma_start3A_398 : memref<1x128x64xf32, #tpu.memory_space<vmem>> -> memref<128x64xf32, #tpu.memory_space<vmem>>
      %dma_start3A_400 = arith.constant 0 : i32
      %dma_start3A_401 = tpu.memref_slice %arg7[%add3A_394, %dma_start3A_400] : memref<80x128xi32, #tpu.memory_space<vmem>> -> memref<1x128xi32, #tpu.memory_space<vmem>>
      %dma_start3A_402 = tpu.memref_squeeze %dma_start3A_401 : memref<1x128xi32, #tpu.memory_space<vmem>> -> memref<128xi32, #tpu.memory_space<vmem>>
      %dma_start3A_403 = arith.constant 0 : i32
      %dma_start3A_404 = arith.constant 0 : i32
      %dma_start3A_405 = tpu.memref_slice %arg2[%dma_start3A_403, %dma_start3A_404] : memref<102400x64xf32, #tpu.memory_space<hbm>> -> memref<102400x64xf32, #tpu.memory_space<hbm>>
      tpu.enqueue_indirect_dma source(%dma_start3A_405 : memref<102400x64xf32, #tpu.memory_space<hbm>>) target(%dma_start3A_399 : memref<128x64xf32, #tpu.memory_space<vmem>>) offsets(%dma_start3A_402 : memref<128xi32, #tpu.memory_space<vmem>>) semaphore(%arg12 : memref<!tpu.dma_semaphore, #tpu.memory_space<semaphore_mem>>)
    }
    %scan3A_248 = arith.constant 39 : i32
    %dma_wait3A_249 = arith.constant 78 : i32
    %dma_wait3A_250 = arith.constant 0 : i32
    %dma_wait3A_251 = arith.constant 0 : i32
    %dma_wait3A_252 = arith.constant 0 : i32
    %dma_wait3A_253 = tpu.memref_slice %arg9[%dma_wait3A_250, %dma_wait3A_251, %dma_wait3A_252] : memref<2x128x64xf32, #tpu.memory_space<vmem>> -> memref<1x128x64xf32, #tpu.memory_space<vmem>>
    %dma_wait3A_254 = tpu.memref_squeeze %dma_wait3A_253 : memref<1x128x64xf32, #tpu.memory_space<vmem>> -> memref<128x64xf32, #tpu.memory_space<vmem>>
    %dma_wait3A_255 = arith.constant 0 : i32
    %dma_wait3A_256 = tpu.memref_slice %arg7[%dma_wait3A_249, %dma_wait3A_255] : memref<80x128xi32, #tpu.memory_space<vmem>> -> memref<1x128xi32, #tpu.memory_space<vmem>>
    %dma_wait3A_257 = tpu.memref_squeeze %dma_wait3A_256 : memref<1x128xi32, #tpu.memory_space<vmem>> -> memref<128xi32, #tpu.memory_space<vmem>>
    %dma_wait3A_258 = arith.constant 0 : i32
    %dma_wait3A_259 = arith.constant 0 : i32
    %dma_wait3A_260 = tpu.memref_slice %arg2[%dma_wait3A_258, %dma_wait3A_259] : memref<102400x64xf32, #tpu.memory_space<hbm>> -> memref<102400x64xf32, #tpu.memory_space<hbm>>
    tpu.wait_indirect_dma semaphore(%arg11 : memref<!tpu.dma_semaphore, #tpu.memory_space<semaphore_mem>>) src(%dma_wait3A_260 : memref<102400x64xf32, #tpu.memory_space<hbm>>) dst(%dma_wait3A_254 : memref<128x64xf32, #tpu.memory_space<vmem>>)
    %run_scoped3A_261 = arith.constant 0 : i32
    %run_scoped3A_262 = arith.constant 78 : i32
    "tpu.region"() ({
      %run_scoped3A_352 = tpu.sem_alloc : memref<!tpu.dma_semaphore, #tpu.memory_space<semaphore_mem>>
      %dma_start3A_353 = arith.constant 0 : i32
      %dma_start3A_354 = arith.constant 0 : i32
      %dma_start3A_355 = tpu.memref_slice %arg9[%run_scoped3A_261, %dma_start3A_353, %dma_start3A_354] : memref<2x128x64xf32, #tpu.memory_space<vmem>> -> memref<1x128x64xf32, #tpu.memory_space<vmem>>
      %dma_start3A_356 = tpu.memref_squeeze %dma_start3A_355 : memref<1x128x64xf32, #tpu.memory_space<vmem>> -> memref<128x64xf32, #tpu.memory_space<vmem>>
      %dma_start3A_357 = arith.constant 0 : i32
      %dma_start3A_358 = tpu.memref_slice %arg8[%run_scoped3A_262, %dma_start3A_357] : memref<80x128xi32, #tpu.memory_space<vmem>> -> memref<1x128xi32, #tpu.memory_space<vmem>>
      %dma_start3A_359 = tpu.memref_squeeze %dma_start3A_358 : memref<1x128xi32, #tpu.memory_space<vmem>> -> memref<128xi32, #tpu.memory_space<vmem>>
      %dma_start3A_360 = arith.constant 0 : i32
      %dma_start3A_361 = arith.constant 0 : i32
      %dma_start3A_362 = tpu.memref_slice %arg10[%dma_start3A_360, %dma_start3A_361] : memref<10240x64xf32, #tpu.memory_space<vmem_shared>> -> memref<10240x64xf32, #tpu.memory_space<vmem_shared>>
      tpu.enqueue_indirect_dma source(%dma_start3A_356 : memref<128x64xf32, #tpu.memory_space<vmem>>) target(%dma_start3A_362 : memref<10240x64xf32, #tpu.memory_space<vmem_shared>>) offsets(%dma_start3A_359 : memref<128xi32, #tpu.memory_space<vmem>>) semaphore(%run_scoped3A_352 : memref<!tpu.dma_semaphore, #tpu.memory_space<semaphore_mem>>) {add = true}
      %dma_wait3A_363 = arith.constant 0 : i32
      %dma_wait3A_364 = arith.constant 0 : i32
      %dma_wait3A_365 = tpu.memref_slice %arg9[%run_scoped3A_261, %dma_wait3A_363, %dma_wait3A_364] : memref<2x128x64xf32, #tpu.memory_space<vmem>> -> memref<1x128x64xf32, #tpu.memory_space<vmem>>
      %dma_wait3A_366 = tpu.memref_squeeze %dma_wait3A_365 : memref<1x128x64xf32, #tpu.memory_space<vmem>> -> memref<128x64xf32, #tpu.memory_space<vmem>>
      %dma_wait3A_367 = arith.constant 0 : i32
      %dma_wait3A_368 = tpu.memref_slice %arg8[%run_scoped3A_262, %dma_wait3A_367] : memref<80x128xi32, #tpu.memory_space<vmem>> -> memref<1x128xi32, #tpu.memory_space<vmem>>
      %dma_wait3A_369 = tpu.memref_squeeze %dma_wait3A_368 : memref<1x128xi32, #tpu.memory_space<vmem>> -> memref<128xi32, #tpu.memory_space<vmem>>
      %dma_wait3A_370 = arith.constant 0 : i32
      %dma_wait3A_371 = arith.constant 0 : i32
      %dma_wait3A_372 = tpu.memref_slice %arg10[%dma_wait3A_370, %dma_wait3A_371] : memref<10240x64xf32, #tpu.memory_space<vmem_shared>> -> memref<10240x64xf32, #tpu.memory_space<vmem_shared>>
      tpu.wait_indirect_dma semaphore(%run_scoped3A_352 : memref<!tpu.dma_semaphore, #tpu.memory_space<semaphore_mem>>) src(%dma_wait3A_366 : memref<128x64xf32, #tpu.memory_space<vmem>>) dst(%dma_wait3A_372 : memref<10240x64xf32, #tpu.memory_space<vmem_shared>>)
      tpu.yield
    }) : () -> ()
    %dma_wait3A_263 = arith.constant 79 : i32
    %dma_wait3A_264 = arith.constant 1 : i32
    %dma_wait3A_265 = arith.constant 0 : i32
    %dma_wait3A_266 = arith.constant 0 : i32
    %dma_wait3A_267 = tpu.memref_slice %arg9[%dma_wait3A_264, %dma_wait3A_265, %dma_wait3A_266] : memref<2x128x64xf32, #tpu.memory_space<vmem>> -> memref<1x128x64xf32, #tpu.memory_space<vmem>>
    %dma_wait3A_268 = tpu.memref_squeeze %dma_wait3A_267 : memref<1x128x64xf32, #tpu.memory_space<vmem>> -> memref<128x64xf32, #tpu.memory_space<vmem>>
    %dma_wait3A_269 = arith.constant 0 : i32
    %dma_wait3A_270 = tpu.memref_slice %arg7[%dma_wait3A_263, %dma_wait3A_269] : memref<80x128xi32, #tpu.memory_space<vmem>> -> memref<1x128xi32, #tpu.memory_space<vmem>>
    %dma_wait3A_271 = tpu.memref_squeeze %dma_wait3A_270 : memref<1x128xi32, #tpu.memory_space<vmem>> -> memref<128xi32, #tpu.memory_space<vmem>>
    %dma_wait3A_272 = arith.constant 0 : i32
    %dma_wait3A_273 = arith.constant 0 : i32
    %dma_wait3A_274 = tpu.memref_slice %arg2[%dma_wait3A_272, %dma_wait3A_273] : memref<102400x64xf32, #tpu.memory_space<hbm>> -> memref<102400x64xf32, #tpu.memory_space<hbm>>
    tpu.wait_indirect_dma semaphore(%arg12 : memref<!tpu.dma_semaphore, #tpu.memory_space<semaphore_mem>>) src(%dma_wait3A_274 : memref<102400x64xf32, #tpu.memory_space<hbm>>) dst(%dma_wait3A_268 : memref<128x64xf32, #tpu.memory_space<vmem>>)
    %run_scoped3A_275 = arith.constant 1 : i32
    %run_scoped3A_276 = arith.constant 79 : i32
    "tpu.region"() ({
      %run_scoped3A_352 = tpu.sem_alloc : memref<!tpu.dma_semaphore, #tpu.memory_space<semaphore_mem>>
      %dma_start3A_353 = arith.constant 0 : i32
      %dma_start3A_354 = arith.constant 0 : i32
      %dma_start3A_355 = tpu.memref_slice %arg9[%run_scoped3A_275, %dma_start3A_353, %dma_start3A_354] : memref<2x128x64xf32, #tpu.memory_space<vmem>> -> memref<1x128x64xf32, #tpu.memory_space<vmem>>
      %dma_start3A_356 = tpu.memref_squeeze %dma_start3A_355 : memref<1x128x64xf32, #tpu.memory_space<vmem>> -> memref<128x64xf32, #tpu.memory_space<vmem>>
      %dma_start3A_357 = arith.constant 0 : i32
      %dma_start3A_358 = tpu.memref_slice %arg8[%run_scoped3A_276, %dma_start3A_357] : memref<80x128xi32, #tpu.memory_space<vmem>> -> memref<1x128xi32, #tpu.memory_space<vmem>>
      %dma_start3A_359 = tpu.memref_squeeze %dma_start3A_358 : memref<1x128xi32, #tpu.memory_space<vmem>> -> memref<128xi32, #tpu.memory_space<vmem>>
      %dma_start3A_360 = arith.constant 0 : i32
      %dma_start3A_361 = arith.constant 0 : i32
      %dma_start3A_362 = tpu.memref_slice %arg10[%dma_start3A_360, %dma_start3A_361] : memref<10240x64xf32, #tpu.memory_space<vmem_shared>> -> memref<10240x64xf32, #tpu.memory_space<vmem_shared>>
      tpu.enqueue_indirect_dma source(%dma_start3A_356 : memref<128x64xf32, #tpu.memory_space<vmem>>) target(%dma_start3A_362 : memref<10240x64xf32, #tpu.memory_space<vmem_shared>>) offsets(%dma_start3A_359 : memref<128xi32, #tpu.memory_space<vmem>>) semaphore(%run_scoped3A_352 : memref<!tpu.dma_semaphore, #tpu.memory_space<semaphore_mem>>) {add = true}
      %dma_wait3A_363 = arith.constant 0 : i32
      %dma_wait3A_364 = arith.constant 0 : i32
      %dma_wait3A_365 = tpu.memref_slice %arg9[%run_scoped3A_275, %dma_wait3A_363, %dma_wait3A_364] : memref<2x128x64xf32, #tpu.memory_space<vmem>> -> memref<1x128x64xf32, #tpu.memory_space<vmem>>
      %dma_wait3A_366 = tpu.memref_squeeze %dma_wait3A_365 : memref<1x128x64xf32, #tpu.memory_space<vmem>> -> memref<128x64xf32, #tpu.memory_space<vmem>>
      %dma_wait3A_367 = arith.constant 0 : i32
      %dma_wait3A_368 = tpu.memref_slice %arg8[%run_scoped3A_276, %dma_wait3A_367] : memref<80x128xi32, #tpu.memory_space<vmem>> -> memref<1x128xi32, #tpu.memory_space<vmem>>
      %dma_wait3A_369 = tpu.memref_squeeze %dma_wait3A_368 : memref<1x128xi32, #tpu.memory_space<vmem>> -> memref<128xi32, #tpu.memory_space<vmem>>
      %dma_wait3A_370 = arith.constant 0 : i32
      %dma_wait3A_371 = arith.constant 0 : i32
      %dma_wait3A_372 = tpu.memref_slice %arg10[%dma_wait3A_370, %dma_wait3A_371] : memref<10240x64xf32, #tpu.memory_space<vmem_shared>> -> memref<10240x64xf32, #tpu.memory_space<vmem_shared>>
      tpu.wait_indirect_dma semaphore(%run_scoped3A_352 : memref<!tpu.dma_semaphore, #tpu.memory_space<semaphore_mem>>) src(%dma_wait3A_366 : memref<128x64xf32, #tpu.memory_space<vmem>>) dst(%dma_wait3A_372 : memref<10240x64xf32, #tpu.memory_space<vmem_shared>>)
      tpu.yield
    }) : () -> ()
    %barrier3A_277 = arith.constant 0 : index
    tpu.barrier barrier_id(%barrier3A_277)
    %run_scoped3A_278 = arith.constant 3 : i32
    "tpu.region"() ({
      %run_scoped3A_352 = tpu.sem_alloc : memref<!tpu.dma_semaphore, #tpu.memory_space<semaphore_mem>>
      %dma_start3A_353 = arith.constant 0 : i32
      %dma_start3A_354 = tpu.memref_slice %arg6[%arg0, %run_scoped3A_278, %mul3A_0, %dma_start3A_353] : memref<2x5x10240x64xf32, #tpu.memory_space<hbm>> -> memref<1x1x640x64xf32, #tpu.memory_space<hbm>>
      %dma_start3A_355 = tpu.memref_squeeze %dma_start3A_354 : memref<1x1x640x64xf32, #tpu.memory_space<hbm>> -> memref<640x64xf32, #tpu.memory_space<hbm>>
      %dma_start3A_356 = arith.constant 0 : i32
      %dma_start3A_357 = tpu.memref_slice %arg10[%mul3A_0, %dma_start3A_356] : memref<10240x64xf32, #tpu.memory_space<vmem_shared>> -> memref<640x64xf32, #tpu.memory_space<vmem_shared>>
      tpu.enqueue_dma source(%dma_start3A_357 : memref<640x64xf32, #tpu.memory_space<vmem_shared>>) target(%dma_start3A_355 : memref<640x64xf32, #tpu.memory_space<hbm>>) target_semaphore(%run_scoped3A_352 : memref<!tpu.dma_semaphore, #tpu.memory_space<semaphore_mem>>)
      %dma_wait3A_358 = arith.constant 0 : i32
      %dma_wait3A_359 = tpu.memref_slice %arg6[%arg0, %run_scoped3A_278, %mul3A_0, %dma_wait3A_358] : memref<2x5x10240x64xf32, #tpu.memory_space<hbm>> -> memref<1x1x640x64xf32, #tpu.memory_space<hbm>>
      %dma_wait3A_360 = tpu.memref_squeeze %dma_wait3A_359 : memref<1x1x640x64xf32, #tpu.memory_space<hbm>> -> memref<640x64xf32, #tpu.memory_space<hbm>>
      %dma_wait3A_361 = arith.constant 0 : i32
      %dma_wait3A_362 = tpu.memref_slice %arg10[%mul3A_0, %dma_wait3A_361] : memref<10240x64xf32, #tpu.memory_space<vmem_shared>> -> memref<640x64xf32, #tpu.memory_space<vmem_shared>>
      tpu.wait_dma2 semaphore(%run_scoped3A_352 : memref<!tpu.dma_semaphore, #tpu.memory_space<semaphore_mem>>) src(%dma_wait3A_362 : memref<640x64xf32, #tpu.memory_space<vmem_shared>>) dst(%dma_wait3A_360 : memref<640x64xf32, #tpu.memory_space<hbm>>)
      tpu.yield
    }) : () -> ()
    %barrier3A_279 = arith.constant 0 : index
    tpu.barrier barrier_id(%barrier3A_279)
    %eq3A_280 = arith.constant 0 : i32
    %eq3A_281 = arith.cmpi eq, %arg0, %eq3A_280 : i32
    %convert_element_type3A_282 = arith.extui %eq3A_281 : i1 to i32
    %cond3A_283 = arith.constant 0 : i32
    %cond3A_284 = arith.cmpi ne, %convert_element_type3A_282, %cond3A_283 : i32
    scf.if %cond3A_284 {
      %mul3A_352 = arith.constant 640 : i32
      %mul3A_353 = arith.muli %arg1, %mul3A_352 : i32
      %add3A = arith.constant 40960 : i32
      %add3A_354 = arith.addi %add3A, %mul3A_353 : i32
      "tpu.region"() ({
        %run_scoped3A_355 = tpu.sem_alloc : memref<!tpu.dma_semaphore, #tpu.memory_space<semaphore_mem>>
        %dma_start3A_356 = arith.constant 0 : i32
        %dma_start3A_357 = tpu.memref_slice %arg10[%mul3A_0, %dma_start3A_356] : memref<10240x64xf32, #tpu.memory_space<vmem_shared>> -> memref<640x64xf32, #tpu.memory_space<vmem_shared>>
        %dma_start3A_358 = arith.constant 0 : i32
        %dma_start3A_359 = tpu.memref_slice %arg2[%add3A_354, %dma_start3A_358] : memref<102400x64xf32, #tpu.memory_space<hbm>> -> memref<640x64xf32, #tpu.memory_space<hbm>>
        tpu.enqueue_dma source(%dma_start3A_359 : memref<640x64xf32, #tpu.memory_space<hbm>>) target(%dma_start3A_357 : memref<640x64xf32, #tpu.memory_space<vmem_shared>>) target_semaphore(%run_scoped3A_355 : memref<!tpu.dma_semaphore, #tpu.memory_space<semaphore_mem>>)
        %dma_wait3A_360 = arith.constant 0 : i32
        %dma_wait3A_361 = tpu.memref_slice %arg10[%mul3A_0, %dma_wait3A_360] : memref<10240x64xf32, #tpu.memory_space<vmem_shared>> -> memref<640x64xf32, #tpu.memory_space<vmem_shared>>
        %dma_wait3A_362 = arith.constant 0 : i32
        %dma_wait3A_363 = tpu.memref_slice %arg2[%add3A_354, %dma_wait3A_362] : memref<102400x64xf32, #tpu.memory_space<hbm>> -> memref<640x64xf32, #tpu.memory_space<hbm>>
        tpu.wait_dma2 semaphore(%run_scoped3A_355 : memref<!tpu.dma_semaphore, #tpu.memory_space<semaphore_mem>>) src(%dma_wait3A_363 : memref<640x64xf32, #tpu.memory_space<hbm>>) dst(%dma_wait3A_361 : memref<640x64xf32, #tpu.memory_space<vmem_shared>>)
        tpu.yield
      }) : () -> ()
      "tpu.region"() ({
        %run_scoped3A_355 = tpu.sem_alloc : memref<!tpu.dma_semaphore, #tpu.memory_space<semaphore_mem>>
        %dma_start3A_356 = arith.constant 320 : i32
        %dma_start3A_357 = arith.constant 0 : i32
        %dma_start3A_358 = tpu.memref_slice %arg3[%arg1, %dma_start3A_356, %dma_start3A_357] : memref<16x400x128xi32, #tpu.memory_space<hbm>> -> memref<1x80x128xi32, #tpu.memory_space<hbm>>
        %dma_start3A_359 = tpu.memref_squeeze %dma_start3A_358 : memref<1x80x128xi32, #tpu.memory_space<hbm>> -> memref<80x128xi32, #tpu.memory_space<hbm>>
        %dma_start3A_360 = arith.constant 320 : i32
        %dma_start3A_361 = arith.constant 0 : i32
        %dma_start3A_362 = tpu.memref_slice %arg3[%arg1, %dma_start3A_360, %dma_start3A_361] : memref<16x400x128xi32, #tpu.memory_space<hbm>> -> memref<1x80x128xi32, #tpu.memory_space<hbm>>
        %dma_start3A_363 = tpu.memref_squeeze %dma_start3A_362 : memref<1x80x128xi32, #tpu.memory_space<hbm>> -> memref<80x128xi32, #tpu.memory_space<hbm>>
        tpu.enqueue_dma source(%dma_start3A_363 : memref<80x128xi32, #tpu.memory_space<hbm>>) target(%arg7 : memref<80x128xi32, #tpu.memory_space<vmem>>) target_semaphore(%run_scoped3A_355 : memref<!tpu.dma_semaphore, #tpu.memory_space<semaphore_mem>>)
        %dma_wait3A_364 = arith.constant 320 : i32
        %dma_wait3A_365 = arith.constant 0 : i32
        %dma_wait3A_366 = tpu.memref_slice %arg3[%arg1, %dma_wait3A_364, %dma_wait3A_365] : memref<16x400x128xi32, #tpu.memory_space<hbm>> -> memref<1x80x128xi32, #tpu.memory_space<hbm>>
        %dma_wait3A_367 = tpu.memref_squeeze %dma_wait3A_366 : memref<1x80x128xi32, #tpu.memory_space<hbm>> -> memref<80x128xi32, #tpu.memory_space<hbm>>
        %dma_wait3A_368 = arith.constant 320 : i32
        %dma_wait3A_369 = arith.constant 0 : i32
        %dma_wait3A_370 = tpu.memref_slice %arg3[%arg1, %dma_wait3A_368, %dma_wait3A_369] : memref<16x400x128xi32, #tpu.memory_space<hbm>> -> memref<1x80x128xi32, #tpu.memory_space<hbm>>
        %dma_wait3A_371 = tpu.memref_squeeze %dma_wait3A_370 : memref<1x80x128xi32, #tpu.memory_space<hbm>> -> memref<80x128xi32, #tpu.memory_space<hbm>>
        tpu.wait_dma2 semaphore(%run_scoped3A_355 : memref<!tpu.dma_semaphore, #tpu.memory_space<semaphore_mem>>) src(%dma_wait3A_371 : memref<80x128xi32, #tpu.memory_space<hbm>>) dst(%arg7 : memref<80x128xi32, #tpu.memory_space<vmem>>)
        tpu.yield
      }) : () -> ()
    } else {
    }
    %ne3A_285 = arith.constant 0 : i32
    %ne3A_286 = arith.cmpi ne, %arg0, %ne3A_285 : i32
    %convert_element_type3A_287 = arith.extui %ne3A_286 : i1 to i32
    %cond3A_288 = arith.constant 0 : i32
    %cond3A_289 = arith.cmpi ne, %convert_element_type3A_287, %cond3A_288 : i32
    scf.if %cond3A_289 {
      %mul3A_352 = arith.constant 640 : i32
      %mul3A_353 = arith.muli %arg1, %mul3A_352 : i32
      %add3A = arith.constant 92160 : i32
      %add3A_354 = arith.addi %add3A, %mul3A_353 : i32
      "tpu.region"() ({
        %run_scoped3A_355 = tpu.sem_alloc : memref<!tpu.dma_semaphore, #tpu.memory_space<semaphore_mem>>
        %dma_start3A_356 = arith.constant 0 : i32
        %dma_start3A_357 = tpu.memref_slice %arg10[%mul3A_0, %dma_start3A_356] : memref<10240x64xf32, #tpu.memory_space<vmem_shared>> -> memref<640x64xf32, #tpu.memory_space<vmem_shared>>
        %dma_start3A_358 = arith.constant 0 : i32
        %dma_start3A_359 = tpu.memref_slice %arg2[%add3A_354, %dma_start3A_358] : memref<102400x64xf32, #tpu.memory_space<hbm>> -> memref<640x64xf32, #tpu.memory_space<hbm>>
        tpu.enqueue_dma source(%dma_start3A_359 : memref<640x64xf32, #tpu.memory_space<hbm>>) target(%dma_start3A_357 : memref<640x64xf32, #tpu.memory_space<vmem_shared>>) target_semaphore(%run_scoped3A_355 : memref<!tpu.dma_semaphore, #tpu.memory_space<semaphore_mem>>)
        %dma_wait3A_360 = arith.constant 0 : i32
        %dma_wait3A_361 = tpu.memref_slice %arg10[%mul3A_0, %dma_wait3A_360] : memref<10240x64xf32, #tpu.memory_space<vmem_shared>> -> memref<640x64xf32, #tpu.memory_space<vmem_shared>>
        %dma_wait3A_362 = arith.constant 0 : i32
        %dma_wait3A_363 = tpu.memref_slice %arg2[%add3A_354, %dma_wait3A_362] : memref<102400x64xf32, #tpu.memory_space<hbm>> -> memref<640x64xf32, #tpu.memory_space<hbm>>
        tpu.wait_dma2 semaphore(%run_scoped3A_355 : memref<!tpu.dma_semaphore, #tpu.memory_space<semaphore_mem>>) src(%dma_wait3A_363 : memref<640x64xf32, #tpu.memory_space<hbm>>) dst(%dma_wait3A_361 : memref<640x64xf32, #tpu.memory_space<vmem_shared>>)
        tpu.yield
      }) : () -> ()
      "tpu.region"() ({
        %run_scoped3A_355 = tpu.sem_alloc : memref<!tpu.dma_semaphore, #tpu.memory_space<semaphore_mem>>
        %dma_start3A_356 = arith.constant 320 : i32
        %dma_start3A_357 = arith.constant 0 : i32
        %dma_start3A_358 = tpu.memref_slice %arg4[%arg1, %dma_start3A_356, %dma_start3A_357] : memref<16x400x128xi32, #tpu.memory_space<hbm>> -> memref<1x80x128xi32, #tpu.memory_space<hbm>>
        %dma_start3A_359 = tpu.memref_squeeze %dma_start3A_358 : memref<1x80x128xi32, #tpu.memory_space<hbm>> -> memref<80x128xi32, #tpu.memory_space<hbm>>
        %dma_start3A_360 = arith.constant 320 : i32
        %dma_start3A_361 = arith.constant 0 : i32
        %dma_start3A_362 = tpu.memref_slice %arg4[%arg1, %dma_start3A_360, %dma_start3A_361] : memref<16x400x128xi32, #tpu.memory_space<hbm>> -> memref<1x80x128xi32, #tpu.memory_space<hbm>>
        %dma_start3A_363 = tpu.memref_squeeze %dma_start3A_362 : memref<1x80x128xi32, #tpu.memory_space<hbm>> -> memref<80x128xi32, #tpu.memory_space<hbm>>
        tpu.enqueue_dma source(%dma_start3A_363 : memref<80x128xi32, #tpu.memory_space<hbm>>) target(%arg7 : memref<80x128xi32, #tpu.memory_space<vmem>>) target_semaphore(%run_scoped3A_355 : memref<!tpu.dma_semaphore, #tpu.memory_space<semaphore_mem>>)
        %dma_wait3A_364 = arith.constant 320 : i32
        %dma_wait3A_365 = arith.constant 0 : i32
        %dma_wait3A_366 = tpu.memref_slice %arg4[%arg1, %dma_wait3A_364, %dma_wait3A_365] : memref<16x400x128xi32, #tpu.memory_space<hbm>> -> memref<1x80x128xi32, #tpu.memory_space<hbm>>
        %dma_wait3A_367 = tpu.memref_squeeze %dma_wait3A_366 : memref<1x80x128xi32, #tpu.memory_space<hbm>> -> memref<80x128xi32, #tpu.memory_space<hbm>>
        %dma_wait3A_368 = arith.constant 320 : i32
        %dma_wait3A_369 = arith.constant 0 : i32
        %dma_wait3A_370 = tpu.memref_slice %arg4[%arg1, %dma_wait3A_368, %dma_wait3A_369] : memref<16x400x128xi32, #tpu.memory_space<hbm>> -> memref<1x80x128xi32, #tpu.memory_space<hbm>>
        %dma_wait3A_371 = tpu.memref_squeeze %dma_wait3A_370 : memref<1x80x128xi32, #tpu.memory_space<hbm>> -> memref<80x128xi32, #tpu.memory_space<hbm>>
        tpu.wait_dma2 semaphore(%run_scoped3A_355 : memref<!tpu.dma_semaphore, #tpu.memory_space<semaphore_mem>>) src(%dma_wait3A_371 : memref<80x128xi32, #tpu.memory_space<hbm>>) dst(%arg7 : memref<80x128xi32, #tpu.memory_space<vmem>>)
        tpu.yield
      }) : () -> ()
    } else {
    }
    "tpu.region"() ({
      %run_scoped3A_352 = tpu.sem_alloc : memref<!tpu.dma_semaphore, #tpu.memory_space<semaphore_mem>>
      %dma_start3A_353 = arith.constant 320 : i32
      %dma_start3A_354 = arith.constant 0 : i32
      %dma_start3A_355 = tpu.memref_slice %arg5[%arg1, %dma_start3A_353, %dma_start3A_354] : memref<16x400x128xi32, #tpu.memory_space<hbm>> -> memref<1x80x128xi32, #tpu.memory_space<hbm>>
      %dma_start3A_356 = tpu.memref_squeeze %dma_start3A_355 : memref<1x80x128xi32, #tpu.memory_space<hbm>> -> memref<80x128xi32, #tpu.memory_space<hbm>>
      %dma_start3A_357 = arith.constant 320 : i32
      %dma_start3A_358 = arith.constant 0 : i32
      %dma_start3A_359 = tpu.memref_slice %arg5[%arg1, %dma_start3A_357, %dma_start3A_358] : memref<16x400x128xi32, #tpu.memory_space<hbm>> -> memref<1x80x128xi32, #tpu.memory_space<hbm>>
      %dma_start3A_360 = tpu.memref_squeeze %dma_start3A_359 : memref<1x80x128xi32, #tpu.memory_space<hbm>> -> memref<80x128xi32, #tpu.memory_space<hbm>>
      tpu.enqueue_dma source(%dma_start3A_360 : memref<80x128xi32, #tpu.memory_space<hbm>>) target(%arg8 : memref<80x128xi32, #tpu.memory_space<vmem>>) target_semaphore(%run_scoped3A_352 : memref<!tpu.dma_semaphore, #tpu.memory_space<semaphore_mem>>)
      %dma_wait3A_361 = arith.constant 320 : i32
      %dma_wait3A_362 = arith.constant 0 : i32
      %dma_wait3A_363 = tpu.memref_slice %arg5[%arg1, %dma_wait3A_361, %dma_wait3A_362] : memref<16x400x128xi32, #tpu.memory_space<hbm>> -> memref<1x80x128xi32, #tpu.memory_space<hbm>>
      %dma_wait3A_364 = tpu.memref_squeeze %dma_wait3A_363 : memref<1x80x128xi32, #tpu.memory_space<hbm>> -> memref<80x128xi32, #tpu.memory_space<hbm>>
      %dma_wait3A_365 = arith.constant 320 : i32
      %dma_wait3A_366 = arith.constant 0 : i32
      %dma_wait3A_367 = tpu.memref_slice %arg5[%arg1, %dma_wait3A_365, %dma_wait3A_366] : memref<16x400x128xi32, #tpu.memory_space<hbm>> -> memref<1x80x128xi32, #tpu.memory_space<hbm>>
      %dma_wait3A_368 = tpu.memref_squeeze %dma_wait3A_367 : memref<1x80x128xi32, #tpu.memory_space<hbm>> -> memref<80x128xi32, #tpu.memory_space<hbm>>
      tpu.wait_dma2 semaphore(%run_scoped3A_352 : memref<!tpu.dma_semaphore, #tpu.memory_space<semaphore_mem>>) src(%dma_wait3A_368 : memref<80x128xi32, #tpu.memory_space<hbm>>) dst(%arg8 : memref<80x128xi32, #tpu.memory_space<vmem>>)
      tpu.yield
    }) : () -> ()
    %barrier3A_290 = arith.constant 0 : index
    tpu.barrier barrier_id(%barrier3A_290)
    %dma_start3A_291 = arith.constant 0 : i32
    %dma_start3A_292 = arith.constant 0 : i32
    %dma_start3A_293 = arith.constant 0 : i32
    %dma_start3A_294 = arith.constant 0 : i32
    %dma_start3A_295 = tpu.memref_slice %arg9[%dma_start3A_292, %dma_start3A_293, %dma_start3A_294] : memref<2x128x64xf32, #tpu.memory_space<vmem>> -> memref<1x128x64xf32, #tpu.memory_space<vmem>>
    %dma_start3A_296 = tpu.memref_squeeze %dma_start3A_295 : memref<1x128x64xf32, #tpu.memory_space<vmem>> -> memref<128x64xf32, #tpu.memory_space<vmem>>
    %dma_start3A_297 = arith.constant 0 : i32
    %dma_start3A_298 = tpu.memref_slice %arg7[%dma_start3A_291, %dma_start3A_297] : memref<80x128xi32, #tpu.memory_space<vmem>> -> memref<1x128xi32, #tpu.memory_space<vmem>>
    %dma_start3A_299 = tpu.memref_squeeze %dma_start3A_298 : memref<1x128xi32, #tpu.memory_space<vmem>> -> memref<128xi32, #tpu.memory_space<vmem>>
    %dma_start3A_300 = arith.constant 0 : i32
    %dma_start3A_301 = arith.constant 0 : i32
    %dma_start3A_302 = tpu.memref_slice %arg2[%dma_start3A_300, %dma_start3A_301] : memref<102400x64xf32, #tpu.memory_space<hbm>> -> memref<102400x64xf32, #tpu.memory_space<hbm>>
    tpu.enqueue_indirect_dma source(%dma_start3A_302 : memref<102400x64xf32, #tpu.memory_space<hbm>>) target(%dma_start3A_296 : memref<128x64xf32, #tpu.memory_space<vmem>>) offsets(%dma_start3A_299 : memref<128xi32, #tpu.memory_space<vmem>>) semaphore(%arg11 : memref<!tpu.dma_semaphore, #tpu.memory_space<semaphore_mem>>)
    %dma_start3A_303 = arith.constant 1 : i32
    %dma_start3A_304 = arith.constant 1 : i32
    %dma_start3A_305 = arith.constant 0 : i32
    %dma_start3A_306 = arith.constant 0 : i32
    %dma_start3A_307 = tpu.memref_slice %arg9[%dma_start3A_304, %dma_start3A_305, %dma_start3A_306] : memref<2x128x64xf32, #tpu.memory_space<vmem>> -> memref<1x128x64xf32, #tpu.memory_space<vmem>>
    %dma_start3A_308 = tpu.memref_squeeze %dma_start3A_307 : memref<1x128x64xf32, #tpu.memory_space<vmem>> -> memref<128x64xf32, #tpu.memory_space<vmem>>
    %dma_start3A_309 = arith.constant 0 : i32
    %dma_start3A_310 = tpu.memref_slice %arg7[%dma_start3A_303, %dma_start3A_309] : memref<80x128xi32, #tpu.memory_space<vmem>> -> memref<1x128xi32, #tpu.memory_space<vmem>>
    %dma_start3A_311 = tpu.memref_squeeze %dma_start3A_310 : memref<1x128xi32, #tpu.memory_space<vmem>> -> memref<128xi32, #tpu.memory_space<vmem>>
    %dma_start3A_312 = arith.constant 0 : i32
    %dma_start3A_313 = arith.constant 0 : i32
    %dma_start3A_314 = tpu.memref_slice %arg2[%dma_start3A_312, %dma_start3A_313] : memref<102400x64xf32, #tpu.memory_space<hbm>> -> memref<102400x64xf32, #tpu.memory_space<hbm>>
    tpu.enqueue_indirect_dma source(%dma_start3A_314 : memref<102400x64xf32, #tpu.memory_space<hbm>>) target(%dma_start3A_308 : memref<128x64xf32, #tpu.memory_space<vmem>>) offsets(%dma_start3A_311 : memref<128xi32, #tpu.memory_space<vmem>>) semaphore(%arg12 : memref<!tpu.dma_semaphore, #tpu.memory_space<semaphore_mem>>)
    %scan3A_315 = arith.constant 0 : i32
    %scan3A_316 = arith.constant 0 : i32
    %scan3A_317 = arith.constant 39 : i32
    %scan3A_318 = arith.addi %scan3A_316, %scan3A_317 : i32
    %scan3A_319 = arith.constant 1 : i32
    scf.for %scan3A_352 = %scan3A_316 to %scan3A_318 step %scan3A_319  : i32 {
      %mul3A_353 = arith.constant 2 : i32
      %mul3A_354 = arith.muli %mul3A_353, %scan3A_352 : i32
      %add3A = arith.constant 1 : i32
      %add3A_355 = arith.addi %mul3A_354, %add3A : i32
      %dma_wait3A_356 = arith.constant 0 : i32
      %dma_wait3A_357 = arith.constant 0 : i32
      %dma_wait3A_358 = arith.constant 0 : i32
      %dma_wait3A_359 = tpu.memref_slice %arg9[%dma_wait3A_356, %dma_wait3A_357, %dma_wait3A_358] : memref<2x128x64xf32, #tpu.memory_space<vmem>> -> memref<1x128x64xf32, #tpu.memory_space<vmem>>
      %dma_wait3A_360 = tpu.memref_squeeze %dma_wait3A_359 : memref<1x128x64xf32, #tpu.memory_space<vmem>> -> memref<128x64xf32, #tpu.memory_space<vmem>>
      %dma_wait3A_361 = arith.constant 0 : i32
      %dma_wait3A_362 = tpu.memref_slice %arg7[%mul3A_354, %dma_wait3A_361] : memref<80x128xi32, #tpu.memory_space<vmem>> -> memref<1x128xi32, #tpu.memory_space<vmem>>
      %dma_wait3A_363 = tpu.memref_squeeze %dma_wait3A_362 : memref<1x128xi32, #tpu.memory_space<vmem>> -> memref<128xi32, #tpu.memory_space<vmem>>
      %dma_wait3A_364 = arith.constant 0 : i32
      %dma_wait3A_365 = arith.constant 0 : i32
      %dma_wait3A_366 = tpu.memref_slice %arg2[%dma_wait3A_364, %dma_wait3A_365] : memref<102400x64xf32, #tpu.memory_space<hbm>> -> memref<102400x64xf32, #tpu.memory_space<hbm>>
      tpu.wait_indirect_dma semaphore(%arg11 : memref<!tpu.dma_semaphore, #tpu.memory_space<semaphore_mem>>) src(%dma_wait3A_366 : memref<102400x64xf32, #tpu.memory_space<hbm>>) dst(%dma_wait3A_360 : memref<128x64xf32, #tpu.memory_space<vmem>>)
      %run_scoped3A_367 = arith.constant 0 : i32
      "tpu.region"() ({
        %run_scoped3A_406 = tpu.sem_alloc : memref<!tpu.dma_semaphore, #tpu.memory_space<semaphore_mem>>
        %dma_start3A_407 = arith.constant 0 : i32
        %dma_start3A_408 = arith.constant 0 : i32
        %dma_start3A_409 = tpu.memref_slice %arg9[%run_scoped3A_367, %dma_start3A_407, %dma_start3A_408] : memref<2x128x64xf32, #tpu.memory_space<vmem>> -> memref<1x128x64xf32, #tpu.memory_space<vmem>>
        %dma_start3A_410 = tpu.memref_squeeze %dma_start3A_409 : memref<1x128x64xf32, #tpu.memory_space<vmem>> -> memref<128x64xf32, #tpu.memory_space<vmem>>
        %dma_start3A_411 = arith.constant 0 : i32
        %dma_start3A_412 = tpu.memref_slice %arg8[%mul3A_354, %dma_start3A_411] : memref<80x128xi32, #tpu.memory_space<vmem>> -> memref<1x128xi32, #tpu.memory_space<vmem>>
        %dma_start3A_413 = tpu.memref_squeeze %dma_start3A_412 : memref<1x128xi32, #tpu.memory_space<vmem>> -> memref<128xi32, #tpu.memory_space<vmem>>
        %dma_start3A_414 = arith.constant 0 : i32
        %dma_start3A_415 = arith.constant 0 : i32
        %dma_start3A_416 = tpu.memref_slice %arg10[%dma_start3A_414, %dma_start3A_415] : memref<10240x64xf32, #tpu.memory_space<vmem_shared>> -> memref<10240x64xf32, #tpu.memory_space<vmem_shared>>
        tpu.enqueue_indirect_dma source(%dma_start3A_410 : memref<128x64xf32, #tpu.memory_space<vmem>>) target(%dma_start3A_416 : memref<10240x64xf32, #tpu.memory_space<vmem_shared>>) offsets(%dma_start3A_413 : memref<128xi32, #tpu.memory_space<vmem>>) semaphore(%run_scoped3A_406 : memref<!tpu.dma_semaphore, #tpu.memory_space<semaphore_mem>>) {add = true}
        %dma_wait3A_417 = arith.constant 0 : i32
        %dma_wait3A_418 = arith.constant 0 : i32
        %dma_wait3A_419 = tpu.memref_slice %arg9[%run_scoped3A_367, %dma_wait3A_417, %dma_wait3A_418] : memref<2x128x64xf32, #tpu.memory_space<vmem>> -> memref<1x128x64xf32, #tpu.memory_space<vmem>>
        %dma_wait3A_420 = tpu.memref_squeeze %dma_wait3A_419 : memref<1x128x64xf32, #tpu.memory_space<vmem>> -> memref<128x64xf32, #tpu.memory_space<vmem>>
        %dma_wait3A_421 = arith.constant 0 : i32
        %dma_wait3A_422 = tpu.memref_slice %arg8[%mul3A_354, %dma_wait3A_421] : memref<80x128xi32, #tpu.memory_space<vmem>> -> memref<1x128xi32, #tpu.memory_space<vmem>>
        %dma_wait3A_423 = tpu.memref_squeeze %dma_wait3A_422 : memref<1x128xi32, #tpu.memory_space<vmem>> -> memref<128xi32, #tpu.memory_space<vmem>>
        %dma_wait3A_424 = arith.constant 0 : i32
        %dma_wait3A_425 = arith.constant 0 : i32
        %dma_wait3A_426 = tpu.memref_slice %arg10[%dma_wait3A_424, %dma_wait3A_425] : memref<10240x64xf32, #tpu.memory_space<vmem_shared>> -> memref<10240x64xf32, #tpu.memory_space<vmem_shared>>
        tpu.wait_indirect_dma semaphore(%run_scoped3A_406 : memref<!tpu.dma_semaphore, #tpu.memory_space<semaphore_mem>>) src(%dma_wait3A_420 : memref<128x64xf32, #tpu.memory_space<vmem>>) dst(%dma_wait3A_426 : memref<10240x64xf32, #tpu.memory_space<vmem_shared>>)
        tpu.yield
      }) : () -> ()
      %add3A_368 = arith.constant 2 : i32
      %add3A_369 = arith.addi %mul3A_354, %add3A_368 : i32
      %dma_start3A_370 = arith.constant 0 : i32
      %dma_start3A_371 = arith.constant 0 : i32
      %dma_start3A_372 = arith.constant 0 : i32
      %dma_start3A_373 = tpu.memref_slice %arg9[%dma_start3A_370, %dma_start3A_371, %dma_start3A_372] : memref<2x128x64xf32, #tpu.memory_space<vmem>> -> memref<1x128x64xf32, #tpu.memory_space<vmem>>
      %dma_start3A_374 = tpu.memref_squeeze %dma_start3A_373 : memref<1x128x64xf32, #tpu.memory_space<vmem>> -> memref<128x64xf32, #tpu.memory_space<vmem>>
      %dma_start3A_375 = arith.constant 0 : i32
      %dma_start3A_376 = tpu.memref_slice %arg7[%add3A_369, %dma_start3A_375] : memref<80x128xi32, #tpu.memory_space<vmem>> -> memref<1x128xi32, #tpu.memory_space<vmem>>
      %dma_start3A_377 = tpu.memref_squeeze %dma_start3A_376 : memref<1x128xi32, #tpu.memory_space<vmem>> -> memref<128xi32, #tpu.memory_space<vmem>>
      %dma_start3A_378 = arith.constant 0 : i32
      %dma_start3A_379 = arith.constant 0 : i32
      %dma_start3A_380 = tpu.memref_slice %arg2[%dma_start3A_378, %dma_start3A_379] : memref<102400x64xf32, #tpu.memory_space<hbm>> -> memref<102400x64xf32, #tpu.memory_space<hbm>>
      tpu.enqueue_indirect_dma source(%dma_start3A_380 : memref<102400x64xf32, #tpu.memory_space<hbm>>) target(%dma_start3A_374 : memref<128x64xf32, #tpu.memory_space<vmem>>) offsets(%dma_start3A_377 : memref<128xi32, #tpu.memory_space<vmem>>) semaphore(%arg11 : memref<!tpu.dma_semaphore, #tpu.memory_space<semaphore_mem>>)
      %dma_wait3A_381 = arith.constant 1 : i32
      %dma_wait3A_382 = arith.constant 0 : i32
      %dma_wait3A_383 = arith.constant 0 : i32
      %dma_wait3A_384 = tpu.memref_slice %arg9[%dma_wait3A_381, %dma_wait3A_382, %dma_wait3A_383] : memref<2x128x64xf32, #tpu.memory_space<vmem>> -> memref<1x128x64xf32, #tpu.memory_space<vmem>>
      %dma_wait3A_385 = tpu.memref_squeeze %dma_wait3A_384 : memref<1x128x64xf32, #tpu.memory_space<vmem>> -> memref<128x64xf32, #tpu.memory_space<vmem>>
      %dma_wait3A_386 = arith.constant 0 : i32
      %dma_wait3A_387 = tpu.memref_slice %arg7[%add3A_355, %dma_wait3A_386] : memref<80x128xi32, #tpu.memory_space<vmem>> -> memref<1x128xi32, #tpu.memory_space<vmem>>
      %dma_wait3A_388 = tpu.memref_squeeze %dma_wait3A_387 : memref<1x128xi32, #tpu.memory_space<vmem>> -> memref<128xi32, #tpu.memory_space<vmem>>
      %dma_wait3A_389 = arith.constant 0 : i32
      %dma_wait3A_390 = arith.constant 0 : i32
      %dma_wait3A_391 = tpu.memref_slice %arg2[%dma_wait3A_389, %dma_wait3A_390] : memref<102400x64xf32, #tpu.memory_space<hbm>> -> memref<102400x64xf32, #tpu.memory_space<hbm>>
      tpu.wait_indirect_dma semaphore(%arg12 : memref<!tpu.dma_semaphore, #tpu.memory_space<semaphore_mem>>) src(%dma_wait3A_391 : memref<102400x64xf32, #tpu.memory_space<hbm>>) dst(%dma_wait3A_385 : memref<128x64xf32, #tpu.memory_space<vmem>>)
      %run_scoped3A_392 = arith.constant 1 : i32
      "tpu.region"() ({
        %run_scoped3A_406 = tpu.sem_alloc : memref<!tpu.dma_semaphore, #tpu.memory_space<semaphore_mem>>
        %dma_start3A_407 = arith.constant 0 : i32
        %dma_start3A_408 = arith.constant 0 : i32
        %dma_start3A_409 = tpu.memref_slice %arg9[%run_scoped3A_392, %dma_start3A_407, %dma_start3A_408] : memref<2x128x64xf32, #tpu.memory_space<vmem>> -> memref<1x128x64xf32, #tpu.memory_space<vmem>>
        %dma_start3A_410 = tpu.memref_squeeze %dma_start3A_409 : memref<1x128x64xf32, #tpu.memory_space<vmem>> -> memref<128x64xf32, #tpu.memory_space<vmem>>
        %dma_start3A_411 = arith.constant 0 : i32
        %dma_start3A_412 = tpu.memref_slice %arg8[%add3A_355, %dma_start3A_411] : memref<80x128xi32, #tpu.memory_space<vmem>> -> memref<1x128xi32, #tpu.memory_space<vmem>>
        %dma_start3A_413 = tpu.memref_squeeze %dma_start3A_412 : memref<1x128xi32, #tpu.memory_space<vmem>> -> memref<128xi32, #tpu.memory_space<vmem>>
        %dma_start3A_414 = arith.constant 0 : i32
        %dma_start3A_415 = arith.constant 0 : i32
        %dma_start3A_416 = tpu.memref_slice %arg10[%dma_start3A_414, %dma_start3A_415] : memref<10240x64xf32, #tpu.memory_space<vmem_shared>> -> memref<10240x64xf32, #tpu.memory_space<vmem_shared>>
        tpu.enqueue_indirect_dma source(%dma_start3A_410 : memref<128x64xf32, #tpu.memory_space<vmem>>) target(%dma_start3A_416 : memref<10240x64xf32, #tpu.memory_space<vmem_shared>>) offsets(%dma_start3A_413 : memref<128xi32, #tpu.memory_space<vmem>>) semaphore(%run_scoped3A_406 : memref<!tpu.dma_semaphore, #tpu.memory_space<semaphore_mem>>) {add = true}
        %dma_wait3A_417 = arith.constant 0 : i32
        %dma_wait3A_418 = arith.constant 0 : i32
        %dma_wait3A_419 = tpu.memref_slice %arg9[%run_scoped3A_392, %dma_wait3A_417, %dma_wait3A_418] : memref<2x128x64xf32, #tpu.memory_space<vmem>> -> memref<1x128x64xf32, #tpu.memory_space<vmem>>
        %dma_wait3A_420 = tpu.memref_squeeze %dma_wait3A_419 : memref<1x128x64xf32, #tpu.memory_space<vmem>> -> memref<128x64xf32, #tpu.memory_space<vmem>>
        %dma_wait3A_421 = arith.constant 0 : i32
        %dma_wait3A_422 = tpu.memref_slice %arg8[%add3A_355, %dma_wait3A_421] : memref<80x128xi32, #tpu.memory_space<vmem>> -> memref<1x128xi32, #tpu.memory_space<vmem>>
        %dma_wait3A_423 = tpu.memref_squeeze %dma_wait3A_422 : memref<1x128xi32, #tpu.memory_space<vmem>> -> memref<128xi32, #tpu.memory_space<vmem>>
        %dma_wait3A_424 = arith.constant 0 : i32
        %dma_wait3A_425 = arith.constant 0 : i32
        %dma_wait3A_426 = tpu.memref_slice %arg10[%dma_wait3A_424, %dma_wait3A_425] : memref<10240x64xf32, #tpu.memory_space<vmem_shared>> -> memref<10240x64xf32, #tpu.memory_space<vmem_shared>>
        tpu.wait_indirect_dma semaphore(%run_scoped3A_406 : memref<!tpu.dma_semaphore, #tpu.memory_space<semaphore_mem>>) src(%dma_wait3A_420 : memref<128x64xf32, #tpu.memory_space<vmem>>) dst(%dma_wait3A_426 : memref<10240x64xf32, #tpu.memory_space<vmem_shared>>)
        tpu.yield
      }) : () -> ()
      %add3A_393 = arith.constant 2 : i32
      %add3A_394 = arith.addi %add3A_355, %add3A_393 : i32
      %dma_start3A_395 = arith.constant 1 : i32
      %dma_start3A_396 = arith.constant 0 : i32
      %dma_start3A_397 = arith.constant 0 : i32
      %dma_start3A_398 = tpu.memref_slice %arg9[%dma_start3A_395, %dma_start3A_396, %dma_start3A_397] : memref<2x128x64xf32, #tpu.memory_space<vmem>> -> memref<1x128x64xf32, #tpu.memory_space<vmem>>
      %dma_start3A_399 = tpu.memref_squeeze %dma_start3A_398 : memref<1x128x64xf32, #tpu.memory_space<vmem>> -> memref<128x64xf32, #tpu.memory_space<vmem>>
      %dma_start3A_400 = arith.constant 0 : i32
      %dma_start3A_401 = tpu.memref_slice %arg7[%add3A_394, %dma_start3A_400] : memref<80x128xi32, #tpu.memory_space<vmem>> -> memref<1x128xi32, #tpu.memory_space<vmem>>
      %dma_start3A_402 = tpu.memref_squeeze %dma_start3A_401 : memref<1x128xi32, #tpu.memory_space<vmem>> -> memref<128xi32, #tpu.memory_space<vmem>>
      %dma_start3A_403 = arith.constant 0 : i32
      %dma_start3A_404 = arith.constant 0 : i32
      %dma_start3A_405 = tpu.memref_slice %arg2[%dma_start3A_403, %dma_start3A_404] : memref<102400x64xf32, #tpu.memory_space<hbm>> -> memref<102400x64xf32, #tpu.memory_space<hbm>>
      tpu.enqueue_indirect_dma source(%dma_start3A_405 : memref<102400x64xf32, #tpu.memory_space<hbm>>) target(%dma_start3A_399 : memref<128x64xf32, #tpu.memory_space<vmem>>) offsets(%dma_start3A_402 : memref<128xi32, #tpu.memory_space<vmem>>) semaphore(%arg12 : memref<!tpu.dma_semaphore, #tpu.memory_space<semaphore_mem>>)
    }
    %scan3A_320 = arith.constant 39 : i32
    %dma_wait3A_321 = arith.constant 78 : i32
    %dma_wait3A_322 = arith.constant 0 : i32
    %dma_wait3A_323 = arith.constant 0 : i32
    %dma_wait3A_324 = arith.constant 0 : i32
    %dma_wait3A_325 = tpu.memref_slice %arg9[%dma_wait3A_322, %dma_wait3A_323, %dma_wait3A_324] : memref<2x128x64xf32, #tpu.memory_space<vmem>> -> memref<1x128x64xf32, #tpu.memory_space<vmem>>
    %dma_wait3A_326 = tpu.memref_squeeze %dma_wait3A_325 : memref<1x128x64xf32, #tpu.memory_space<vmem>> -> memref<128x64xf32, #tpu.memory_space<vmem>>
    %dma_wait3A_327 = arith.constant 0 : i32
    %dma_wait3A_328 = tpu.memref_slice %arg7[%dma_wait3A_321, %dma_wait3A_327] : memref<80x128xi32, #tpu.memory_space<vmem>> -> memref<1x128xi32, #tpu.memory_space<vmem>>
    %dma_wait3A_329 = tpu.memref_squeeze %dma_wait3A_328 : memref<1x128xi32, #tpu.memory_space<vmem>> -> memref<128xi32, #tpu.memory_space<vmem>>
    %dma_wait3A_330 = arith.constant 0 : i32
    %dma_wait3A_331 = arith.constant 0 : i32
    %dma_wait3A_332 = tpu.memref_slice %arg2[%dma_wait3A_330, %dma_wait3A_331] : memref<102400x64xf32, #tpu.memory_space<hbm>> -> memref<102400x64xf32, #tpu.memory_space<hbm>>
    tpu.wait_indirect_dma semaphore(%arg11 : memref<!tpu.dma_semaphore, #tpu.memory_space<semaphore_mem>>) src(%dma_wait3A_332 : memref<102400x64xf32, #tpu.memory_space<hbm>>) dst(%dma_wait3A_326 : memref<128x64xf32, #tpu.memory_space<vmem>>)
    %run_scoped3A_333 = arith.constant 0 : i32
    %run_scoped3A_334 = arith.constant 78 : i32
    "tpu.region"() ({
      %run_scoped3A_352 = tpu.sem_alloc : memref<!tpu.dma_semaphore, #tpu.memory_space<semaphore_mem>>
      %dma_start3A_353 = arith.constant 0 : i32
      %dma_start3A_354 = arith.constant 0 : i32
      %dma_start3A_355 = tpu.memref_slice %arg9[%run_scoped3A_333, %dma_start3A_353, %dma_start3A_354] : memref<2x128x64xf32, #tpu.memory_space<vmem>> -> memref<1x128x64xf32, #tpu.memory_space<vmem>>
      %dma_start3A_356 = tpu.memref_squeeze %dma_start3A_355 : memref<1x128x64xf32, #tpu.memory_space<vmem>> -> memref<128x64xf32, #tpu.memory_space<vmem>>
      %dma_start3A_357 = arith.constant 0 : i32
      %dma_start3A_358 = tpu.memref_slice %arg8[%run_scoped3A_334, %dma_start3A_357] : memref<80x128xi32, #tpu.memory_space<vmem>> -> memref<1x128xi32, #tpu.memory_space<vmem>>
      %dma_start3A_359 = tpu.memref_squeeze %dma_start3A_358 : memref<1x128xi32, #tpu.memory_space<vmem>> -> memref<128xi32, #tpu.memory_space<vmem>>
      %dma_start3A_360 = arith.constant 0 : i32
      %dma_start3A_361 = arith.constant 0 : i32
      %dma_start3A_362 = tpu.memref_slice %arg10[%dma_start3A_360, %dma_start3A_361] : memref<10240x64xf32, #tpu.memory_space<vmem_shared>> -> memref<10240x64xf32, #tpu.memory_space<vmem_shared>>
      tpu.enqueue_indirect_dma source(%dma_start3A_356 : memref<128x64xf32, #tpu.memory_space<vmem>>) target(%dma_start3A_362 : memref<10240x64xf32, #tpu.memory_space<vmem_shared>>) offsets(%dma_start3A_359 : memref<128xi32, #tpu.memory_space<vmem>>) semaphore(%run_scoped3A_352 : memref<!tpu.dma_semaphore, #tpu.memory_space<semaphore_mem>>) {add = true}
      %dma_wait3A_363 = arith.constant 0 : i32
      %dma_wait3A_364 = arith.constant 0 : i32
      %dma_wait3A_365 = tpu.memref_slice %arg9[%run_scoped3A_333, %dma_wait3A_363, %dma_wait3A_364] : memref<2x128x64xf32, #tpu.memory_space<vmem>> -> memref<1x128x64xf32, #tpu.memory_space<vmem>>
      %dma_wait3A_366 = tpu.memref_squeeze %dma_wait3A_365 : memref<1x128x64xf32, #tpu.memory_space<vmem>> -> memref<128x64xf32, #tpu.memory_space<vmem>>
      %dma_wait3A_367 = arith.constant 0 : i32
      %dma_wait3A_368 = tpu.memref_slice %arg8[%run_scoped3A_334, %dma_wait3A_367] : memref<80x128xi32, #tpu.memory_space<vmem>> -> memref<1x128xi32, #tpu.memory_space<vmem>>
      %dma_wait3A_369 = tpu.memref_squeeze %dma_wait3A_368 : memref<1x128xi32, #tpu.memory_space<vmem>> -> memref<128xi32, #tpu.memory_space<vmem>>
      %dma_wait3A_370 = arith.constant 0 : i32
      %dma_wait3A_371 = arith.constant 0 : i32
      %dma_wait3A_372 = tpu.memref_slice %arg10[%dma_wait3A_370, %dma_wait3A_371] : memref<10240x64xf32, #tpu.memory_space<vmem_shared>> -> memref<10240x64xf32, #tpu.memory_space<vmem_shared>>
      tpu.wait_indirect_dma semaphore(%run_scoped3A_352 : memref<!tpu.dma_semaphore, #tpu.memory_space<semaphore_mem>>) src(%dma_wait3A_366 : memref<128x64xf32, #tpu.memory_space<vmem>>) dst(%dma_wait3A_372 : memref<10240x64xf32, #tpu.memory_space<vmem_shared>>)
      tpu.yield
    }) : () -> ()
    %dma_wait3A_335 = arith.constant 79 : i32
    %dma_wait3A_336 = arith.constant 1 : i32
    %dma_wait3A_337 = arith.constant 0 : i32
    %dma_wait3A_338 = arith.constant 0 : i32
    %dma_wait3A_339 = tpu.memref_slice %arg9[%dma_wait3A_336, %dma_wait3A_337, %dma_wait3A_338] : memref<2x128x64xf32, #tpu.memory_space<vmem>> -> memref<1x128x64xf32, #tpu.memory_space<vmem>>
    %dma_wait3A_340 = tpu.memref_squeeze %dma_wait3A_339 : memref<1x128x64xf32, #tpu.memory_space<vmem>> -> memref<128x64xf32, #tpu.memory_space<vmem>>
    %dma_wait3A_341 = arith.constant 0 : i32
    %dma_wait3A_342 = tpu.memref_slice %arg7[%dma_wait3A_335, %dma_wait3A_341] : memref<80x128xi32, #tpu.memory_space<vmem>> -> memref<1x128xi32, #tpu.memory_space<vmem>>
    %dma_wait3A_343 = tpu.memref_squeeze %dma_wait3A_342 : memref<1x128xi32, #tpu.memory_space<vmem>> -> memref<128xi32, #tpu.memory_space<vmem>>
    %dma_wait3A_344 = arith.constant 0 : i32
    %dma_wait3A_345 = arith.constant 0 : i32
    %dma_wait3A_346 = tpu.memref_slice %arg2[%dma_wait3A_344, %dma_wait3A_345] : memref<102400x64xf32, #tpu.memory_space<hbm>> -> memref<102400x64xf32, #tpu.memory_space<hbm>>
    tpu.wait_indirect_dma semaphore(%arg12 : memref<!tpu.dma_semaphore, #tpu.memory_space<semaphore_mem>>) src(%dma_wait3A_346 : memref<102400x64xf32, #tpu.memory_space<hbm>>) dst(%dma_wait3A_340 : memref<128x64xf32, #tpu.memory_space<vmem>>)
    %run_scoped3A_347 = arith.constant 1 : i32
    %run_scoped3A_348 = arith.constant 79 : i32
    "tpu.region"() ({
      %run_scoped3A_352 = tpu.sem_alloc : memref<!tpu.dma_semaphore, #tpu.memory_space<semaphore_mem>>
      %dma_start3A_353 = arith.constant 0 : i32
      %dma_start3A_354 = arith.constant 0 : i32
      %dma_start3A_355 = tpu.memref_slice %arg9[%run_scoped3A_347, %dma_start3A_353, %dma_start3A_354] : memref<2x128x64xf32, #tpu.memory_space<vmem>> -> memref<1x128x64xf32, #tpu.memory_space<vmem>>
      %dma_start3A_356 = tpu.memref_squeeze %dma_start3A_355 : memref<1x128x64xf32, #tpu.memory_space<vmem>> -> memref<128x64xf32, #tpu.memory_space<vmem>>
      %dma_start3A_357 = arith.constant 0 : i32
      %dma_start3A_358 = tpu.memref_slice %arg8[%run_scoped3A_348, %dma_start3A_357] : memref<80x128xi32, #tpu.memory_space<vmem>> -> memref<1x128xi32, #tpu.memory_space<vmem>>
      %dma_start3A_359 = tpu.memref_squeeze %dma_start3A_358 : memref<1x128xi32, #tpu.memory_space<vmem>> -> memref<128xi32, #tpu.memory_space<vmem>>
      %dma_start3A_360 = arith.constant 0 : i32
      %dma_start3A_361 = arith.constant 0 : i32
      %dma_start3A_362 = tpu.memref_slice %arg10[%dma_start3A_360, %dma_start3A_361] : memref<10240x64xf32, #tpu.memory_space<vmem_shared>> -> memref<10240x64xf32, #tpu.memory_space<vmem_shared>>
      tpu.enqueue_indirect_dma source(%dma_start3A_356 : memref<128x64xf32, #tpu.memory_space<vmem>>) target(%dma_start3A_362 : memref<10240x64xf32, #tpu.memory_space<vmem_shared>>) offsets(%dma_start3A_359 : memref<128xi32, #tpu.memory_space<vmem>>) semaphore(%run_scoped3A_352 : memref<!tpu.dma_semaphore, #tpu.memory_space<semaphore_mem>>) {add = true}
      %dma_wait3A_363 = arith.constant 0 : i32
      %dma_wait3A_364 = arith.constant 0 : i32
      %dma_wait3A_365 = tpu.memref_slice %arg9[%run_scoped3A_347, %dma_wait3A_363, %dma_wait3A_364] : memref<2x128x64xf32, #tpu.memory_space<vmem>> -> memref<1x128x64xf32, #tpu.memory_space<vmem>>
      %dma_wait3A_366 = tpu.memref_squeeze %dma_wait3A_365 : memref<1x128x64xf32, #tpu.memory_space<vmem>> -> memref<128x64xf32, #tpu.memory_space<vmem>>
      %dma_wait3A_367 = arith.constant 0 : i32
      %dma_wait3A_368 = tpu.memref_slice %arg8[%run_scoped3A_348, %dma_wait3A_367] : memref<80x128xi32, #tpu.memory_space<vmem>> -> memref<1x128xi32, #tpu.memory_space<vmem>>
      %dma_wait3A_369 = tpu.memref_squeeze %dma_wait3A_368 : memref<1x128xi32, #tpu.memory_space<vmem>> -> memref<128xi32, #tpu.memory_space<vmem>>
      %dma_wait3A_370 = arith.constant 0 : i32
      %dma_wait3A_371 = arith.constant 0 : i32
      %dma_wait3A_372 = tpu.memref_slice %arg10[%dma_wait3A_370, %dma_wait3A_371] : memref<10240x64xf32, #tpu.memory_space<vmem_shared>> -> memref<10240x64xf32, #tpu.memory_space<vmem_shared>>
      tpu.wait_indirect_dma semaphore(%run_scoped3A_352 : memref<!tpu.dma_semaphore, #tpu.memory_space<semaphore_mem>>) src(%dma_wait3A_366 : memref<128x64xf32, #tpu.memory_space<vmem>>) dst(%dma_wait3A_372 : memref<10240x64xf32, #tpu.memory_space<vmem_shared>>)
      tpu.yield
    }) : () -> ()
    %barrier3A_349 = arith.constant 0 : index
    tpu.barrier barrier_id(%barrier3A_349)
    %run_scoped3A_350 = arith.constant 4 : i32
    "tpu.region"() ({
      %run_scoped3A_352 = tpu.sem_alloc : memref<!tpu.dma_semaphore, #tpu.memory_space<semaphore_mem>>
      %dma_start3A_353 = arith.constant 0 : i32
      %dma_start3A_354 = tpu.memref_slice %arg6[%arg0, %run_scoped3A_350, %mul3A_0, %dma_start3A_353] : memref<2x5x10240x64xf32, #tpu.memory_space<hbm>> -> memref<1x1x640x64xf32, #tpu.memory_space<hbm>>
      %dma_start3A_355 = tpu.memref_squeeze %dma_start3A_354 : memref<1x1x640x64xf32, #tpu.memory_space<hbm>> -> memref<640x64xf32, #tpu.memory_space<hbm>>
      %dma_start3A_356 = arith.constant 0 : i32
      %dma_start3A_357 = tpu.memref_slice %arg10[%mul3A_0, %dma_start3A_356] : memref<10240x64xf32, #tpu.memory_space<vmem_shared>> -> memref<640x64xf32, #tpu.memory_space<vmem_shared>>
      tpu.enqueue_dma source(%dma_start3A_357 : memref<640x64xf32, #tpu.memory_space<vmem_shared>>) target(%dma_start3A_355 : memref<640x64xf32, #tpu.memory_space<hbm>>) target_semaphore(%run_scoped3A_352 : memref<!tpu.dma_semaphore, #tpu.memory_space<semaphore_mem>>)
      %dma_wait3A_358 = arith.constant 0 : i32
      %dma_wait3A_359 = tpu.memref_slice %arg6[%arg0, %run_scoped3A_350, %mul3A_0, %dma_wait3A_358] : memref<2x5x10240x64xf32, #tpu.memory_space<hbm>> -> memref<1x1x640x64xf32, #tpu.memory_space<hbm>>
      %dma_wait3A_360 = tpu.memref_squeeze %dma_wait3A_359 : memref<1x1x640x64xf32, #tpu.memory_space<hbm>> -> memref<640x64xf32, #tpu.memory_space<hbm>>
      %dma_wait3A_361 = arith.constant 0 : i32
      %dma_wait3A_362 = tpu.memref_slice %arg10[%mul3A_0, %dma_wait3A_361] : memref<10240x64xf32, #tpu.memory_space<vmem_shared>> -> memref<640x64xf32, #tpu.memory_space<vmem_shared>>
      tpu.wait_dma2 semaphore(%run_scoped3A_352 : memref<!tpu.dma_semaphore, #tpu.memory_space<semaphore_mem>>) src(%dma_wait3A_362 : memref<640x64xf32, #tpu.memory_space<vmem_shared>>) dst(%dma_wait3A_360 : memref<640x64xf32, #tpu.memory_space<hbm>>)
      tpu.yield
    }) : () -> ()
    %barrier3A_351 = arith.constant 0 : index
    tpu.barrier barrier_id(%barrier3A_351)
    return
  }
}

module attributes {stable_mosaic.version = 14 : i64} {
  func.func @_proj_body(%arg0: i32, %arg1: i32, %arg2: memref<256x256xf32, #tpu.memory_space<vmem>>, %arg3: memref<1x256x128xf32, #tpu.memory_space<vmem>>, %arg4: memref<1x1x128xf32, #tpu.memory_space<vmem>>, %arg5: memref<1x2x256xf32, #tpu.memory_space<vmem>>, %arg6: memref<2x1x256x64xf32, #tpu.memory_space<vmem>>) attributes {dimension_semantics = [#tpu.dimension_semantics<arbitrary>, #tpu.dimension_semantics<arbitrary>], iteration_bounds = array<i64: 40, 5>, scalar_prefetch = 0 : i64, scratch_operands = 0 : i64, tpu.core_type = #tpu.core_type<tc>, window_params = [{transform_indices = @transform_0, window_bounds = array<i64: 256, 256>}, {transform_indices = @transform_1, window_bounds = array<i64: 1, 256, 128>}, {transform_indices = @transform_2, window_bounds = array<i64: 1, 1, 128>}, {transform_indices = @transform_3, window_bounds = array<i64: 1, 2, 256>}, {transform_indices = @transform_4, window_bounds = array<i64: 2, 1, 256, 64>}]} {
    %get3A = arith.constant 0 : index
    %get3A_0 = arith.constant 0 : index
    %get3A_1 = vector.load %arg2[%get3A, %get3A_0] : memref<256x256xf32, #tpu.memory_space<vmem>>, vector<256x256xf32>
    %get3A_2 = arith.constant 0 : index
    %get3A_3 = arith.constant 0 : index
    %get3A_4 = arith.constant 0 : index
    %get3A_5 = vector.load %arg3[%get3A_2, %get3A_3, %get3A_4] : memref<1x256x128xf32, #tpu.memory_space<vmem>>, vector<1x256x128xf32>
    %get3A_6 = vector.shape_cast %get3A_5 : vector<1x256x128xf32> to vector<256x128xf32>
    %dot_general3A = arith.constant dense<0.000000e+00> : vector<256x128xf32>
    %dot_general3A_7 = tpu.matmul %get3A_1, %get3A_6, %dot_general3A {dimension_numbers = #tpu.dot_dimension_numbers<[1], [0], [0], [1], [0, 0, 1, 1], [], []>, transpose_lhs_hint = false} : vector<256x256xf32>, vector<256x128xf32>, vector<256x128xf32> -> vector<256x128xf32>
    %get3A_8 = arith.constant 0 : index
    %get3A_9 = arith.constant 0 : index
    %get3A_10 = arith.constant 0 : index
    %get3A_11 = vector.load %arg4[%get3A_8, %get3A_9, %get3A_10] : memref<1x1x128xf32, #tpu.memory_space<vmem>>, vector<1x1x128xf32>
    %get3A_12 = vector.shape_cast %get3A_11 : vector<1x1x128xf32> to vector<128xf32>
    %broadcast_in_dim3A = vector.shape_cast %get3A_12 : vector<128xf32> to vector<1x128xf32>
    %add3A = vector.broadcast %broadcast_in_dim3A : vector<1x128xf32> to vector<256x128xf32>
    %add3A_13 = arith.addf %dot_general3A_7, %add3A : vector<256x128xf32>
    %get3A_14 = arith.constant 0 : index
    %get3A_15 = arith.constant 0 : index
    %get3A_16 = arith.constant 0 : index
    %get3A_17 = vector.load %arg5[%get3A_14, %get3A_15, %get3A_16] : memref<1x2x256xf32, #tpu.memory_space<vmem>>, vector<1x1x256xf32>
    %get3A_18 = vector.shape_cast %get3A_17 : vector<1x1x256xf32> to vector<256xf32>
    %get3A_19 = arith.constant 0 : index
    %get3A_20 = arith.constant 1 : index
    %get3A_21 = arith.constant 0 : index
    %get3A_22 = vector.load %arg5[%get3A_19, %get3A_20, %get3A_21] : memref<1x2x256xf32, #tpu.memory_space<vmem>>, vector<1x1x256xf32>
    %get3A_23 = vector.shape_cast %get3A_22 : vector<1x1x256xf32> to vector<256xf32>
    %add3A_24 = arith.addf %get3A_18, %get3A_23 : vector<256xf32>
    %add3A_25 = arith.constant 1.000000e+00 : f32
    %add3A_26 = vector.broadcast %add3A_25 : f32 to vector<256xf32>
    %add3A_27 = arith.addf %add3A_24, %add3A_26 : vector<256xf32>
    %rsqrt3A = math.rsqrt %add3A_27 : vector<256xf32>
    %broadcast_in_dim3A_28 = vector.shape_cast %rsqrt3A : vector<256xf32> to vector<256x1xf32>
    %mul3A = vector.broadcast %broadcast_in_dim3A_28 : vector<256x1xf32> to vector<256x128xf32>
    %mul3A_29 = arith.mulf %add3A_13, %mul3A : vector<256x128xf32>
    %slice3A = vector.extract_strided_slice %mul3A_29 {offsets = [0, 0], sizes = [256, 64], strides = [1, 1]} : vector<256x128xf32> to vector<256x64xf32>
    %swap3A = arith.constant 0 : index
    %swap3A_30 = arith.constant 0 : index
    %swap3A_31 = arith.constant 0 : index
    %swap3A_32 = arith.constant 0 : index
    %swap3A_33 = vector.load %arg6[%swap3A, %swap3A_30, %swap3A_31, %swap3A_32] : memref<2x1x256x64xf32, #tpu.memory_space<vmem>>, vector<1x1x256x64xf32>
    %swap3A_34 = vector.shape_cast %swap3A_33 : vector<1x1x256x64xf32> to vector<256x64xf32>
    %swap3A_35 = vector.shape_cast %slice3A : vector<256x64xf32> to vector<1x1x256x64xf32>
    tpu.vector_store %arg6[%swap3A, %swap3A_30, %swap3A_31, %swap3A_32], %swap3A_35 {strides = array<i32>} : memref<2x1x256x64xf32, #tpu.memory_space<vmem>>, vector<1x1x256x64xf32>,
    %slice3A_36 = vector.extract_strided_slice %mul3A_29 {offsets = [0, 64], sizes = [256, 64], strides = [1, 1]} : vector<256x128xf32> to vector<256x64xf32>
    %swap3A_37 = arith.constant 1 : index
    %swap3A_38 = arith.constant 0 : index
    %swap3A_39 = arith.constant 0 : index
    %swap3A_40 = arith.constant 0 : index
    %swap3A_41 = vector.load %arg6[%swap3A_37, %swap3A_38, %swap3A_39, %swap3A_40] : memref<2x1x256x64xf32, #tpu.memory_space<vmem>>, vector<1x1x256x64xf32>
    %swap3A_42 = vector.shape_cast %swap3A_41 : vector<1x1x256x64xf32> to vector<256x64xf32>
    %swap3A_43 = vector.shape_cast %slice3A_36 : vector<256x64xf32> to vector<1x1x256x64xf32>
    tpu.vector_store %arg6[%swap3A_37, %swap3A_38, %swap3A_39, %swap3A_40], %swap3A_43 {strides = array<i32>} : memref<2x1x256x64xf32, #tpu.memory_space<vmem>>, vector<1x1x256x64xf32>,
    return
  }
  func.func @transform_0(%arg0: i32, %arg1: i32) -> (i32, i32) {
    %c0_i32 = arith.constant 0 : i32
    %c0_i32_0 = arith.constant 0 : i32
    return %arg0, %c0_i32 : i32, i32
  }
  func.func @transform_1(%arg0: i32, %arg1: i32) -> (i32, i32, i32) {
    %c0_i32 = arith.constant 0 : i32
    %c0_i32_0 = arith.constant 0 : i32
    %c0_i32_1 = arith.constant 0 : i32
    return %arg1, %c0_i32, %c0_i32_0 : i32, i32, i32
  }
  func.func @transform_2(%arg0: i32, %arg1: i32) -> (i32, i32, i32) {
    %c0_i32 = arith.constant 0 : i32
    %c0_i32_0 = arith.constant 0 : i32
    %c0_i32_1 = arith.constant 0 : i32
    return %arg1, %c0_i32, %c0_i32_0 : i32, i32, i32
  }
  func.func @transform_3(%arg0: i32, %arg1: i32) -> (i32, i32, i32) {
    %c0_i32 = arith.constant 0 : i32
    %c0_i32_0 = arith.constant 0 : i32
    return %arg1, %c0_i32, %arg0 : i32, i32, i32
  }
  func.func @transform_4(%arg0: i32, %arg1: i32) -> (i32, i32, i32, i32) {
    %c0_i32 = arith.constant 0 : i32
    %c0_i32_0 = arith.constant 0 : i32
    %c0_i32_1 = arith.constant 0 : i32
    return %c0_i32, %arg1, %arg0, %c0_i32_0 : i32, i32, i32, i32
  }
}

module attributes {stable_mosaic.version = 14 : i64} {
  func.func @_final_body(%arg0: i32, %arg1: memref<2x5x256x64xf32, #tpu.memory_space<vmem>>, %arg2: memref<5x2x256xf32, #tpu.memory_space<vmem>>, %arg3: memref<5x128x128xf32, #tpu.memory_space<vmem>>, %arg4: memref<1x128xf32, #tpu.memory_space<vmem>>, %arg5: memref<256x128xf32, #tpu.memory_space<vmem>>) attributes {dimension_semantics = [#tpu.dimension_semantics<arbitrary>], iteration_bounds = array<i64: 40>, scalar_prefetch = 0 : i64, scratch_operands = 0 : i64, tpu.core_type = #tpu.core_type<tc>, window_params = [{transform_indices = @transform_0, window_bounds = array<i64: 2, 5, 256, 64>}, {transform_indices = @transform_1, window_bounds = array<i64: 5, 2, 256>}, {pipeline_mode = #tpu.pipeline_mode<synchronous>, transform_indices = @transform_2, window_bounds = array<i64: 5, 128, 128>}, {pipeline_mode = #tpu.pipeline_mode<synchronous>, transform_indices = @transform_3, window_bounds = array<i64: 1, 128>}, {transform_indices = @transform_4, window_bounds = array<i64: 256, 128>}]} {
    %broadcast_in_dim3A = arith.constant 0.000000e+00 : f32
    %broadcast_in_dim3A_0 = vector.broadcast %broadcast_in_dim3A : f32 to vector<256x128xf32>
    %get3A = arith.constant 0 : index
    %get3A_1 = arith.constant 0 : index
    %get3A_2 = arith.constant 0 : index
    %get3A_3 = arith.constant 0 : index
    %get3A_4 = vector.load %arg1[%get3A, %get3A_1, %get3A_2, %get3A_3] : memref<2x5x256x64xf32, #tpu.memory_space<vmem>>, vector<1x1x256x64xf32>
    %get3A_5 = vector.shape_cast %get3A_4 : vector<1x1x256x64xf32> to vector<256x64xf32>
    %get3A_6 = arith.constant 1 : index
    %get3A_7 = arith.constant 0 : index
    %get3A_8 = arith.constant 0 : index
    %get3A_9 = arith.constant 0 : index
    %get3A_10 = vector.load %arg1[%get3A_6, %get3A_7, %get3A_8, %get3A_9] : memref<2x5x256x64xf32, #tpu.memory_space<vmem>>, vector<1x1x256x64xf32>
    %get3A_11 = vector.shape_cast %get3A_10 : vector<1x1x256x64xf32> to vector<256x64xf32>
    %concatenate3A = tpu.concatenate %get3A_5, %get3A_11 in 1 : vector<256x64xf32>, vector<256x64xf32> -> vector<256x128xf32>
    %get3A_12 = arith.constant 0 : index
    %get3A_13 = arith.constant 0 : index
    %get3A_14 = arith.constant 0 : index
    %get3A_15 = vector.load %arg2[%get3A_12, %get3A_13, %get3A_14] : memref<5x2x256xf32, #tpu.memory_space<vmem>>, vector<1x1x256xf32>
    %get3A_16 = vector.shape_cast %get3A_15 : vector<1x1x256xf32> to vector<256xf32>
    %get3A_17 = arith.constant 0 : index
    %get3A_18 = arith.constant 1 : index
    %get3A_19 = arith.constant 0 : index
    %get3A_20 = vector.load %arg2[%get3A_17, %get3A_18, %get3A_19] : memref<5x2x256xf32, #tpu.memory_space<vmem>>, vector<1x1x256xf32>
    %get3A_21 = vector.shape_cast %get3A_20 : vector<1x1x256xf32> to vector<256xf32>
    %add3A = arith.addf %get3A_16, %get3A_21 : vector<256xf32>
    %add3A_22 = arith.constant 1.000000e+00 : f32
    %add3A_23 = vector.broadcast %add3A_22 : f32 to vector<256xf32>
    %add3A_24 = arith.addf %add3A, %add3A_23 : vector<256xf32>
    %rsqrt3A = math.rsqrt %add3A_24 : vector<256xf32>
    %broadcast_in_dim3A_25 = vector.shape_cast %rsqrt3A : vector<256xf32> to vector<256x1xf32>
    %mul3A = vector.broadcast %broadcast_in_dim3A_25 : vector<256x1xf32> to vector<256x128xf32>
    %mul3A_26 = arith.mulf %concatenate3A, %mul3A : vector<256x128xf32>
    %get3A_27 = arith.constant 0 : index
    %get3A_28 = arith.constant 0 : index
    %get3A_29 = arith.constant 0 : index
    %get3A_30 = vector.load %arg3[%get3A_27, %get3A_28, %get3A_29] : memref<5x128x128xf32, #tpu.memory_space<vmem>>, vector<1x128x128xf32>
    %get3A_31 = vector.shape_cast %get3A_30 : vector<1x128x128xf32> to vector<128x128xf32>
    %dot_general3A = arith.constant dense<0.000000e+00> : vector<256x128xf32>
    %dot_general3A_32 = tpu.matmul %mul3A_26, %get3A_31, %dot_general3A {dimension_numbers = #tpu.dot_dimension_numbers<[1], [0], [0], [1], [0, 0, 1, 1], [], []>, transpose_lhs_hint = false} : vector<256x128xf32>, vector<128x128xf32>, vector<256x128xf32> -> vector<256x128xf32>
    %add3A_33 = arith.addf %broadcast_in_dim3A_0, %dot_general3A_32 : vector<256x128xf32>
    %get3A_34 = arith.constant 0 : index
    %get3A_35 = arith.constant 1 : index
    %get3A_36 = arith.constant 0 : index
    %get3A_37 = arith.constant 0 : index
    %get3A_38 = vector.load %arg1[%get3A_34, %get3A_35, %get3A_36, %get3A_37] : memref<2x5x256x64xf32, #tpu.memory_space<vmem>>, vector<1x1x256x64xf32>
    %get3A_39 = vector.shape_cast %get3A_38 : vector<1x1x256x64xf32> to vector<256x64xf32>
    %get3A_40 = arith.constant 1 : index
    %get3A_41 = arith.constant 1 : index
    %get3A_42 = arith.constant 0 : index
    %get3A_43 = arith.constant 0 : index
    %get3A_44 = vector.load %arg1[%get3A_40, %get3A_41, %get3A_42, %get3A_43] : memref<2x5x256x64xf32, #tpu.memory_space<vmem>>, vector<1x1x256x64xf32>
    %get3A_45 = vector.shape_cast %get3A_44 : vector<1x1x256x64xf32> to vector<256x64xf32>
    %concatenate3A_46 = tpu.concatenate %get3A_39, %get3A_45 in 1 : vector<256x64xf32>, vector<256x64xf32> -> vector<256x128xf32>
    %get3A_47 = arith.constant 1 : index
    %get3A_48 = arith.constant 0 : index
    %get3A_49 = arith.constant 0 : index
    %get3A_50 = vector.load %arg2[%get3A_47, %get3A_48, %get3A_49] : memref<5x2x256xf32, #tpu.memory_space<vmem>>, vector<1x1x256xf32>
    %get3A_51 = vector.shape_cast %get3A_50 : vector<1x1x256xf32> to vector<256xf32>
    %get3A_52 = arith.constant 1 : index
    %get3A_53 = arith.constant 1 : index
    %get3A_54 = arith.constant 0 : index
    %get3A_55 = vector.load %arg2[%get3A_52, %get3A_53, %get3A_54] : memref<5x2x256xf32, #tpu.memory_space<vmem>>, vector<1x1x256xf32>
    %get3A_56 = vector.shape_cast %get3A_55 : vector<1x1x256xf32> to vector<256xf32>
    %add3A_57 = arith.addf %get3A_51, %get3A_56 : vector<256xf32>
    %add3A_58 = arith.constant 1.000000e+00 : f32
    %add3A_59 = vector.broadcast %add3A_58 : f32 to vector<256xf32>
    %add3A_60 = arith.addf %add3A_57, %add3A_59 : vector<256xf32>
    %rsqrt3A_61 = math.rsqrt %add3A_60 : vector<256xf32>
    %broadcast_in_dim3A_62 = vector.shape_cast %rsqrt3A_61 : vector<256xf32> to vector<256x1xf32>
    %mul3A_63 = vector.broadcast %broadcast_in_dim3A_62 : vector<256x1xf32> to vector<256x128xf32>
    %mul3A_64 = arith.mulf %concatenate3A_46, %mul3A_63 : vector<256x128xf32>
    %get3A_65 = arith.constant 1 : index
    %get3A_66 = arith.constant 0 : index
    %get3A_67 = arith.constant 0 : index
    %get3A_68 = vector.load %arg3[%get3A_65, %get3A_66, %get3A_67] : memref<5x128x128xf32, #tpu.memory_space<vmem>>, vector<1x128x128xf32>
    %get3A_69 = vector.shape_cast %get3A_68 : vector<1x128x128xf32> to vector<128x128xf32>
    %dot_general3A_70 = arith.constant dense<0.000000e+00> : vector<256x128xf32>
    %dot_general3A_71 = tpu.matmul %mul3A_64, %get3A_69, %dot_general3A_70 {dimension_numbers = #tpu.dot_dimension_numbers<[1], [0], [0], [1], [0, 0, 1, 1], [], []>, transpose_lhs_hint = false} : vector<256x128xf32>, vector<128x128xf32>, vector<256x128xf32> -> vector<256x128xf32>
    %add3A_72 = arith.addf %add3A_33, %dot_general3A_71 : vector<256x128xf32>
    %get3A_73 = arith.constant 0 : index
    %get3A_74 = arith.constant 2 : index
    %get3A_75 = arith.constant 0 : index
    %get3A_76 = arith.constant 0 : index
    %get3A_77 = vector.load %arg1[%get3A_73, %get3A_74, %get3A_75, %get3A_76] : memref<2x5x256x64xf32, #tpu.memory_space<vmem>>, vector<1x1x256x64xf32>
    %get3A_78 = vector.shape_cast %get3A_77 : vector<1x1x256x64xf32> to vector<256x64xf32>
    %get3A_79 = arith.constant 1 : index
    %get3A_80 = arith.constant 2 : index
    %get3A_81 = arith.constant 0 : index
    %get3A_82 = arith.constant 0 : index
    %get3A_83 = vector.load %arg1[%get3A_79, %get3A_80, %get3A_81, %get3A_82] : memref<2x5x256x64xf32, #tpu.memory_space<vmem>>, vector<1x1x256x64xf32>
    %get3A_84 = vector.shape_cast %get3A_83 : vector<1x1x256x64xf32> to vector<256x64xf32>
    %concatenate3A_85 = tpu.concatenate %get3A_78, %get3A_84 in 1 : vector<256x64xf32>, vector<256x64xf32> -> vector<256x128xf32>
    %get3A_86 = arith.constant 2 : index
    %get3A_87 = arith.constant 0 : index
    %get3A_88 = arith.constant 0 : index
    %get3A_89 = vector.load %arg2[%get3A_86, %get3A_87, %get3A_88] : memref<5x2x256xf32, #tpu.memory_space<vmem>>, vector<1x1x256xf32>
    %get3A_90 = vector.shape_cast %get3A_89 : vector<1x1x256xf32> to vector<256xf32>
    %get3A_91 = arith.constant 2 : index
    %get3A_92 = arith.constant 1 : index
    %get3A_93 = arith.constant 0 : index
    %get3A_94 = vector.load %arg2[%get3A_91, %get3A_92, %get3A_93] : memref<5x2x256xf32, #tpu.memory_space<vmem>>, vector<1x1x256xf32>
    %get3A_95 = vector.shape_cast %get3A_94 : vector<1x1x256xf32> to vector<256xf32>
    %add3A_96 = arith.addf %get3A_90, %get3A_95 : vector<256xf32>
    %add3A_97 = arith.constant 1.000000e+00 : f32
    %add3A_98 = vector.broadcast %add3A_97 : f32 to vector<256xf32>
    %add3A_99 = arith.addf %add3A_96, %add3A_98 : vector<256xf32>
    %rsqrt3A_100 = math.rsqrt %add3A_99 : vector<256xf32>
    %broadcast_in_dim3A_101 = vector.shape_cast %rsqrt3A_100 : vector<256xf32> to vector<256x1xf32>
    %mul3A_102 = vector.broadcast %broadcast_in_dim3A_101 : vector<256x1xf32> to vector<256x128xf32>
    %mul3A_103 = arith.mulf %concatenate3A_85, %mul3A_102 : vector<256x128xf32>
    %get3A_104 = arith.constant 2 : index
    %get3A_105 = arith.constant 0 : index
    %get3A_106 = arith.constant 0 : index
    %get3A_107 = vector.load %arg3[%get3A_104, %get3A_105, %get3A_106] : memref<5x128x128xf32, #tpu.memory_space<vmem>>, vector<1x128x128xf32>
    %get3A_108 = vector.shape_cast %get3A_107 : vector<1x128x128xf32> to vector<128x128xf32>
    %dot_general3A_109 = arith.constant dense<0.000000e+00> : vector<256x128xf32>
    %dot_general3A_110 = tpu.matmul %mul3A_103, %get3A_108, %dot_general3A_109 {dimension_numbers = #tpu.dot_dimension_numbers<[1], [0], [0], [1], [0, 0, 1, 1], [], []>, transpose_lhs_hint = false} : vector<256x128xf32>, vector<128x128xf32>, vector<256x128xf32> -> vector<256x128xf32>
    %add3A_111 = arith.addf %add3A_72, %dot_general3A_110 : vector<256x128xf32>
    %get3A_112 = arith.constant 0 : index
    %get3A_113 = arith.constant 3 : index
    %get3A_114 = arith.constant 0 : index
    %get3A_115 = arith.constant 0 : index
    %get3A_116 = vector.load %arg1[%get3A_112, %get3A_113, %get3A_114, %get3A_115] : memref<2x5x256x64xf32, #tpu.memory_space<vmem>>, vector<1x1x256x64xf32>
    %get3A_117 = vector.shape_cast %get3A_116 : vector<1x1x256x64xf32> to vector<256x64xf32>
    %get3A_118 = arith.constant 1 : index
    %get3A_119 = arith.constant 3 : index
    %get3A_120 = arith.constant 0 : index
    %get3A_121 = arith.constant 0 : index
    %get3A_122 = vector.load %arg1[%get3A_118, %get3A_119, %get3A_120, %get3A_121] : memref<2x5x256x64xf32, #tpu.memory_space<vmem>>, vector<1x1x256x64xf32>
    %get3A_123 = vector.shape_cast %get3A_122 : vector<1x1x256x64xf32> to vector<256x64xf32>
    %concatenate3A_124 = tpu.concatenate %get3A_117, %get3A_123 in 1 : vector<256x64xf32>, vector<256x64xf32> -> vector<256x128xf32>
    %get3A_125 = arith.constant 3 : index
    %get3A_126 = arith.constant 0 : index
    %get3A_127 = arith.constant 0 : index
    %get3A_128 = vector.load %arg2[%get3A_125, %get3A_126, %get3A_127] : memref<5x2x256xf32, #tpu.memory_space<vmem>>, vector<1x1x256xf32>
    %get3A_129 = vector.shape_cast %get3A_128 : vector<1x1x256xf32> to vector<256xf32>
    %get3A_130 = arith.constant 3 : index
    %get3A_131 = arith.constant 1 : index
    %get3A_132 = arith.constant 0 : index
    %get3A_133 = vector.load %arg2[%get3A_130, %get3A_131, %get3A_132] : memref<5x2x256xf32, #tpu.memory_space<vmem>>, vector<1x1x256xf32>
    %get3A_134 = vector.shape_cast %get3A_133 : vector<1x1x256xf32> to vector<256xf32>
    %add3A_135 = arith.addf %get3A_129, %get3A_134 : vector<256xf32>
    %add3A_136 = arith.constant 1.000000e+00 : f32
    %add3A_137 = vector.broadcast %add3A_136 : f32 to vector<256xf32>
    %add3A_138 = arith.addf %add3A_135, %add3A_137 : vector<256xf32>
    %rsqrt3A_139 = math.rsqrt %add3A_138 : vector<256xf32>
    %broadcast_in_dim3A_140 = vector.shape_cast %rsqrt3A_139 : vector<256xf32> to vector<256x1xf32>
    %mul3A_141 = vector.broadcast %broadcast_in_dim3A_140 : vector<256x1xf32> to vector<256x128xf32>
    %mul3A_142 = arith.mulf %concatenate3A_124, %mul3A_141 : vector<256x128xf32>
    %get3A_143 = arith.constant 3 : index
    %get3A_144 = arith.constant 0 : index
    %get3A_145 = arith.constant 0 : index
    %get3A_146 = vector.load %arg3[%get3A_143, %get3A_144, %get3A_145] : memref<5x128x128xf32, #tpu.memory_space<vmem>>, vector<1x128x128xf32>
    %get3A_147 = vector.shape_cast %get3A_146 : vector<1x128x128xf32> to vector<128x128xf32>
    %dot_general3A_148 = arith.constant dense<0.000000e+00> : vector<256x128xf32>
    %dot_general3A_149 = tpu.matmul %mul3A_142, %get3A_147, %dot_general3A_148 {dimension_numbers = #tpu.dot_dimension_numbers<[1], [0], [0], [1], [0, 0, 1, 1], [], []>, transpose_lhs_hint = false} : vector<256x128xf32>, vector<128x128xf32>, vector<256x128xf32> -> vector<256x128xf32>
    %add3A_150 = arith.addf %add3A_111, %dot_general3A_149 : vector<256x128xf32>
    %get3A_151 = arith.constant 0 : index
    %get3A_152 = arith.constant 4 : index
    %get3A_153 = arith.constant 0 : index
    %get3A_154 = arith.constant 0 : index
    %get3A_155 = vector.load %arg1[%get3A_151, %get3A_152, %get3A_153, %get3A_154] : memref<2x5x256x64xf32, #tpu.memory_space<vmem>>, vector<1x1x256x64xf32>
    %get3A_156 = vector.shape_cast %get3A_155 : vector<1x1x256x64xf32> to vector<256x64xf32>
    %get3A_157 = arith.constant 1 : index
    %get3A_158 = arith.constant 4 : index
    %get3A_159 = arith.constant 0 : index
    %get3A_160 = arith.constant 0 : index
    %get3A_161 = vector.load %arg1[%get3A_157, %get3A_158, %get3A_159, %get3A_160] : memref<2x5x256x64xf32, #tpu.memory_space<vmem>>, vector<1x1x256x64xf32>
    %get3A_162 = vector.shape_cast %get3A_161 : vector<1x1x256x64xf32> to vector<256x64xf32>
    %concatenate3A_163 = tpu.concatenate %get3A_156, %get3A_162 in 1 : vector<256x64xf32>, vector<256x64xf32> -> vector<256x128xf32>
    %get3A_164 = arith.constant 4 : index
    %get3A_165 = arith.constant 0 : index
    %get3A_166 = arith.constant 0 : index
    %get3A_167 = vector.load %arg2[%get3A_164, %get3A_165, %get3A_166] : memref<5x2x256xf32, #tpu.memory_space<vmem>>, vector<1x1x256xf32>
    %get3A_168 = vector.shape_cast %get3A_167 : vector<1x1x256xf32> to vector<256xf32>
    %get3A_169 = arith.constant 4 : index
    %get3A_170 = arith.constant 1 : index
    %get3A_171 = arith.constant 0 : index
    %get3A_172 = vector.load %arg2[%get3A_169, %get3A_170, %get3A_171] : memref<5x2x256xf32, #tpu.memory_space<vmem>>, vector<1x1x256xf32>
    %get3A_173 = vector.shape_cast %get3A_172 : vector<1x1x256xf32> to vector<256xf32>
    %add3A_174 = arith.addf %get3A_168, %get3A_173 : vector<256xf32>
    %add3A_175 = arith.constant 1.000000e+00 : f32
    %add3A_176 = vector.broadcast %add3A_175 : f32 to vector<256xf32>
    %add3A_177 = arith.addf %add3A_174, %add3A_176 : vector<256xf32>
    %rsqrt3A_178 = math.rsqrt %add3A_177 : vector<256xf32>
    %broadcast_in_dim3A_179 = vector.shape_cast %rsqrt3A_178 : vector<256xf32> to vector<256x1xf32>
    %mul3A_180 = vector.broadcast %broadcast_in_dim3A_179 : vector<256x1xf32> to vector<256x128xf32>
    %mul3A_181 = arith.mulf %concatenate3A_163, %mul3A_180 : vector<256x128xf32>
    %get3A_182 = arith.constant 4 : index
    %get3A_183 = arith.constant 0 : index
    %get3A_184 = arith.constant 0 : index
    %get3A_185 = vector.load %arg3[%get3A_182, %get3A_183, %get3A_184] : memref<5x128x128xf32, #tpu.memory_space<vmem>>, vector<1x128x128xf32>
    %get3A_186 = vector.shape_cast %get3A_185 : vector<1x128x128xf32> to vector<128x128xf32>
    %dot_general3A_187 = arith.constant dense<0.000000e+00> : vector<256x128xf32>
    %dot_general3A_188 = tpu.matmul %mul3A_181, %get3A_186, %dot_general3A_187 {dimension_numbers = #tpu.dot_dimension_numbers<[1], [0], [0], [1], [0, 0, 1, 1], [], []>, transpose_lhs_hint = false} : vector<256x128xf32>, vector<128x128xf32>, vector<256x128xf32> -> vector<256x128xf32>
    %add3A_189 = arith.addf %add3A_150, %dot_general3A_188 : vector<256x128xf32>
    %get3A_190 = arith.constant 0 : index
    %get3A_191 = arith.constant 0 : index
    %get3A_192 = vector.load %arg4[%get3A_190, %get3A_191] : memref<1x128xf32, #tpu.memory_space<vmem>>, vector<1x128xf32>
    %get3A_193 = vector.shape_cast %get3A_192 : vector<1x128xf32> to vector<128xf32>
    %broadcast_in_dim3A_194 = vector.shape_cast %get3A_193 : vector<128xf32> to vector<1x128xf32>
    %add3A_195 = vector.broadcast %broadcast_in_dim3A_194 : vector<1x128xf32> to vector<256x128xf32>
    %add3A_196 = arith.addf %add3A_189, %add3A_195 : vector<256x128xf32>
    %max3A = arith.constant 0.000000e+00 : f32
    %max3A_197 = vector.broadcast %max3A : f32 to vector<256x128xf32>
    %max3A_198 = arith.maximumf %add3A_196, %max3A_197 : vector<256x128xf32>
    %swap3A = arith.constant 0 : index
    %swap3A_199 = arith.constant 0 : index
    %swap3A_200 = vector.load %arg5[%swap3A, %swap3A_199] : memref<256x128xf32, #tpu.memory_space<vmem>>, vector<256x128xf32>
    tpu.vector_store %arg5[%swap3A, %swap3A_199], %max3A_198 {strides = array<i32>} : memref<256x128xf32, #tpu.memory_space<vmem>>, vector<256x128xf32>,
    return
  }
  func.func @transform_0(%arg0: i32) -> (i32, i32, i32, i32) {
    %c0_i32 = arith.constant 0 : i32
    %c0_i32_0 = arith.constant 0 : i32
    %c0_i32_1 = arith.constant 0 : i32
    %c0_i32_2 = arith.constant 0 : i32
    return %c0_i32, %c0_i32_0, %arg0, %c0_i32_1 : i32, i32, i32, i32
  }
  func.func @transform_1(%arg0: i32) -> (i32, i32, i32) {
    %c0_i32 = arith.constant 0 : i32
    %c0_i32_0 = arith.constant 0 : i32
    %c0_i32_1 = arith.constant 0 : i32
    return %c0_i32, %c0_i32_0, %arg0 : i32, i32, i32
  }
  func.func @transform_2(%arg0: i32) -> (i32, i32, i32) {
    %c0_i32 = arith.constant 0 : i32
    %c0_i32_0 = arith.constant 0 : i32
    %c0_i32_1 = arith.constant 0 : i32
    %c0_i32_2 = arith.constant 0 : i32
    return %c0_i32, %c0_i32_0, %c0_i32_1 : i32, i32, i32
  }
  func.func @transform_3(%arg0: i32) -> (i32, i32) {
    %c0_i32 = arith.constant 0 : i32
    %c0_i32_0 = arith.constant 0 : i32
    %c0_i32_1 = arith.constant 0 : i32
    return %c0_i32, %c0_i32_0 : i32, i32
  }
  func.func @transform_4(%arg0: i32) -> (i32, i32) {
    %c0_i32 = arith.constant 0 : i32
    %c0_i32_0 = arith.constant 0 : i32
    return %arg0, %c0_i32 : i32, i32
  }
}

</mosaic_0001>

<sc_bundles>
// kernel: kernel.6.cloned.1.call-start
scs
__scs_entry_jumppad:
0x0: {  	(pc) =	sbr.rel $0x88, $3  }
0x1: {  	(tag) =	ssettag $0x0;
	lr =	simm.s32 $0x1  }
0x2: {  	[smem:$0x3F8C] =	sst lr;
	_ =	strace $0xD0000000  }
0x3: {  	_ = 	snop  }
0x4: {  	_ = 	snop  }
0x5: {  	_ = 	snop  }
0x6: {  	_ = 	snop  }
0x7: {  	_ = 	snop  }
__scs_overlays_trampoline_lowered:
0x8: {  	[smem:$0x3F9B] =	sst s0  }
0x9: {  	[smem:$0x3F9C] =	sst s1  }
0xa: {  	[smem:$0x3F9D] =	sst s2  }
0xb: {  	[smem:$0x3F9E] =	sst s3  }
0xc: {  	[smem:$0x3F9F] =	sst s4  }
0xd: {  	[smem:$0x3FA0] =	sst s5  }
0xe: {  	[smem:$0x3FA1] =	sst s6  }
0xf: {  	[smem:$0x3FA2] =	sst s7  }
0x10: {  	[smem:$0x3FA3] =	sst s8  }
0x11: {  	[smem:$0x3FA4] =	sst s9;
	s0 =	simm.s32 @!p0 $0x0  }
0x12: {  	s1 =	sld [smem:$0x3F8A];
	s0 =	simm.s32 @p0 $0x1  }
0x13: {  	[smem:$0x3FA5] =	sst s0;
	s0 =	simm.s32 @!p1 $0x0  }
0x14: {  	s2 =	sld [smem:$0x3F89];
	s0 =	simm.s32 @p1 $0x1  }
0x15: {  	[smem:$0x3FA6] =	sst s0;
	s0 =	simm.s32 @!p2 $0x0  }
0x16: {  	s3 =	sld [smem:$0x3FDB];
	s0 =	simm.s32 @p2 $0x1  }
0x17: {  	s4 =	simm.s32 $0x1BF5;
	[smem:$0x3FA8] =	sst s0  }
0x18: {  	s0 =	sld [smem:$0x3F8B];
	_ =	swait.ge [sflag:s4], $0x0  }
0x19: {  	s7 =	sld [smem:$0x3F8C]  }
0x1a: {  	s8 =	sadd.s32 $0xFFFFE003, lr  }
0x1b: {  	s9 =	sadd.s32 $0xFFFFFEF7, lr;
	s5 =	simm.s32 $0xFFFFFFFF;
	p2 =	slt.u32 s8, $0xFFFFF086  }
0x1c: {  	p1 =	slt.u32 s9, $0xF7A;
	s5 =	simm.s32 @!p2 $0x0  }
0x1d: {  	s5 =	simm.s32 @p1 $0x1;
	p0 =	seq.s32 s7, s2  }
0x1e: {  	s7 =	smul.u32 @!p0 $0xF7A, s2;
	p2 =	seq.s32 @!p0 s5, $0x0  }
0x1f: {  	s9 =	smul.u32 $0xF7A, s1;
	s8 =	simm.s32 @!p0 $0x1BF5;
	p2 =	por !p2, p0  }
0x20: {  	[sflag:s8] =	ssyncset.s32 @!p0 $0xFFFFF086;
	s6 =	sadd.s32 @!p0 s3, s7;
	s7 =	simm.s32 @!p0 $0x108  }
0x21: {  	s3 =	sadd.s32 s3, s9;
	s6 =	sadd.s32 @!p0 $0x88, s6;
	s7 =	simm.s32 @p2 $0x1082  }
0x22: {  	[simem:s7], [sflag:s8] =	dma.local @!p0 [hbm:s6], $0xF7A  }
0x23: {  	s9 =	sor.u32 $0xD0000000, s2;
	s6 =	simm.s32 $0x108;
	_ =	swait.ge @!p0 [sflag:s8], $0x0  }
0x24: {  	s3 =	sadd.s32 $0x88, s3;
	s6 =	simm.s32 @!p1 $0x1082;
	[sflag:s4] =	ssyncset.s32 $0xFFFFF086  }
0x25: {  	[simem:s6], [sflag:s4] =	dma.local [hbm:s3], $0xF7A  }
0x26: {  	[smem:$0x3F8C] =	sst s1;
	(tag) =	ssettag s2;
	_ =	strace s9  }
0x27: {  	s1 =	sld [smem:$0x3F9C]  }
0x28: {  	s2 =	sld [smem:$0x3F9D]  }
0x29: {  	s4 =	sld [smem:$0x3F9F]  }
0x2a: {  	p0 =	seq.s32 s5, $0x0;
	s5 =	sld [smem:$0x3FA0]  }
0x2b: {  	s6 =	sld [smem:$0x3FA1]  }
0x2c: {  	s7 =	sld [smem:$0x3FA2]  }
0x2d: {  	s3 =	simm.s32 $0x108;
	s8 =	sld [smem:$0x3FA3]  }
0x2e: {  	s3 =	simm.s32 @!p0 $0x1082;
	s9 =	sld [smem:$0x3FA4]  }
0x2f: {  	lr =	sadd.s32 s0, s3;
	s0 =	sld [smem:$0x3F9B]  }
0x30: {  	s3 =	sld [smem:$0x3F9E]  }
0x31: {  	[smem:$0x3FA7] =	sst s10  }
0x32: {  	s10 =	sld [smem:$0x3FA5];
	_ =	sdelay $0x3  }
0x33: {  	p0 =	seq.s32 s10, $0x1;
	s10 =	sld [smem:$0x3FA7];
	_ =	sdelay $0x3  }
0x34: {  	[smem:$0x3FA7] =	sst s10  }
0x35: {  	s10 =	sld [smem:$0x3FA6];
	_ =	sdelay $0x3  }
0x36: {  	p1 =	seq.s32 s10, $0x1;
	s10 =	sld [smem:$0x3FA7];
	_ =	sdelay $0x3  }
0x37: {  	[smem:$0x3FA7] =	sst s10  }
0x38: {  	s10 =	sld [smem:$0x3FA8]  }
0x39: {  	_ = 	snop;
	(pc) =	sbr.ind lr, $3  }
0x3a: {  	_ = 	snop  }
0x3b: {  	_ = 	snop  }
0x3c: {  	p2 =	seq.s32 s10, $0x1;
	s10 =	sld [smem:$0x3FA7]  }
0x3d: {  	_ =	shalt  }
0x3e: {  	_ =	shalt  }
0x3f: {  	_ =	shalt  }
0x40: {  	_ =	shalt  }
0x41: {  	_ =	shalt  }
0x42: {  	_ =	shalt  }
0x43: {  	_ =	shalt  }
0x44: {  	_ =	shalt  }
0x45: {  	_ =	shalt  }
0x46: {  	_ =	shalt  }
0x47: {  	_ =	shalt  }
0x48: {  	_ =	shalt  }
0x49: {  	_ =	shalt  }
0x4a: {  	_ =	shalt  }
0x4b: {  	_ =	shalt  }
0x4c: {  	_ =	shalt  }
0x4d: {  	_ =	shalt  }
0x4e: {  	_ =	shalt  }
0x4f: {  	_ =	shalt  }
0x50: {  	_ =	shalt  }
0x51: {  	_ =	shalt  }
0x52: {  	_ =	shalt  }
0x53: {  	_ =	shalt  }
0x54: {  	_ =	shalt  }
0x55: {  	_ =	shalt  }
0x56: {  	_ =	shalt  }
0x57: {  	_ =	shalt  }
0x58: {  	_ =	shalt  }
0x59: {  	_ =	shalt  }
0x5a: {  	_ =	shalt  }
0x5b: {  	_ =	shalt  }
0x5c: {  	_ =	shalt  }
0x5d: {  	_ =	shalt  }
0x5e: {  	_ =	shalt  }
0x5f: {  	_ =	shalt  }
0x60: {  	_ =	shalt  }
0x61: {  	_ =	shalt  }
0x62: {  	_ =	shalt  }
0x63: {  	_ =	shalt  }
0x64: {  	_ =	shalt  }
0x65: {  	_ =	shalt  }
0x66: {  	_ =	shalt  }
0x67: {  	_ =	shalt  }
0x68: {  	_ =	shalt  }
0x69: {  	_ =	shalt  }
0x6a: {  	_ =	shalt  }
0x6b: {  	_ =	shalt  }
0x6c: {  	_ =	shalt  }
0x6d: {  	_ =	shalt  }
0x6e: {  	_ =	shalt  }
0x6f: {  	_ =	shalt  }
0x70: {  	_ =	shalt  }
0x71: {  	_ =	shalt  }
0x72: {  	_ =	shalt  }
0x73: {  	_ =	shalt  }
0x74: {  	_ =	shalt  }
0x75: {  	_ =	shalt  }
0x76: {  	_ =	shalt  }
0x77: {  	_ =	shalt  }
0x78: {  	_ =	shalt  }
0x79: {  	_ =	shalt  }
0x7a: {  	_ =	shalt  }
0x7b: {  	_ =	shalt  }
0x7c: {  	_ =	shalt  }
0x7d: {  	_ =	shalt  }
0x7e: {  	_ =	shalt  }
0x7f: {  	_ =	shalt  }
0x80: {  	_ =	shalt  }
0x81: {  	_ =	shalt  }
0x82: {  	_ =	shalt  }
0x83: {  	_ =	shalt  }
0x84: {  	_ =	shalt  }
0x85: {  	_ =	shalt  }
0x86: {  	_ =	shalt  }
0x87: {  	_ =	shalt  }
.Lfunc_end0:
.L_simem_size_0:
called_computation_lowered:
.L_overlay_start_0:
0x88: {  	s2 =	sld [smem:$0x3FD9]  }
0x89: {  	s3 =	sld [smem:$0x3FFE];
	_ =	sdelay $0x1  }
0x8a: {  	s1 =	srdreg.scid  }
0x8b: {  	s0 =	sand.u32 $0x1, s1  }
0x8c: {  	s17 =	sshll.u32 s0, $0xA;
	s2 =	sadd.s32 s3, s2  }
0x8d: {  	s2 =	sadd.s32 s2, s17  }
0x8e: {  	[smem:$0x3FB3] =	sst s2  }
0x8f: {  	_ = 	snop  }
0x90: {  	s2 =	sld [smem:$0x3FD0];
	(tm) =	ssettm $0x1  }
0x91: {  	s18 =	sld [smem:$0x3FFB];
	_ =	sdelay $0x3  }
0x92: {  	_ =	strace s18  }
0x93: {  	s3 =	sld [smem:$0x3FFC];
	_ =	sdelay $0x3  }
0x94: {  	_ =	strace s3  }
0x95: {  	s3 =	sld [smem:$0x3FFD];
	_ =	sdelay $0x3  }
0x96: {  	_ =	strace s3  }
0x97: {  	_ =	strace $0x8FFFFFFF  }
0x98: {  	s19 =	sld [smem:$0x3FDB];
	_ =	sdelay $0x1  }
0x99: {  	s4 =	simm.s32 $_scs_section_size  }
0x9a: {  	s5 =	simm.s32 $_size__tile_overlayer_lowered;
	s6 =	simm.s32 $_tile_overlayer_lowered  }
0x9b: {  	s22 =	simm.s32 $0x1BFF;
	s21 =	sshll.u32 s6, $0x1;
	s3 =	sadd.s32 s4, s19  }
0x9c: {  	s7 =	simm.s32 $0x0;
	s20 =	sshll.u32 s5, $0x1;
	s5 =	sadd.s32 s21, s3  }
0x9d: {  	[timem:s7], [sflag:s22] =	dma.local [hbm:s5], s20  }
0x9e: {  	_ =	swait.ge [sflag:s22], s20  }
0x9f: {  	s4 =	ssub.s32 $0x0, s20;
	[sflag:s22] =	ssyncset.done $0x0  }
0xa0: {  	[sflag:s22] =	ssyncadd.s32 s4;
	_ =	sdelay $0x1  }
0xa1: {  	s23 =	simm.s32 $0x1B8B  }
0xa2: {  	_ =	swait.ge [sflag:s23], $0x1  }
0xa3: {  	[sflag:s23] =	ssyncset.done $0x0  }
0xa4: {  	s25 =	simm.s32 $0x1B8E;
	s24 =	sld [smem:$0x3FFE];
	[sflag:s23] =	ssyncadd.s32 $0xFFFFFFFF  }
0xa5: {  	s26 =	simm.s32 $execute0_lowered;
	[smem:$0x3FD2] =	sst s25  }
0xa6: {  	s5 =	sshll.u32 s26, $0x1;
	_ =	strace $0x80000046;
	[dreg:$0x1] =	wrdreg $0xFFFFFFFF  }
0xa7: {  	s28 =	simm.s32 $_size_execute0_lowered;
	s3 =	sadd.s32 s3, s5;
	[dreg:$0x0] =	wrdreg $0x0  }
0xa8: {  	s5 =	sshll.u32 s28, $0x1;
	[dreg:$0x2] =	wrdreg s3  }
0xa9: {  	[dreg:$0x3] =	wrdreg s5  }
0xaa: {  	[dreg:$0x4] =	wrdreg $0xC0  }
0xab: {  	_ =	task [dreg:s7], $0x5FFFF  }
0xac: {  	[dreg:$0x1] =	wrdreg $0xFFFFFFFF  }
0xad: {  	[dreg:$0x0] =	wrdreg $0x60  }
0xae: {  	[dreg:$0x2] =	wrdreg s2  }
0xaf: {  	[dreg:$0x3] =	wrdreg s24  }
0xb0: {  	[dreg:$0x4] =	wrdreg $0xC8800  }
0xb1: {  	[dreg:$0x5] =	wrdreg $0xD5000  }
0xb2: {  	[dreg:$0x6] =	wrdreg $0x9  }
0xb3: {  	_ =	task.clear_ibuf [dreg:s7], $0x7FFFF;
	_ =	strace $0x90000046  }
0xb4: {  	s29 =	simm.s32 $0x9;
	_ =	strace $0x80000048  }
0xb5: {  	_ =	swait.ge [sflag:s29], $0x1  }
0xb6: {  	[sflag:s29] =	ssyncadd.s32 $0xFFFFFFFF  }
0xb7: {  	_ =	strace $0x90000048  }
0xb8: {  	_ =	sfence  }
0xb9: {  	s30 =	sld [smem:$0x0];
	_ =	sdelay $0x2  }
0xba: {  	s31 =	sshll.u32 s1, $0xD;
	s1 =	sshrl.u32 s1, $0x2  }
0xbb: {  	s3 =	sand.u32 $0x4000, s31;
	s1 =	sadd.s32 s1, s30  }
0xbc: {  	s0 =	sor.u32 s3, s0;
	s1 =	sshll.u32 s1, $0x11  }
0xbd: {  	s0 =	sor.u32 s1, s0  }
0xbe: {  	s0 =	sadd.s32 $0x8F2B, s0  }
0xbf: {  	[sflag:s0] =	ssyncadd.remote.s32 $0x1  }
0xc0: {  	_ =	sfence.sel $0xFFFF  }
0xc1: {  	[dreg:$0x0] =	wrdreg $0xFFFFFFFF;
	(pc) =	sbr.abs _section_cstart, $3  }
0xc2: {  	[dreg:$0x1] =	wrdreg $0xFFFFFFFF  }
0xc3: {  	_ =	task.clear_ibuf [dreg:s7], $0x2FFFF;
	_ =	strace $0x9FFFFFFF  }
0xc4: {  	(tm) =	ssettm $0x7FFFFFFF  }
0xc5: {  	_ =	shalt  }
tec
execute0_lowered:
.L_overlay_start_1:
0x0: {  	(tag) =	ssettag $0x1  }
0x1: {  	s0 =	rddreg [dreg:$0x0]  }
0x2: {  	s1 =	rddreg [dreg:$0x1]  }
0x3: {  	s2 =	rddreg [dreg:$0x2]  }
0x4: {  	s3 =	rddreg [dreg:$0x3]  }
0x5: {  	s12 =	stileid.u32;
	s5 =	simm.s32 $0x0;
	s16 =	srdreg.scid  }
0x6: {  	s4 =	smul.u32 $0x1900, s12;
	[smem:$0x7FF] =	sst s5;
	s8 =	sand.u32 $0x1, s16  }
0x7: {  	s5 =	sadd.s32 $0x1D200, s1;
	s9 =	sadd.s32 $0x1D400, s1;
	s11 =	smul.u32 $0x280, s12  }
0x8: {  	s17 =	sshll.u32 s12, $0x6;
	s12 =	smul.u32 $0x500, s12;
	_ =	strace $0x80000047  }
0x9: {  	s6 =	ssub.s32 $0x2, s8;
	s14 =	sshll.u32 s8, $0x7;
	s7 =	sadd.s32 s4, s1  }
0xa: {  	s1 =	sadd.s32 $0x20600, s1;
	s10 =	sshrl.u32 s6, $0x1;
	s13 =	sadd.s32 $0x2800, s11  }
0xb: {  	s12 =	sor.u32 s14, s12;
	s0 =	sadd.s32 s0, s4;
	s10 =	ssub.s32 s6, s10  }
0xc: {  	s6 =	sor.u32 $0x1C01, s17;
	s15 =	sadd.s32 s13, s2;
	s13 =	sadd.s32 s13, s3  }
0xd: {  	s14 =	sshrl.u32 s12, $0x3;
	s18 =	sadd.s32 $0x5000, s12;
	[dreg:$0x7] =	wrdreg s0  }
0xe: {  	s23 =	sadd.s32 $0xA000, s12;
	s25 =	sadd.s32 $0xF000, s12;
	[dreg:$0x5] =	wrdreg s15  }
0xf: {  	s12 =	sadd.s32 $0x14000, s12;
	s30 =	sadd.s32 $0x4200, s7;
	[dreg:$0x6] =	wrdreg s13  }
0x10: {  	s13 =	sadd.s32 $0x5000, s11;
	s19 =	sadd.s32 s9, s14;
	s20 =	sshrl.u32 s18, $0x3  }
0x11: {  	s21 =	sadd.s32 s1, s14;
	s24 =	sshrl.u32 s23, $0x3;
	[dreg:$0x8] =	wrdreg s19  }
0x12: {  	s4 =	sshrl.u32 s25, $0x3;
	s23 =	sadd.s32 s11, s2;
	[dreg:$0x9] =	wrdreg s21  }
0x13: {  	s16 =	sshrl.u32 s12, $0x3;
	s22 =	sadd.s32 s9, s20;
	[dreg:$0x16] =	wrdreg s23  }
0x14: {  	s25 =	sadd.s32 $0xA000, s11;
	s0 =	sadd.s32 s1, s20;
	[dreg:$0xa] =	wrdreg s22  }
0x15: {  	s31 =	smax.u32 s10, $0x1;
	s26 =	sadd.s32 s9, s24;
	[dreg:$0xb] =	wrdreg s0  }
0x16: {  	s10 =	simm.s32 $0xC800;
	s15 =	sadd.s32 s9, s4;
	[dreg:$0xc] =	wrdreg s26  }
0x17: {  	s12 =	simm.s32 $0x10;
	s4 =	sadd.s32 s1, s4;
	[dreg:$0xe] =	wrdreg s15  }
0x18: {  	s17 =	sadd.s32 s9, s16;
	s18 =	sadd.s32 s13, s2;
	[dreg:$0xf] =	wrdreg s4  }
0x19: {  	s19 =	sadd.s32 s13, s3;
	s20 =	sadd.s32 $0x7800, s11;
	[dreg:$0x10] =	wrdreg s17  }
0x1a: {  	s28 =	sadd.s32 s25, s3;
	s9 =	simm.s32 $0x80;
	[dreg:$0x12] =	wrdreg s18  }
0x1b: {  	s13 =	simm.s32 $0x0;
	s0 =	sadd.s32 s1, s24;
	[dreg:$0x13] =	wrdreg s19  }
0x1c: {  	s21 =	sadd.s32 s20, s2;
	s22 =	smul.u32 $0x5000, s8;
	[dreg:$0xd] =	wrdreg s0  }
0x1d: {  	s24 =	sadd.s32 s11, s3;
	s26 =	sadd.s32 s25, s2;
	[dreg:$0x14] =	wrdreg s21  }
0x1e: {  	s8 =	simm.s32 $0x1;
	s0 =	sadd.s32 s1, s16;
	[dreg:$0x17] =	wrdreg s24  }
0x1f: {  	[dreg:$0x11] =	wrdreg s0;
	s0 =	sadd.s32 s20, s3;
	s29 =	sshrl.u32 s22, $0x2  }
0x20: {  	s11 =	simm.s32 $0x20;
	[dreg:$0x15] =	wrdreg s0;
	s0 =	sadd.s32 $0x2800, s29  }
0x21: {  	v0 =	vimm.f32 $1.000000000e+00;
	s1 =	sadd.s32 $0x5000, s29;
	s4 =	sadd.s32 $0x7800, s29;
	s7 =	sor.u32 $0xA000, s29  }
.LBB2_1:
0x22: {  	[tilespmem:$0xC800] =	vst v0  }
0x23: {  	[tilespmem:$0xC810] =	vst v0  }
0x24: {  	[tilespmem:$0xC820] =	vst v0  }
0x25: {  	[tilespmem:$0xC830] =	vst v0  }
0x26: {  	[tilespmem:$0xC840] =	vst v0  }
0x27: {  	[tilespmem:$0xC850] =	vst v0  }
0x28: {  	[tilespmem:$0xC860] =	vst v0;
	s14 =	rddreg [dreg:$0x16]  }
0x29: {  	[tilespmem:$0xC870] =	vst v0;
	s14 =	sshrl.u32 s14, $0x3  }
0x2a: {  	[spmem:s14], [sflag:s6] =	dma.local [hbm:s5], $0x50  }
0x2b: {  	_ =	swait.ge [sflag:s8], $0x50  }
0x2c: {  	[sflag:s8] =	ssyncset.done $0x0;
	s15 =	rddreg [dreg:$0x17]  }
0x2d: {  	[sflag:s8] =	ssyncadd.s32 $0xFFFFFFB0;
	s15 =	sshrl.u32 s15, $0x3  }
0x2e: {  	[spmem:s15], [sflag:s6] =	dma.local [hbm:s5], $0x50  }
0x2f: {  	_ =	swait.ge [sflag:s8], $0x50  }
0x30: {  	[sflag:s8] =	ssyncset.done $0x0;
	s16 =	rddreg [dreg:$0x5]  }
0x31: {  	[sflag:s8] =	ssyncadd.s32 $0xFFFFFFB0;
	s16 =	sshrl.u32 s16, $0x3  }
0x32: {  	[spmem:s16], [sflag:s6] =	dma.local [hbm:s5], $0x50  }
0x33: {  	_ =	swait.ge [sflag:s8], $0x50  }
0x34: {  	[sflag:s8] =	ssyncset.done $0x0;
	s17 =	rddreg [dreg:$0x6]  }
0x35: {  	[sflag:s8] =	ssyncadd.s32 $0xFFFFFFB0;
	s17 =	sshrl.u32 s17, $0x3  }
0x36: {  	[spmem:s17], [sflag:s6] =	dma.local [hbm:s5], $0x50  }
0x37: {  	_ =	swait.ge [sflag:s8], $0x50  }
0x38: {  	[sflag:s8] =	ssyncset.done $0x0;
	s18 =	rddreg [dreg:$0x12]  }
0x39: {  	[sflag:s8] =	ssyncadd.s32 $0xFFFFFFB0;
	s18 =	sshrl.u32 s18, $0x3  }
0x3a: {  	[spmem:s18], [sflag:s6] =	dma.local [hbm:s5], $0x50  }
0x3b: {  	_ =	swait.ge [sflag:s8], $0x50  }
0x3c: {  	[sflag:s8] =	ssyncset.done $0x0;
	s19 =	rddreg [dreg:$0x13]  }
0x3d: {  	[sflag:s8] =	ssyncadd.s32 $0xFFFFFFB0;
	s19 =	sshrl.u32 s19, $0x3  }
0x3e: {  	[spmem:s19], [sflag:s6] =	dma.local [hbm:s5], $0x50  }
0x3f: {  	_ =	swait.ge [sflag:s8], $0x50  }
0x40: {  	[sflag:s8] =	ssyncset.done $0x0;
	s20 =	rddreg [dreg:$0x14]  }
0x41: {  	[sflag:s8] =	ssyncadd.s32 $0xFFFFFFB0;
	s20 =	sshrl.u32 s20, $0x3  }
0x42: {  	[spmem:s20], [sflag:s6] =	dma.local [hbm:s5], $0x50  }
0x43: {  	_ =	swait.ge [sflag:s8], $0x50  }
0x44: {  	[sflag:s8] =	ssyncset.done $0x0;
	s21 =	rddreg [dreg:$0x15]  }
0x45: {  	[sflag:s8] =	ssyncadd.s32 $0xFFFFFFB0;
	s21 =	sshrl.u32 s21, $0x3  }
0x46: {  	[spmem:s21], [sflag:s6] =	dma.local [hbm:s5], $0x50  }
0x47: {  	_ =	swait.ge [sflag:s8], $0x50  }
0x48: {  	[sflag:s8] =	ssyncset.done $0x0  }
0x49: {  	s22 =	sshrl.u32 s26, $0x3;
	[sflag:s8] =	ssyncadd.s32 $0xFFFFFFB0  }
0x4a: {  	[spmem:s22], [sflag:s6] =	dma.local [hbm:s5], $0x50  }
0x4b: {  	_ =	swait.ge [sflag:s8], $0x50  }
0x4c: {  	[sflag:s8] =	ssyncset.done $0x0  }
0x4d: {  	s23 =	sshrl.u32 s28, $0x3;
	[sflag:s8] =	ssyncadd.s32 $0xFFFFFFB0  }
0x4e: {  	[spmem:s23], [sflag:s6] =	dma.local [hbm:s5], $0x50  }
0x4f: {  	_ =	swait.ge [sflag:s8], $0x50  }
0x50: {  	[sflag:s8] =	ssyncset.done $0x0  }
0x51: {  	[sflag:s8] =	ssyncadd.s32 $0xFFFFFFB0  }
0x52: {  	[bflag:$0x0] =	sbarrier.arrive $0xFFFF  }
0x53: {  	s24 =	simm.s32 $0x0;
	s25 =	rddreg [dreg:$0x7]  }
0x54: {  	[tilespmem:s24], [sflag:$0x1] =	stream.linear.gather [hbm4b:s25+s24], $0xC800, $0x38;
	[tilespmem:$0xE180] =	vst v63  }
0x55: {  	_ =	swait.ge [sflag:s8], $0xC800  }
0x56: {  	[sflag:s8] =	ssyncset.done $0x0  }
0x57: {  	s25 =	sadd.s32 $0x0, s29;
	[sflag:s8] =	ssyncadd.s32 $0xFFFF3800  }
0x58: {  	[spmem:s2] =	stream.indirect.scatter.add.f32 [tilespmem:s10], [sflag:$0x1], $0x1, s25, s9, $0xb8;
	[tilespmem:$0xE180] =	vst v63  }
0x59: {  	s24 =	simm.s32 $0x200;
	_ =	swait.ge [sflag:s8], $0x80  }
.LBB2_2:
0x5a: {  	s25 =	sshra.s32 s24, $0x2;
	[sflag:s8] =	ssyncset.done $0x0;
	p0 =	sne.s32 s24, $0x4E00  }
.Ltmp0:
0x5b: {  	s25 =	sadd.s32 s25, s29;
	[sflag:s8] =	ssyncadd.s32 $0xFFFFFF80;
	(pc) =	sbr.rel @p0 .LBB2_2-.Ltmp0, $3  }
0x5c: {  	[spmem:s2] =	stream.indirect.scatter.add.f32 [tilespmem:s10], [sflag:$0x1], $0x1, s25, s9, $0xb8;
	[tilespmem:$0xE180] =	vst v63  }
0x5d: {  	s24 =	sadd.s32 $0x200, s24;
	_ =	sdelay $0x1  }
0x5e: {  	_ =	swait.ge [sflag:s8], $0x80  }
0x5f: {  	[sflag:s8] =	ssyncset.done $0x0  }
0x60: {  	s24 =	sadd.s32 $0x0, s0;
	[sflag:s8] =	ssyncadd.s32 $0xFFFFFF80  }
0x61: {  	[spmem:s2] =	stream.indirect.scatter.add.f32 [tilespmem:s10], [sflag:$0x1], $0x1, s24, s9, $0xb8;
	[tilespmem:$0xE180] =	vst v63  }
0x62: {  	s24 =	simm.s32 $0x200;
	_ =	swait.ge [sflag:s8], $0x80  }
.LBB2_4:
0x63: {  	s25 =	sshra.s32 s24, $0x2;
	[sflag:s8] =	ssyncset.done $0x0;
	p0 =	sne.s32 s24, $0x4E00  }
.Ltmp1:
0x64: {  	s25 =	sadd.s32 s25, s0;
	[sflag:s8] =	ssyncadd.s32 $0xFFFFFF80;
	(pc) =	sbr.rel @p0 .LBB2_4-.Ltmp1, $3  }
0x65: {  	[spmem:s2] =	stream.indirect.scatter.add.f32 [tilespmem:s10], [sflag:$0x1], $0x1, s25, s9, $0xb8;
	[tilespmem:$0xE180] =	vst v63  }
0x66: {  	s24 =	sadd.s32 $0x200, s24;
	_ =	sdelay $0x1  }
0x67: {  	_ =	swait.ge [sflag:s8], $0x80  }
0x68: {  	[sflag:s8] =	ssyncset.done $0x0  }
0x69: {  	s24 =	sadd.s32 $0x0, s1;
	[sflag:s8] =	ssyncadd.s32 $0xFFFFFF80  }
0x6a: {  	[spmem:s2] =	stream.indirect.scatter.add.f32 [tilespmem:s10], [sflag:$0x1], $0x1, s24, s9, $0xb8;
	[tilespmem:$0xE180] =	vst v63  }
0x6b: {  	s24 =	simm.s32 $0x200;
	_ =	swait.ge [sflag:s8], $0x80  }
.LBB2_6:
0x6c: {  	s25 =	sshra.s32 s24, $0x2;
	[sflag:s8] =	ssyncset.done $0x0;
	p0 =	sne.s32 s24, $0x4E00  }
.Ltmp2:
0x6d: {  	s25 =	sadd.s32 s25, s1;
	[sflag:s8] =	ssyncadd.s32 $0xFFFFFF80;
	(pc) =	sbr.rel @p0 .LBB2_6-.Ltmp2, $3  }
0x6e: {  	[spmem:s2] =	stream.indirect.scatter.add.f32 [tilespmem:s10], [sflag:$0x1], $0x1, s25, s9, $0xb8;
	[tilespmem:$0xE180] =	vst v63  }
0x6f: {  	s24 =	sadd.s32 $0x200, s24;
	_ =	sdelay $0x1  }
0x70: {  	_ =	swait.ge [sflag:s8], $0x80  }
0x71: {  	[sflag:s8] =	ssyncset.done $0x0  }
0x72: {  	s24 =	sadd.s32 $0x0, s4;
	[sflag:s8] =	ssyncadd.s32 $0xFFFFFF80  }
0x73: {  	[spmem:s2] =	stream.indirect.scatter.add.f32 [tilespmem:s10], [sflag:$0x1], $0x1, s24, s9, $0xb8;
	[tilespmem:$0xE180] =	vst v63  }
0x74: {  	s24 =	simm.s32 $0x200;
	_ =	swait.ge [sflag:s8], $0x80  }
.LBB2_8:
0x75: {  	s25 =	sshra.s32 s24, $0x2;
	[sflag:s8] =	ssyncset.done $0x0;
	p0 =	sne.s32 s24, $0x4E00  }
.Ltmp3:
0x76: {  	s25 =	sadd.s32 s25, s4;
	[sflag:s8] =	ssyncadd.s32 $0xFFFFFF80;
	(pc) =	sbr.rel @p0 .LBB2_8-.Ltmp3, $3  }
0x77: {  	[spmem:s2] =	stream.indirect.scatter.add.f32 [tilespmem:s10], [sflag:$0x1], $0x1, s25, s9, $0xb8;
	[tilespmem:$0xE180] =	vst v63  }
0x78: {  	s24 =	sadd.s32 $0x200, s24;
	_ =	sdelay $0x1  }
0x79: {  	_ =	swait.ge [sflag:s8], $0x80  }
0x7a: {  	[sflag:s8] =	ssyncset.done $0x0  }
0x7b: {  	s24 =	sadd.s32 $0x0, s7;
	[sflag:s8] =	ssyncadd.s32 $0xFFFFFF80  }
0x7c: {  	[spmem:s2] =	stream.indirect.scatter.add.f32 [tilespmem:s10], [sflag:$0x1], $0x1, s24, s9, $0xb8;
	[tilespmem:$0xE180] =	vst v63  }
0x7d: {  	s24 =	simm.s32 $0x200;
	_ =	swait.ge [sflag:s8], $0x80  }
.LBB2_10:
0x7e: {  	s25 =	sshra.s32 s24, $0x2;
	[sflag:s8] =	ssyncset.done $0x0;
	p0 =	sne.s32 s24, $0x4E00  }
.Ltmp4:
0x7f: {  	s25 =	sadd.s32 s25, s7;
	[sflag:s8] =	ssyncadd.s32 $0xFFFFFF80;
	(pc) =	sbr.rel @p0 .LBB2_10-.Ltmp4, $3  }
0x80: {  	[spmem:s2] =	stream.indirect.scatter.add.f32 [tilespmem:s10], [sflag:$0x1], $0x1, s25, s9, $0xb8;
	[tilespmem:$0xE180] =	vst v63  }
0x81: {  	s24 =	sadd.s32 $0x200, s24;
	_ =	sdelay $0x1  }
0x82: {  	_ =	swait.ge [sflag:s8], $0x80  }
0x83: {  	[sflag:s8] =	ssyncset.done $0x0  }
0x84: {  	s24 =	simm.s32 $0x0;
	[sflag:s8] =	ssyncadd.s32 $0xFFFFFF80  }
0x85: {  	[tilespmem:s24], [sflag:$0x1] =	stream.linear.gather [hbm4b:s30+s24], $0xC800, $0x38;
	[tilespmem:$0xE180] =	vst v63  }
0x86: {  	_ =	swait.ge [sflag:s8], $0xC800  }
0x87: {  	[sflag:s8] =	ssyncset.done $0x0  }
0x88: {  	s25 =	sadd.s32 $0x0, s29;
	[sflag:s8] =	ssyncadd.s32 $0xFFFF3800  }
0x89: {  	[spmem:s3] =	stream.indirect.scatter.add.f32 [tilespmem:s10], [sflag:$0x1], $0x1, s25, s9, $0xb8;
	[tilespmem:$0xE180] =	vst v63  }
0x8a: {  	s24 =	simm.s32 $0x200;
	_ =	swait.ge [sflag:s8], $0x80  }
.LBB2_12:
0x8b: {  	s25 =	sshra.s32 s24, $0x2;
	[sflag:s8] =	ssyncset.done $0x0;
	p0 =	sne.s32 s24, $0x4E00  }
.Ltmp5:
0x8c: {  	s25 =	sadd.s32 s25, s29;
	[sflag:s8] =	ssyncadd.s32 $0xFFFFFF80;
	(pc) =	sbr.rel @p0 .LBB2_12-.Ltmp5, $3  }
0x8d: {  	[spmem:s3] =	stream.indirect.scatter.add.f32 [tilespmem:s10], [sflag:$0x1], $0x1, s25, s9, $0xb8;
	[tilespmem:$0xE180] =	vst v63  }
0x8e: {  	s24 =	sadd.s32 $0x200, s24;
	_ =	sdelay $0x1  }
0x8f: {  	_ =	swait.ge [sflag:s8], $0x80  }
0x90: {  	[sflag:s8] =	ssyncset.done $0x0  }
0x91: {  	s24 =	sadd.s32 $0x0, s0;
	[sflag:s8] =	ssyncadd.s32 $0xFFFFFF80  }
0x92: {  	[spmem:s3] =	stream.indirect.scatter.add.f32 [tilespmem:s10], [sflag:$0x1], $0x1, s24, s9, $0xb8;
	[tilespmem:$0xE180] =	vst v63  }
0x93: {  	s24 =	simm.s32 $0x200;
	_ =	swait.ge [sflag:s8], $0x80  }
.LBB2_14:
0x94: {  	s25 =	sshra.s32 s24, $0x2;
	[sflag:s8] =	ssyncset.done $0x0;
	p0 =	sne.s32 s24, $0x4E00  }
.Ltmp6:
0x95: {  	s25 =	sadd.s32 s25, s0;
	[sflag:s8] =	ssyncadd.s32 $0xFFFFFF80;
	(pc) =	sbr.rel @p0 .LBB2_14-.Ltmp6, $3  }
0x96: {  	[spmem:s3] =	stream.indirect.scatter.add.f32 [tilespmem:s10], [sflag:$0x1], $0x1, s25, s9, $0xb8;
	[tilespmem:$0xE180] =	vst v63  }
0x97: {  	s24 =	sadd.s32 $0x200, s24;
	_ =	sdelay $0x1  }
0x98: {  	_ =	swait.ge [sflag:s8], $0x80  }
0x99: {  	[sflag:s8] =	ssyncset.done $0x0  }
0x9a: {  	s24 =	sadd.s32 $0x0, s1;
	[sflag:s8] =	ssyncadd.s32 $0xFFFFFF80  }
0x9b: {  	[spmem:s3] =	stream.indirect.scatter.add.f32 [tilespmem:s10], [sflag:$0x1], $0x1, s24, s9, $0xb8;
	[tilespmem:$0xE180] =	vst v63  }
0x9c: {  	s24 =	simm.s32 $0x200;
	_ =	swait.ge [sflag:s8], $0x80  }
.LBB2_16:
0x9d: {  	s25 =	sshra.s32 s24, $0x2;
	[sflag:s8] =	ssyncset.done $0x0;
	p0 =	sne.s32 s24, $0x4E00  }
.Ltmp7:
0x9e: {  	s25 =	sadd.s32 s25, s1;
	[sflag:s8] =	ssyncadd.s32 $0xFFFFFF80;
	(pc) =	sbr.rel @p0 .LBB2_16-.Ltmp7, $3  }
0x9f: {  	[spmem:s3] =	stream.indirect.scatter.add.f32 [tilespmem:s10], [sflag:$0x1], $0x1, s25, s9, $0xb8;
	[tilespmem:$0xE180] =	vst v63  }
0xa0: {  	s24 =	sadd.s32 $0x200, s24;
	_ =	sdelay $0x1  }
0xa1: {  	_ =	swait.ge [sflag:s8], $0x80  }
0xa2: {  	[sflag:s8] =	ssyncset.done $0x0  }
0xa3: {  	s24 =	sadd.s32 $0x0, s4;
	[sflag:s8] =	ssyncadd.s32 $0xFFFFFF80  }
0xa4: {  	[spmem:s3] =	stream.indirect.scatter.add.f32 [tilespmem:s10], [sflag:$0x1], $0x1, s24, s9, $0xb8;
	[tilespmem:$0xE180] =	vst v63  }
0xa5: {  	s24 =	simm.s32 $0x200;
	_ =	swait.ge [sflag:s8], $0x80  }
.LBB2_18:
0xa6: {  	s25 =	sshra.s32 s24, $0x2;
	[sflag:s8] =	ssyncset.done $0x0;
	p0 =	sne.s32 s24, $0x4E00  }
.Ltmp8:
0xa7: {  	s25 =	sadd.s32 s25, s4;
	[sflag:s8] =	ssyncadd.s32 $0xFFFFFF80;
	(pc) =	sbr.rel @p0 .LBB2_18-.Ltmp8, $3  }
0xa8: {  	[spmem:s3] =	stream.indirect.scatter.add.f32 [tilespmem:s10], [sflag:$0x1], $0x1, s25, s9, $0xb8;
	[tilespmem:$0xE180] =	vst v63  }
0xa9: {  	s24 =	sadd.s32 $0x200, s24;
	_ =	sdelay $0x1  }
0xaa: {  	_ =	swait.ge [sflag:s8], $0x80  }
0xab: {  	[sflag:s8] =	ssyncset.done $0x0  }
0xac: {  	s24 =	sadd.s32 $0x0, s7;
	[sflag:s8] =	ssyncadd.s32 $0xFFFFFF80  }
0xad: {  	[spmem:s3] =	stream.indirect.scatter.add.f32 [tilespmem:s10], [sflag:$0x1], $0x1, s24, s9, $0xb8;
	[tilespmem:$0xE180] =	vst v63  }
0xae: {  	s24 =	simm.s32 $0x200;
	_ =	swait.ge [sflag:s8], $0x80  }
.LBB2_20:
0xaf: {  	s25 =	sshra.s32 s24, $0x2;
	[sflag:s8] =	ssyncset.done $0x0;
	p0 =	sne.s32 s24, $0x4E00  }
.Ltmp9:
0xb0: {  	s25 =	sadd.s32 s25, s7;
	[sflag:s8] =	ssyncadd.s32 $0xFFFFFF80;
	(pc) =	sbr.rel @p0 .LBB2_20-.Ltmp9, $3  }
0xb1: {  	[spmem:s3] =	stream.indirect.scatter.add.f32 [tilespmem:s10], [sflag:$0x1], $0x1, s25, s9, $0xb8;
	[tilespmem:$0xE180] =	vst v63  }
0xb2: {  	s24 =	sadd.s32 $0x200, s24;
	_ =	sdelay $0x1  }
0xb3: {  	_ =	swait.ge [sflag:s8], $0x80  }
0xb4: {  	[sflag:s8] =	ssyncset.done $0x0  }
0xb5: {  	[sflag:s8] =	ssyncadd.s32 $0xFFFFFF80  }
0xb6: {  	[bflag:$0x0] =	sbarrier.arrive $0xFFFF  }
0xb7: {  	s24 =	rddreg [dreg:$0x8]  }
0xb8: {  	[hbm:s24@s11], [sflag:s6] =	dma.strided [spmem:s14@s12], $0x50, s8, $0x10   }
0xb9: {  	_ =	swait.ge [sflag:s8], $0x50  }
0xba: {  	[sflag:s8] =	ssyncset.done $0x0  }
0xbb: {  	s25 =	rddreg [dreg:$0x9];
	[sflag:s8] =	ssyncadd.s32 $0xFFFFFFB0  }
0xbc: {  	[hbm:s25@s11], [sflag:s6] =	dma.strided [spmem:s15@s12], $0x50, s8, $0x10   }
0xbd: {  	_ =	swait.ge [sflag:s8], $0x50  }
0xbe: {  	[sflag:s8] =	ssyncset.done $0x0  }
0xbf: {  	s15 =	rddreg [dreg:$0xa];
	[sflag:s8] =	ssyncadd.s32 $0xFFFFFFB0  }
0xc0: {  	[hbm:s15@s11], [sflag:s6] =	dma.strided [spmem:s16@s12], $0x50, s8, $0x10   }
0xc1: {  	_ =	swait.ge [sflag:s8], $0x50  }
0xc2: {  	[sflag:s8] =	ssyncset.done $0x0  }
0xc3: {  	s16 =	rddreg [dreg:$0xb];
	[sflag:s8] =	ssyncadd.s32 $0xFFFFFFB0  }
0xc4: {  	[hbm:s16@s11], [sflag:s6] =	dma.strided [spmem:s17@s12], $0x50, s8, $0x10   }
0xc5: {  	_ =	swait.ge [sflag:s8], $0x50  }
0xc6: {  	[sflag:s8] =	ssyncset.done $0x0  }
0xc7: {  	s17 =	rddreg [dreg:$0xc];
	[sflag:s8] =	ssyncadd.s32 $0xFFFFFFB0  }
0xc8: {  	[hbm:s17@s11], [sflag:s6] =	dma.strided [spmem:s18@s12], $0x50, s8, $0x10   }
0xc9: {  	_ =	swait.ge [sflag:s8], $0x50  }
0xca: {  	[sflag:s8] =	ssyncset.done $0x0  }
0xcb: {  	s18 =	rddreg [dreg:$0xd];
	[sflag:s8] =	ssyncadd.s32 $0xFFFFFFB0  }
0xcc: {  	[hbm:s18@s11], [sflag:s6] =	dma.strided [spmem:s19@s12], $0x50, s8, $0x10   }
0xcd: {  	_ =	swait.ge [sflag:s8], $0x50  }
0xce: {  	[sflag:s8] =	ssyncset.done $0x0  }
0xcf: {  	s19 =	rddreg [dreg:$0xe];
	[sflag:s8] =	ssyncadd.s32 $0xFFFFFFB0  }
0xd0: {  	[hbm:s19@s11], [sflag:s6] =	dma.strided [spmem:s20@s12], $0x50, s8, $0x10   }
0xd1: {  	_ =	swait.ge [sflag:s8], $0x50  }
0xd2: {  	[sflag:s8] =	ssyncset.done $0x0  }
0xd3: {  	s20 =	rddreg [dreg:$0xf];
	[sflag:s8] =	ssyncadd.s32 $0xFFFFFFB0  }
0xd4: {  	[hbm:s20@s11], [sflag:s6] =	dma.strided [spmem:s21@s12], $0x50, s8, $0x10   }
0xd5: {  	_ =	swait.ge [sflag:s8], $0x50  }
0xd6: {  	[sflag:s8] =	ssyncset.done $0x0  }
0xd7: {  	s24 =	rddreg [dreg:$0x10];
	[sflag:s8] =	ssyncadd.s32 $0xFFFFFFB0  }
0xd8: {  	[hbm:s24@s11], [sflag:s6] =	dma.strided [spmem:s22@s12], $0x50, s8, $0x10   }
0xd9: {  	s13 =	sadd.s32 $0x1, s13;
	_ =	swait.ge [sflag:s8], $0x50  }
0xda: {  	p0 =	sne.s32 s13, s31;
	[sflag:s8] =	ssyncset.done $0x0  }
.Ltmp10:
0xdb: {  	s25 =	rddreg [dreg:$0x11];
	[sflag:s8] =	ssyncadd.s32 $0xFFFFFFB0;
	(pc) =	sbr.rel @p0 .LBB2_1-.Ltmp10, $4  }
0xdc: {  	[hbm:s25@s11], [sflag:s6] =	dma.strided [spmem:s23@s12], $0x50, s8, $0x10   }
0xdd: {  	_ =	swait.ge [sflag:s8], $0x50  }
0xde: {  	[sflag:s8] =	ssyncset.done $0x0  }
0xdf: {  	[sflag:s8] =	ssyncadd.s32 $0xFFFFFFB0  }
0xe0: {  	_ =	sfence.sel $0x180000  }
0xe1: {  	[bflag:$0x0] =	sbarrier.arrive $0xFFFF  }
0xe2: {  	_ =	strace $0x90000047  }
0xe3: {  	s0 =	stileid.u32;
	[bflag:$0x2] =	sbarrier.arrive $0xFFFF  }
0xe4: {  	p0 =	sne.s32 s0, $0x0;
	s0 =	rddreg [dreg:$0x4]  }
0xe5: {  	s0 =	sadd.s32 @!p0 $0x100000, s0  }
0xe6: {  	[sflag:s0] =	ssyncadd.tile.s32 @!p0 $0x1;
	_ =	shalt  }
.Lfunc_end2:
_tile_overlayer_lowered:
.L_overlay_start_2:
0xe7: {  	(tag) =	ssettag $0x2  }
0xe8: {  	s0 =	rddreg [dreg:$0x0];
	s2 =	stileid.u32  }
0xe9: {  	s1 =	rddreg [dreg:$0x1];
	p0 =	sne.s32 s2, $0x0  }
0xea: {  	s3 =	rddreg [dreg:$0x2];
	[bflag:$0x3] =	sbarrier.arrive $0xFFFF;
	s2 =	simm.s32 @!p0 $0x1C01  }
0xeb: {  	[timem:s3], [sflag:s2] =	dma.local @!p0 [hbm:s0], s1  }
0xec: {  	s0 =	simm.s32 @!p0 $0x1  }
0xed: {  	_ =	swait.ge @!p0 [sflag:s0], s1  }
0xee: {  	s1 =	ssub.s32 @!p0 $0x0, s1;
	[sflag:s0] =	ssyncset.done @!p0 $0x0  }
0xef: {  	[sflag:s0] =	ssyncadd.s32 @!p0 s1  }
0xf0: {  	[bflag:$0x3] =	sbarrier.arrive $0xFFFF  }
0xf1: {  	_ =	shalt  }

// kernel: kernel.9.cloned.1.call-start
scs
__scs_entry_jumppad:
0x0: {  	(pc) =	sbr.rel $0x88, $3  }
0x1: {  	(tag) =	ssettag $0x0;
	lr =	simm.s32 $0x1  }
0x2: {  	[smem:$0x3F8C] =	sst lr;
	_ =	strace $0xD0000000  }
0x3: {  	_ = 	snop  }
0x4: {  	_ = 	snop  }
0x5: {  	_ = 	snop  }
0x6: {  	_ = 	snop  }
0x7: {  	_ = 	snop  }
__scs_overlays_trampoline_lowered:
0x8: {  	[smem:$0x3F9B] =	sst s0  }
0x9: {  	[smem:$0x3F9C] =	sst s1  }
0xa: {  	[smem:$0x3F9D] =	sst s2  }
0xb: {  	[smem:$0x3F9E] =	sst s3  }
0xc: {  	[smem:$0x3F9F] =	sst s4  }
0xd: {  	[smem:$0x3FA0] =	sst s5  }
0xe: {  	[smem:$0x3FA1] =	sst s6  }
0xf: {  	[smem:$0x3FA2] =	sst s7  }
0x10: {  	[smem:$0x3FA3] =	sst s8  }
0x11: {  	[smem:$0x3FA4] =	sst s9;
	s0 =	simm.s32 @!p0 $0x0  }
0x12: {  	s1 =	sld [smem:$0x3F8A];
	s0 =	simm.s32 @p0 $0x1  }
0x13: {  	[smem:$0x3FA5] =	sst s0;
	s0 =	simm.s32 @!p1 $0x0  }
0x14: {  	s2 =	sld [smem:$0x3F89];
	s0 =	simm.s32 @p1 $0x1  }
0x15: {  	[smem:$0x3FA6] =	sst s0;
	s0 =	simm.s32 @!p2 $0x0  }
0x16: {  	s3 =	sld [smem:$0x3FDB];
	s0 =	simm.s32 @p2 $0x1  }
0x17: {  	s4 =	simm.s32 $0x1BF5;
	[smem:$0x3FA8] =	sst s0  }
0x18: {  	s0 =	sld [smem:$0x3F8B];
	_ =	swait.ge [sflag:s4], $0x0  }
0x19: {  	s7 =	sld [smem:$0x3F8C]  }
0x1a: {  	s8 =	sadd.s32 $0xFFFFE003, lr  }
0x1b: {  	s9 =	sadd.s32 $0xFFFFFEF7, lr;
	s5 =	simm.s32 $0xFFFFFFFF;
	p2 =	slt.u32 s8, $0xFFFFF086  }
0x1c: {  	p1 =	slt.u32 s9, $0xF7A;
	s5 =	simm.s32 @!p2 $0x0  }
0x1d: {  	s5 =	simm.s32 @p1 $0x1;
	p0 =	seq.s32 s7, s2  }
0x1e: {  	s7 =	smul.u32 @!p0 $0xF7A, s2;
	p2 =	seq.s32 @!p0 s5, $0x0  }
0x1f: {  	s9 =	smul.u32 $0xF7A, s1;
	s8 =	simm.s32 @!p0 $0x1BF5;
	p2 =	por !p2, p0  }
0x20: {  	[sflag:s8] =	ssyncset.s32 @!p0 $0xFFFFF086;
	s6 =	sadd.s32 @!p0 s3, s7;
	s7 =	simm.s32 @!p0 $0x108  }
0x21: {  	s3 =	sadd.s32 s3, s9;
	s6 =	sadd.s32 @!p0 $0x88, s6;
	s7 =	simm.s32 @p2 $0x1082  }
0x22: {  	[simem:s7], [sflag:s8] =	dma.local @!p0 [hbm:s6], $0xF7A  }
0x23: {  	s9 =	sor.u32 $0xD0000000, s2;
	s6 =	simm.s32 $0x108;
	_ =	swait.ge @!p0 [sflag:s8], $0x0  }
0x24: {  	s3 =	sadd.s32 $0x88, s3;
	s6 =	simm.s32 @!p1 $0x1082;
	[sflag:s4] =	ssyncset.s32 $0xFFFFF086  }
0x25: {  	[simem:s6], [sflag:s4] =	dma.local [hbm:s3], $0xF7A  }
0x26: {  	[smem:$0x3F8C] =	sst s1;
	(tag) =	ssettag s2;
	_ =	strace s9  }
0x27: {  	s1 =	sld [smem:$0x3F9C]  }
0x28: {  	s2 =	sld [smem:$0x3F9D]  }
0x29: {  	s4 =	sld [smem:$0x3F9F]  }
0x2a: {  	p0 =	seq.s32 s5, $0x0;
	s5 =	sld [smem:$0x3FA0]  }
0x2b: {  	s6 =	sld [smem:$0x3FA1]  }
0x2c: {  	s7 =	sld [smem:$0x3FA2]  }
0x2d: {  	s3 =	simm.s32 $0x108;
	s8 =	sld [smem:$0x3FA3]  }
0x2e: {  	s3 =	simm.s32 @!p0 $0x1082;
	s9 =	sld [smem:$0x3FA4]  }
0x2f: {  	lr =	sadd.s32 s0, s3;
	s0 =	sld [smem:$0x3F9B]  }
0x30: {  	s3 =	sld [smem:$0x3F9E]  }
0x31: {  	[smem:$0x3FA7] =	sst s10  }
0x32: {  	s10 =	sld [smem:$0x3FA5];
	_ =	sdelay $0x3  }
0x33: {  	p0 =	seq.s32 s10, $0x1;
	s10 =	sld [smem:$0x3FA7];
	_ =	sdelay $0x3  }
0x34: {  	[smem:$0x3FA7] =	sst s10  }
0x35: {  	s10 =	sld [smem:$0x3FA6];
	_ =	sdelay $0x3  }
0x36: {  	p1 =	seq.s32 s10, $0x1;
	s10 =	sld [smem:$0x3FA7];
	_ =	sdelay $0x3  }
0x37: {  	[smem:$0x3FA7] =	sst s10  }
0x38: {  	s10 =	sld [smem:$0x3FA8]  }
0x39: {  	_ = 	snop;
	(pc) =	sbr.ind lr, $3  }
0x3a: {  	_ = 	snop  }
0x3b: {  	_ = 	snop  }
0x3c: {  	p2 =	seq.s32 s10, $0x1;
	s10 =	sld [smem:$0x3FA7]  }
0x3d: {  	_ =	shalt  }
0x3e: {  	_ =	shalt  }
0x3f: {  	_ =	shalt  }
0x40: {  	_ =	shalt  }
0x41: {  	_ =	shalt  }
0x42: {  	_ =	shalt  }
0x43: {  	_ =	shalt  }
0x44: {  	_ =	shalt  }
0x45: {  	_ =	shalt  }
0x46: {  	_ =	shalt  }
0x47: {  	_ =	shalt  }
0x48: {  	_ =	shalt  }
0x49: {  	_ =	shalt  }
0x4a: {  	_ =	shalt  }
0x4b: {  	_ =	shalt  }
0x4c: {  	_ =	shalt  }
0x4d: {  	_ =	shalt  }
0x4e: {  	_ =	shalt  }
0x4f: {  	_ =	shalt  }
0x50: {  	_ =	shalt  }
0x51: {  	_ =	shalt  }
0x52: {  	_ =	shalt  }
0x53: {  	_ =	shalt  }
0x54: {  	_ =	shalt  }
0x55: {  	_ =	shalt  }
0x56: {  	_ =	shalt  }
0x57: {  	_ =	shalt  }
0x58: {  	_ =	shalt  }
0x59: {  	_ =	shalt  }
0x5a: {  	_ =	shalt  }
0x5b: {  	_ =	shalt  }
0x5c: {  	_ =	shalt  }
0x5d: {  	_ =	shalt  }
0x5e: {  	_ =	shalt  }
0x5f: {  	_ =	shalt  }
0x60: {  	_ =	shalt  }
0x61: {  	_ =	shalt  }
0x62: {  	_ =	shalt  }
0x63: {  	_ =	shalt  }
0x64: {  	_ =	shalt  }
0x65: {  	_ =	shalt  }
0x66: {  	_ =	shalt  }
0x67: {  	_ =	shalt  }
0x68: {  	_ =	shalt  }
0x69: {  	_ =	shalt  }
0x6a: {  	_ =	shalt  }
0x6b: {  	_ =	shalt  }
0x6c: {  	_ =	shalt  }
0x6d: {  	_ =	shalt  }
0x6e: {  	_ =	shalt  }
0x6f: {  	_ =	shalt  }
0x70: {  	_ =	shalt  }
0x71: {  	_ =	shalt  }
0x72: {  	_ =	shalt  }
0x73: {  	_ =	shalt  }
0x74: {  	_ =	shalt  }
0x75: {  	_ =	shalt  }
0x76: {  	_ =	shalt  }
0x77: {  	_ =	shalt  }
0x78: {  	_ =	shalt  }
0x79: {  	_ =	shalt  }
0x7a: {  	_ =	shalt  }
0x7b: {  	_ =	shalt  }
0x7c: {  	_ =	shalt  }
0x7d: {  	_ =	shalt  }
0x7e: {  	_ =	shalt  }
0x7f: {  	_ =	shalt  }
0x80: {  	_ =	shalt  }
0x81: {  	_ =	shalt  }
0x82: {  	_ =	shalt  }
0x83: {  	_ =	shalt  }
0x84: {  	_ =	shalt  }
0x85: {  	_ =	shalt  }
0x86: {  	_ =	shalt  }
0x87: {  	_ =	shalt  }
.Lfunc_end0:
.L_simem_size_0:
called_computation.1_lowered:
.L_overlay_start_0:
0x88: {  	s2 =	sld [smem:$0x3FD9]  }
0x89: {  	s3 =	sld [smem:$0x3FFE];
	_ =	sdelay $0x1  }
0x8a: {  	s1 =	srdreg.scid  }
0x8b: {  	s0 =	sand.u32 $0x1, s1  }
0x8c: {  	s17 =	sshll.u32 s0, $0xA;
	s2 =	sadd.s32 s3, s2  }
0x8d: {  	s2 =	sadd.s32 s2, s17  }
0x8e: {  	[smem:$0x3FB3] =	sst s2  }
0x8f: {  	_ = 	snop  }
0x90: {  	s2 =	sld [smem:$0x3FD0];
	(tm) =	ssettm $0x1  }
0x91: {  	s18 =	sld [smem:$0x3FFB];
	_ =	sdelay $0x3  }
0x92: {  	_ =	strace s18  }
0x93: {  	s3 =	sld [smem:$0x3FFC];
	_ =	sdelay $0x3  }
0x94: {  	_ =	strace s3  }
0x95: {  	s3 =	sld [smem:$0x3FFD];
	_ =	sdelay $0x3  }
0x96: {  	_ =	strace s3  }
0x97: {  	_ =	strace $0x8FFFFFFF  }
0x98: {  	s19 =	sld [smem:$0x3FDB];
	_ =	sdelay $0x1  }
0x99: {  	s4 =	simm.s32 $_scs_section_size  }
0x9a: {  	s5 =	simm.s32 $_size__tile_overlayer_lowered;
	s6 =	simm.s32 $_tile_overlayer_lowered  }
0x9b: {  	s22 =	simm.s32 $0x1BFF;
	s21 =	sshll.u32 s6, $0x1;
	s3 =	sadd.s32 s4, s19  }
0x9c: {  	s7 =	simm.s32 $0x0;
	s20 =	sshll.u32 s5, $0x1;
	s5 =	sadd.s32 s21, s3  }
0x9d: {  	[timem:s7], [sflag:s22] =	dma.local [hbm:s5], s20  }
0x9e: {  	_ =	swait.ge [sflag:s22], s20  }
0x9f: {  	s4 =	ssub.s32 $0x0, s20;
	[sflag:s22] =	ssyncset.done $0x0  }
0xa0: {  	[sflag:s22] =	ssyncadd.s32 s4;
	_ =	sdelay $0x1  }
0xa1: {  	s23 =	simm.s32 $0x1B8B  }
0xa2: {  	_ =	swait.ge [sflag:s23], $0x1  }
0xa3: {  	[sflag:s23] =	ssyncset.done $0x0  }
0xa4: {  	s25 =	simm.s32 $0x1B8E;
	s24 =	sld [smem:$0x3FFE];
	[sflag:s23] =	ssyncadd.s32 $0xFFFFFFFF  }
0xa5: {  	s26 =	simm.s32 $execute0_lowered;
	[smem:$0x3FD2] =	sst s25  }
0xa6: {  	s5 =	sshll.u32 s26, $0x1;
	_ =	strace $0x80000049;
	[dreg:$0x1] =	wrdreg $0xFFFFFFFF  }
0xa7: {  	s28 =	simm.s32 $_size_execute0_lowered;
	s3 =	sadd.s32 s3, s5;
	[dreg:$0x0] =	wrdreg $0x0  }
0xa8: {  	s5 =	sshll.u32 s28, $0x1;
	[dreg:$0x2] =	wrdreg s3  }
0xa9: {  	[dreg:$0x3] =	wrdreg s5  }
0xaa: {  	[dreg:$0x4] =	wrdreg $0xC0  }
0xab: {  	_ =	task [dreg:s7], $0x5FFFF  }
0xac: {  	[dreg:$0x1] =	wrdreg $0xFFFFFFFF  }
0xad: {  	[dreg:$0x0] =	wrdreg $0x60  }
0xae: {  	[dreg:$0x2] =	wrdreg s24  }
0xaf: {  	[dreg:$0x3] =	wrdreg s2  }
0xb0: {  	[dreg:$0x4] =	wrdreg $0x90000  }
0xb1: {  	[dreg:$0x5] =	wrdreg $0x9  }
0xb2: {  	_ =	task.clear_ibuf [dreg:s7], $0x6FFFF;
	_ =	strace $0x90000049  }
0xb3: {  	s29 =	simm.s32 $0x9;
	_ =	strace $0x8000004B  }
0xb4: {  	_ =	swait.ge [sflag:s29], $0x1  }
0xb5: {  	[sflag:s29] =	ssyncadd.s32 $0xFFFFFFFF  }
0xb6: {  	_ =	strace $0x9000004B  }
0xb7: {  	_ =	sfence  }
0xb8: {  	s30 =	sld [smem:$0x0];
	_ =	sdelay $0x2  }
0xb9: {  	s31 =	sshll.u32 s1, $0xD;
	s1 =	sshrl.u32 s1, $0x2  }
0xba: {  	s3 =	sand.u32 $0x4000, s31;
	s1 =	sadd.s32 s1, s30  }
0xbb: {  	s0 =	sor.u32 s3, s0;
	s1 =	sshll.u32 s1, $0x11  }
0xbc: {  	s0 =	sor.u32 s1, s0  }
0xbd: {  	s0 =	sadd.s32 $0x8F2B, s0  }
0xbe: {  	[sflag:s0] =	ssyncadd.remote.s32 $0x1  }
0xbf: {  	_ =	sfence.sel $0xFFFF  }
0xc0: {  	[dreg:$0x0] =	wrdreg $0xFFFFFFFF;
	(pc) =	sbr.abs _section_cstart, $3  }
0xc1: {  	[dreg:$0x1] =	wrdreg $0xFFFFFFFF  }
0xc2: {  	_ =	task.clear_ibuf [dreg:s7], $0x2FFFF;
	_ =	strace $0x9FFFFFFF  }
0xc3: {  	(tm) =	ssettm $0x7FFFFFFF  }
tec
execute0_lowered:
.L_overlay_start_1:
0x0: {  	(tag) =	ssettag $0x1  }
0x1: {  	s0 =	rddreg [dreg:$0x0]  }
0x2: {  	s1 =	rddreg [dreg:$0x1]  }
0x3: {  	s2 =	rddreg [dreg:$0x2];
	s24 =	stileid.u32  }
0x4: {  	s4 =	srdreg.scid;
	s3 =	simm.s32 $0x0;
	s6 =	smul.u32 $0xA000, s24  }
0x5: {  	s30 =	simm.s32 $0x3;
	s31 =	simm.s32 $0x2800;
	s10 =	smul.u32 $0x28000, s24  }
0x6: {  	s5 =	sand.u32 $0x1, s4;
	[smem:$0x7FF] =	sst s3;
	s16 =	smul.u32 $0xC800, s24  }
0x7: {  	s4 =	sadd.s32 $0x1E5800, s0;
	s8 =	sadd.s32 $0x3C800, s0;
	s13 =	smul.u32 $0x1900, s24  }
0x8: {  	s11 =	sadd.s32 $0x23800, s0;
	s7 =	smul.u32 $0x320000, s5;
	s9 =	ssub.s32 $0x2, s5  }
0x9: {  	_ =	strace $0x8000004A;
	p0 =	seq.s32 s5, $0x0;
	s14 =	sshrl.u32 s9, $0x1  }
0xa: {  	s15 =	sshrl.u32 s10, $0x2;
	s25 =	sadd.s32 s6, s2;
	s8 =	smov.u32 @p0 s1  }
0xb: {  	s1 =	simm.s32 $0x140000;
	s7 =	sadd.s32 s6, s7;
	s5 =	sadd.s32 s15, s2  }
0xc: {  	s1 =	simm.s32 @!p0 $0x460000;
	s21 =	sadd.s32 s8, s13;
	s13 =	sshll.u32 s24, $0x6  }
0xd: {  	s7 =	sshrl.u32 s7, $0x3;
	s1 =	sadd.s32 s1, s6;
	[dreg:$0xa] =	wrdreg s21  }
0xe: {  	s5 =	smov.u32 @p0 s25;
	s24 =	sor.u32 $0x1C03, s13;
	s0 =	sadd.s32 s7, s0  }
0xf: {  	s7 =	ssub.s32 s9, s14;
	s9 =	sshrl.u32 s6, $0x3;
	s14 =	sshrl.u32 s16, $0x3  }
0x10: {  	s1 =	sshrl.u32 s1, $0x3;
	s29 =	sshrl.u32 s5, $0x3;
	s5 =	simm.s32 $0x4F80  }
0x11: {  	s12 =	sadd.s32 $0x64000, s9;
	s10 =	sadd.s32 s11, s14;
	s17 =	sadd.s32 $0x55800, s0  }
0x12: {  	s15 =	sadd.s32 $0x500, s14;
	s16 =	sadd.s32 $0xA00, s14;
	[dreg:$0x4] =	wrdreg s10  }
0x13: {  	s21 =	sadd.s32 $0xA5800, s0;
	[dreg:$0x5] =	wrdreg s17;
	s17 =	sadd.s32 s4, s9  }
0x14: {  	s18 =	sadd.s32 s11, s15;
	s19 =	sadd.s32 s11, s16;
	s12 =	smov.u32 @p0 s9  }
0x15: {  	s9 =	simm.s32 $0xA0000;
	s22 =	sadd.s32 s8, s15;
	[dreg:$0x6] =	wrdreg s18  }
0x16: {  	s23 =	sadd.s32 s8, s16;
	s16 =	smov.u32 s25;
	[dreg:$0x7] =	wrdreg s19  }
0x17: {  	s10 =	sadd.s32 $0xA0000, s17;
	s18 =	sadd.s32 $0xF00, s14;
	s17 =	sadd.s32 $0x3C000, s17  }
0x18: {  	s9 =	simm.s32 @!p0 $0x3C0000;
	s14 =	sadd.s32 $0x1400, s14;
	[dreg:$0xb] =	wrdreg s22  }
0x19: {  	[dreg:$0xc] =	wrdreg s23;
	s19 =	sadd.s32 $0x7D800, s0;
	s22 =	smax.u32 s7, $0x1  }
0x1a: {  	s23 =	sadd.s32 s4, s12;
	s7 =	simm.s32 $0x1;
	s10 =	smov.u32 @p0 s17  }
0x1b: {  	s17 =	simm.s32 $0x280000;
	s9 =	sadd.s32 s9, s6;
	s20 =	sadd.s32 s11, s18  }
0x1c: {  	s11 =	sadd.s32 s11, s14;
	s26 =	sadd.s32 s8, s18;
	[dreg:$0x8] =	wrdreg s20  }
0x1d: {  	s18 =	sadd.s32 $0x69800, s0;
	s17 =	simm.s32 @!p0 $0x5A0000;
	[dreg:$0x9] =	wrdreg s11  }
0x1e: {  	[dreg:$0xd] =	wrdreg s26;
	s20 =	sadd.s32 $0x91800, s0;
	s26 =	sadd.s32 s4, s1  }
0x1f: {  	s0 =	simm.s32 $0x80;
	s1 =	simm.s32 $0x5000;
	s11 =	simm.s32 $0x0  }
0x20: {  	s6 =	sadd.s32 s17, s6;
	s17 =	sadd.s32 s8, s14;
	s14 =	sshrl.u32 s9, $0x3  }
0x21: {  	s8 =	simm.s32 $0x2;
	s9 =	simm.s32 $0x4F00;
	s15 =	sshrl.u32 s6, $0x3  }
0x22: {  	s25 =	sadd.s32 s4, s14;
	s6 =	simm.s32 $0x7000;
	s28 =	sadd.s32 s4, s15  }
.LBB2_1:
0x23: {  	[spmem:s29], [sflag:s24] =	dma.local [hbm:s23], $0x1400  }
0x24: {  	_ =	swait.ge [sflag:s30], $0x1400  }
0x25: {  	[sflag:s30] =	ssyncset.done $0x0  }
0x26: {  	s12 =	rddreg [dreg:$0xa];
	[sflag:s30] =	ssyncadd.s32 $0xFFFFEC00  }
0x27: {  	[tilespmem:s3], [sflag:$0x3] =	stream.linear.gather [hbm4b:s12+s3], $0x2800, $0x38;
	[tilespmem:$0x13000] =	vst v63  }
0x28: {  	_ =	swait.ge [sflag:s30], $0x2800  }
0x29: {  	[sflag:s30] =	ssyncset.done $0x0  }
0x2a: {  	s15 =	rddreg [dreg:$0x4];
	[sflag:s30] =	ssyncadd.s32 $0xFFFFD800  }
0x2b: {  	[tilespmem:s31], [sflag:$0x3] =	stream.linear.gather [hbm4b:s15+s3], $0x2800, $0x38;
	[tilespmem:$0x13000] =	vst v63  }
0x2c: {  	_ =	swait.ge [sflag:s30], $0x2800  }
0x2d: {  	[sflag:s30] =	ssyncset.done $0x0  }
0x2e: {  	[sflag:s30] =	ssyncadd.s32 $0xFFFFD800  }
0x2f: {  	[bflag:$0x0] =	sbarrier.arrive $0xFFFF  }
0x30: {  	[tilespmem:s1], [sflag:$0x1] =	stream.indirect.gather [hbm4b:s4+s0], $0x40, s3, s0, $0xb8;
	[tilespmem:$0x13000] =	vst v63  }
0x31: {  	_ = 	snop  }
0x32: {  	[tilespmem:s6], [sflag:$0x2] =	stream.indirect.gather [hbm4b:s4+s0], $0x40, s0, s0, $0xb8;
	[tilespmem:$0x13000] =	vst v63  }
0x33: {  	_ =	swait.ge [sflag:s7], $0x2000  }
0x34: {  	[sflag:s7] =	ssyncset.done $0x0  }
0x35: {  	s13 =	simm.s32 $0x2800;
	[sflag:s7] =	ssyncadd.s32 $0xFFFFE000  }
0x36: {  	[spmem:s2] =	stream.indirect.scatter.add.f32 [tilespmem:s1], [sflag:$0x3], $0x40, s13, s0, $0xb8;
	[tilespmem:$0x13000] =	vst v63  }
0x37: {  	_ =	swait.ge [sflag:s30], $0x2000  }
0x38: {  	[sflag:s30] =	ssyncset.done $0x0  }
0x39: {  	s14 =	simm.s32 $0x100;
	[sflag:s30] =	ssyncadd.s32 $0xFFFFE000  }
0x3a: {  	[tilespmem:s1], [sflag:$0x1] =	stream.indirect.gather [hbm4b:s4+s0], $0x40, s14, s0, $0xb8;
	[tilespmem:$0x13000] =	vst v63  }
0x3b: {  	_ =	swait.ge [sflag:s8], $0x2000  }
0x3c: {  	[sflag:s8] =	ssyncset.done $0x0  }
0x3d: {  	s15 =	simm.s32 $0x2880;
	[sflag:s8] =	ssyncadd.s32 $0xFFFFE000  }
0x3e: {  	[spmem:s2] =	stream.indirect.scatter.add.f32 [tilespmem:s6], [sflag:$0x3], $0x40, s15, s0, $0xb8;
	[tilespmem:$0x13000] =	vst v63  }
0x3f: {  	_ =	swait.ge [sflag:s30], $0x2000  }
0x40: {  	[sflag:s30] =	ssyncset.done $0x0  }
0x41: {  	s12 =	simm.s32 $0x400;
	s13 =	simm.s32 $0x180;
	[sflag:s30] =	ssyncadd.s32 $0xFFFFE000  }
.LBB2_2:
0x42: {  	[tilespmem:s6], [sflag:$0x2] =	stream.indirect.gather [hbm4b:s4+s0], $0x40, s13, s0, $0xb8;
	[tilespmem:$0x13000] =	vst v63  }
0x43: {  	s13 =	smov.u32 s12  }
0x44: {  	p0 =	sne.s32 s12, $0x9800;
	s12 =	sadd.s32 $0x400, s12;
	_ =	swait.ge [sflag:s7], $0x2000  }
0x45: {  	s13 =	sshra.s32 s13, $0x2;
	[sflag:s7] =	ssyncset.done $0x0  }
0x46: {  	s14 =	sadd.s32 $0x2800, s13;
	[sflag:s7] =	ssyncadd.s32 $0xFFFFE000  }
0x47: {  	[spmem:s2] =	stream.indirect.scatter.add.f32 [tilespmem:s1], [sflag:$0x3], $0x40, s14, s0, $0xb8;
	[tilespmem:$0x13000] =	vst v63  }
0x48: {  	_ =	swait.ge [sflag:s30], $0x2000  }
0x49: {  	[sflag:s30] =	ssyncset.done $0x0  }
0x4a: {  	s14 =	sadd.s32 $0x100, s13;
	[sflag:s30] =	ssyncadd.s32 $0xFFFFE000  }
0x4b: {  	[tilespmem:s1], [sflag:$0x1] =	stream.indirect.gather [hbm4b:s4+s0], $0x40, s14, s0, $0xb8;
	[tilespmem:$0x13000] =	vst v63  }
0x4c: {  	_ =	swait.ge [sflag:s8], $0x2000  }
0x4d: {  	[sflag:s8] =	ssyncset.done $0x0  }
.Ltmp0:
0x4e: {  	s14 =	sadd.s32 $0x2880, s13;
	[sflag:s8] =	ssyncadd.s32 $0xFFFFE000;
	(pc) =	sbr.rel @p0 .LBB2_2-.Ltmp0, $4  }
0x4f: {  	[spmem:s2] =	stream.indirect.scatter.add.f32 [tilespmem:s6], [sflag:$0x3], $0x40, s14, s0, $0xb8;
	[tilespmem:$0x13000] =	vst v63  }
0x50: {  	_ =	swait.ge [sflag:s30], $0x2000  }
0x51: {  	[sflag:s30] =	ssyncset.done $0x0  }
0x52: {  	s13 =	sadd.s32 $0x180, s13;
	[sflag:s30] =	ssyncadd.s32 $0xFFFFE000  }
0x53: {  	[tilespmem:s6], [sflag:$0x2] =	stream.indirect.gather [hbm4b:s4+s0], $0x40, s13, s0, $0xb8;
	[tilespmem:$0x13000] =	vst v63  }
0x54: {  	_ =	swait.ge [sflag:s7], $0x2000  }
0x55: {  	[sflag:s7] =	ssyncset.done $0x0  }
0x56: {  	[sflag:s7] =	ssyncadd.s32 $0xFFFFE000  }
0x57: {  	[spmem:s2] =	stream.indirect.scatter.add.f32 [tilespmem:s1], [sflag:$0x3], $0x40, s9, s0, $0xb8;
	[tilespmem:$0x13000] =	vst v63  }
0x58: {  	_ =	swait.ge [sflag:s30], $0x2000  }
0x59: {  	[sflag:s30] =	ssyncset.done $0x0  }
0x5a: {  	[sflag:s30] =	ssyncadd.s32 $0xFFFFE000  }
0x5b: {  	_ =	swait.ge [sflag:s8], $0x2000  }
0x5c: {  	[sflag:s8] =	ssyncset.done $0x0  }
0x5d: {  	[sflag:s8] =	ssyncadd.s32 $0xFFFFE000  }
0x5e: {  	[spmem:s2] =	stream.indirect.scatter.add.f32 [tilespmem:s6], [sflag:$0x3], $0x40, s5, s0, $0xb8;
	[tilespmem:$0x13000] =	vst v63  }
0x5f: {  	_ =	swait.ge [sflag:s30], $0x2000  }
0x60: {  	[sflag:s30] =	ssyncset.done $0x0  }
0x61: {  	[sflag:s30] =	ssyncadd.s32 $0xFFFFE000  }
0x62: {  	[bflag:$0x0] =	sbarrier.arrive $0xFFFF  }
0x63: {  	s12 =	sshrl.u32 s16, $0x3;
	s14 =	rddreg [dreg:$0x5]  }
0x64: {  	[hbm:s14], [sflag:s24] =	dma.local [spmem:s12], $0x1400  }
0x65: {  	_ =	swait.ge [sflag:s30], $0x1400  }
0x66: {  	[sflag:s30] =	ssyncset.done $0x0  }
0x67: {  	[sflag:s30] =	ssyncadd.s32 $0xFFFFEC00  }
0x68: {  	[bflag:$0x0] =	sbarrier.arrive $0xFFFF  }
0x69: {  	[spmem:s12], [sflag:s24] =	dma.local [hbm:s25], $0x1400  }
0x6a: {  	_ =	swait.ge [sflag:s30], $0x1400  }
0x6b: {  	[sflag:s30] =	ssyncset.done $0x0  }
0x6c: {  	s13 =	simm.s32 $0x0;
	s14 =	rddreg [dreg:$0xb];
	[sflag:s30] =	ssyncadd.s32 $0xFFFFEC00  }
0x6d: {  	[tilespmem:s13], [sflag:$0x3] =	stream.linear.gather [hbm4b:s14+s13], $0x2800, $0x38;
	[tilespmem:$0x13000] =	vst v63  }
0x6e: {  	_ =	swait.ge [sflag:s30], $0x2800  }
0x6f: {  	[sflag:s30] =	ssyncset.done $0x0  }
0x70: {  	s15 =	rddreg [dreg:$0x6];
	[sflag:s30] =	ssyncadd.s32 $0xFFFFD800  }
0x71: {  	[tilespmem:s31], [sflag:$0x3] =	stream.linear.gather [hbm4b:s15+s13], $0x2800, $0x38;
	[tilespmem:$0x13000] =	vst v63  }
0x72: {  	_ =	swait.ge [sflag:s30], $0x2800  }
0x73: {  	[sflag:s30] =	ssyncset.done $0x0  }
0x74: {  	[sflag:s30] =	ssyncadd.s32 $0xFFFFD800  }
0x75: {  	[bflag:$0x0] =	sbarrier.arrive $0xFFFF  }
0x76: {  	[tilespmem:s1], [sflag:$0x1] =	stream.indirect.gather [hbm4b:s4+s0], $0x40, s13, s0, $0xb8;
	[tilespmem:$0x13000] =	vst v63  }
0x77: {  	_ = 	snop  }
0x78: {  	[tilespmem:s6], [sflag:$0x2] =	stream.indirect.gather [hbm4b:s4+s0], $0x40, s0, s0, $0xb8;
	[tilespmem:$0x13000] =	vst v63  }
0x79: {  	_ =	swait.ge [sflag:s7], $0x2000  }
0x7a: {  	[sflag:s7] =	ssyncset.done $0x0  }
0x7b: {  	s15 =	simm.s32 $0x2800;
	[sflag:s7] =	ssyncadd.s32 $0xFFFFE000  }
0x7c: {  	[spmem:s2] =	stream.indirect.scatter.add.f32 [tilespmem:s1], [sflag:$0x3], $0x40, s15, s0, $0xb8;
	[tilespmem:$0x13000] =	vst v63  }
0x7d: {  	_ =	swait.ge [sflag:s30], $0x2000  }
0x7e: {  	[sflag:s30] =	ssyncset.done $0x0  }
0x7f: {  	s14 =	simm.s32 $0x100;
	[sflag:s30] =	ssyncadd.s32 $0xFFFFE000  }
0x80: {  	[tilespmem:s1], [sflag:$0x1] =	stream.indirect.gather [hbm4b:s4+s0], $0x40, s14, s0, $0xb8;
	[tilespmem:$0x13000] =	vst v63  }
0x81: {  	_ =	swait.ge [sflag:s8], $0x2000  }
0x82: {  	[sflag:s8] =	ssyncset.done $0x0  }
0x83: {  	s15 =	simm.s32 $0x2880;
	[sflag:s8] =	ssyncadd.s32 $0xFFFFE000  }
0x84: {  	[spmem:s2] =	stream.indirect.scatter.add.f32 [tilespmem:s6], [sflag:$0x3], $0x40, s15, s0, $0xb8;
	[tilespmem:$0x13000] =	vst v63  }
0x85: {  	_ =	swait.ge [sflag:s30], $0x2000  }
0x86: {  	[sflag:s30] =	ssyncset.done $0x0  }
0x87: {  	s13 =	simm.s32 $0x400;
	s14 =	simm.s32 $0x180;
	[sflag:s30] =	ssyncadd.s32 $0xFFFFE000  }
.LBB2_4:
0x88: {  	[tilespmem:s6], [sflag:$0x2] =	stream.indirect.gather [hbm4b:s4+s0], $0x40, s14, s0, $0xb8;
	[tilespmem:$0x13000] =	vst v63  }
0x89: {  	s14 =	smov.u32 s13  }
0x8a: {  	p0 =	sne.s32 s13, $0x9800;
	s13 =	sadd.s32 $0x400, s13;
	_ =	swait.ge [sflag:s7], $0x2000  }
0x8b: {  	s14 =	sshra.s32 s14, $0x2;
	[sflag:s7] =	ssyncset.done $0x0  }
0x8c: {  	s15 =	sadd.s32 $0x2800, s14;
	[sflag:s7] =	ssyncadd.s32 $0xFFFFE000  }
0x8d: {  	[spmem:s2] =	stream.indirect.scatter.add.f32 [tilespmem:s1], [sflag:$0x3], $0x40, s15, s0, $0xb8;
	[tilespmem:$0x13000] =	vst v63  }
0x8e: {  	_ =	swait.ge [sflag:s30], $0x2000  }
0x8f: {  	[sflag:s30] =	ssyncset.done $0x0  }
0x90: {  	s15 =	sadd.s32 $0x100, s14;
	[sflag:s30] =	ssyncadd.s32 $0xFFFFE000  }
0x91: {  	[tilespmem:s1], [sflag:$0x1] =	stream.indirect.gather [hbm4b:s4+s0], $0x40, s15, s0, $0xb8;
	[tilespmem:$0x13000] =	vst v63  }
0x92: {  	_ =	swait.ge [sflag:s8], $0x2000  }
0x93: {  	[sflag:s8] =	ssyncset.done $0x0  }
.Ltmp1:
0x94: {  	s15 =	sadd.s32 $0x2880, s14;
	[sflag:s8] =	ssyncadd.s32 $0xFFFFE000;
	(pc) =	sbr.rel @p0 .LBB2_4-.Ltmp1, $4  }
0x95: {  	[spmem:s2] =	stream.indirect.scatter.add.f32 [tilespmem:s6], [sflag:$0x3], $0x40, s15, s0, $0xb8;
	[tilespmem:$0x13000] =	vst v63  }
0x96: {  	_ =	swait.ge [sflag:s30], $0x2000  }
0x97: {  	[sflag:s30] =	ssyncset.done $0x0  }
0x98: {  	s14 =	sadd.s32 $0x180, s14;
	[sflag:s30] =	ssyncadd.s32 $0xFFFFE000  }
0x99: {  	[tilespmem:s6], [sflag:$0x2] =	stream.indirect.gather [hbm4b:s4+s0], $0x40, s14, s0, $0xb8;
	[tilespmem:$0x13000] =	vst v63  }
0x9a: {  	_ =	swait.ge [sflag:s7], $0x2000  }
0x9b: {  	[sflag:s7] =	ssyncset.done $0x0  }
0x9c: {  	[sflag:s7] =	ssyncadd.s32 $0xFFFFE000  }
0x9d: {  	[spmem:s2] =	stream.indirect.scatter.add.f32 [tilespmem:s1], [sflag:$0x3], $0x40, s9, s0, $0xb8;
	[tilespmem:$0x13000] =	vst v63  }
0x9e: {  	_ =	swait.ge [sflag:s30], $0x2000  }
0x9f: {  	[sflag:s30] =	ssyncset.done $0x0  }
0xa0: {  	[sflag:s30] =	ssyncadd.s32 $0xFFFFE000  }
0xa1: {  	_ =	swait.ge [sflag:s8], $0x2000  }
0xa2: {  	[sflag:s8] =	ssyncset.done $0x0  }
0xa3: {  	[sflag:s8] =	ssyncadd.s32 $0xFFFFE000  }
0xa4: {  	[spmem:s2] =	stream.indirect.scatter.add.f32 [tilespmem:s6], [sflag:$0x3], $0x40, s5, s0, $0xb8;
	[tilespmem:$0x13000] =	vst v63  }
0xa5: {  	_ =	swait.ge [sflag:s30], $0x2000  }
0xa6: {  	[sflag:s30] =	ssyncset.done $0x0  }
0xa7: {  	[sflag:s30] =	ssyncadd.s32 $0xFFFFE000  }
0xa8: {  	[bflag:$0x0] =	sbarrier.arrive $0xFFFF  }
0xa9: {  	[hbm:s18], [sflag:s24] =	dma.local [spmem:s12], $0x1400  }
0xaa: {  	_ =	swait.ge [sflag:s30], $0x1400  }
0xab: {  	[sflag:s30] =	ssyncset.done $0x0  }
0xac: {  	[sflag:s30] =	ssyncadd.s32 $0xFFFFEC00  }
0xad: {  	[bflag:$0x0] =	sbarrier.arrive $0xFFFF  }
0xae: {  	[spmem:s12], [sflag:s24] =	dma.local [hbm:s26], $0x1400  }
0xaf: {  	_ =	swait.ge [sflag:s30], $0x1400  }
0xb0: {  	[sflag:s30] =	ssyncset.done $0x0  }
0xb1: {  	s13 =	simm.s32 $0x0;
	s15 =	rddreg [dreg:$0xc];
	[sflag:s30] =	ssyncadd.s32 $0xFFFFEC00  }
0xb2: {  	[tilespmem:s13], [sflag:$0x3] =	stream.linear.gather [hbm4b:s15+s13], $0x2800, $0x38;
	[tilespmem:$0x13000] =	vst v63  }
0xb3: {  	_ =	swait.ge [sflag:s30], $0x2800  }
0xb4: {  	[sflag:s30] =	ssyncset.done $0x0  }
0xb5: {  	s15 =	rddreg [dreg:$0x7];
	[sflag:s30] =	ssyncadd.s32 $0xFFFFD800  }
0xb6: {  	[tilespmem:s31], [sflag:$0x3] =	stream.linear.gather [hbm4b:s15+s13], $0x2800, $0x38;
	[tilespmem:$0x13000] =	vst v63  }
0xb7: {  	_ =	swait.ge [sflag:s30], $0x2800  }
0xb8: {  	[sflag:s30] =	ssyncset.done $0x0  }
0xb9: {  	[sflag:s30] =	ssyncadd.s32 $0xFFFFD800  }
0xba: {  	[bflag:$0x0] =	sbarrier.arrive $0xFFFF  }
0xbb: {  	[tilespmem:s1], [sflag:$0x1] =	stream.indirect.gather [hbm4b:s4+s0], $0x40, s13, s0, $0xb8;
	[tilespmem:$0x13000] =	vst v63  }
0xbc: {  	_ = 	snop  }
0xbd: {  	[tilespmem:s6], [sflag:$0x2] =	stream.indirect.gather [hbm4b:s4+s0], $0x40, s0, s0, $0xb8;
	[tilespmem:$0x13000] =	vst v63  }
0xbe: {  	_ =	swait.ge [sflag:s7], $0x2000  }
0xbf: {  	[sflag:s7] =	ssyncset.done $0x0  }
0xc0: {  	s15 =	simm.s32 $0x2800;
	[sflag:s7] =	ssyncadd.s32 $0xFFFFE000  }
0xc1: {  	[spmem:s2] =	stream.indirect.scatter.add.f32 [tilespmem:s1], [sflag:$0x3], $0x40, s15, s0, $0xb8;
	[tilespmem:$0x13000] =	vst v63  }
0xc2: {  	_ =	swait.ge [sflag:s30], $0x2000  }
0xc3: {  	[sflag:s30] =	ssyncset.done $0x0  }
0xc4: {  	s14 =	simm.s32 $0x100;
	[sflag:s30] =	ssyncadd.s32 $0xFFFFE000  }
0xc5: {  	[tilespmem:s1], [sflag:$0x1] =	stream.indirect.gather [hbm4b:s4+s0], $0x40, s14, s0, $0xb8;
	[tilespmem:$0x13000] =	vst v63  }
0xc6: {  	_ =	swait.ge [sflag:s8], $0x2000  }
0xc7: {  	[sflag:s8] =	ssyncset.done $0x0  }
0xc8: {  	s15 =	simm.s32 $0x2880;
	[sflag:s8] =	ssyncadd.s32 $0xFFFFE000  }
0xc9: {  	[spmem:s2] =	stream.indirect.scatter.add.f32 [tilespmem:s6], [sflag:$0x3], $0x40, s15, s0, $0xb8;
	[tilespmem:$0x13000] =	vst v63  }
0xca: {  	_ =	swait.ge [sflag:s30], $0x2000  }
0xcb: {  	[sflag:s30] =	ssyncset.done $0x0  }
0xcc: {  	s13 =	simm.s32 $0x400;
	s14 =	simm.s32 $0x180;
	[sflag:s30] =	ssyncadd.s32 $0xFFFFE000  }
.LBB2_6:
0xcd: {  	[tilespmem:s6], [sflag:$0x2] =	stream.indirect.gather [hbm4b:s4+s0], $0x40, s14, s0, $0xb8;
	[tilespmem:$0x13000] =	vst v63  }
0xce: {  	s14 =	smov.u32 s13  }
0xcf: {  	p0 =	sne.s32 s13, $0x9800;
	s13 =	sadd.s32 $0x400, s13;
	_ =	swait.ge [sflag:s7], $0x2000  }
0xd0: {  	s14 =	sshra.s32 s14, $0x2;
	[sflag:s7] =	ssyncset.done $0x0  }
0xd1: {  	s15 =	sadd.s32 $0x2800, s14;
	[sflag:s7] =	ssyncadd.s32 $0xFFFFE000  }
0xd2: {  	[spmem:s2] =	stream.indirect.scatter.add.f32 [tilespmem:s1], [sflag:$0x3], $0x40, s15, s0, $0xb8;
	[tilespmem:$0x13000] =	vst v63  }
0xd3: {  	_ =	swait.ge [sflag:s30], $0x2000  }
0xd4: {  	[sflag:s30] =	ssyncset.done $0x0  }
0xd5: {  	s15 =	sadd.s32 $0x100, s14;
	[sflag:s30] =	ssyncadd.s32 $0xFFFFE000  }
0xd6: {  	[tilespmem:s1], [sflag:$0x1] =	stream.indirect.gather [hbm4b:s4+s0], $0x40, s15, s0, $0xb8;
	[tilespmem:$0x13000] =	vst v63  }
0xd7: {  	_ =	swait.ge [sflag:s8], $0x2000  }
0xd8: {  	[sflag:s8] =	ssyncset.done $0x0  }
.Ltmp2:
0xd9: {  	s15 =	sadd.s32 $0x2880, s14;
	[sflag:s8] =	ssyncadd.s32 $0xFFFFE000;
	(pc) =	sbr.rel @p0 .LBB2_6-.Ltmp2, $4  }
0xda: {  	[spmem:s2] =	stream.indirect.scatter.add.f32 [tilespmem:s6], [sflag:$0x3], $0x40, s15, s0, $0xb8;
	[tilespmem:$0x13000] =	vst v63  }
0xdb: {  	_ =	swait.ge [sflag:s30], $0x2000  }
0xdc: {  	[sflag:s30] =	ssyncset.done $0x0  }
0xdd: {  	s14 =	sadd.s32 $0x180, s14;
	[sflag:s30] =	ssyncadd.s32 $0xFFFFE000  }
0xde: {  	[tilespmem:s6], [sflag:$0x2] =	stream.indirect.gather [hbm4b:s4+s0], $0x40, s14, s0, $0xb8;
	[tilespmem:$0x13000] =	vst v63  }
0xdf: {  	_ =	swait.ge [sflag:s7], $0x2000  }
0xe0: {  	[sflag:s7] =	ssyncset.done $0x0  }
0xe1: {  	[sflag:s7] =	ssyncadd.s32 $0xFFFFE000  }
0xe2: {  	[spmem:s2] =	stream.indirect.scatter.add.f32 [tilespmem:s1], [sflag:$0x3], $0x40, s9, s0, $0xb8;
	[tilespmem:$0x13000] =	vst v63  }
0xe3: {  	_ =	swait.ge [sflag:s30], $0x2000  }
0xe4: {  	[sflag:s30] =	ssyncset.done $0x0  }
0xe5: {  	[sflag:s30] =	ssyncadd.s32 $0xFFFFE000  }
0xe6: {  	_ =	swait.ge [sflag:s8], $0x2000  }
0xe7: {  	[sflag:s8] =	ssyncset.done $0x0  }
0xe8: {  	[sflag:s8] =	ssyncadd.s32 $0xFFFFE000  }
0xe9: {  	[spmem:s2] =	stream.indirect.scatter.add.f32 [tilespmem:s6], [sflag:$0x3], $0x40, s5, s0, $0xb8;
	[tilespmem:$0x13000] =	vst v63  }
0xea: {  	_ =	swait.ge [sflag:s30], $0x2000  }
0xeb: {  	[sflag:s30] =	ssyncset.done $0x0  }
0xec: {  	[sflag:s30] =	ssyncadd.s32 $0xFFFFE000  }
0xed: {  	[bflag:$0x0] =	sbarrier.arrive $0xFFFF  }
0xee: {  	[hbm:s19], [sflag:s24] =	dma.local [spmem:s12], $0x1400  }
0xef: {  	_ =	swait.ge [sflag:s30], $0x1400  }
0xf0: {  	[sflag:s30] =	ssyncset.done $0x0  }
0xf1: {  	[sflag:s30] =	ssyncadd.s32 $0xFFFFEC00  }
0xf2: {  	[bflag:$0x0] =	sbarrier.arrive $0xFFFF  }
0xf3: {  	[spmem:s12], [sflag:s24] =	dma.local [hbm:s10], $0x1400  }
0xf4: {  	_ =	swait.ge [sflag:s30], $0x1400  }
0xf5: {  	[sflag:s30] =	ssyncset.done $0x0  }
0xf6: {  	s13 =	simm.s32 $0x0;
	s15 =	rddreg [dreg:$0xd];
	[sflag:s30] =	ssyncadd.s32 $0xFFFFEC00  }
0xf7: {  	[tilespmem:s13], [sflag:$0x3] =	stream.linear.gather [hbm4b:s15+s13], $0x2800, $0x38;
	[tilespmem:$0x13000] =	vst v63  }
0xf8: {  	_ =	swait.ge [sflag:s30], $0x2800  }
0xf9: {  	[sflag:s30] =	ssyncset.done $0x0  }
0xfa: {  	s15 =	rddreg [dreg:$0x8];
	[sflag:s30] =	ssyncadd.s32 $0xFFFFD800  }
0xfb: {  	[tilespmem:s31], [sflag:$0x3] =	stream.linear.gather [hbm4b:s15+s13], $0x2800, $0x38;
	[tilespmem:$0x13000] =	vst v63  }
0xfc: {  	_ =	swait.ge [sflag:s30], $0x2800  }
0xfd: {  	[sflag:s30] =	ssyncset.done $0x0  }
0xfe: {  	[sflag:s30] =	ssyncadd.s32 $0xFFFFD800  }
0xff: {  	[bflag:$0x0] =	sbarrier.arrive $0xFFFF  }
0x100: {  	[tilespmem:s1], [sflag:$0x1] =	stream.indirect.gather [hbm4b:s4+s0], $0x40, s13, s0, $0xb8;
	[tilespmem:$0x13000] =	vst v63  }
0x101: {  	_ = 	snop  }
0x102: {  	[tilespmem:s6], [sflag:$0x2] =	stream.indirect.gather [hbm4b:s4+s0], $0x40, s0, s0, $0xb8;
	[tilespmem:$0x13000] =	vst v63  }
0x103: {  	_ =	swait.ge [sflag:s7], $0x2000  }
0x104: {  	[sflag:s7] =	ssyncset.done $0x0  }
0x105: {  	s15 =	simm.s32 $0x2800;
	[sflag:s7] =	ssyncadd.s32 $0xFFFFE000  }
0x106: {  	[spmem:s2] =	stream.indirect.scatter.add.f32 [tilespmem:s1], [sflag:$0x3], $0x40, s15, s0, $0xb8;
	[tilespmem:$0x13000] =	vst v63  }
0x107: {  	_ =	swait.ge [sflag:s30], $0x2000  }
0x108: {  	[sflag:s30] =	ssyncset.done $0x0  }
0x109: {  	s14 =	simm.s32 $0x100;
	[sflag:s30] =	ssyncadd.s32 $0xFFFFE000  }
0x10a: {  	[tilespmem:s1], [sflag:$0x1] =	stream.indirect.gather [hbm4b:s4+s0], $0x40, s14, s0, $0xb8;
	[tilespmem:$0x13000] =	vst v63  }
0x10b: {  	_ =	swait.ge [sflag:s8], $0x2000  }
0x10c: {  	[sflag:s8] =	ssyncset.done $0x0  }
0x10d: {  	s15 =	simm.s32 $0x2880;
	[sflag:s8] =	ssyncadd.s32 $0xFFFFE000  }
0x10e: {  	[spmem:s2] =	stream.indirect.scatter.add.f32 [tilespmem:s6], [sflag:$0x3], $0x40, s15, s0, $0xb8;
	[tilespmem:$0x13000] =	vst v63  }
0x10f: {  	_ =	swait.ge [sflag:s30], $0x2000  }
0x110: {  	[sflag:s30] =	ssyncset.done $0x0  }
0x111: {  	s13 =	simm.s32 $0x400;
	s14 =	simm.s32 $0x180;
	[sflag:s30] =	ssyncadd.s32 $0xFFFFE000  }
.LBB2_8:
0x112: {  	[tilespmem:s6], [sflag:$0x2] =	stream.indirect.gather [hbm4b:s4+s0], $0x40, s14, s0, $0xb8;
	[tilespmem:$0x13000] =	vst v63  }
0x113: {  	s14 =	smov.u32 s13  }
0x114: {  	p0 =	sne.s32 s13, $0x9800;
	s13 =	sadd.s32 $0x400, s13;
	_ =	swait.ge [sflag:s7], $0x2000  }
0x115: {  	s14 =	sshra.s32 s14, $0x2;
	[sflag:s7] =	ssyncset.done $0x0  }
0x116: {  	s15 =	sadd.s32 $0x2800, s14;
	[sflag:s7] =	ssyncadd.s32 $0xFFFFE000  }
0x117: {  	[spmem:s2] =	stream.indirect.scatter.add.f32 [tilespmem:s1], [sflag:$0x3], $0x40, s15, s0, $0xb8;
	[tilespmem:$0x13000] =	vst v63  }
0x118: {  	_ =	swait.ge [sflag:s30], $0x2000  }
0x119: {  	[sflag:s30] =	ssyncset.done $0x0  }
0x11a: {  	s15 =	sadd.s32 $0x100, s14;
	[sflag:s30] =	ssyncadd.s32 $0xFFFFE000  }
0x11b: {  	[tilespmem:s1], [sflag:$0x1] =	stream.indirect.gather [hbm4b:s4+s0], $0x40, s15, s0, $0xb8;
	[tilespmem:$0x13000] =	vst v63  }
0x11c: {  	_ =	swait.ge [sflag:s8], $0x2000  }
0x11d: {  	[sflag:s8] =	ssyncset.done $0x0  }
.Ltmp3:
0x11e: {  	s15 =	sadd.s32 $0x2880, s14;
	[sflag:s8] =	ssyncadd.s32 $0xFFFFE000;
	(pc) =	sbr.rel @p0 .LBB2_8-.Ltmp3, $4  }
0x11f: {  	[spmem:s2] =	stream.indirect.scatter.add.f32 [tilespmem:s6], [sflag:$0x3], $0x40, s15, s0, $0xb8;
	[tilespmem:$0x13000] =	vst v63  }
0x120: {  	_ =	swait.ge [sflag:s30], $0x2000  }
0x121: {  	[sflag:s30] =	ssyncset.done $0x0  }
0x122: {  	s14 =	sadd.s32 $0x180, s14;
	[sflag:s30] =	ssyncadd.s32 $0xFFFFE000  }
0x123: {  	[tilespmem:s6], [sflag:$0x2] =	stream.indirect.gather [hbm4b:s4+s0], $0x40, s14, s0, $0xb8;
	[tilespmem:$0x13000] =	vst v63  }
0x124: {  	_ =	swait.ge [sflag:s7], $0x2000  }
0x125: {  	[sflag:s7] =	ssyncset.done $0x0  }
0x126: {  	[sflag:s7] =	ssyncadd.s32 $0xFFFFE000  }
0x127: {  	[spmem:s2] =	stream.indirect.scatter.add.f32 [tilespmem:s1], [sflag:$0x3], $0x40, s9, s0, $0xb8;
	[tilespmem:$0x13000] =	vst v63  }
0x128: {  	_ =	swait.ge [sflag:s30], $0x2000  }
0x129: {  	[sflag:s30] =	ssyncset.done $0x0  }
0x12a: {  	[sflag:s30] =	ssyncadd.s32 $0xFFFFE000  }
0x12b: {  	_ =	swait.ge [sflag:s8], $0x2000  }
0x12c: {  	[sflag:s8] =	ssyncset.done $0x0  }
0x12d: {  	[sflag:s8] =	ssyncadd.s32 $0xFFFFE000  }
0x12e: {  	[spmem:s2] =	stream.indirect.scatter.add.f32 [tilespmem:s6], [sflag:$0x3], $0x40, s5, s0, $0xb8;
	[tilespmem:$0x13000] =	vst v63  }
0x12f: {  	_ =	swait.ge [sflag:s30], $0x2000  }
0x130: {  	[sflag:s30] =	ssyncset.done $0x0  }
0x131: {  	[sflag:s30] =	ssyncadd.s32 $0xFFFFE000  }
0x132: {  	[bflag:$0x0] =	sbarrier.arrive $0xFFFF  }
0x133: {  	[hbm:s20], [sflag:s24] =	dma.local [spmem:s12], $0x1400  }
0x134: {  	_ =	swait.ge [sflag:s30], $0x1400  }
0x135: {  	[sflag:s30] =	ssyncset.done $0x0  }
0x136: {  	[sflag:s30] =	ssyncadd.s32 $0xFFFFEC00  }
0x137: {  	[bflag:$0x0] =	sbarrier.arrive $0xFFFF  }
0x138: {  	[spmem:s12], [sflag:s24] =	dma.local [hbm:s28], $0x1400  }
0x139: {  	_ =	swait.ge [sflag:s30], $0x1400  }
0x13a: {  	[sflag:s30] =	ssyncset.done $0x0  }
0x13b: {  	s13 =	simm.s32 $0x0;
	[sflag:s30] =	ssyncadd.s32 $0xFFFFEC00  }
0x13c: {  	[tilespmem:s13], [sflag:$0x3] =	stream.linear.gather [hbm4b:s17+s13], $0x2800, $0x38;
	[tilespmem:$0x13000] =	vst v63  }
0x13d: {  	_ =	swait.ge [sflag:s30], $0x2800  }
0x13e: {  	[sflag:s30] =	ssyncset.done $0x0  }
0x13f: {  	s15 =	rddreg [dreg:$0x9];
	[sflag:s30] =	ssyncadd.s32 $0xFFFFD800  }
0x140: {  	[tilespmem:s31], [sflag:$0x3] =	stream.linear.gather [hbm4b:s15+s13], $0x2800, $0x38;
	[tilespmem:$0x13000] =	vst v63  }
0x141: {  	_ =	swait.ge [sflag:s30], $0x2800  }
0x142: {  	[sflag:s30] =	ssyncset.done $0x0  }
0x143: {  	[sflag:s30] =	ssyncadd.s32 $0xFFFFD800  }
0x144: {  	[bflag:$0x0] =	sbarrier.arrive $0xFFFF  }
0x145: {  	[tilespmem:s1], [sflag:$0x1] =	stream.indirect.gather [hbm4b:s4+s0], $0x40, s13, s0, $0xb8;
	[tilespmem:$0x13000] =	vst v63  }
0x146: {  	_ = 	snop  }
0x147: {  	[tilespmem:s6], [sflag:$0x2] =	stream.indirect.gather [hbm4b:s4+s0], $0x40, s0, s0, $0xb8;
	[tilespmem:$0x13000] =	vst v63  }
0x148: {  	_ =	swait.ge [sflag:s7], $0x2000  }
0x149: {  	[sflag:s7] =	ssyncset.done $0x0  }
0x14a: {  	s15 =	simm.s32 $0x2800;
	[sflag:s7] =	ssyncadd.s32 $0xFFFFE000  }
0x14b: {  	[spmem:s2] =	stream.indirect.scatter.add.f32 [tilespmem:s1], [sflag:$0x3], $0x40, s15, s0, $0xb8;
	[tilespmem:$0x13000] =	vst v63  }
0x14c: {  	_ =	swait.ge [sflag:s30], $0x2000  }
0x14d: {  	[sflag:s30] =	ssyncset.done $0x0  }
0x14e: {  	s14 =	simm.s32 $0x100;
	[sflag:s30] =	ssyncadd.s32 $0xFFFFE000  }
0x14f: {  	[tilespmem:s1], [sflag:$0x1] =	stream.indirect.gather [hbm4b:s4+s0], $0x40, s14, s0, $0xb8;
	[tilespmem:$0x13000] =	vst v63  }
0x150: {  	_ =	swait.ge [sflag:s8], $0x2000  }
0x151: {  	[sflag:s8] =	ssyncset.done $0x0  }
0x152: {  	s15 =	simm.s32 $0x2880;
	[sflag:s8] =	ssyncadd.s32 $0xFFFFE000  }
0x153: {  	[spmem:s2] =	stream.indirect.scatter.add.f32 [tilespmem:s6], [sflag:$0x3], $0x40, s15, s0, $0xb8;
	[tilespmem:$0x13000] =	vst v63  }
0x154: {  	_ =	swait.ge [sflag:s30], $0x2000  }
0x155: {  	[sflag:s30] =	ssyncset.done $0x0  }
0x156: {  	s13 =	simm.s32 $0x400;
	s14 =	simm.s32 $0x180;
	[sflag:s30] =	ssyncadd.s32 $0xFFFFE000  }
.LBB2_10:
0x157: {  	[tilespmem:s6], [sflag:$0x2] =	stream.indirect.gather [hbm4b:s4+s0], $0x40, s14, s0, $0xb8;
	[tilespmem:$0x13000] =	vst v63  }
0x158: {  	s14 =	smov.u32 s13  }
0x159: {  	p0 =	sne.s32 s13, $0x9800;
	s13 =	sadd.s32 $0x400, s13;
	_ =	swait.ge [sflag:s7], $0x2000  }
0x15a: {  	s14 =	sshra.s32 s14, $0x2;
	[sflag:s7] =	ssyncset.done $0x0  }
0x15b: {  	s15 =	sadd.s32 $0x2800, s14;
	[sflag:s7] =	ssyncadd.s32 $0xFFFFE000  }
0x15c: {  	[spmem:s2] =	stream.indirect.scatter.add.f32 [tilespmem:s1], [sflag:$0x3], $0x40, s15, s0, $0xb8;
	[tilespmem:$0x13000] =	vst v63  }
0x15d: {  	_ =	swait.ge [sflag:s30], $0x2000  }
0x15e: {  	[sflag:s30] =	ssyncset.done $0x0  }
0x15f: {  	s15 =	sadd.s32 $0x100, s14;
	[sflag:s30] =	ssyncadd.s32 $0xFFFFE000  }
0x160: {  	[tilespmem:s1], [sflag:$0x1] =	stream.indirect.gather [hbm4b:s4+s0], $0x40, s15, s0, $0xb8;
	[tilespmem:$0x13000] =	vst v63  }
0x161: {  	_ =	swait.ge [sflag:s8], $0x2000  }
0x162: {  	[sflag:s8] =	ssyncset.done $0x0  }
.Ltmp4:
0x163: {  	s15 =	sadd.s32 $0x2880, s14;
	[sflag:s8] =	ssyncadd.s32 $0xFFFFE000;
	(pc) =	sbr.rel @p0 .LBB2_10-.Ltmp4, $4  }
0x164: {  	[spmem:s2] =	stream.indirect.scatter.add.f32 [tilespmem:s6], [sflag:$0x3], $0x40, s15, s0, $0xb8;
	[tilespmem:$0x13000] =	vst v63  }
0x165: {  	_ =	swait.ge [sflag:s30], $0x2000  }
0x166: {  	[sflag:s30] =	ssyncset.done $0x0  }
0x167: {  	s14 =	sadd.s32 $0x180, s14;
	[sflag:s30] =	ssyncadd.s32 $0xFFFFE000  }
0x168: {  	[tilespmem:s6], [sflag:$0x2] =	stream.indirect.gather [hbm4b:s4+s0], $0x40, s14, s0, $0xb8;
	[tilespmem:$0x13000] =	vst v63  }
0x169: {  	_ =	swait.ge [sflag:s7], $0x2000  }
0x16a: {  	[sflag:s7] =	ssyncset.done $0x0  }
0x16b: {  	[sflag:s7] =	ssyncadd.s32 $0xFFFFE000  }
0x16c: {  	[spmem:s2] =	stream.indirect.scatter.add.f32 [tilespmem:s1], [sflag:$0x3], $0x40, s9, s0, $0xb8;
	[tilespmem:$0x13000] =	vst v63  }
0x16d: {  	_ =	swait.ge [sflag:s30], $0x2000  }
0x16e: {  	[sflag:s30] =	ssyncset.done $0x0  }
0x16f: {  	[sflag:s30] =	ssyncadd.s32 $0xFFFFE000  }
0x170: {  	_ =	swait.ge [sflag:s8], $0x2000  }
0x171: {  	[sflag:s8] =	ssyncset.done $0x0  }
0x172: {  	[sflag:s8] =	ssyncadd.s32 $0xFFFFE000  }
0x173: {  	[spmem:s2] =	stream.indirect.scatter.add.f32 [tilespmem:s6], [sflag:$0x3], $0x40, s5, s0, $0xb8;
	[tilespmem:$0x13000] =	vst v63  }
0x174: {  	_ =	swait.ge [sflag:s30], $0x2000  }
0x175: {  	[sflag:s30] =	ssyncset.done $0x0  }
0x176: {  	s11 =	sadd.s32 $0x1, s11;
	[sflag:s30] =	ssyncadd.s32 $0xFFFFE000  }
0x177: {  	p0 =	sne.s32 s11, s22;
	[bflag:$0x0] =	sbarrier.arrive $0xFFFF  }
0x178: {  	[hbm:s21], [sflag:s24] =	dma.local [spmem:s12], $0x1400  }
.Ltmp5:
0x179: {  	_ =	swait.ge [sflag:s30], $0x1400;
	(pc) =	sbr.rel @p0 .LBB2_1-.Ltmp5, $3  }
0x17a: {  	[sflag:s30] =	ssyncset.done $0x0  }
0x17b: {  	[sflag:s30] =	ssyncadd.s32 $0xFFFFEC00  }
0x17c: {  	[bflag:$0x0] =	sbarrier.arrive $0xFFFF;
	_ =	sdelay $0x1  }
0x17d: {  	_ =	sfence.sel $0x180000  }
0x17e: {  	[bflag:$0x0] =	sbarrier.arrive $0xFFFF  }
0x17f: {  	_ =	strace $0x9000004A  }
0x180: {  	s0 =	stileid.u32;
	[bflag:$0x2] =	sbarrier.arrive $0xFFFF  }
0x181: {  	p0 =	sne.s32 s0, $0x0;
	s0 =	rddreg [dreg:$0x3]  }
0x182: {  	s0 =	sadd.s32 @!p0 $0x100000, s0  }
0x183: {  	[sflag:s0] =	ssyncadd.tile.s32 @!p0 $0x1;
	_ =	shalt  }
.Lfunc_end2:
_tile_overlayer_lowered:
.L_overlay_start_2:
0x184: {  	(tag) =	ssettag $0x2  }
0x185: {  	s0 =	rddreg [dreg:$0x0];
	s2 =	stileid.u32  }
0x186: {  	s1 =	rddreg [dreg:$0x1];
	p0 =	sne.s32 s2, $0x0  }
0x187: {  	s3 =	rddreg [dreg:$0x2];
	[bflag:$0x3] =	sbarrier.arrive $0xFFFF;
	s2 =	simm.s32 @!p0 $0x1C03  }
0x188: {  	[timem:s3], [sflag:s2] =	dma.local @!p0 [hbm:s0], s1  }
0x189: {  	s0 =	simm.s32 @!p0 $0x3  }
0x18a: {  	_ =	swait.ge @!p0 [sflag:s0], s1  }
0x18b: {  	s1 =	ssub.s32 @!p0 $0x0, s1;
	[sflag:s0] =	ssyncset.done @!p0 $0x0  }
0x18c: {  	[sflag:s0] =	ssyncadd.s32 @!p0 s1  }
0x18d: {  	[bflag:$0x3] =	sbarrier.arrive $0xFFFF  }
0x18e: {  	_ =	shalt  }

</sc_bundles>
